<compile_context>
chip_gen: v7x
topology: tpu7x:2x2x1
jax: 0.10.2.dev20260603
libtpu: 0.0.44.dev20260713+nightly
codegen_flags: <defaults>
</compile_context>

<pallas_src>
import functools

import jax
import jax.numpy as jnp
from jax import lax
from jax.experimental import pallas as pl
from jax.experimental.pallas import tpu as pltpu
from jax.experimental.pallas import tpu_sc as plsc

INPUT_SIZE = 2048
NUM_EXPERTS = 64
TOP_K = 8
TOKEN_TILE = 1024
NEG_INF = float("-inf")


def _matmul_kernel(x_ref, w_ref, b_ref, out_ref):
    logits = lax.dot_general(
        x_ref[...],
        w_ref[...],
        dimension_numbers=(((1,), (1,)), ((), ())),
        preferred_element_type=jnp.float32,
    )
    out_ref[...] = logits + b_ref[...]


def _tc_logits(x2, W, b2, tokens, D):
    n_tiles = tokens // TOKEN_TILE
    return pl.pallas_call(
        _matmul_kernel,
        grid=(n_tiles,),
        in_specs=[
            pl.BlockSpec((TOKEN_TILE, D), lambda i: (i, 0)),
            pl.BlockSpec((NUM_EXPERTS, D), lambda i: (0, 0)),
            pl.BlockSpec((1, NUM_EXPERTS), lambda i: (0, 0)),
        ],
        out_specs=pl.BlockSpec((TOKEN_TILE, NUM_EXPERTS), lambda i: (i, 0)),
        out_shape=jax.ShapeDtypeStruct((tokens, NUM_EXPERTS), jnp.float32),
    )(x2, W, b2)


def _sc_route(logits):
    tokens = logits.shape[0] // NUM_EXPERTS
    info = plsc.get_sparse_core_info()
    nc, ns, L = info.num_cores, info.num_subcores, info.num_lanes
    nw = nc * ns
    tpw = tokens // nw
    n_groups = tpw // L
    mesh = plsc.VectorSubcoreMesh(core_axis_name="c", subcore_axis_name="s")

    @functools.partial(
        pl.kernel,
        mesh=mesh,
        out_type=jax.ShapeDtypeStruct((tokens * NUM_EXPERTS,), jnp.float32),
        scratch_types=[
            pltpu.VMEM((tpw * NUM_EXPERTS,), jnp.float32),
            pltpu.VMEM((tpw * NUM_EXPERTS,), jnp.float32),
        ],
        compiler_params=pltpu.CompilerParams(needs_layout_passes=False),
    )
    def _route(lg_hbm, out_hbm, lg_v, out_v):
        wid = lax.axis_index("s") * nc + lax.axis_index("c")
        base = wid * tpw * NUM_EXPERTS
        pltpu.sync_copy(lg_hbm.at[pl.ds(base, tpw * NUM_EXPERTS)], lg_v)

        lane = lax.broadcasted_iota(jnp.int32, (L,), 0)

        def group_body(g, _):
            rowbase = (lane + g * L) * NUM_EXPERTS
            idxs = [rowbase + e for e in range(NUM_EXPERTS)]
            work = [plsc.load_gather(lg_v, [idxs[e]]) for e in range(NUM_EXPERTS)]

            def tree_max(vals):
                while len(vals) > 1:
                    vals = [
                        jnp.maximum(vals[2 * i], vals[2 * i + 1])
                        for i in range(len(vals) // 2)
                    ]
                return vals[0]

            m0 = None
            m = None
            for _r in range(TOP_K):
                m = tree_max(work)
                if m0 is None:
                    m0 = m
                if _r < TOP_K - 1:
                    work = [jnp.where(w == m, NEG_INF, w) for w in work]

            den = jnp.zeros((L,), jnp.float32)
            ps = []
            for e in range(NUM_EXPERTS):
                v = plsc.load_gather(lg_v, [idxs[e]])
                p = jnp.where(v >= m, jnp.exp(v - m0), jnp.float32(0.0))
                den = den + p
                ps.append(p)
            rden = 1.0 / den
            for e in range(NUM_EXPERTS):
                plsc.store_scatter(out_v, [idxs[e]], ps[e] * rden)
            return _

        lax.fori_loop(0, n_groups, group_body, 0)
        pltpu.sync_copy(out_v, out_hbm.at[pl.ds(base, tpw * NUM_EXPERTS)])

    return _route(logits)


@jax.jit
def kernel(x, W, b):
    B, S, D = x.shape
    tokens = B * S
    x2 = x.reshape(tokens, D)
    b2 = b.reshape(1, NUM_EXPERTS)
    logits = _tc_logits(x2, W, b2, tokens, D)
    routed = _sc_route(logits.reshape(tokens * NUM_EXPERTS))
    return routed.reshape(B, S, NUM_EXPERTS)

# --- scband reference (transcript-rebuilt; emitter-appended) ---
"""Pipeline reference for scband-dynamic-hybrid-router-42855183679522 (READ-ONLY COPY).

The authoritative reference and input builder live on the scoring server;
editing this copy changes nothing except your own understanding.
"""

import jax, jax.numpy as jnp
import numpy as np

INPUT_SIZE = 2048
NUM_EXPERTS = 64
TOP_K = 8
TEMPERATURE = 2.0


def setup_inputs(seed: int = 0) -> dict:
    key = jax.random.key(seed)
    k1, k2, k3 = jax.random.split(key, 3)
    x = jax.random.normal(k1, (4, 4096, INPUT_SIZE), dtype=jnp.float32)
    # nn.Linear(input_size, num_experts): weight [out, in], bias [out]
    bound = 1.0 / np.sqrt(INPUT_SIZE)
    W = jax.random.uniform(k2, (NUM_EXPERTS, INPUT_SIZE), dtype=jnp.float32, minval=-bound, maxval=bound)
    b = jax.random.uniform(k3, (NUM_EXPERTS,), dtype=jnp.float32, minval=-bound, maxval=bound)
    return {"x": x, "W": W, "b": b}


def reference(x, W, b):
    # Inference (eval) path of DynamicHybridRouter: sparse top-k routing.
    logits = jnp.einsum('bsd,ed->bse', x, W) + b
    top_k_weights, top_k_indices = jax.lax.top_k(logits, TOP_K)
    softmax_weights = jax.nn.softmax(top_k_weights, axis=-1)
    # scatter softmax weights back to full expert dimension (indices are distinct)
    onehot = jax.nn.one_hot(top_k_indices, NUM_EXPERTS, dtype=logits.dtype)  # [b,s,k,E]
    routing_weights = jnp.einsum('bske,bsk->bse', onehot, softmax_weights)
    return routing_weights

if __name__ == "__main__":
    import jax
    _d = setup_inputs()
    print(jax.jit(kernel)(*tuple(_d.values())))

</pallas_src>

<mosaic_0001>
#map = affine_map<(d0, d1) -> (0)>
module attributes {stable_mosaic.version = 14 : i64} {
  func.func @_route(%arg0: i32, %arg1: i32, %arg2: memref<1048576xf32, #tpu.memory_space<hbm>>, %arg3: memref<1048576xf32, #tpu.memory_space<hbm>>, %arg4: memref<32768xf32, #tpu.memory_space<vmem>>, %arg5: memref<32768xf32, #tpu.memory_space<vmem>>) attributes {dimension_semantics = [#tpu.dimension_semantics<core_parallel>, #tpu.dimension_semantics<subcore_parallel>], iteration_bounds = array<i64: 2, 16>, scalar_prefetch = 0 : i64, scratch_operands = 2 : i64, tpu.core_type = #tpu.core_type<sc_vector_subcore>, window_params = [{transform_indices = #map}, {transform_indices = #map}]} {
    %mul3A = arith.constant 2 : i32
    %mul3A_0 = arith.muli %arg1, %mul3A : i32
    %add3A = arith.addi %mul3A_0, %arg0 : i32
    %mul3A_1 = arith.constant 512 : i32
    %mul3A_2 = arith.muli %add3A, %mul3A_1 : i32
    %mul3A_3 = arith.constant 64 : i32
    %mul3A_4 = arith.muli %mul3A_2, %mul3A_3 : i32
    "tpu.region"() ({
      %run_scoped3A = tpu.sem_alloc : memref<!tpu.dma_semaphore, #tpu.memory_space<semaphore_mem>>
      %dma_start3A = tpu.memref_slice %arg2[%mul3A_4] : memref<1048576xf32, #tpu.memory_space<hbm>> -> memref<32768xf32, #tpu.memory_space<hbm>>
      %dma_start3A_10 = tpu.memref_slice %arg2[%mul3A_4] : memref<1048576xf32, #tpu.memory_space<hbm>> -> memref<32768xf32, #tpu.memory_space<hbm>>
      tpu.enqueue_dma source(%dma_start3A_10 : memref<32768xf32, #tpu.memory_space<hbm>>) target(%arg4 : memref<32768xf32, #tpu.memory_space<vmem>>) target_semaphore(%run_scoped3A : memref<!tpu.dma_semaphore, #tpu.memory_space<semaphore_mem>>)
      %dma_wait3A = tpu.memref_slice %arg2[%mul3A_4] : memref<1048576xf32, #tpu.memory_space<hbm>> -> memref<32768xf32, #tpu.memory_space<hbm>>
      %dma_wait3A_11 = tpu.memref_slice %arg2[%mul3A_4] : memref<1048576xf32, #tpu.memory_space<hbm>> -> memref<32768xf32, #tpu.memory_space<hbm>>
      tpu.wait_dma2 semaphore(%run_scoped3A : memref<!tpu.dma_semaphore, #tpu.memory_space<semaphore_mem>>) src(%dma_wait3A_11 : memref<32768xf32, #tpu.memory_space<hbm>>) dst(%arg4 : memref<32768xf32, #tpu.memory_space<vmem>>)
      tpu.yield
    }) : () -> ()
    %iota3A = tpu.iota {dimensions = array<i32: 0>} : vector<16xi32>
    %scan3A = arith.constant 0 : i32
    %scan3A_5 = arith.constant 0 : i32
    %scan3A_6 = arith.constant 32 : i32
    %scan3A_7 = arith.addi %scan3A_5, %scan3A_6 : i32
    %scan3A_8 = arith.constant 1 : i32
    scf.for %scan3A_10 = %scan3A_5 to %scan3A_7 step %scan3A_8  : i32 {
      %mul3A_11 = arith.constant 16 : i32
      %mul3A_12 = arith.muli %scan3A_10, %mul3A_11 : i32
      %add3A_13 = vector.broadcast %mul3A_12 : i32 to vector<16xi32>
      %add3A_14 = arith.addi %iota3A, %add3A_13 : vector<16xi32>
      %mul3A_15 = arith.constant 64 : i32
      %mul3A_16 = vector.broadcast %mul3A_15 : i32 to vector<16xi32>
      %mul3A_17 = arith.muli %add3A_14, %mul3A_16 : vector<16xi32>
      %add3A_18 = arith.constant 0 : i32
      %add3A_19 = vector.broadcast %add3A_18 : i32 to vector<16xi32>
      %add3A_20 = arith.addi %mul3A_17, %add3A_19 : vector<16xi32>
      %add3A_21 = arith.constant 1 : i32
      %add3A_22 = vector.broadcast %add3A_21 : i32 to vector<16xi32>
      %add3A_23 = arith.addi %mul3A_17, %add3A_22 : vector<16xi32>
      %add3A_24 = arith.constant 2 : i32
      %add3A_25 = vector.broadcast %add3A_24 : i32 to vector<16xi32>
      %add3A_26 = arith.addi %mul3A_17, %add3A_25 : vector<16xi32>
      %add3A_27 = arith.constant 3 : i32
      %add3A_28 = vector.broadcast %add3A_27 : i32 to vector<16xi32>
      %add3A_29 = arith.addi %mul3A_17, %add3A_28 : vector<16xi32>
      %add3A_30 = arith.constant 4 : i32
      %add3A_31 = vector.broadcast %add3A_30 : i32 to vector<16xi32>
      %add3A_32 = arith.addi %mul3A_17, %add3A_31 : vector<16xi32>
      %add3A_33 = arith.constant 5 : i32
      %add3A_34 = vector.broadcast %add3A_33 : i32 to vector<16xi32>
      %add3A_35 = arith.addi %mul3A_17, %add3A_34 : vector<16xi32>
      %add3A_36 = arith.constant 6 : i32
      %add3A_37 = vector.broadcast %add3A_36 : i32 to vector<16xi32>
      %add3A_38 = arith.addi %mul3A_17, %add3A_37 : vector<16xi32>
      %add3A_39 = arith.constant 7 : i32
      %add3A_40 = vector.broadcast %add3A_39 : i32 to vector<16xi32>
      %add3A_41 = arith.addi %mul3A_17, %add3A_40 : vector<16xi32>
      %add3A_42 = arith.constant 8 : i32
      %add3A_43 = vector.broadcast %add3A_42 : i32 to vector<16xi32>
      %add3A_44 = arith.addi %mul3A_17, %add3A_43 : vector<16xi32>
      %add3A_45 = arith.constant 9 : i32
      %add3A_46 = vector.broadcast %add3A_45 : i32 to vector<16xi32>
      %add3A_47 = arith.addi %mul3A_17, %add3A_46 : vector<16xi32>
      %add3A_48 = arith.constant 10 : i32
      %add3A_49 = vector.broadcast %add3A_48 : i32 to vector<16xi32>
      %add3A_50 = arith.addi %mul3A_17, %add3A_49 : vector<16xi32>
      %add3A_51 = arith.constant 11 : i32
      %add3A_52 = vector.broadcast %add3A_51 : i32 to vector<16xi32>
      %add3A_53 = arith.addi %mul3A_17, %add3A_52 : vector<16xi32>
      %add3A_54 = arith.constant 12 : i32
      %add3A_55 = vector.broadcast %add3A_54 : i32 to vector<16xi32>
      %add3A_56 = arith.addi %mul3A_17, %add3A_55 : vector<16xi32>
      %add3A_57 = arith.constant 13 : i32
      %add3A_58 = vector.broadcast %add3A_57 : i32 to vector<16xi32>
      %add3A_59 = arith.addi %mul3A_17, %add3A_58 : vector<16xi32>
      %add3A_60 = arith.constant 14 : i32
      %add3A_61 = vector.broadcast %add3A_60 : i32 to vector<16xi32>
      %add3A_62 = arith.addi %mul3A_17, %add3A_61 : vector<16xi32>
      %add3A_63 = arith.constant 15 : i32
      %add3A_64 = vector.broadcast %add3A_63 : i32 to vector<16xi32>
      %add3A_65 = arith.addi %mul3A_17, %add3A_64 : vector<16xi32>
      %add3A_66 = arith.constant 16 : i32
      %add3A_67 = vector.broadcast %add3A_66 : i32 to vector<16xi32>
      %add3A_68 = arith.addi %mul3A_17, %add3A_67 : vector<16xi32>
      %add3A_69 = arith.constant 17 : i32
      %add3A_70 = vector.broadcast %add3A_69 : i32 to vector<16xi32>
      %add3A_71 = arith.addi %mul3A_17, %add3A_70 : vector<16xi32>
      %add3A_72 = arith.constant 18 : i32
      %add3A_73 = vector.broadcast %add3A_72 : i32 to vector<16xi32>
      %add3A_74 = arith.addi %mul3A_17, %add3A_73 : vector<16xi32>
      %add3A_75 = arith.constant 19 : i32
      %add3A_76 = vector.broadcast %add3A_75 : i32 to vector<16xi32>
      %add3A_77 = arith.addi %mul3A_17, %add3A_76 : vector<16xi32>
      %add3A_78 = arith.constant 20 : i32
      %add3A_79 = vector.broadcast %add3A_78 : i32 to vector<16xi32>
      %add3A_80 = arith.addi %mul3A_17, %add3A_79 : vector<16xi32>
      %add3A_81 = arith.constant 21 : i32
      %add3A_82 = vector.broadcast %add3A_81 : i32 to vector<16xi32>
      %add3A_83 = arith.addi %mul3A_17, %add3A_82 : vector<16xi32>
      %add3A_84 = arith.constant 22 : i32
      %add3A_85 = vector.broadcast %add3A_84 : i32 to vector<16xi32>
      %add3A_86 = arith.addi %mul3A_17, %add3A_85 : vector<16xi32>
      %add3A_87 = arith.constant 23 : i32
      %add3A_88 = vector.broadcast %add3A_87 : i32 to vector<16xi32>
      %add3A_89 = arith.addi %mul3A_17, %add3A_88 : vector<16xi32>
      %add3A_90 = arith.constant 24 : i32
      %add3A_91 = vector.broadcast %add3A_90 : i32 to vector<16xi32>
      %add3A_92 = arith.addi %mul3A_17, %add3A_91 : vector<16xi32>
      %add3A_93 = arith.constant 25 : i32
      %add3A_94 = vector.broadcast %add3A_93 : i32 to vector<16xi32>
      %add3A_95 = arith.addi %mul3A_17, %add3A_94 : vector<16xi32>
      %add3A_96 = arith.constant 26 : i32
      %add3A_97 = vector.broadcast %add3A_96 : i32 to vector<16xi32>
      %add3A_98 = arith.addi %mul3A_17, %add3A_97 : vector<16xi32>
      %add3A_99 = arith.constant 27 : i32
      %add3A_100 = vector.broadcast %add3A_99 : i32 to vector<16xi32>
      %add3A_101 = arith.addi %mul3A_17, %add3A_100 : vector<16xi32>
      %add3A_102 = arith.constant 28 : i32
      %add3A_103 = vector.broadcast %add3A_102 : i32 to vector<16xi32>
      %add3A_104 = arith.addi %mul3A_17, %add3A_103 : vector<16xi32>
      %add3A_105 = arith.constant 29 : i32
      %add3A_106 = vector.broadcast %add3A_105 : i32 to vector<16xi32>
      %add3A_107 = arith.addi %mul3A_17, %add3A_106 : vector<16xi32>
      %add3A_108 = arith.constant 30 : i32
      %add3A_109 = vector.broadcast %add3A_108 : i32 to vector<16xi32>
      %add3A_110 = arith.addi %mul3A_17, %add3A_109 : vector<16xi32>
      %add3A_111 = arith.constant 31 : i32
      %add3A_112 = vector.broadcast %add3A_111 : i32 to vector<16xi32>
      %add3A_113 = arith.addi %mul3A_17, %add3A_112 : vector<16xi32>
      %add3A_114 = arith.constant 32 : i32
      %add3A_115 = vector.broadcast %add3A_114 : i32 to vector<16xi32>
      %add3A_116 = arith.addi %mul3A_17, %add3A_115 : vector<16xi32>
      %add3A_117 = arith.constant 33 : i32
      %add3A_118 = vector.broadcast %add3A_117 : i32 to vector<16xi32>
      %add3A_119 = arith.addi %mul3A_17, %add3A_118 : vector<16xi32>
      %add3A_120 = arith.constant 34 : i32
      %add3A_121 = vector.broadcast %add3A_120 : i32 to vector<16xi32>
      %add3A_122 = arith.addi %mul3A_17, %add3A_121 : vector<16xi32>
      %add3A_123 = arith.constant 35 : i32
      %add3A_124 = vector.broadcast %add3A_123 : i32 to vector<16xi32>
      %add3A_125 = arith.addi %mul3A_17, %add3A_124 : vector<16xi32>
      %add3A_126 = arith.constant 36 : i32
      %add3A_127 = vector.broadcast %add3A_126 : i32 to vector<16xi32>
      %add3A_128 = arith.addi %mul3A_17, %add3A_127 : vector<16xi32>
      %add3A_129 = arith.constant 37 : i32
      %add3A_130 = vector.broadcast %add3A_129 : i32 to vector<16xi32>
      %add3A_131 = arith.addi %mul3A_17, %add3A_130 : vector<16xi32>
      %add3A_132 = arith.constant 38 : i32
      %add3A_133 = vector.broadcast %add3A_132 : i32 to vector<16xi32>
      %add3A_134 = arith.addi %mul3A_17, %add3A_133 : vector<16xi32>
      %add3A_135 = arith.constant 39 : i32
      %add3A_136 = vector.broadcast %add3A_135 : i32 to vector<16xi32>
      %add3A_137 = arith.addi %mul3A_17, %add3A_136 : vector<16xi32>
      %add3A_138 = arith.constant 40 : i32
      %add3A_139 = vector.broadcast %add3A_138 : i32 to vector<16xi32>
      %add3A_140 = arith.addi %mul3A_17, %add3A_139 : vector<16xi32>
      %add3A_141 = arith.constant 41 : i32
      %add3A_142 = vector.broadcast %add3A_141 : i32 to vector<16xi32>
      %add3A_143 = arith.addi %mul3A_17, %add3A_142 : vector<16xi32>
      %add3A_144 = arith.constant 42 : i32
      %add3A_145 = vector.broadcast %add3A_144 : i32 to vector<16xi32>
      %add3A_146 = arith.addi %mul3A_17, %add3A_145 : vector<16xi32>
      %add3A_147 = arith.constant 43 : i32
      %add3A_148 = vector.broadcast %add3A_147 : i32 to vector<16xi32>
      %add3A_149 = arith.addi %mul3A_17, %add3A_148 : vector<16xi32>
      %add3A_150 = arith.constant 44 : i32
      %add3A_151 = vector.broadcast %add3A_150 : i32 to vector<16xi32>
      %add3A_152 = arith.addi %mul3A_17, %add3A_151 : vector<16xi32>
      %add3A_153 = arith.constant 45 : i32
      %add3A_154 = vector.broadcast %add3A_153 : i32 to vector<16xi32>
      %add3A_155 = arith.addi %mul3A_17, %add3A_154 : vector<16xi32>
      %add3A_156 = arith.constant 46 : i32
      %add3A_157 = vector.broadcast %add3A_156 : i32 to vector<16xi32>
      %add3A_158 = arith.addi %mul3A_17, %add3A_157 : vector<16xi32>
      %add3A_159 = arith.constant 47 : i32
      %add3A_160 = vector.broadcast %add3A_159 : i32 to vector<16xi32>
      %add3A_161 = arith.addi %mul3A_17, %add3A_160 : vector<16xi32>
      %add3A_162 = arith.constant 48 : i32
      %add3A_163 = vector.broadcast %add3A_162 : i32 to vector<16xi32>
      %add3A_164 = arith.addi %mul3A_17, %add3A_163 : vector<16xi32>
      %add3A_165 = arith.constant 49 : i32
      %add3A_166 = vector.broadcast %add3A_165 : i32 to vector<16xi32>
      %add3A_167 = arith.addi %mul3A_17, %add3A_166 : vector<16xi32>
      %add3A_168 = arith.constant 50 : i32
      %add3A_169 = vector.broadcast %add3A_168 : i32 to vector<16xi32>
      %add3A_170 = arith.addi %mul3A_17, %add3A_169 : vector<16xi32>
      %add3A_171 = arith.constant 51 : i32
      %add3A_172 = vector.broadcast %add3A_171 : i32 to vector<16xi32>
      %add3A_173 = arith.addi %mul3A_17, %add3A_172 : vector<16xi32>
      %add3A_174 = arith.constant 52 : i32
      %add3A_175 = vector.broadcast %add3A_174 : i32 to vector<16xi32>
      %add3A_176 = arith.addi %mul3A_17, %add3A_175 : vector<16xi32>
      %add3A_177 = arith.constant 53 : i32
      %add3A_178 = vector.broadcast %add3A_177 : i32 to vector<16xi32>
      %add3A_179 = arith.addi %mul3A_17, %add3A_178 : vector<16xi32>
      %add3A_180 = arith.constant 54 : i32
      %add3A_181 = vector.broadcast %add3A_180 : i32 to vector<16xi32>
      %add3A_182 = arith.addi %mul3A_17, %add3A_181 : vector<16xi32>
      %add3A_183 = arith.constant 55 : i32
      %add3A_184 = vector.broadcast %add3A_183 : i32 to vector<16xi32>
      %add3A_185 = arith.addi %mul3A_17, %add3A_184 : vector<16xi32>
      %add3A_186 = arith.constant 56 : i32
      %add3A_187 = vector.broadcast %add3A_186 : i32 to vector<16xi32>
      %add3A_188 = arith.addi %mul3A_17, %add3A_187 : vector<16xi32>
      %add3A_189 = arith.constant 57 : i32
      %add3A_190 = vector.broadcast %add3A_189 : i32 to vector<16xi32>
      %add3A_191 = arith.addi %mul3A_17, %add3A_190 : vector<16xi32>
      %add3A_192 = arith.constant 58 : i32
      %add3A_193 = vector.broadcast %add3A_192 : i32 to vector<16xi32>
      %add3A_194 = arith.addi %mul3A_17, %add3A_193 : vector<16xi32>
      %add3A_195 = arith.constant 59 : i32
      %add3A_196 = vector.broadcast %add3A_195 : i32 to vector<16xi32>
      %add3A_197 = arith.addi %mul3A_17, %add3A_196 : vector<16xi32>
      %add3A_198 = arith.constant 60 : i32
      %add3A_199 = vector.broadcast %add3A_198 : i32 to vector<16xi32>
      %add3A_200 = arith.addi %mul3A_17, %add3A_199 : vector<16xi32>
      %add3A_201 = arith.constant 61 : i32
      %add3A_202 = vector.broadcast %add3A_201 : i32 to vector<16xi32>
      %add3A_203 = arith.addi %mul3A_17, %add3A_202 : vector<16xi32>
      %add3A_204 = arith.constant 62 : i32
      %add3A_205 = vector.broadcast %add3A_204 : i32 to vector<16xi32>
      %add3A_206 = arith.addi %mul3A_17, %add3A_205 : vector<16xi32>
      %add3A_207 = arith.constant 63 : i32
      %add3A_208 = vector.broadcast %add3A_207 : i32 to vector<16xi32>
      %add3A_209 = arith.addi %mul3A_17, %add3A_208 : vector<16xi32>
      %gather3A = tpu.vector_load_idx %arg4[%add3A_20] : memref<32768xf32, #tpu.memory_space<vmem>>[vector<16xi32>], vector<16xf32>,
      %gather3A_210 = tpu.vector_load_idx %arg4[%add3A_23] : memref<32768xf32, #tpu.memory_space<vmem>>[vector<16xi32>], vector<16xf32>,
      %gather3A_211 = tpu.vector_load_idx %arg4[%add3A_26] : memref<32768xf32, #tpu.memory_space<vmem>>[vector<16xi32>], vector<16xf32>,
      %gather3A_212 = tpu.vector_load_idx %arg4[%add3A_29] : memref<32768xf32, #tpu.memory_space<vmem>>[vector<16xi32>], vector<16xf32>,
      %gather3A_213 = tpu.vector_load_idx %arg4[%add3A_32] : memref<32768xf32, #tpu.memory_space<vmem>>[vector<16xi32>], vector<16xf32>,
      %gather3A_214 = tpu.vector_load_idx %arg4[%add3A_35] : memref<32768xf32, #tpu.memory_space<vmem>>[vector<16xi32>], vector<16xf32>,
      %gather3A_215 = tpu.vector_load_idx %arg4[%add3A_38] : memref<32768xf32, #tpu.memory_space<vmem>>[vector<16xi32>], vector<16xf32>,
      %gather3A_216 = tpu.vector_load_idx %arg4[%add3A_41] : memref<32768xf32, #tpu.memory_space<vmem>>[vector<16xi32>], vector<16xf32>,
      %gather3A_217 = tpu.vector_load_idx %arg4[%add3A_44] : memref<32768xf32, #tpu.memory_space<vmem>>[vector<16xi32>], vector<16xf32>,
      %gather3A_218 = tpu.vector_load_idx %arg4[%add3A_47] : memref<32768xf32, #tpu.memory_space<vmem>>[vector<16xi32>], vector<16xf32>,
      %gather3A_219 = tpu.vector_load_idx %arg4[%add3A_50] : memref<32768xf32, #tpu.memory_space<vmem>>[vector<16xi32>], vector<16xf32>,
      %gather3A_220 = tpu.vector_load_idx %arg4[%add3A_53] : memref<32768xf32, #tpu.memory_space<vmem>>[vector<16xi32>], vector<16xf32>,
      %gather3A_221 = tpu.vector_load_idx %arg4[%add3A_56] : memref<32768xf32, #tpu.memory_space<vmem>>[vector<16xi32>], vector<16xf32>,
      %gather3A_222 = tpu.vector_load_idx %arg4[%add3A_59] : memref<32768xf32, #tpu.memory_space<vmem>>[vector<16xi32>], vector<16xf32>,
      %gather3A_223 = tpu.vector_load_idx %arg4[%add3A_62] : memref<32768xf32, #tpu.memory_space<vmem>>[vector<16xi32>], vector<16xf32>,
      %gather3A_224 = tpu.vector_load_idx %arg4[%add3A_65] : memref<32768xf32, #tpu.memory_space<vmem>>[vector<16xi32>], vector<16xf32>,
      %gather3A_225 = tpu.vector_load_idx %arg4[%add3A_68] : memref<32768xf32, #tpu.memory_space<vmem>>[vector<16xi32>], vector<16xf32>,
      %gather3A_226 = tpu.vector_load_idx %arg4[%add3A_71] : memref<32768xf32, #tpu.memory_space<vmem>>[vector<16xi32>], vector<16xf32>,
      %gather3A_227 = tpu.vector_load_idx %arg4[%add3A_74] : memref<32768xf32, #tpu.memory_space<vmem>>[vector<16xi32>], vector<16xf32>,
      %gather3A_228 = tpu.vector_load_idx %arg4[%add3A_77] : memref<32768xf32, #tpu.memory_space<vmem>>[vector<16xi32>], vector<16xf32>,
      %gather3A_229 = tpu.vector_load_idx %arg4[%add3A_80] : memref<32768xf32, #tpu.memory_space<vmem>>[vector<16xi32>], vector<16xf32>,
      %gather3A_230 = tpu.vector_load_idx %arg4[%add3A_83] : memref<32768xf32, #tpu.memory_space<vmem>>[vector<16xi32>], vector<16xf32>,
      %gather3A_231 = tpu.vector_load_idx %arg4[%add3A_86] : memref<32768xf32, #tpu.memory_space<vmem>>[vector<16xi32>], vector<16xf32>,
      %gather3A_232 = tpu.vector_load_idx %arg4[%add3A_89] : memref<32768xf32, #tpu.memory_space<vmem>>[vector<16xi32>], vector<16xf32>,
      %gather3A_233 = tpu.vector_load_idx %arg4[%add3A_92] : memref<32768xf32, #tpu.memory_space<vmem>>[vector<16xi32>], vector<16xf32>,
      %gather3A_234 = tpu.vector_load_idx %arg4[%add3A_95] : memref<32768xf32, #tpu.memory_space<vmem>>[vector<16xi32>], vector<16xf32>,
      %gather3A_235 = tpu.vector_load_idx %arg4[%add3A_98] : memref<32768xf32, #tpu.memory_space<vmem>>[vector<16xi32>], vector<16xf32>,
      %gather3A_236 = tpu.vector_load_idx %arg4[%add3A_101] : memref<32768xf32, #tpu.memory_space<vmem>>[vector<16xi32>], vector<16xf32>,
      %gather3A_237 = tpu.vector_load_idx %arg4[%add3A_104] : memref<32768xf32, #tpu.memory_space<vmem>>[vector<16xi32>], vector<16xf32>,
      %gather3A_238 = tpu.vector_load_idx %arg4[%add3A_107] : memref<32768xf32, #tpu.memory_space<vmem>>[vector<16xi32>], vector<16xf32>,
      %gather3A_239 = tpu.vector_load_idx %arg4[%add3A_110] : memref<32768xf32, #tpu.memory_space<vmem>>[vector<16xi32>], vector<16xf32>,
      %gather3A_240 = tpu.vector_load_idx %arg4[%add3A_113] : memref<32768xf32, #tpu.memory_space<vmem>>[vector<16xi32>], vector<16xf32>,
      %gather3A_241 = tpu.vector_load_idx %arg4[%add3A_116] : memref<32768xf32, #tpu.memory_space<vmem>>[vector<16xi32>], vector<16xf32>,
      %gather3A_242 = tpu.vector_load_idx %arg4[%add3A_119] : memref<32768xf32, #tpu.memory_space<vmem>>[vector<16xi32>], vector<16xf32>,
      %gather3A_243 = tpu.vector_load_idx %arg4[%add3A_122] : memref<32768xf32, #tpu.memory_space<vmem>>[vector<16xi32>], vector<16xf32>,
      %gather3A_244 = tpu.vector_load_idx %arg4[%add3A_125] : memref<32768xf32, #tpu.memory_space<vmem>>[vector<16xi32>], vector<16xf32>,
      %gather3A_245 = tpu.vector_load_idx %arg4[%add3A_128] : memref<32768xf32, #tpu.memory_space<vmem>>[vector<16xi32>], vector<16xf32>,
      %gather3A_246 = tpu.vector_load_idx %arg4[%add3A_131] : memref<32768xf32, #tpu.memory_space<vmem>>[vector<16xi32>], vector<16xf32>,
      %gather3A_247 = tpu.vector_load_idx %arg4[%add3A_134] : memref<32768xf32, #tpu.memory_space<vmem>>[vector<16xi32>], vector<16xf32>,
      %gather3A_248 = tpu.vector_load_idx %arg4[%add3A_137] : memref<32768xf32, #tpu.memory_space<vmem>>[vector<16xi32>], vector<16xf32>,
      %gather3A_249 = tpu.vector_load_idx %arg4[%add3A_140] : memref<32768xf32, #tpu.memory_space<vmem>>[vector<16xi32>], vector<16xf32>,
      %gather3A_250 = tpu.vector_load_idx %arg4[%add3A_143] : memref<32768xf32, #tpu.memory_space<vmem>>[vector<16xi32>], vector<16xf32>,
      %gather3A_251 = tpu.vector_load_idx %arg4[%add3A_146] : memref<32768xf32, #tpu.memory_space<vmem>>[vector<16xi32>], vector<16xf32>,
      %gather3A_252 = tpu.vector_load_idx %arg4[%add3A_149] : memref<32768xf32, #tpu.memory_space<vmem>>[vector<16xi32>], vector<16xf32>,
      %gather3A_253 = tpu.vector_load_idx %arg4[%add3A_152] : memref<32768xf32, #tpu.memory_space<vmem>>[vector<16xi32>], vector<16xf32>,
      %gather3A_254 = tpu.vector_load_idx %arg4[%add3A_155] : memref<32768xf32, #tpu.memory_space<vmem>>[vector<16xi32>], vector<16xf32>,
      %gather3A_255 = tpu.vector_load_idx %arg4[%add3A_158] : memref<32768xf32, #tpu.memory_space<vmem>>[vector<16xi32>], vector<16xf32>,
      %gather3A_256 = tpu.vector_load_idx %arg4[%add3A_161] : memref<32768xf32, #tpu.memory_space<vmem>>[vector<16xi32>], vector<16xf32>,
      %gather3A_257 = tpu.vector_load_idx %arg4[%add3A_164] : memref<32768xf32, #tpu.memory_space<vmem>>[vector<16xi32>], vector<16xf32>,
      %gather3A_258 = tpu.vector_load_idx %arg4[%add3A_167] : memref<32768xf32, #tpu.memory_space<vmem>>[vector<16xi32>], vector<16xf32>,
      %gather3A_259 = tpu.vector_load_idx %arg4[%add3A_170] : memref<32768xf32, #tpu.memory_space<vmem>>[vector<16xi32>], vector<16xf32>,
      %gather3A_260 = tpu.vector_load_idx %arg4[%add3A_173] : memref<32768xf32, #tpu.memory_space<vmem>>[vector<16xi32>], vector<16xf32>,
      %gather3A_261 = tpu.vector_load_idx %arg4[%add3A_176] : memref<32768xf32, #tpu.memory_space<vmem>>[vector<16xi32>], vector<16xf32>,
      %gather3A_262 = tpu.vector_load_idx %arg4[%add3A_179] : memref<32768xf32, #tpu.memory_space<vmem>>[vector<16xi32>], vector<16xf32>,
      %gather3A_263 = tpu.vector_load_idx %arg4[%add3A_182] : memref<32768xf32, #tpu.memory_space<vmem>>[vector<16xi32>], vector<16xf32>,
      %gather3A_264 = tpu.vector_load_idx %arg4[%add3A_185] : memref<32768xf32, #tpu.memory_space<vmem>>[vector<16xi32>], vector<16xf32>,
      %gather3A_265 = tpu.vector_load_idx %arg4[%add3A_188] : memref<32768xf32, #tpu.memory_space<vmem>>[vector<16xi32>], vector<16xf32>,
      %gather3A_266 = tpu.vector_load_idx %arg4[%add3A_191] : memref<32768xf32, #tpu.memory_space<vmem>>[vector<16xi32>], vector<16xf32>,
      %gather3A_267 = tpu.vector_load_idx %arg4[%add3A_194] : memref<32768xf32, #tpu.memory_space<vmem>>[vector<16xi32>], vector<16xf32>,
      %gather3A_268 = tpu.vector_load_idx %arg4[%add3A_197] : memref<32768xf32, #tpu.memory_space<vmem>>[vector<16xi32>], vector<16xf32>,
      %gather3A_269 = tpu.vector_load_idx %arg4[%add3A_200] : memref<32768xf32, #tpu.memory_space<vmem>>[vector<16xi32>], vector<16xf32>,
      %gather3A_270 = tpu.vector_load_idx %arg4[%add3A_203] : memref<32768xf32, #tpu.memory_space<vmem>>[vector<16xi32>], vector<16xf32>,
      %gather3A_271 = tpu.vector_load_idx %arg4[%add3A_206] : memref<32768xf32, #tpu.memory_space<vmem>>[vector<16xi32>], vector<16xf32>,
      %gather3A_272 = tpu.vector_load_idx %arg4[%add3A_209] : memref<32768xf32, #tpu.memory_space<vmem>>[vector<16xi32>], vector<16xf32>,
      %max3A = arith.maximumf %gather3A, %gather3A_210 : vector<16xf32>
      %max3A_273 = arith.maximumf %gather3A_211, %gather3A_212 : vector<16xf32>
      %max3A_274 = arith.maximumf %gather3A_213, %gather3A_214 : vector<16xf32>
      %max3A_275 = arith.maximumf %gather3A_215, %gather3A_216 : vector<16xf32>
      %max3A_276 = arith.maximumf %gather3A_217, %gather3A_218 : vector<16xf32>
      %max3A_277 = arith.maximumf %gather3A_219, %gather3A_220 : vector<16xf32>
      %max3A_278 = arith.maximumf %gather3A_221, %gather3A_222 : vector<16xf32>
      %max3A_279 = arith.maximumf %gather3A_223, %gather3A_224 : vector<16xf32>
      %max3A_280 = arith.maximumf %gather3A_225, %gather3A_226 : vector<16xf32>
      %max3A_281 = arith.maximumf %gather3A_227, %gather3A_228 : vector<16xf32>
      %max3A_282 = arith.maximumf %gather3A_229, %gather3A_230 : vector<16xf32>
      %max3A_283 = arith.maximumf %gather3A_231, %gather3A_232 : vector<16xf32>
      %max3A_284 = arith.maximumf %gather3A_233, %gather3A_234 : vector<16xf32>
      %max3A_285 = arith.maximumf %gather3A_235, %gather3A_236 : vector<16xf32>
      %max3A_286 = arith.maximumf %gather3A_237, %gather3A_238 : vector<16xf32>
      %max3A_287 = arith.maximumf %gather3A_239, %gather3A_240 : vector<16xf32>
      %max3A_288 = arith.maximumf %gather3A_241, %gather3A_242 : vector<16xf32>
      %max3A_289 = arith.maximumf %gather3A_243, %gather3A_244 : vector<16xf32>
      %max3A_290 = arith.maximumf %gather3A_245, %gather3A_246 : vector<16xf32>
      %max3A_291 = arith.maximumf %gather3A_247, %gather3A_248 : vector<16xf32>
      %max3A_292 = arith.maximumf %gather3A_249, %gather3A_250 : vector<16xf32>
      %max3A_293 = arith.maximumf %gather3A_251, %gather3A_252 : vector<16xf32>
      %max3A_294 = arith.maximumf %gather3A_253, %gather3A_254 : vector<16xf32>
      %max3A_295 = arith.maximumf %gather3A_255, %gather3A_256 : vector<16xf32>
      %max3A_296 = arith.maximumf %gather3A_257, %gather3A_258 : vector<16xf32>
      %max3A_297 = arith.maximumf %gather3A_259, %gather3A_260 : vector<16xf32>
      %max3A_298 = arith.maximumf %gather3A_261, %gather3A_262 : vector<16xf32>
      %max3A_299 = arith.maximumf %gather3A_263, %gather3A_264 : vector<16xf32>
      %max3A_300 = arith.maximumf %gather3A_265, %gather3A_266 : vector<16xf32>
      %max3A_301 = arith.maximumf %gather3A_267, %gather3A_268 : vector<16xf32>
      %max3A_302 = arith.maximumf %gather3A_269, %gather3A_270 : vector<16xf32>
      %max3A_303 = arith.maximumf %gather3A_271, %gather3A_272 : vector<16xf32>
      %max3A_304 = arith.maximumf %max3A, %max3A_273 : vector<16xf32>
      %max3A_305 = arith.maximumf %max3A_274, %max3A_275 : vector<16xf32>
      %max3A_306 = arith.maximumf %max3A_276, %max3A_277 : vector<16xf32>
      %max3A_307 = arith.maximumf %max3A_278, %max3A_279 : vector<16xf32>
      %max3A_308 = arith.maximumf %max3A_280, %max3A_281 : vector<16xf32>
      %max3A_309 = arith.maximumf %max3A_282, %max3A_283 : vector<16xf32>
      %max3A_310 = arith.maximumf %max3A_284, %max3A_285 : vector<16xf32>
      %max3A_311 = arith.maximumf %max3A_286, %max3A_287 : vector<16xf32>
      %max3A_312 = arith.maximumf %max3A_288, %max3A_289 : vector<16xf32>
      %max3A_313 = arith.maximumf %max3A_290, %max3A_291 : vector<16xf32>
      %max3A_314 = arith.maximumf %max3A_292, %max3A_293 : vector<16xf32>
      %max3A_315 = arith.maximumf %max3A_294, %max3A_295 : vector<16xf32>
      %max3A_316 = arith.maximumf %max3A_296, %max3A_297 : vector<16xf32>
      %max3A_317 = arith.maximumf %max3A_298, %max3A_299 : vector<16xf32>
      %max3A_318 = arith.maximumf %max3A_300, %max3A_301 : vector<16xf32>
      %max3A_319 = arith.maximumf %max3A_302, %max3A_303 : vector<16xf32>
      %max3A_320 = arith.maximumf %max3A_304, %max3A_305 : vector<16xf32>
      %max3A_321 = arith.maximumf %max3A_306, %max3A_307 : vector<16xf32>
      %max3A_322 = arith.maximumf %max3A_308, %max3A_309 : vector<16xf32>
      %max3A_323 = arith.maximumf %max3A_310, %max3A_311 : vector<16xf32>
      %max3A_324 = arith.maximumf %max3A_312, %max3A_313 : vector<16xf32>
      %max3A_325 = arith.maximumf %max3A_314, %max3A_315 : vector<16xf32>
      %max3A_326 = arith.maximumf %max3A_316, %max3A_317 : vector<16xf32>
      %max3A_327 = arith.maximumf %max3A_318, %max3A_319 : vector<16xf32>
      %max3A_328 = arith.maximumf %max3A_320, %max3A_321 : vector<16xf32>
      %max3A_329 = arith.maximumf %max3A_322, %max3A_323 : vector<16xf32>
      %max3A_330 = arith.maximumf %max3A_324, %max3A_325 : vector<16xf32>
      %max3A_331 = arith.maximumf %max3A_326, %max3A_327 : vector<16xf32>
      %max3A_332 = arith.maximumf %max3A_328, %max3A_329 : vector<16xf32>
      %max3A_333 = arith.maximumf %max3A_330, %max3A_331 : vector<16xf32>
      %max3A_334 = arith.maximumf %max3A_332, %max3A_333 : vector<16xf32>
      %eq3A = arith.cmpf oeq, %gather3A, %max3A_334 : vector<16xf32>
      %jit3A = arith.constant 0xFF800000 : f32
      %broadcast_in_dim3A = vector.broadcast %jit3A : f32 to vector<16xf32>
      %select_n3A = arith.select %eq3A, %broadcast_in_dim3A, %gather3A : vector<16xi1>, vector<16xf32>
      %eq3A_335 = arith.cmpf oeq, %gather3A_210, %max3A_334 : vector<16xf32>
      %jit3A_336 = arith.constant 0xFF800000 : f32
      %broadcast_in_dim3A_337 = vector.broadcast %jit3A_336 : f32 to vector<16xf32>
      %select_n3A_338 = arith.select %eq3A_335, %broadcast_in_dim3A_337, %gather3A_210 : vector<16xi1>, vector<16xf32>
      %eq3A_339 = arith.cmpf oeq, %gather3A_211, %max3A_334 : vector<16xf32>
      %jit3A_340 = arith.constant 0xFF800000 : f32
      %broadcast_in_dim3A_341 = vector.broadcast %jit3A_340 : f32 to vector<16xf32>
      %select_n3A_342 = arith.select %eq3A_339, %broadcast_in_dim3A_341, %gather3A_211 : vector<16xi1>, vector<16xf32>
      %eq3A_343 = arith.cmpf oeq, %gather3A_212, %max3A_334 : vector<16xf32>
      %jit3A_344 = arith.constant 0xFF800000 : f32
      %broadcast_in_dim3A_345 = vector.broadcast %jit3A_344 : f32 to vector<16xf32>
      %select_n3A_346 = arith.select %eq3A_343, %broadcast_in_dim3A_345, %gather3A_212 : vector<16xi1>, vector<16xf32>
      %eq3A_347 = arith.cmpf oeq, %gather3A_213, %max3A_334 : vector<16xf32>
      %jit3A_348 = arith.constant 0xFF800000 : f32
      %broadcast_in_dim3A_349 = vector.broadcast %jit3A_348 : f32 to vector<16xf32>
      %select_n3A_350 = arith.select %eq3A_347, %broadcast_in_dim3A_349, %gather3A_213 : vector<16xi1>, vector<16xf32>
      %eq3A_351 = arith.cmpf oeq, %gather3A_214, %max3A_334 : vector<16xf32>
      %jit3A_352 = arith.constant 0xFF800000 : f32
      %broadcast_in_dim3A_353 = vector.broadcast %jit3A_352 : f32 to vector<16xf32>
      %select_n3A_354 = arith.select %eq3A_351, %broadcast_in_dim3A_353, %gather3A_214 : vector<16xi1>, vector<16xf32>
      %eq3A_355 = arith.cmpf oeq, %gather3A_215, %max3A_334 : vector<16xf32>
      %jit3A_356 = arith.constant 0xFF800000 : f32
      %broadcast_in_dim3A_357 = vector.broadcast %jit3A_356 : f32 to vector<16xf32>
      %select_n3A_358 = arith.select %eq3A_355, %broadcast_in_dim3A_357, %gather3A_215 : vector<16xi1>, vector<16xf32>
      %eq3A_359 = arith.cmpf oeq, %gather3A_216, %max3A_334 : vector<16xf32>
      %jit3A_360 = arith.constant 0xFF800000 : f32
      %broadcast_in_dim3A_361 = vector.broadcast %jit3A_360 : f32 to vector<16xf32>
      %select_n3A_362 = arith.select %eq3A_359, %broadcast_in_dim3A_361, %gather3A_216 : vector<16xi1>, vector<16xf32>
      %eq3A_363 = arith.cmpf oeq, %gather3A_217, %max3A_334 : vector<16xf32>
      %jit3A_364 = arith.constant 0xFF800000 : f32
      %broadcast_in_dim3A_365 = vector.broadcast %jit3A_364 : f32 to vector<16xf32>
      %select_n3A_366 = arith.select %eq3A_363, %broadcast_in_dim3A_365, %gather3A_217 : vector<16xi1>, vector<16xf32>
      %eq3A_367 = arith.cmpf oeq, %gather3A_218, %max3A_334 : vector<16xf32>
      %jit3A_368 = arith.constant 0xFF800000 : f32
      %broadcast_in_dim3A_369 = vector.broadcast %jit3A_368 : f32 to vector<16xf32>
      %select_n3A_370 = arith.select %eq3A_367, %broadcast_in_dim3A_369, %gather3A_218 : vector<16xi1>, vector<16xf32>
      %eq3A_371 = arith.cmpf oeq, %gather3A_219, %max3A_334 : vector<16xf32>
      %jit3A_372 = arith.constant 0xFF800000 : f32
      %broadcast_in_dim3A_373 = vector.broadcast %jit3A_372 : f32 to vector<16xf32>
      %select_n3A_374 = arith.select %eq3A_371, %broadcast_in_dim3A_373, %gather3A_219 : vector<16xi1>, vector<16xf32>
      %eq3A_375 = arith.cmpf oeq, %gather3A_220, %max3A_334 : vector<16xf32>
      %jit3A_376 = arith.constant 0xFF800000 : f32
      %broadcast_in_dim3A_377 = vector.broadcast %jit3A_376 : f32 to vector<16xf32>
      %select_n3A_378 = arith.select %eq3A_375, %broadcast_in_dim3A_377, %gather3A_220 : vector<16xi1>, vector<16xf32>
      %eq3A_379 = arith.cmpf oeq, %gather3A_221, %max3A_334 : vector<16xf32>
      %jit3A_380 = arith.constant 0xFF800000 : f32
      %broadcast_in_dim3A_381 = vector.broadcast %jit3A_380 : f32 to vector<16xf32>
      %select_n3A_382 = arith.select %eq3A_379, %broadcast_in_dim3A_381, %gather3A_221 : vector<16xi1>, vector<16xf32>
      %eq3A_383 = arith.cmpf oeq, %gather3A_222, %max3A_334 : vector<16xf32>
      %jit3A_384 = arith.constant 0xFF800000 : f32
      %broadcast_in_dim3A_385 = vector.broadcast %jit3A_384 : f32 to vector<16xf32>
      %select_n3A_386 = arith.select %eq3A_383, %broadcast_in_dim3A_385, %gather3A_222 : vector<16xi1>, vector<16xf32>
      %eq3A_387 = arith.cmpf oeq, %gather3A_223, %max3A_334 : vector<16xf32>
      %jit3A_388 = arith.constant 0xFF800000 : f32
      %broadcast_in_dim3A_389 = vector.broadcast %jit3A_388 : f32 to vector<16xf32>
      %select_n3A_390 = arith.select %eq3A_387, %broadcast_in_dim3A_389, %gather3A_223 : vector<16xi1>, vector<16xf32>
      %eq3A_391 = arith.cmpf oeq, %gather3A_224, %max3A_334 : vector<16xf32>
      %jit3A_392 = arith.constant 0xFF800000 : f32
      %broadcast_in_dim3A_393 = vector.broadcast %jit3A_392 : f32 to vector<16xf32>
      %select_n3A_394 = arith.select %eq3A_391, %broadcast_in_dim3A_393, %gather3A_224 : vector<16xi1>, vector<16xf32>
      %eq3A_395 = arith.cmpf oeq, %gather3A_225, %max3A_334 : vector<16xf32>
      %jit3A_396 = arith.constant 0xFF800000 : f32
      %broadcast_in_dim3A_397 = vector.broadcast %jit3A_396 : f32 to vector<16xf32>
      %select_n3A_398 = arith.select %eq3A_395, %broadcast_in_dim3A_397, %gather3A_225 : vector<16xi1>, vector<16xf32>
      %eq3A_399 = arith.cmpf oeq, %gather3A_226, %max3A_334 : vector<16xf32>
      %jit3A_400 = arith.constant 0xFF800000 : f32
      %broadcast_in_dim3A_401 = vector.broadcast %jit3A_400 : f32 to vector<16xf32>
      %select_n3A_402 = arith.select %eq3A_399, %broadcast_in_dim3A_401, %gather3A_226 : vector<16xi1>, vector<16xf32>
      %eq3A_403 = arith.cmpf oeq, %gather3A_227, %max3A_334 : vector<16xf32>
      %jit3A_404 = arith.constant 0xFF800000 : f32
      %broadcast_in_dim3A_405 = vector.broadcast %jit3A_404 : f32 to vector<16xf32>
      %select_n3A_406 = arith.select %eq3A_403, %broadcast_in_dim3A_405, %gather3A_227 : vector<16xi1>, vector<16xf32>
      %eq3A_407 = arith.cmpf oeq, %gather3A_228, %max3A_334 : vector<16xf32>
      %jit3A_408 = arith.constant 0xFF800000 : f32
      %broadcast_in_dim3A_409 = vector.broadcast %jit3A_408 : f32 to vector<16xf32>
      %select_n3A_410 = arith.select %eq3A_407, %broadcast_in_dim3A_409, %gather3A_228 : vector<16xi1>, vector<16xf32>
      %eq3A_411 = arith.cmpf oeq, %gather3A_229, %max3A_334 : vector<16xf32>
      %jit3A_412 = arith.constant 0xFF800000 : f32
      %broadcast_in_dim3A_413 = vector.broadcast %jit3A_412 : f32 to vector<16xf32>
      %select_n3A_414 = arith.select %eq3A_411, %broadcast_in_dim3A_413, %gather3A_229 : vector<16xi1>, vector<16xf32>
      %eq3A_415 = arith.cmpf oeq, %gather3A_230, %max3A_334 : vector<16xf32>
      %jit3A_416 = arith.constant 0xFF800000 : f32
      %broadcast_in_dim3A_417 = vector.broadcast %jit3A_416 : f32 to vector<16xf32>
      %select_n3A_418 = arith.select %eq3A_415, %broadcast_in_dim3A_417, %gather3A_230 : vector<16xi1>, vector<16xf32>
      %eq3A_419 = arith.cmpf oeq, %gather3A_231, %max3A_334 : vector<16xf32>
      %jit3A_420 = arith.constant 0xFF800000 : f32
      %broadcast_in_dim3A_421 = vector.broadcast %jit3A_420 : f32 to vector<16xf32>
      %select_n3A_422 = arith.select %eq3A_419, %broadcast_in_dim3A_421, %gather3A_231 : vector<16xi1>, vector<16xf32>
      %eq3A_423 = arith.cmpf oeq, %gather3A_232, %max3A_334 : vector<16xf32>
      %jit3A_424 = arith.constant 0xFF800000 : f32
      %broadcast_in_dim3A_425 = vector.broadcast %jit3A_424 : f32 to vector<16xf32>
      %select_n3A_426 = arith.select %eq3A_423, %broadcast_in_dim3A_425, %gather3A_232 : vector<16xi1>, vector<16xf32>
      %eq3A_427 = arith.cmpf oeq, %gather3A_233, %max3A_334 : vector<16xf32>
      %jit3A_428 = arith.constant 0xFF800000 : f32
      %broadcast_in_dim3A_429 = vector.broadcast %jit3A_428 : f32 to vector<16xf32>
      %select_n3A_430 = arith.select %eq3A_427, %broadcast_in_dim3A_429, %gather3A_233 : vector<16xi1>, vector<16xf32>
      %eq3A_431 = arith.cmpf oeq, %gather3A_234, %max3A_334 : vector<16xf32>
      %jit3A_432 = arith.constant 0xFF800000 : f32
      %broadcast_in_dim3A_433 = vector.broadcast %jit3A_432 : f32 to vector<16xf32>
      %select_n3A_434 = arith.select %eq3A_431, %broadcast_in_dim3A_433, %gather3A_234 : vector<16xi1>, vector<16xf32>
      %eq3A_435 = arith.cmpf oeq, %gather3A_235, %max3A_334 : vector<16xf32>
      %jit3A_436 = arith.constant 0xFF800000 : f32
      %broadcast_in_dim3A_437 = vector.broadcast %jit3A_436 : f32 to vector<16xf32>
      %select_n3A_438 = arith.select %eq3A_435, %broadcast_in_dim3A_437, %gather3A_235 : vector<16xi1>, vector<16xf32>
      %eq3A_439 = arith.cmpf oeq, %gather3A_236, %max3A_334 : vector<16xf32>
      %jit3A_440 = arith.constant 0xFF800000 : f32
      %broadcast_in_dim3A_441 = vector.broadcast %jit3A_440 : f32 to vector<16xf32>
      %select_n3A_442 = arith.select %eq3A_439, %broadcast_in_dim3A_441, %gather3A_236 : vector<16xi1>, vector<16xf32>
      %eq3A_443 = arith.cmpf oeq, %gather3A_237, %max3A_334 : vector<16xf32>
      %jit3A_444 = arith.constant 0xFF800000 : f32
      %broadcast_in_dim3A_445 = vector.broadcast %jit3A_444 : f32 to vector<16xf32>
      %select_n3A_446 = arith.select %eq3A_443, %broadcast_in_dim3A_445, %gather3A_237 : vector<16xi1>, vector<16xf32>
      %eq3A_447 = arith.cmpf oeq, %gather3A_238, %max3A_334 : vector<16xf32>
      %jit3A_448 = arith.constant 0xFF800000 : f32
      %broadcast_in_dim3A_449 = vector.broadcast %jit3A_448 : f32 to vector<16xf32>
      %select_n3A_450 = arith.select %eq3A_447, %broadcast_in_dim3A_449, %gather3A_238 : vector<16xi1>, vector<16xf32>
      %eq3A_451 = arith.cmpf oeq, %gather3A_239, %max3A_334 : vector<16xf32>
      %jit3A_452 = arith.constant 0xFF800000 : f32
      %broadcast_in_dim3A_453 = vector.broadcast %jit3A_452 : f32 to vector<16xf32>
      %select_n3A_454 = arith.select %eq3A_451, %broadcast_in_dim3A_453, %gather3A_239 : vector<16xi1>, vector<16xf32>
      %eq3A_455 = arith.cmpf oeq, %gather3A_240, %max3A_334 : vector<16xf32>
      %jit3A_456 = arith.constant 0xFF800000 : f32
      %broadcast_in_dim3A_457 = vector.broadcast %jit3A_456 : f32 to vector<16xf32>
      %select_n3A_458 = arith.select %eq3A_455, %broadcast_in_dim3A_457, %gather3A_240 : vector<16xi1>, vector<16xf32>
      %eq3A_459 = arith.cmpf oeq, %gather3A_241, %max3A_334 : vector<16xf32>
      %jit3A_460 = arith.constant 0xFF800000 : f32
      %broadcast_in_dim3A_461 = vector.broadcast %jit3A_460 : f32 to vector<16xf32>
      %select_n3A_462 = arith.select %eq3A_459, %broadcast_in_dim3A_461, %gather3A_241 : vector<16xi1>, vector<16xf32>
      %eq3A_463 = arith.cmpf oeq, %gather3A_242, %max3A_334 : vector<16xf32>
      %jit3A_464 = arith.constant 0xFF800000 : f32
      %broadcast_in_dim3A_465 = vector.broadcast %jit3A_464 : f32 to vector<16xf32>
      %select_n3A_466 = arith.select %eq3A_463, %broadcast_in_dim3A_465, %gather3A_242 : vector<16xi1>, vector<16xf32>
      %eq3A_467 = arith.cmpf oeq, %gather3A_243, %max3A_334 : vector<16xf32>
      %jit3A_468 = arith.constant 0xFF800000 : f32
      %broadcast_in_dim3A_469 = vector.broadcast %jit3A_468 : f32 to vector<16xf32>
      %select_n3A_470 = arith.select %eq3A_467, %broadcast_in_dim3A_469, %gather3A_243 : vector<16xi1>, vector<16xf32>
      %eq3A_471 = arith.cmpf oeq, %gather3A_244, %max3A_334 : vector<16xf32>
      %jit3A_472 = arith.constant 0xFF800000 : f32
      %broadcast_in_dim3A_473 = vector.broadcast %jit3A_472 : f32 to vector<16xf32>
      %select_n3A_474 = arith.select %eq3A_471, %broadcast_in_dim3A_473, %gather3A_244 : vector<16xi1>, vector<16xf32>
      %eq3A_475 = arith.cmpf oeq, %gather3A_245, %max3A_334 : vector<16xf32>
      %jit3A_476 = arith.constant 0xFF800000 : f32
      %broadcast_in_dim3A_477 = vector.broadcast %jit3A_476 : f32 to vector<16xf32>
      %select_n3A_478 = arith.select %eq3A_475, %broadcast_in_dim3A_477, %gather3A_245 : vector<16xi1>, vector<16xf32>
      %eq3A_479 = arith.cmpf oeq, %gather3A_246, %max3A_334 : vector<16xf32>
      %jit3A_480 = arith.constant 0xFF800000 : f32
      %broadcast_in_dim3A_481 = vector.broadcast %jit3A_480 : f32 to vector<16xf32>
      %select_n3A_482 = arith.select %eq3A_479, %broadcast_in_dim3A_481, %gather3A_246 : vector<16xi1>, vector<16xf32>
      %eq3A_483 = arith.cmpf oeq, %gather3A_247, %max3A_334 : vector<16xf32>
      %jit3A_484 = arith.constant 0xFF800000 : f32
      %broadcast_in_dim3A_485 = vector.broadcast %jit3A_484 : f32 to vector<16xf32>
      %select_n3A_486 = arith.select %eq3A_483, %broadcast_in_dim3A_485, %gather3A_247 : vector<16xi1>, vector<16xf32>
      %eq3A_487 = arith.cmpf oeq, %gather3A_248, %max3A_334 : vector<16xf32>
      %jit3A_488 = arith.constant 0xFF800000 : f32
      %broadcast_in_dim3A_489 = vector.broadcast %jit3A_488 : f32 to vector<16xf32>
      %select_n3A_490 = arith.select %eq3A_487, %broadcast_in_dim3A_489, %gather3A_248 : vector<16xi1>, vector<16xf32>
      %eq3A_491 = arith.cmpf oeq, %gather3A_249, %max3A_334 : vector<16xf32>
      %jit3A_492 = arith.constant 0xFF800000 : f32
      %broadcast_in_dim3A_493 = vector.broadcast %jit3A_492 : f32 to vector<16xf32>
      %select_n3A_494 = arith.select %eq3A_491, %broadcast_in_dim3A_493, %gather3A_249 : vector<16xi1>, vector<16xf32>
      %eq3A_495 = arith.cmpf oeq, %gather3A_250, %max3A_334 : vector<16xf32>
      %jit3A_496 = arith.constant 0xFF800000 : f32
      %broadcast_in_dim3A_497 = vector.broadcast %jit3A_496 : f32 to vector<16xf32>
      %select_n3A_498 = arith.select %eq3A_495, %broadcast_in_dim3A_497, %gather3A_250 : vector<16xi1>, vector<16xf32>
      %eq3A_499 = arith.cmpf oeq, %gather3A_251, %max3A_334 : vector<16xf32>
      %jit3A_500 = arith.constant 0xFF800000 : f32
      %broadcast_in_dim3A_501 = vector.broadcast %jit3A_500 : f32 to vector<16xf32>
      %select_n3A_502 = arith.select %eq3A_499, %broadcast_in_dim3A_501, %gather3A_251 : vector<16xi1>, vector<16xf32>
      %eq3A_503 = arith.cmpf oeq, %gather3A_252, %max3A_334 : vector<16xf32>
      %jit3A_504 = arith.constant 0xFF800000 : f32
      %broadcast_in_dim3A_505 = vector.broadcast %jit3A_504 : f32 to vector<16xf32>
      %select_n3A_506 = arith.select %eq3A_503, %broadcast_in_dim3A_505, %gather3A_252 : vector<16xi1>, vector<16xf32>
      %eq3A_507 = arith.cmpf oeq, %gather3A_253, %max3A_334 : vector<16xf32>
      %jit3A_508 = arith.constant 0xFF800000 : f32
      %broadcast_in_dim3A_509 = vector.broadcast %jit3A_508 : f32 to vector<16xf32>
      %select_n3A_510 = arith.select %eq3A_507, %broadcast_in_dim3A_509, %gather3A_253 : vector<16xi1>, vector<16xf32>
      %eq3A_511 = arith.cmpf oeq, %gather3A_254, %max3A_334 : vector<16xf32>
      %jit3A_512 = arith.constant 0xFF800000 : f32
      %broadcast_in_dim3A_513 = vector.broadcast %jit3A_512 : f32 to vector<16xf32>
      %select_n3A_514 = arith.select %eq3A_511, %broadcast_in_dim3A_513, %gather3A_254 : vector<16xi1>, vector<16xf32>
      %eq3A_515 = arith.cmpf oeq, %gather3A_255, %max3A_334 : vector<16xf32>
      %jit3A_516 = arith.constant 0xFF800000 : f32
      %broadcast_in_dim3A_517 = vector.broadcast %jit3A_516 : f32 to vector<16xf32>
      %select_n3A_518 = arith.select %eq3A_515, %broadcast_in_dim3A_517, %gather3A_255 : vector<16xi1>, vector<16xf32>
      %eq3A_519 = arith.cmpf oeq, %gather3A_256, %max3A_334 : vector<16xf32>
      %jit3A_520 = arith.constant 0xFF800000 : f32
      %broadcast_in_dim3A_521 = vector.broadcast %jit3A_520 : f32 to vector<16xf32>
      %select_n3A_522 = arith.select %eq3A_519, %broadcast_in_dim3A_521, %gather3A_256 : vector<16xi1>, vector<16xf32>
      %eq3A_523 = arith.cmpf oeq, %gather3A_257, %max3A_334 : vector<16xf32>
      %jit3A_524 = arith.constant 0xFF800000 : f32
      %broadcast_in_dim3A_525 = vector.broadcast %jit3A_524 : f32 to vector<16xf32>
      %select_n3A_526 = arith.select %eq3A_523, %broadcast_in_dim3A_525, %gather3A_257 : vector<16xi1>, vector<16xf32>
      %eq3A_527 = arith.cmpf oeq, %gather3A_258, %max3A_334 : vector<16xf32>
      %jit3A_528 = arith.constant 0xFF800000 : f32
      %broadcast_in_dim3A_529 = vector.broadcast %jit3A_528 : f32 to vector<16xf32>
      %select_n3A_530 = arith.select %eq3A_527, %broadcast_in_dim3A_529, %gather3A_258 : vector<16xi1>, vector<16xf32>
      %eq3A_531 = arith.cmpf oeq, %gather3A_259, %max3A_334 : vector<16xf32>
      %jit3A_532 = arith.constant 0xFF800000 : f32
      %broadcast_in_dim3A_533 = vector.broadcast %jit3A_532 : f32 to vector<16xf32>
      %select_n3A_534 = arith.select %eq3A_531, %broadcast_in_dim3A_533, %gather3A_259 : vector<16xi1>, vector<16xf32>
      %eq3A_535 = arith.cmpf oeq, %gather3A_260, %max3A_334 : vector<16xf32>
      %jit3A_536 = arith.constant 0xFF800000 : f32
      %broadcast_in_dim3A_537 = vector.broadcast %jit3A_536 : f32 to vector<16xf32>
      %select_n3A_538 = arith.select %eq3A_535, %broadcast_in_dim3A_537, %gather3A_260 : vector<16xi1>, vector<16xf32>
      %eq3A_539 = arith.cmpf oeq, %gather3A_261, %max3A_334 : vector<16xf32>
      %jit3A_540 = arith.constant 0xFF800000 : f32
      %broadcast_in_dim3A_541 = vector.broadcast %jit3A_540 : f32 to vector<16xf32>
      %select_n3A_542 = arith.select %eq3A_539, %broadcast_in_dim3A_541, %gather3A_261 : vector<16xi1>, vector<16xf32>
      %eq3A_543 = arith.cmpf oeq, %gather3A_262, %max3A_334 : vector<16xf32>
      %jit3A_544 = arith.constant 0xFF800000 : f32
      %broadcast_in_dim3A_545 = vector.broadcast %jit3A_544 : f32 to vector<16xf32>
      %select_n3A_546 = arith.select %eq3A_543, %broadcast_in_dim3A_545, %gather3A_262 : vector<16xi1>, vector<16xf32>
      %eq3A_547 = arith.cmpf oeq, %gather3A_263, %max3A_334 : vector<16xf32>
      %jit3A_548 = arith.constant 0xFF800000 : f32
      %broadcast_in_dim3A_549 = vector.broadcast %jit3A_548 : f32 to vector<16xf32>
      %select_n3A_550 = arith.select %eq3A_547, %broadcast_in_dim3A_549, %gather3A_263 : vector<16xi1>, vector<16xf32>
      %eq3A_551 = arith.cmpf oeq, %gather3A_264, %max3A_334 : vector<16xf32>
      %jit3A_552 = arith.constant 0xFF800000 : f32
      %broadcast_in_dim3A_553 = vector.broadcast %jit3A_552 : f32 to vector<16xf32>
      %select_n3A_554 = arith.select %eq3A_551, %broadcast_in_dim3A_553, %gather3A_264 : vector<16xi1>, vector<16xf32>
      %eq3A_555 = arith.cmpf oeq, %gather3A_265, %max3A_334 : vector<16xf32>
      %jit3A_556 = arith.constant 0xFF800000 : f32
      %broadcast_in_dim3A_557 = vector.broadcast %jit3A_556 : f32 to vector<16xf32>
      %select_n3A_558 = arith.select %eq3A_555, %broadcast_in_dim3A_557, %gather3A_265 : vector<16xi1>, vector<16xf32>
      %eq3A_559 = arith.cmpf oeq, %gather3A_266, %max3A_334 : vector<16xf32>
      %jit3A_560 = arith.constant 0xFF800000 : f32
      %broadcast_in_dim3A_561 = vector.broadcast %jit3A_560 : f32 to vector<16xf32>
      %select_n3A_562 = arith.select %eq3A_559, %broadcast_in_dim3A_561, %gather3A_266 : vector<16xi1>, vector<16xf32>
      %eq3A_563 = arith.cmpf oeq, %gather3A_267, %max3A_334 : vector<16xf32>
      %jit3A_564 = arith.constant 0xFF800000 : f32
      %broadcast_in_dim3A_565 = vector.broadcast %jit3A_564 : f32 to vector<16xf32>
      %select_n3A_566 = arith.select %eq3A_563, %broadcast_in_dim3A_565, %gather3A_267 : vector<16xi1>, vector<16xf32>
      %eq3A_567 = arith.cmpf oeq, %gather3A_268, %max3A_334 : vector<16xf32>
      %jit3A_568 = arith.constant 0xFF800000 : f32
      %broadcast_in_dim3A_569 = vector.broadcast %jit3A_568 : f32 to vector<16xf32>
      %select_n3A_570 = arith.select %eq3A_567, %broadcast_in_dim3A_569, %gather3A_268 : vector<16xi1>, vector<16xf32>
      %eq3A_571 = arith.cmpf oeq, %gather3A_269, %max3A_334 : vector<16xf32>
      %jit3A_572 = arith.constant 0xFF800000 : f32
      %broadcast_in_dim3A_573 = vector.broadcast %jit3A_572 : f32 to vector<16xf32>
      %select_n3A_574 = arith.select %eq3A_571, %broadcast_in_dim3A_573, %gather3A_269 : vector<16xi1>, vector<16xf32>
      %eq3A_575 = arith.cmpf oeq, %gather3A_270, %max3A_334 : vector<16xf32>
      %jit3A_576 = arith.constant 0xFF800000 : f32
      %broadcast_in_dim3A_577 = vector.broadcast %jit3A_576 : f32 to vector<16xf32>
      %select_n3A_578 = arith.select %eq3A_575, %broadcast_in_dim3A_577, %gather3A_270 : vector<16xi1>, vector<16xf32>
      %eq3A_579 = arith.cmpf oeq, %gather3A_271, %max3A_334 : vector<16xf32>
      %jit3A_580 = arith.constant 0xFF800000 : f32
      %broadcast_in_dim3A_581 = vector.broadcast %jit3A_580 : f32 to vector<16xf32>
      %select_n3A_582 = arith.select %eq3A_579, %broadcast_in_dim3A_581, %gather3A_271 : vector<16xi1>, vector<16xf32>
      %eq3A_583 = arith.cmpf oeq, %gather3A_272, %max3A_334 : vector<16xf32>
      %jit3A_584 = arith.constant 0xFF800000 : f32
      %broadcast_in_dim3A_585 = vector.broadcast %jit3A_584 : f32 to vector<16xf32>
      %select_n3A_586 = arith.select %eq3A_583, %broadcast_in_dim3A_585, %gather3A_272 : vector<16xi1>, vector<16xf32>
      %max3A_587 = arith.maximumf %select_n3A, %select_n3A_338 : vector<16xf32>
      %max3A_588 = arith.maximumf %select_n3A_342, %select_n3A_346 : vector<16xf32>
      %max3A_589 = arith.maximumf %select_n3A_350, %select_n3A_354 : vector<16xf32>
      %max3A_590 = arith.maximumf %select_n3A_358, %select_n3A_362 : vector<16xf32>
      %max3A_591 = arith.maximumf %select_n3A_366, %select_n3A_370 : vector<16xf32>
      %max3A_592 = arith.maximumf %select_n3A_374, %select_n3A_378 : vector<16xf32>
      %max3A_593 = arith.maximumf %select_n3A_382, %select_n3A_386 : vector<16xf32>
      %max3A_594 = arith.maximumf %select_n3A_390, %select_n3A_394 : vector<16xf32>
      %max3A_595 = arith.maximumf %select_n3A_398, %select_n3A_402 : vector<16xf32>
      %max3A_596 = arith.maximumf %select_n3A_406, %select_n3A_410 : vector<16xf32>
      %max3A_597 = arith.maximumf %select_n3A_414, %select_n3A_418 : vector<16xf32>
      %max3A_598 = arith.maximumf %select_n3A_422, %select_n3A_426 : vector<16xf32>
      %max3A_599 = arith.maximumf %select_n3A_430, %select_n3A_434 : vector<16xf32>
      %max3A_600 = arith.maximumf %select_n3A_438, %select_n3A_442 : vector<16xf32>
      %max3A_601 = arith.maximumf %select_n3A_446, %select_n3A_450 : vector<16xf32>
      %max3A_602 = arith.maximumf %select_n3A_454, %select_n3A_458 : vector<16xf32>
      %max3A_603 = arith.maximumf %select_n3A_462, %select_n3A_466 : vector<16xf32>
      %max3A_604 = arith.maximumf %select_n3A_470, %select_n3A_474 : vector<16xf32>
      %max3A_605 = arith.maximumf %select_n3A_478, %select_n3A_482 : vector<16xf32>
      %max3A_606 = arith.maximumf %select_n3A_486, %select_n3A_490 : vector<16xf32>
      %max3A_607 = arith.maximumf %select_n3A_494, %select_n3A_498 : vector<16xf32>
      %max3A_608 = arith.maximumf %select_n3A_502, %select_n3A_506 : vector<16xf32>
      %max3A_609 = arith.maximumf %select_n3A_510, %select_n3A_514 : vector<16xf32>
      %max3A_610 = arith.maximumf %select_n3A_518, %select_n3A_522 : vector<16xf32>
      %max3A_611 = arith.maximumf %select_n3A_526, %select_n3A_530 : vector<16xf32>
      %max3A_612 = arith.maximumf %select_n3A_534, %select_n3A_538 : vector<16xf32>
      %max3A_613 = arith.maximumf %select_n3A_542, %select_n3A_546 : vector<16xf32>
      %max3A_614 = arith.maximumf %select_n3A_550, %select_n3A_554 : vector<16xf32>
      %max3A_615 = arith.maximumf %select_n3A_558, %select_n3A_562 : vector<16xf32>
      %max3A_616 = arith.maximumf %select_n3A_566, %select_n3A_570 : vector<16xf32>
      %max3A_617 = arith.maximumf %select_n3A_574, %select_n3A_578 : vector<16xf32>
      %max3A_618 = arith.maximumf %select_n3A_582, %select_n3A_586 : vector<16xf32>
      %max3A_619 = arith.maximumf %max3A_587, %max3A_588 : vector<16xf32>
      %max3A_620 = arith.maximumf %max3A_589, %max3A_590 : vector<16xf32>
      %max3A_621 = arith.maximumf %max3A_591, %max3A_592 : vector<16xf32>
      %max3A_622 = arith.maximumf %max3A_593, %max3A_594 : vector<16xf32>
      %max3A_623 = arith.maximumf %max3A_595, %max3A_596 : vector<16xf32>
      %max3A_624 = arith.maximumf %max3A_597, %max3A_598 : vector<16xf32>
      %max3A_625 = arith.maximumf %max3A_599, %max3A_600 : vector<16xf32>
      %max3A_626 = arith.maximumf %max3A_601, %max3A_602 : vector<16xf32>
      %max3A_627 = arith.maximumf %max3A_603, %max3A_604 : vector<16xf32>
      %max3A_628 = arith.maximumf %max3A_605, %max3A_606 : vector<16xf32>
      %max3A_629 = arith.maximumf %max3A_607, %max3A_608 : vector<16xf32>
      %max3A_630 = arith.maximumf %max3A_609, %max3A_610 : vector<16xf32>
      %max3A_631 = arith.maximumf %max3A_611, %max3A_612 : vector<16xf32>
      %max3A_632 = arith.maximumf %max3A_613, %max3A_614 : vector<16xf32>
      %max3A_633 = arith.maximumf %max3A_615, %max3A_616 : vector<16xf32>
      %max3A_634 = arith.maximumf %max3A_617, %max3A_618 : vector<16xf32>
      %max3A_635 = arith.maximumf %max3A_619, %max3A_620 : vector<16xf32>
      %max3A_636 = arith.maximumf %max3A_621, %max3A_622 : vector<16xf32>
      %max3A_637 = arith.maximumf %max3A_623, %max3A_624 : vector<16xf32>
      %max3A_638 = arith.maximumf %max3A_625, %max3A_626 : vector<16xf32>
      %max3A_639 = arith.maximumf %max3A_627, %max3A_628 : vector<16xf32>
      %max3A_640 = arith.maximumf %max3A_629, %max3A_630 : vector<16xf32>
      %max3A_641 = arith.maximumf %max3A_631, %max3A_632 : vector<16xf32>
      %max3A_642 = arith.maximumf %max3A_633, %max3A_634 : vector<16xf32>
      %max3A_643 = arith.maximumf %max3A_635, %max3A_636 : vector<16xf32>
      %max3A_644 = arith.maximumf %max3A_637, %max3A_638 : vector<16xf32>
      %max3A_645 = arith.maximumf %max3A_639, %max3A_640 : vector<16xf32>
      %max3A_646 = arith.maximumf %max3A_641, %max3A_642 : vector<16xf32>
      %max3A_647 = arith.maximumf %max3A_643, %max3A_644 : vector<16xf32>
      %max3A_648 = arith.maximumf %max3A_645, %max3A_646 : vector<16xf32>
      %max3A_649 = arith.maximumf %max3A_647, %max3A_648 : vector<16xf32>
      %eq3A_650 = arith.cmpf oeq, %select_n3A, %max3A_649 : vector<16xf32>
      %jit3A_651 = arith.constant 0xFF800000 : f32
      %broadcast_in_dim3A_652 = vector.broadcast %jit3A_651 : f32 to vector<16xf32>
      %select_n3A_653 = arith.select %eq3A_650, %broadcast_in_dim3A_652, %select_n3A : vector<16xi1>, vector<16xf32>
      %eq3A_654 = arith.cmpf oeq, %select_n3A_338, %max3A_649 : vector<16xf32>
      %jit3A_655 = arith.constant 0xFF800000 : f32
      %broadcast_in_dim3A_656 = vector.broadcast %jit3A_655 : f32 to vector<16xf32>
      %select_n3A_657 = arith.select %eq3A_654, %broadcast_in_dim3A_656, %select_n3A_338 : vector<16xi1>, vector<16xf32>
      %eq3A_658 = arith.cmpf oeq, %select_n3A_342, %max3A_649 : vector<16xf32>
      %jit3A_659 = arith.constant 0xFF800000 : f32
      %broadcast_in_dim3A_660 = vector.broadcast %jit3A_659 : f32 to vector<16xf32>
      %select_n3A_661 = arith.select %eq3A_658, %broadcast_in_dim3A_660, %select_n3A_342 : vector<16xi1>, vector<16xf32>
      %eq3A_662 = arith.cmpf oeq, %select_n3A_346, %max3A_649 : vector<16xf32>
      %jit3A_663 = arith.constant 0xFF800000 : f32
      %broadcast_in_dim3A_664 = vector.broadcast %jit3A_663 : f32 to vector<16xf32>
      %select_n3A_665 = arith.select %eq3A_662, %broadcast_in_dim3A_664, %select_n3A_346 : vector<16xi1>, vector<16xf32>
      %eq3A_666 = arith.cmpf oeq, %select_n3A_350, %max3A_649 : vector<16xf32>
      %jit3A_667 = arith.constant 0xFF800000 : f32
      %broadcast_in_dim3A_668 = vector.broadcast %jit3A_667 : f32 to vector<16xf32>
      %select_n3A_669 = arith.select %eq3A_666, %broadcast_in_dim3A_668, %select_n3A_350 : vector<16xi1>, vector<16xf32>
      %eq3A_670 = arith.cmpf oeq, %select_n3A_354, %max3A_649 : vector<16xf32>
      %jit3A_671 = arith.constant 0xFF800000 : f32
      %broadcast_in_dim3A_672 = vector.broadcast %jit3A_671 : f32 to vector<16xf32>
      %select_n3A_673 = arith.select %eq3A_670, %broadcast_in_dim3A_672, %select_n3A_354 : vector<16xi1>, vector<16xf32>
      %eq3A_674 = arith.cmpf oeq, %select_n3A_358, %max3A_649 : vector<16xf32>
      %jit3A_675 = arith.constant 0xFF800000 : f32
      %broadcast_in_dim3A_676 = vector.broadcast %jit3A_675 : f32 to vector<16xf32>
      %select_n3A_677 = arith.select %eq3A_674, %broadcast_in_dim3A_676, %select_n3A_358 : vector<16xi1>, vector<16xf32>
      %eq3A_678 = arith.cmpf oeq, %select_n3A_362, %max3A_649 : vector<16xf32>
      %jit3A_679 = arith.constant 0xFF800000 : f32
      %broadcast_in_dim3A_680 = vector.broadcast %jit3A_679 : f32 to vector<16xf32>
      %select_n3A_681 = arith.select %eq3A_678, %broadcast_in_dim3A_680, %select_n3A_362 : vector<16xi1>, vector<16xf32>
      %eq3A_682 = arith.cmpf oeq, %select_n3A_366, %max3A_649 : vector<16xf32>
      %jit3A_683 = arith.constant 0xFF800000 : f32
      %broadcast_in_dim3A_684 = vector.broadcast %jit3A_683 : f32 to vector<16xf32>
      %select_n3A_685 = arith.select %eq3A_682, %broadcast_in_dim3A_684, %select_n3A_366 : vector<16xi1>, vector<16xf32>
      %eq3A_686 = arith.cmpf oeq, %select_n3A_370, %max3A_649 : vector<16xf32>
      %jit3A_687 = arith.constant 0xFF800000 : f32
      %broadcast_in_dim3A_688 = vector.broadcast %jit3A_687 : f32 to vector<16xf32>
      %select_n3A_689 = arith.select %eq3A_686, %broadcast_in_dim3A_688, %select_n3A_370 : vector<16xi1>, vector<16xf32>
      %eq3A_690 = arith.cmpf oeq, %select_n3A_374, %max3A_649 : vector<16xf32>
      %jit3A_691 = arith.constant 0xFF800000 : f32
      %broadcast_in_dim3A_692 = vector.broadcast %jit3A_691 : f32 to vector<16xf32>
      %select_n3A_693 = arith.select %eq3A_690, %broadcast_in_dim3A_692, %select_n3A_374 : vector<16xi1>, vector<16xf32>
      %eq3A_694 = arith.cmpf oeq, %select_n3A_378, %max3A_649 : vector<16xf32>
      %jit3A_695 = arith.constant 0xFF800000 : f32
      %broadcast_in_dim3A_696 = vector.broadcast %jit3A_695 : f32 to vector<16xf32>
      %select_n3A_697 = arith.select %eq3A_694, %broadcast_in_dim3A_696, %select_n3A_378 : vector<16xi1>, vector<16xf32>
      %eq3A_698 = arith.cmpf oeq, %select_n3A_382, %max3A_649 : vector<16xf32>
      %jit3A_699 = arith.constant 0xFF800000 : f32
      %broadcast_in_dim3A_700 = vector.broadcast %jit3A_699 : f32 to vector<16xf32>
      %select_n3A_701 = arith.select %eq3A_698, %broadcast_in_dim3A_700, %select_n3A_382 : vector<16xi1>, vector<16xf32>
      %eq3A_702 = arith.cmpf oeq, %select_n3A_386, %max3A_649 : vector<16xf32>
      %jit3A_703 = arith.constant 0xFF800000 : f32
      %broadcast_in_dim3A_704 = vector.broadcast %jit3A_703 : f32 to vector<16xf32>
      %select_n3A_705 = arith.select %eq3A_702, %broadcast_in_dim3A_704, %select_n3A_386 : vector<16xi1>, vector<16xf32>
      %eq3A_706 = arith.cmpf oeq, %select_n3A_390, %max3A_649 : vector<16xf32>
      %jit3A_707 = arith.constant 0xFF800000 : f32
      %broadcast_in_dim3A_708 = vector.broadcast %jit3A_707 : f32 to vector<16xf32>
      %select_n3A_709 = arith.select %eq3A_706, %broadcast_in_dim3A_708, %select_n3A_390 : vector<16xi1>, vector<16xf32>
      %eq3A_710 = arith.cmpf oeq, %select_n3A_394, %max3A_649 : vector<16xf32>
      %jit3A_711 = arith.constant 0xFF800000 : f32
      %broadcast_in_dim3A_712 = vector.broadcast %jit3A_711 : f32 to vector<16xf32>
      %select_n3A_713 = arith.select %eq3A_710, %broadcast_in_dim3A_712, %select_n3A_394 : vector<16xi1>, vector<16xf32>
      %eq3A_714 = arith.cmpf oeq, %select_n3A_398, %max3A_649 : vector<16xf32>
      %jit3A_715 = arith.constant 0xFF800000 : f32
      %broadcast_in_dim3A_716 = vector.broadcast %jit3A_715 : f32 to vector<16xf32>
      %select_n3A_717 = arith.select %eq3A_714, %broadcast_in_dim3A_716, %select_n3A_398 : vector<16xi1>, vector<16xf32>
      %eq3A_718 = arith.cmpf oeq, %select_n3A_402, %max3A_649 : vector<16xf32>
      %jit3A_719 = arith.constant 0xFF800000 : f32
      %broadcast_in_dim3A_720 = vector.broadcast %jit3A_719 : f32 to vector<16xf32>
      %select_n3A_721 = arith.select %eq3A_718, %broadcast_in_dim3A_720, %select_n3A_402 : vector<16xi1>, vector<16xf32>
      %eq3A_722 = arith.cmpf oeq, %select_n3A_406, %max3A_649 : vector<16xf32>
      %jit3A_723 = arith.constant 0xFF800000 : f32
      %broadcast_in_dim3A_724 = vector.broadcast %jit3A_723 : f32 to vector<16xf32>
      %select_n3A_725 = arith.select %eq3A_722, %broadcast_in_dim3A_724, %select_n3A_406 : vector<16xi1>, vector<16xf32>
      %eq3A_726 = arith.cmpf oeq, %select_n3A_410, %max3A_649 : vector<16xf32>
      %jit3A_727 = arith.constant 0xFF800000 : f32
      %broadcast_in_dim3A_728 = vector.broadcast %jit3A_727 : f32 to vector<16xf32>
      %select_n3A_729 = arith.select %eq3A_726, %broadcast_in_dim3A_728, %select_n3A_410 : vector<16xi1>, vector<16xf32>
      %eq3A_730 = arith.cmpf oeq, %select_n3A_414, %max3A_649 : vector<16xf32>
      %jit3A_731 = arith.constant 0xFF800000 : f32
      %broadcast_in_dim3A_732 = vector.broadcast %jit3A_731 : f32 to vector<16xf32>
      %select_n3A_733 = arith.select %eq3A_730, %broadcast_in_dim3A_732, %select_n3A_414 : vector<16xi1>, vector<16xf32>
      %eq3A_734 = arith.cmpf oeq, %select_n3A_418, %max3A_649 : vector<16xf32>
      %jit3A_735 = arith.constant 0xFF800000 : f32
      %broadcast_in_dim3A_736 = vector.broadcast %jit3A_735 : f32 to vector<16xf32>
      %select_n3A_737 = arith.select %eq3A_734, %broadcast_in_dim3A_736, %select_n3A_418 : vector<16xi1>, vector<16xf32>
      %eq3A_738 = arith.cmpf oeq, %select_n3A_422, %max3A_649 : vector<16xf32>
      %jit3A_739 = arith.constant 0xFF800000 : f32
      %broadcast_in_dim3A_740 = vector.broadcast %jit3A_739 : f32 to vector<16xf32>
      %select_n3A_741 = arith.select %eq3A_738, %broadcast_in_dim3A_740, %select_n3A_422 : vector<16xi1>, vector<16xf32>
      %eq3A_742 = arith.cmpf oeq, %select_n3A_426, %max3A_649 : vector<16xf32>
      %jit3A_743 = arith.constant 0xFF800000 : f32
      %broadcast_in_dim3A_744 = vector.broadcast %jit3A_743 : f32 to vector<16xf32>
      %select_n3A_745 = arith.select %eq3A_742, %broadcast_in_dim3A_744, %select_n3A_426 : vector<16xi1>, vector<16xf32>
      %eq3A_746 = arith.cmpf oeq, %select_n3A_430, %max3A_649 : vector<16xf32>
      %jit3A_747 = arith.constant 0xFF800000 : f32
      %broadcast_in_dim3A_748 = vector.broadcast %jit3A_747 : f32 to vector<16xf32>
      %select_n3A_749 = arith.select %eq3A_746, %broadcast_in_dim3A_748, %select_n3A_430 : vector<16xi1>, vector<16xf32>
      %eq3A_750 = arith.cmpf oeq, %select_n3A_434, %max3A_649 : vector<16xf32>
      %jit3A_751 = arith.constant 0xFF800000 : f32
      %broadcast_in_dim3A_752 = vector.broadcast %jit3A_751 : f32 to vector<16xf32>
      %select_n3A_753 = arith.select %eq3A_750, %broadcast_in_dim3A_752, %select_n3A_434 : vector<16xi1>, vector<16xf32>
      %eq3A_754 = arith.cmpf oeq, %select_n3A_438, %max3A_649 : vector<16xf32>
      %jit3A_755 = arith.constant 0xFF800000 : f32
      %broadcast_in_dim3A_756 = vector.broadcast %jit3A_755 : f32 to vector<16xf32>
      %select_n3A_757 = arith.select %eq3A_754, %broadcast_in_dim3A_756, %select_n3A_438 : vector<16xi1>, vector<16xf32>
      %eq3A_758 = arith.cmpf oeq, %select_n3A_442, %max3A_649 : vector<16xf32>
      %jit3A_759 = arith.constant 0xFF800000 : f32
      %broadcast_in_dim3A_760 = vector.broadcast %jit3A_759 : f32 to vector<16xf32>
      %select_n3A_761 = arith.select %eq3A_758, %broadcast_in_dim3A_760, %select_n3A_442 : vector<16xi1>, vector<16xf32>
      %eq3A_762 = arith.cmpf oeq, %select_n3A_446, %max3A_649 : vector<16xf32>
      %jit3A_763 = arith.constant 0xFF800000 : f32
      %broadcast_in_dim3A_764 = vector.broadcast %jit3A_763 : f32 to vector<16xf32>
      %select_n3A_765 = arith.select %eq3A_762, %broadcast_in_dim3A_764, %select_n3A_446 : vector<16xi1>, vector<16xf32>
      %eq3A_766 = arith.cmpf oeq, %select_n3A_450, %max3A_649 : vector<16xf32>
      %jit3A_767 = arith.constant 0xFF800000 : f32
      %broadcast_in_dim3A_768 = vector.broadcast %jit3A_767 : f32 to vector<16xf32>
      %select_n3A_769 = arith.select %eq3A_766, %broadcast_in_dim3A_768, %select_n3A_450 : vector<16xi1>, vector<16xf32>
      %eq3A_770 = arith.cmpf oeq, %select_n3A_454, %max3A_649 : vector<16xf32>
      %jit3A_771 = arith.constant 0xFF800000 : f32
      %broadcast_in_dim3A_772 = vector.broadcast %jit3A_771 : f32 to vector<16xf32>
      %select_n3A_773 = arith.select %eq3A_770, %broadcast_in_dim3A_772, %select_n3A_454 : vector<16xi1>, vector<16xf32>
      %eq3A_774 = arith.cmpf oeq, %select_n3A_458, %max3A_649 : vector<16xf32>
      %jit3A_775 = arith.constant 0xFF800000 : f32
      %broadcast_in_dim3A_776 = vector.broadcast %jit3A_775 : f32 to vector<16xf32>
      %select_n3A_777 = arith.select %eq3A_774, %broadcast_in_dim3A_776, %select_n3A_458 : vector<16xi1>, vector<16xf32>
      %eq3A_778 = arith.cmpf oeq, %select_n3A_462, %max3A_649 : vector<16xf32>
      %jit3A_779 = arith.constant 0xFF800000 : f32
      %broadcast_in_dim3A_780 = vector.broadcast %jit3A_779 : f32 to vector<16xf32>
      %select_n3A_781 = arith.select %eq3A_778, %broadcast_in_dim3A_780, %select_n3A_462 : vector<16xi1>, vector<16xf32>
      %eq3A_782 = arith.cmpf oeq, %select_n3A_466, %max3A_649 : vector<16xf32>
      %jit3A_783 = arith.constant 0xFF800000 : f32
      %broadcast_in_dim3A_784 = vector.broadcast %jit3A_783 : f32 to vector<16xf32>
      %select_n3A_785 = arith.select %eq3A_782, %broadcast_in_dim3A_784, %select_n3A_466 : vector<16xi1>, vector<16xf32>
      %eq3A_786 = arith.cmpf oeq, %select_n3A_470, %max3A_649 : vector<16xf32>
      %jit3A_787 = arith.constant 0xFF800000 : f32
      %broadcast_in_dim3A_788 = vector.broadcast %jit3A_787 : f32 to vector<16xf32>
      %select_n3A_789 = arith.select %eq3A_786, %broadcast_in_dim3A_788, %select_n3A_470 : vector<16xi1>, vector<16xf32>
      %eq3A_790 = arith.cmpf oeq, %select_n3A_474, %max3A_649 : vector<16xf32>
      %jit3A_791 = arith.constant 0xFF800000 : f32
      %broadcast_in_dim3A_792 = vector.broadcast %jit3A_791 : f32 to vector<16xf32>
      %select_n3A_793 = arith.select %eq3A_790, %broadcast_in_dim3A_792, %select_n3A_474 : vector<16xi1>, vector<16xf32>
      %eq3A_794 = arith.cmpf oeq, %select_n3A_478, %max3A_649 : vector<16xf32>
      %jit3A_795 = arith.constant 0xFF800000 : f32
      %broadcast_in_dim3A_796 = vector.broadcast %jit3A_795 : f32 to vector<16xf32>
      %select_n3A_797 = arith.select %eq3A_794, %broadcast_in_dim3A_796, %select_n3A_478 : vector<16xi1>, vector<16xf32>
      %eq3A_798 = arith.cmpf oeq, %select_n3A_482, %max3A_649 : vector<16xf32>
      %jit3A_799 = arith.constant 0xFF800000 : f32
      %broadcast_in_dim3A_800 = vector.broadcast %jit3A_799 : f32 to vector<16xf32>
      %select_n3A_801 = arith.select %eq3A_798, %broadcast_in_dim3A_800, %select_n3A_482 : vector<16xi1>, vector<16xf32>
      %eq3A_802 = arith.cmpf oeq, %select_n3A_486, %max3A_649 : vector<16xf32>
      %jit3A_803 = arith.constant 0xFF800000 : f32
      %broadcast_in_dim3A_804 = vector.broadcast %jit3A_803 : f32 to vector<16xf32>
      %select_n3A_805 = arith.select %eq3A_802, %broadcast_in_dim3A_804, %select_n3A_486 : vector<16xi1>, vector<16xf32>
      %eq3A_806 = arith.cmpf oeq, %select_n3A_490, %max3A_649 : vector<16xf32>
      %jit3A_807 = arith.constant 0xFF800000 : f32
      %broadcast_in_dim3A_808 = vector.broadcast %jit3A_807 : f32 to vector<16xf32>
      %select_n3A_809 = arith.select %eq3A_806, %broadcast_in_dim3A_808, %select_n3A_490 : vector<16xi1>, vector<16xf32>
      %eq3A_810 = arith.cmpf oeq, %select_n3A_494, %max3A_649 : vector<16xf32>
      %jit3A_811 = arith.constant 0xFF800000 : f32
      %broadcast_in_dim3A_812 = vector.broadcast %jit3A_811 : f32 to vector<16xf32>
      %select_n3A_813 = arith.select %eq3A_810, %broadcast_in_dim3A_812, %select_n3A_494 : vector<16xi1>, vector<16xf32>
      %eq3A_814 = arith.cmpf oeq, %select_n3A_498, %max3A_649 : vector<16xf32>
      %jit3A_815 = arith.constant 0xFF800000 : f32
      %broadcast_in_dim3A_816 = vector.broadcast %jit3A_815 : f32 to vector<16xf32>
      %select_n3A_817 = arith.select %eq3A_814, %broadcast_in_dim3A_816, %select_n3A_498 : vector<16xi1>, vector<16xf32>
      %eq3A_818 = arith.cmpf oeq, %select_n3A_502, %max3A_649 : vector<16xf32>
      %jit3A_819 = arith.constant 0xFF800000 : f32
      %broadcast_in_dim3A_820 = vector.broadcast %jit3A_819 : f32 to vector<16xf32>
      %select_n3A_821 = arith.select %eq3A_818, %broadcast_in_dim3A_820, %select_n3A_502 : vector<16xi1>, vector<16xf32>
      %eq3A_822 = arith.cmpf oeq, %select_n3A_506, %max3A_649 : vector<16xf32>
      %jit3A_823 = arith.constant 0xFF800000 : f32
      %broadcast_in_dim3A_824 = vector.broadcast %jit3A_823 : f32 to vector<16xf32>
      %select_n3A_825 = arith.select %eq3A_822, %broadcast_in_dim3A_824, %select_n3A_506 : vector<16xi1>, vector<16xf32>
      %eq3A_826 = arith.cmpf oeq, %select_n3A_510, %max3A_649 : vector<16xf32>
      %jit3A_827 = arith.constant 0xFF800000 : f32
      %broadcast_in_dim3A_828 = vector.broadcast %jit3A_827 : f32 to vector<16xf32>
      %select_n3A_829 = arith.select %eq3A_826, %broadcast_in_dim3A_828, %select_n3A_510 : vector<16xi1>, vector<16xf32>
      %eq3A_830 = arith.cmpf oeq, %select_n3A_514, %max3A_649 : vector<16xf32>
      %jit3A_831 = arith.constant 0xFF800000 : f32
      %broadcast_in_dim3A_832 = vector.broadcast %jit3A_831 : f32 to vector<16xf32>
      %select_n3A_833 = arith.select %eq3A_830, %broadcast_in_dim3A_832, %select_n3A_514 : vector<16xi1>, vector<16xf32>
      %eq3A_834 = arith.cmpf oeq, %select_n3A_518, %max3A_649 : vector<16xf32>
      %jit3A_835 = arith.constant 0xFF800000 : f32
      %broadcast_in_dim3A_836 = vector.broadcast %jit3A_835 : f32 to vector<16xf32>
      %select_n3A_837 = arith.select %eq3A_834, %broadcast_in_dim3A_836, %select_n3A_518 : vector<16xi1>, vector<16xf32>
      %eq3A_838 = arith.cmpf oeq, %select_n3A_522, %max3A_649 : vector<16xf32>
      %jit3A_839 = arith.constant 0xFF800000 : f32
      %broadcast_in_dim3A_840 = vector.broadcast %jit3A_839 : f32 to vector<16xf32>
      %select_n3A_841 = arith.select %eq3A_838, %broadcast_in_dim3A_840, %select_n3A_522 : vector<16xi1>, vector<16xf32>
      %eq3A_842 = arith.cmpf oeq, %select_n3A_526, %max3A_649 : vector<16xf32>
      %jit3A_843 = arith.constant 0xFF800000 : f32
      %broadcast_in_dim3A_844 = vector.broadcast %jit3A_843 : f32 to vector<16xf32>
      %select_n3A_845 = arith.select %eq3A_842, %broadcast_in_dim3A_844, %select_n3A_526 : vector<16xi1>, vector<16xf32>
      %eq3A_846 = arith.cmpf oeq, %select_n3A_530, %max3A_649 : vector<16xf32>
      %jit3A_847 = arith.constant 0xFF800000 : f32
      %broadcast_in_dim3A_848 = vector.broadcast %jit3A_847 : f32 to vector<16xf32>
      %select_n3A_849 = arith.select %eq3A_846, %broadcast_in_dim3A_848, %select_n3A_530 : vector<16xi1>, vector<16xf32>
      %eq3A_850 = arith.cmpf oeq, %select_n3A_534, %max3A_649 : vector<16xf32>
      %jit3A_851 = arith.constant 0xFF800000 : f32
      %broadcast_in_dim3A_852 = vector.broadcast %jit3A_851 : f32 to vector<16xf32>
      %select_n3A_853 = arith.select %eq3A_850, %broadcast_in_dim3A_852, %select_n3A_534 : vector<16xi1>, vector<16xf32>
      %eq3A_854 = arith.cmpf oeq, %select_n3A_538, %max3A_649 : vector<16xf32>
      %jit3A_855 = arith.constant 0xFF800000 : f32
      %broadcast_in_dim3A_856 = vector.broadcast %jit3A_855 : f32 to vector<16xf32>
      %select_n3A_857 = arith.select %eq3A_854, %broadcast_in_dim3A_856, %select_n3A_538 : vector<16xi1>, vector<16xf32>
      %eq3A_858 = arith.cmpf oeq, %select_n3A_542, %max3A_649 : vector<16xf32>
      %jit3A_859 = arith.constant 0xFF800000 : f32
      %broadcast_in_dim3A_860 = vector.broadcast %jit3A_859 : f32 to vector<16xf32>
      %select_n3A_861 = arith.select %eq3A_858, %broadcast_in_dim3A_860, %select_n3A_542 : vector<16xi1>, vector<16xf32>
      %eq3A_862 = arith.cmpf oeq, %select_n3A_546, %max3A_649 : vector<16xf32>
      %jit3A_863 = arith.constant 0xFF800000 : f32
      %broadcast_in_dim3A_864 = vector.broadcast %jit3A_863 : f32 to vector<16xf32>
      %select_n3A_865 = arith.select %eq3A_862, %broadcast_in_dim3A_864, %select_n3A_546 : vector<16xi1>, vector<16xf32>
      %eq3A_866 = arith.cmpf oeq, %select_n3A_550, %max3A_649 : vector<16xf32>
      %jit3A_867 = arith.constant 0xFF800000 : f32
      %broadcast_in_dim3A_868 = vector.broadcast %jit3A_867 : f32 to vector<16xf32>
      %select_n3A_869 = arith.select %eq3A_866, %broadcast_in_dim3A_868, %select_n3A_550 : vector<16xi1>, vector<16xf32>
      %eq3A_870 = arith.cmpf oeq, %select_n3A_554, %max3A_649 : vector<16xf32>
      %jit3A_871 = arith.constant 0xFF800000 : f32
      %broadcast_in_dim3A_872 = vector.broadcast %jit3A_871 : f32 to vector<16xf32>
      %select_n3A_873 = arith.select %eq3A_870, %broadcast_in_dim3A_872, %select_n3A_554 : vector<16xi1>, vector<16xf32>
      %eq3A_874 = arith.cmpf oeq, %select_n3A_558, %max3A_649 : vector<16xf32>
      %jit3A_875 = arith.constant 0xFF800000 : f32
      %broadcast_in_dim3A_876 = vector.broadcast %jit3A_875 : f32 to vector<16xf32>
      %select_n3A_877 = arith.select %eq3A_874, %broadcast_in_dim3A_876, %select_n3A_558 : vector<16xi1>, vector<16xf32>
      %eq3A_878 = arith.cmpf oeq, %select_n3A_562, %max3A_649 : vector<16xf32>
      %jit3A_879 = arith.constant 0xFF800000 : f32
      %broadcast_in_dim3A_880 = vector.broadcast %jit3A_879 : f32 to vector<16xf32>
      %select_n3A_881 = arith.select %eq3A_878, %broadcast_in_dim3A_880, %select_n3A_562 : vector<16xi1>, vector<16xf32>
      %eq3A_882 = arith.cmpf oeq, %select_n3A_566, %max3A_649 : vector<16xf32>
      %jit3A_883 = arith.constant 0xFF800000 : f32
      %broadcast_in_dim3A_884 = vector.broadcast %jit3A_883 : f32 to vector<16xf32>
      %select_n3A_885 = arith.select %eq3A_882, %broadcast_in_dim3A_884, %select_n3A_566 : vector<16xi1>, vector<16xf32>
      %eq3A_886 = arith.cmpf oeq, %select_n3A_570, %max3A_649 : vector<16xf32>
      %jit3A_887 = arith.constant 0xFF800000 : f32
      %broadcast_in_dim3A_888 = vector.broadcast %jit3A_887 : f32 to vector<16xf32>
      %select_n3A_889 = arith.select %eq3A_886, %broadcast_in_dim3A_888, %select_n3A_570 : vector<16xi1>, vector<16xf32>
      %eq3A_890 = arith.cmpf oeq, %select_n3A_574, %max3A_649 : vector<16xf32>
      %jit3A_891 = arith.constant 0xFF800000 : f32
      %broadcast_in_dim3A_892 = vector.broadcast %jit3A_891 : f32 to vector<16xf32>
      %select_n3A_893 = arith.select %eq3A_890, %broadcast_in_dim3A_892, %select_n3A_574 : vector<16xi1>, vector<16xf32>
      %eq3A_894 = arith.cmpf oeq, %select_n3A_578, %max3A_649 : vector<16xf32>
      %jit3A_895 = arith.constant 0xFF800000 : f32
      %broadcast_in_dim3A_896 = vector.broadcast %jit3A_895 : f32 to vector<16xf32>
      %select_n3A_897 = arith.select %eq3A_894, %broadcast_in_dim3A_896, %select_n3A_578 : vector<16xi1>, vector<16xf32>
      %eq3A_898 = arith.cmpf oeq, %select_n3A_582, %max3A_649 : vector<16xf32>
      %jit3A_899 = arith.constant 0xFF800000 : f32
      %broadcast_in_dim3A_900 = vector.broadcast %jit3A_899 : f32 to vector<16xf32>
      %select_n3A_901 = arith.select %eq3A_898, %broadcast_in_dim3A_900, %select_n3A_582 : vector<16xi1>, vector<16xf32>
      %eq3A_902 = arith.cmpf oeq, %select_n3A_586, %max3A_649 : vector<16xf32>
      %jit3A_903 = arith.constant 0xFF800000 : f32
      %broadcast_in_dim3A_904 = vector.broadcast %jit3A_903 : f32 to vector<16xf32>
      %select_n3A_905 = arith.select %eq3A_902, %broadcast_in_dim3A_904, %select_n3A_586 : vector<16xi1>, vector<16xf32>
      %max3A_906 = arith.maximumf %select_n3A_653, %select_n3A_657 : vector<16xf32>
      %max3A_907 = arith.maximumf %select_n3A_661, %select_n3A_665 : vector<16xf32>
      %max3A_908 = arith.maximumf %select_n3A_669, %select_n3A_673 : vector<16xf32>
      %max3A_909 = arith.maximumf %select_n3A_677, %select_n3A_681 : vector<16xf32>
      %max3A_910 = arith.maximumf %select_n3A_685, %select_n3A_689 : vector<16xf32>
      %max3A_911 = arith.maximumf %select_n3A_693, %select_n3A_697 : vector<16xf32>
      %max3A_912 = arith.maximumf %select_n3A_701, %select_n3A_705 : vector<16xf32>
      %max3A_913 = arith.maximumf %select_n3A_709, %select_n3A_713 : vector<16xf32>
      %max3A_914 = arith.maximumf %select_n3A_717, %select_n3A_721 : vector<16xf32>
      %max3A_915 = arith.maximumf %select_n3A_725, %select_n3A_729 : vector<16xf32>
      %max3A_916 = arith.maximumf %select_n3A_733, %select_n3A_737 : vector<16xf32>
      %max3A_917 = arith.maximumf %select_n3A_741, %select_n3A_745 : vector<16xf32>
      %max3A_918 = arith.maximumf %select_n3A_749, %select_n3A_753 : vector<16xf32>
      %max3A_919 = arith.maximumf %select_n3A_757, %select_n3A_761 : vector<16xf32>
      %max3A_920 = arith.maximumf %select_n3A_765, %select_n3A_769 : vector<16xf32>
      %max3A_921 = arith.maximumf %select_n3A_773, %select_n3A_777 : vector<16xf32>
      %max3A_922 = arith.maximumf %select_n3A_781, %select_n3A_785 : vector<16xf32>
      %max3A_923 = arith.maximumf %select_n3A_789, %select_n3A_793 : vector<16xf32>
      %max3A_924 = arith.maximumf %select_n3A_797, %select_n3A_801 : vector<16xf32>
      %max3A_925 = arith.maximumf %select_n3A_805, %select_n3A_809 : vector<16xf32>
      %max3A_926 = arith.maximumf %select_n3A_813, %select_n3A_817 : vector<16xf32>
      %max3A_927 = arith.maximumf %select_n3A_821, %select_n3A_825 : vector<16xf32>
      %max3A_928 = arith.maximumf %select_n3A_829, %select_n3A_833 : vector<16xf32>
      %max3A_929 = arith.maximumf %select_n3A_837, %select_n3A_841 : vector<16xf32>
      %max3A_930 = arith.maximumf %select_n3A_845, %select_n3A_849 : vector<16xf32>
      %max3A_931 = arith.maximumf %select_n3A_853, %select_n3A_857 : vector<16xf32>
      %max3A_932 = arith.maximumf %select_n3A_861, %select_n3A_865 : vector<16xf32>
      %max3A_933 = arith.maximumf %select_n3A_869, %select_n3A_873 : vector<16xf32>
      %max3A_934 = arith.maximumf %select_n3A_877, %select_n3A_881 : vector<16xf32>
      %max3A_935 = arith.maximumf %select_n3A_885, %select_n3A_889 : vector<16xf32>
      %max3A_936 = arith.maximumf %select_n3A_893, %select_n3A_897 : vector<16xf32>
      %max3A_937 = arith.maximumf %select_n3A_901, %select_n3A_905 : vector<16xf32>
      %max3A_938 = arith.maximumf %max3A_906, %max3A_907 : vector<16xf32>
      %max3A_939 = arith.maximumf %max3A_908, %max3A_909 : vector<16xf32>
      %max3A_940 = arith.maximumf %max3A_910, %max3A_911 : vector<16xf32>
      %max3A_941 = arith.maximumf %max3A_912, %max3A_913 : vector<16xf32>
      %max3A_942 = arith.maximumf %max3A_914, %max3A_915 : vector<16xf32>
      %max3A_943 = arith.maximumf %max3A_916, %max3A_917 : vector<16xf32>
      %max3A_944 = arith.maximumf %max3A_918, %max3A_919 : vector<16xf32>
      %max3A_945 = arith.maximumf %max3A_920, %max3A_921 : vector<16xf32>
      %max3A_946 = arith.maximumf %max3A_922, %max3A_923 : vector<16xf32>
      %max3A_947 = arith.maximumf %max3A_924, %max3A_925 : vector<16xf32>
      %max3A_948 = arith.maximumf %max3A_926, %max3A_927 : vector<16xf32>
      %max3A_949 = arith.maximumf %max3A_928, %max3A_929 : vector<16xf32>
      %max3A_950 = arith.maximumf %max3A_930, %max3A_931 : vector<16xf32>
      %max3A_951 = arith.maximumf %max3A_932, %max3A_933 : vector<16xf32>
      %max3A_952 = arith.maximumf %max3A_934, %max3A_935 : vector<16xf32>
      %max3A_953 = arith.maximumf %max3A_936, %max3A_937 : vector<16xf32>
      %max3A_954 = arith.maximumf %max3A_938, %max3A_939 : vector<16xf32>
      %max3A_955 = arith.maximumf %max3A_940, %max3A_941 : vector<16xf32>
      %max3A_956 = arith.maximumf %max3A_942, %max3A_943 : vector<16xf32>
      %max3A_957 = arith.maximumf %max3A_944, %max3A_945 : vector<16xf32>
      %max3A_958 = arith.maximumf %max3A_946, %max3A_947 : vector<16xf32>
      %max3A_959 = arith.maximumf %max3A_948, %max3A_949 : vector<16xf32>
      %max3A_960 = arith.maximumf %max3A_950, %max3A_951 : vector<16xf32>
      %max3A_961 = arith.maximumf %max3A_952, %max3A_953 : vector<16xf32>
      %max3A_962 = arith.maximumf %max3A_954, %max3A_955 : vector<16xf32>
      %max3A_963 = arith.maximumf %max3A_956, %max3A_957 : vector<16xf32>
      %max3A_964 = arith.maximumf %max3A_958, %max3A_959 : vector<16xf32>
      %max3A_965 = arith.maximumf %max3A_960, %max3A_961 : vector<16xf32>
      %max3A_966 = arith.maximumf %max3A_962, %max3A_963 : vector<16xf32>
      %max3A_967 = arith.maximumf %max3A_964, %max3A_965 : vector<16xf32>
      %max3A_968 = arith.maximumf %max3A_966, %max3A_967 : vector<16xf32>
      %eq3A_969 = arith.cmpf oeq, %select_n3A_653, %max3A_968 : vector<16xf32>
      %jit3A_970 = arith.constant 0xFF800000 : f32
      %broadcast_in_dim3A_971 = vector.broadcast %jit3A_970 : f32 to vector<16xf32>
      %select_n3A_972 = arith.select %eq3A_969, %broadcast_in_dim3A_971, %select_n3A_653 : vector<16xi1>, vector<16xf32>
      %eq3A_973 = arith.cmpf oeq, %select_n3A_657, %max3A_968 : vector<16xf32>
      %jit3A_974 = arith.constant 0xFF800000 : f32
      %broadcast_in_dim3A_975 = vector.broadcast %jit3A_974 : f32 to vector<16xf32>
      %select_n3A_976 = arith.select %eq3A_973, %broadcast_in_dim3A_975, %select_n3A_657 : vector<16xi1>, vector<16xf32>
      %eq3A_977 = arith.cmpf oeq, %select_n3A_661, %max3A_968 : vector<16xf32>
      %jit3A_978 = arith.constant 0xFF800000 : f32
      %broadcast_in_dim3A_979 = vector.broadcast %jit3A_978 : f32 to vector<16xf32>
      %select_n3A_980 = arith.select %eq3A_977, %broadcast_in_dim3A_979, %select_n3A_661 : vector<16xi1>, vector<16xf32>
      %eq3A_981 = arith.cmpf oeq, %select_n3A_665, %max3A_968 : vector<16xf32>
      %jit3A_982 = arith.constant 0xFF800000 : f32
      %broadcast_in_dim3A_983 = vector.broadcast %jit3A_982 : f32 to vector<16xf32>
      %select_n3A_984 = arith.select %eq3A_981, %broadcast_in_dim3A_983, %select_n3A_665 : vector<16xi1>, vector<16xf32>
      %eq3A_985 = arith.cmpf oeq, %select_n3A_669, %max3A_968 : vector<16xf32>
      %jit3A_986 = arith.constant 0xFF800000 : f32
      %broadcast_in_dim3A_987 = vector.broadcast %jit3A_986 : f32 to vector<16xf32>
      %select_n3A_988 = arith.select %eq3A_985, %broadcast_in_dim3A_987, %select_n3A_669 : vector<16xi1>, vector<16xf32>
      %eq3A_989 = arith.cmpf oeq, %select_n3A_673, %max3A_968 : vector<16xf32>
      %jit3A_990 = arith.constant 0xFF800000 : f32
      %broadcast_in_dim3A_991 = vector.broadcast %jit3A_990 : f32 to vector<16xf32>
      %select_n3A_992 = arith.select %eq3A_989, %broadcast_in_dim3A_991, %select_n3A_673 : vector<16xi1>, vector<16xf32>
      %eq3A_993 = arith.cmpf oeq, %select_n3A_677, %max3A_968 : vector<16xf32>
      %jit3A_994 = arith.constant 0xFF800000 : f32
      %broadcast_in_dim3A_995 = vector.broadcast %jit3A_994 : f32 to vector<16xf32>
      %select_n3A_996 = arith.select %eq3A_993, %broadcast_in_dim3A_995, %select_n3A_677 : vector<16xi1>, vector<16xf32>
      %eq3A_997 = arith.cmpf oeq, %select_n3A_681, %max3A_968 : vector<16xf32>
      %jit3A_998 = arith.constant 0xFF800000 : f32
      %broadcast_in_dim3A_999 = vector.broadcast %jit3A_998 : f32 to vector<16xf32>
      %select_n3A_1000 = arith.select %eq3A_997, %broadcast_in_dim3A_999, %select_n3A_681 : vector<16xi1>, vector<16xf32>
      %eq3A_1001 = arith.cmpf oeq, %select_n3A_685, %max3A_968 : vector<16xf32>
      %jit3A_1002 = arith.constant 0xFF800000 : f32
      %broadcast_in_dim3A_1003 = vector.broadcast %jit3A_1002 : f32 to vector<16xf32>
      %select_n3A_1004 = arith.select %eq3A_1001, %broadcast_in_dim3A_1003, %select_n3A_685 : vector<16xi1>, vector<16xf32>
      %eq3A_1005 = arith.cmpf oeq, %select_n3A_689, %max3A_968 : vector<16xf32>
      %jit3A_1006 = arith.constant 0xFF800000 : f32
      %broadcast_in_dim3A_1007 = vector.broadcast %jit3A_1006 : f32 to vector<16xf32>
      %select_n3A_1008 = arith.select %eq3A_1005, %broadcast_in_dim3A_1007, %select_n3A_689 : vector<16xi1>, vector<16xf32>
      %eq3A_1009 = arith.cmpf oeq, %select_n3A_693, %max3A_968 : vector<16xf32>
      %jit3A_1010 = arith.constant 0xFF800000 : f32
      %broadcast_in_dim3A_1011 = vector.broadcast %jit3A_1010 : f32 to vector<16xf32>
      %select_n3A_1012 = arith.select %eq3A_1009, %broadcast_in_dim3A_1011, %select_n3A_693 : vector<16xi1>, vector<16xf32>
      %eq3A_1013 = arith.cmpf oeq, %select_n3A_697, %max3A_968 : vector<16xf32>
      %jit3A_1014 = arith.constant 0xFF800000 : f32
      %broadcast_in_dim3A_1015 = vector.broadcast %jit3A_1014 : f32 to vector<16xf32>
      %select_n3A_1016 = arith.select %eq3A_1013, %broadcast_in_dim3A_1015, %select_n3A_697 : vector<16xi1>, vector<16xf32>
      %eq3A_1017 = arith.cmpf oeq, %select_n3A_701, %max3A_968 : vector<16xf32>
      %jit3A_1018 = arith.constant 0xFF800000 : f32
      %broadcast_in_dim3A_1019 = vector.broadcast %jit3A_1018 : f32 to vector<16xf32>
      %select_n3A_1020 = arith.select %eq3A_1017, %broadcast_in_dim3A_1019, %select_n3A_701 : vector<16xi1>, vector<16xf32>
      %eq3A_1021 = arith.cmpf oeq, %select_n3A_705, %max3A_968 : vector<16xf32>
      %jit3A_1022 = arith.constant 0xFF800000 : f32
      %broadcast_in_dim3A_1023 = vector.broadcast %jit3A_1022 : f32 to vector<16xf32>
      %select_n3A_1024 = arith.select %eq3A_1021, %broadcast_in_dim3A_1023, %select_n3A_705 : vector<16xi1>, vector<16xf32>
      %eq3A_1025 = arith.cmpf oeq, %select_n3A_709, %max3A_968 : vector<16xf32>
      %jit3A_1026 = arith.constant 0xFF800000 : f32
      %broadcast_in_dim3A_1027 = vector.broadcast %jit3A_1026 : f32 to vector<16xf32>
      %select_n3A_1028 = arith.select %eq3A_1025, %broadcast_in_dim3A_1027, %select_n3A_709 : vector<16xi1>, vector<16xf32>
      %eq3A_1029 = arith.cmpf oeq, %select_n3A_713, %max3A_968 : vector<16xf32>
      %jit3A_1030 = arith.constant 0xFF800000 : f32
      %broadcast_in_dim3A_1031 = vector.broadcast %jit3A_1030 : f32 to vector<16xf32>
      %select_n3A_1032 = arith.select %eq3A_1029, %broadcast_in_dim3A_1031, %select_n3A_713 : vector<16xi1>, vector<16xf32>
      %eq3A_1033 = arith.cmpf oeq, %select_n3A_717, %max3A_968 : vector<16xf32>
      %jit3A_1034 = arith.constant 0xFF800000 : f32
      %broadcast_in_dim3A_1035 = vector.broadcast %jit3A_1034 : f32 to vector<16xf32>
      %select_n3A_1036 = arith.select %eq3A_1033, %broadcast_in_dim3A_1035, %select_n3A_717 : vector<16xi1>, vector<16xf32>
      %eq3A_1037 = arith.cmpf oeq, %select_n3A_721, %max3A_968 : vector<16xf32>
      %jit3A_1038 = arith.constant 0xFF800000 : f32
      %broadcast_in_dim3A_1039 = vector.broadcast %jit3A_1038 : f32 to vector<16xf32>
      %select_n3A_1040 = arith.select %eq3A_1037, %broadcast_in_dim3A_1039, %select_n3A_721 : vector<16xi1>, vector<16xf32>
      %eq3A_1041 = arith.cmpf oeq, %select_n3A_725, %max3A_968 : vector<16xf32>
      %jit3A_1042 = arith.constant 0xFF800000 : f32
      %broadcast_in_dim3A_1043 = vector.broadcast %jit3A_1042 : f32 to vector<16xf32>
      %select_n3A_1044 = arith.select %eq3A_1041, %broadcast_in_dim3A_1043, %select_n3A_725 : vector<16xi1>, vector<16xf32>
      %eq3A_1045 = arith.cmpf oeq, %select_n3A_729, %max3A_968 : vector<16xf32>
      %jit3A_1046 = arith.constant 0xFF800000 : f32
      %broadcast_in_dim3A_1047 = vector.broadcast %jit3A_1046 : f32 to vector<16xf32>
      %select_n3A_1048 = arith.select %eq3A_1045, %broadcast_in_dim3A_1047, %select_n3A_729 : vector<16xi1>, vector<16xf32>
      %eq3A_1049 = arith.cmpf oeq, %select_n3A_733, %max3A_968 : vector<16xf32>
      %jit3A_1050 = arith.constant 0xFF800000 : f32
      %broadcast_in_dim3A_1051 = vector.broadcast %jit3A_1050 : f32 to vector<16xf32>
      %select_n3A_1052 = arith.select %eq3A_1049, %broadcast_in_dim3A_1051, %select_n3A_733 : vector<16xi1>, vector<16xf32>
      %eq3A_1053 = arith.cmpf oeq, %select_n3A_737, %max3A_968 : vector<16xf32>
      %jit3A_1054 = arith.constant 0xFF800000 : f32
      %broadcast_in_dim3A_1055 = vector.broadcast %jit3A_1054 : f32 to vector<16xf32>
      %select_n3A_1056 = arith.select %eq3A_1053, %broadcast_in_dim3A_1055, %select_n3A_737 : vector<16xi1>, vector<16xf32>
      %eq3A_1057 = arith.cmpf oeq, %select_n3A_741, %max3A_968 : vector<16xf32>
      %jit3A_1058 = arith.constant 0xFF800000 : f32
      %broadcast_in_dim3A_1059 = vector.broadcast %jit3A_1058 : f32 to vector<16xf32>
      %select_n3A_1060 = arith.select %eq3A_1057, %broadcast_in_dim3A_1059, %select_n3A_741 : vector<16xi1>, vector<16xf32>
      %eq3A_1061 = arith.cmpf oeq, %select_n3A_745, %max3A_968 : vector<16xf32>
      %jit3A_1062 = arith.constant 0xFF800000 : f32
      %broadcast_in_dim3A_1063 = vector.broadcast %jit3A_1062 : f32 to vector<16xf32>
      %select_n3A_1064 = arith.select %eq3A_1061, %broadcast_in_dim3A_1063, %select_n3A_745 : vector<16xi1>, vector<16xf32>
      %eq3A_1065 = arith.cmpf oeq, %select_n3A_749, %max3A_968 : vector<16xf32>
      %jit3A_1066 = arith.constant 0xFF800000 : f32
      %broadcast_in_dim3A_1067 = vector.broadcast %jit3A_1066 : f32 to vector<16xf32>
      %select_n3A_1068 = arith.select %eq3A_1065, %broadcast_in_dim3A_1067, %select_n3A_749 : vector<16xi1>, vector<16xf32>
      %eq3A_1069 = arith.cmpf oeq, %select_n3A_753, %max3A_968 : vector<16xf32>
      %jit3A_1070 = arith.constant 0xFF800000 : f32
      %broadcast_in_dim3A_1071 = vector.broadcast %jit3A_1070 : f32 to vector<16xf32>
      %select_n3A_1072 = arith.select %eq3A_1069, %broadcast_in_dim3A_1071, %select_n3A_753 : vector<16xi1>, vector<16xf32>
      %eq3A_1073 = arith.cmpf oeq, %select_n3A_757, %max3A_968 : vector<16xf32>
      %jit3A_1074 = arith.constant 0xFF800000 : f32
      %broadcast_in_dim3A_1075 = vector.broadcast %jit3A_1074 : f32 to vector<16xf32>
      %select_n3A_1076 = arith.select %eq3A_1073, %broadcast_in_dim3A_1075, %select_n3A_757 : vector<16xi1>, vector<16xf32>
      %eq3A_1077 = arith.cmpf oeq, %select_n3A_761, %max3A_968 : vector<16xf32>
      %jit3A_1078 = arith.constant 0xFF800000 : f32
      %broadcast_in_dim3A_1079 = vector.broadcast %jit3A_1078 : f32 to vector<16xf32>
      %select_n3A_1080 = arith.select %eq3A_1077, %broadcast_in_dim3A_1079, %select_n3A_761 : vector<16xi1>, vector<16xf32>
      %eq3A_1081 = arith.cmpf oeq, %select_n3A_765, %max3A_968 : vector<16xf32>
      %jit3A_1082 = arith.constant 0xFF800000 : f32
      %broadcast_in_dim3A_1083 = vector.broadcast %jit3A_1082 : f32 to vector<16xf32>
      %select_n3A_1084 = arith.select %eq3A_1081, %broadcast_in_dim3A_1083, %select_n3A_765 : vector<16xi1>, vector<16xf32>
      %eq3A_1085 = arith.cmpf oeq, %select_n3A_769, %max3A_968 : vector<16xf32>
      %jit3A_1086 = arith.constant 0xFF800000 : f32
      %broadcast_in_dim3A_1087 = vector.broadcast %jit3A_1086 : f32 to vector<16xf32>
      %select_n3A_1088 = arith.select %eq3A_1085, %broadcast_in_dim3A_1087, %select_n3A_769 : vector<16xi1>, vector<16xf32>
      %eq3A_1089 = arith.cmpf oeq, %select_n3A_773, %max3A_968 : vector<16xf32>
      %jit3A_1090 = arith.constant 0xFF800000 : f32
      %broadcast_in_dim3A_1091 = vector.broadcast %jit3A_1090 : f32 to vector<16xf32>
      %select_n3A_1092 = arith.select %eq3A_1089, %broadcast_in_dim3A_1091, %select_n3A_773 : vector<16xi1>, vector<16xf32>
      %eq3A_1093 = arith.cmpf oeq, %select_n3A_777, %max3A_968 : vector<16xf32>
      %jit3A_1094 = arith.constant 0xFF800000 : f32
      %broadcast_in_dim3A_1095 = vector.broadcast %jit3A_1094 : f32 to vector<16xf32>
      %select_n3A_1096 = arith.select %eq3A_1093, %broadcast_in_dim3A_1095, %select_n3A_777 : vector<16xi1>, vector<16xf32>
      %eq3A_1097 = arith.cmpf oeq, %select_n3A_781, %max3A_968 : vector<16xf32>
      %jit3A_1098 = arith.constant 0xFF800000 : f32
      %broadcast_in_dim3A_1099 = vector.broadcast %jit3A_1098 : f32 to vector<16xf32>
      %select_n3A_1100 = arith.select %eq3A_1097, %broadcast_in_dim3A_1099, %select_n3A_781 : vector<16xi1>, vector<16xf32>
      %eq3A_1101 = arith.cmpf oeq, %select_n3A_785, %max3A_968 : vector<16xf32>
      %jit3A_1102 = arith.constant 0xFF800000 : f32
      %broadcast_in_dim3A_1103 = vector.broadcast %jit3A_1102 : f32 to vector<16xf32>
      %select_n3A_1104 = arith.select %eq3A_1101, %broadcast_in_dim3A_1103, %select_n3A_785 : vector<16xi1>, vector<16xf32>
      %eq3A_1105 = arith.cmpf oeq, %select_n3A_789, %max3A_968 : vector<16xf32>
      %jit3A_1106 = arith.constant 0xFF800000 : f32
      %broadcast_in_dim3A_1107 = vector.broadcast %jit3A_1106 : f32 to vector<16xf32>
      %select_n3A_1108 = arith.select %eq3A_1105, %broadcast_in_dim3A_1107, %select_n3A_789 : vector<16xi1>, vector<16xf32>
      %eq3A_1109 = arith.cmpf oeq, %select_n3A_793, %max3A_968 : vector<16xf32>
      %jit3A_1110 = arith.constant 0xFF800000 : f32
      %broadcast_in_dim3A_1111 = vector.broadcast %jit3A_1110 : f32 to vector<16xf32>
      %select_n3A_1112 = arith.select %eq3A_1109, %broadcast_in_dim3A_1111, %select_n3A_793 : vector<16xi1>, vector<16xf32>
      %eq3A_1113 = arith.cmpf oeq, %select_n3A_797, %max3A_968 : vector<16xf32>
      %jit3A_1114 = arith.constant 0xFF800000 : f32
      %broadcast_in_dim3A_1115 = vector.broadcast %jit3A_1114 : f32 to vector<16xf32>
      %select_n3A_1116 = arith.select %eq3A_1113, %broadcast_in_dim3A_1115, %select_n3A_797 : vector<16xi1>, vector<16xf32>
      %eq3A_1117 = arith.cmpf oeq, %select_n3A_801, %max3A_968 : vector<16xf32>
      %jit3A_1118 = arith.constant 0xFF800000 : f32
      %broadcast_in_dim3A_1119 = vector.broadcast %jit3A_1118 : f32 to vector<16xf32>
      %select_n3A_1120 = arith.select %eq3A_1117, %broadcast_in_dim3A_1119, %select_n3A_801 : vector<16xi1>, vector<16xf32>
      %eq3A_1121 = arith.cmpf oeq, %select_n3A_805, %max3A_968 : vector<16xf32>
      %jit3A_1122 = arith.constant 0xFF800000 : f32
      %broadcast_in_dim3A_1123 = vector.broadcast %jit3A_1122 : f32 to vector<16xf32>
      %select_n3A_1124 = arith.select %eq3A_1121, %broadcast_in_dim3A_1123, %select_n3A_805 : vector<16xi1>, vector<16xf32>
      %eq3A_1125 = arith.cmpf oeq, %select_n3A_809, %max3A_968 : vector<16xf32>
      %jit3A_1126 = arith.constant 0xFF800000 : f32
      %broadcast_in_dim3A_1127 = vector.broadcast %jit3A_1126 : f32 to vector<16xf32>
      %select_n3A_1128 = arith.select %eq3A_1125, %broadcast_in_dim3A_1127, %select_n3A_809 : vector<16xi1>, vector<16xf32>
      %eq3A_1129 = arith.cmpf oeq, %select_n3A_813, %max3A_968 : vector<16xf32>
      %jit3A_1130 = arith.constant 0xFF800000 : f32
      %broadcast_in_dim3A_1131 = vector.broadcast %jit3A_1130 : f32 to vector<16xf32>
      %select_n3A_1132 = arith.select %eq3A_1129, %broadcast_in_dim3A_1131, %select_n3A_813 : vector<16xi1>, vector<16xf32>
      %eq3A_1133 = arith.cmpf oeq, %select_n3A_817, %max3A_968 : vector<16xf32>
      %jit3A_1134 = arith.constant 0xFF800000 : f32
      %broadcast_in_dim3A_1135 = vector.broadcast %jit3A_1134 : f32 to vector<16xf32>
      %select_n3A_1136 = arith.select %eq3A_1133, %broadcast_in_dim3A_1135, %select_n3A_817 : vector<16xi1>, vector<16xf32>
      %eq3A_1137 = arith.cmpf oeq, %select_n3A_821, %max3A_968 : vector<16xf32>
      %jit3A_1138 = arith.constant 0xFF800000 : f32
      %broadcast_in_dim3A_1139 = vector.broadcast %jit3A_1138 : f32 to vector<16xf32>
      %select_n3A_1140 = arith.select %eq3A_1137, %broadcast_in_dim3A_1139, %select_n3A_821 : vector<16xi1>, vector<16xf32>
      %eq3A_1141 = arith.cmpf oeq, %select_n3A_825, %max3A_968 : vector<16xf32>
      %jit3A_1142 = arith.constant 0xFF800000 : f32
      %broadcast_in_dim3A_1143 = vector.broadcast %jit3A_1142 : f32 to vector<16xf32>
      %select_n3A_1144 = arith.select %eq3A_1141, %broadcast_in_dim3A_1143, %select_n3A_825 : vector<16xi1>, vector<16xf32>
      %eq3A_1145 = arith.cmpf oeq, %select_n3A_829, %max3A_968 : vector<16xf32>
      %jit3A_1146 = arith.constant 0xFF800000 : f32
      %broadcast_in_dim3A_1147 = vector.broadcast %jit3A_1146 : f32 to vector<16xf32>
      %select_n3A_1148 = arith.select %eq3A_1145, %broadcast_in_dim3A_1147, %select_n3A_829 : vector<16xi1>, vector<16xf32>
      %eq3A_1149 = arith.cmpf oeq, %select_n3A_833, %max3A_968 : vector<16xf32>
      %jit3A_1150 = arith.constant 0xFF800000 : f32
      %broadcast_in_dim3A_1151 = vector.broadcast %jit3A_1150 : f32 to vector<16xf32>
      %select_n3A_1152 = arith.select %eq3A_1149, %broadcast_in_dim3A_1151, %select_n3A_833 : vector<16xi1>, vector<16xf32>
      %eq3A_1153 = arith.cmpf oeq, %select_n3A_837, %max3A_968 : vector<16xf32>
      %jit3A_1154 = arith.constant 0xFF800000 : f32
      %broadcast_in_dim3A_1155 = vector.broadcast %jit3A_1154 : f32 to vector<16xf32>
      %select_n3A_1156 = arith.select %eq3A_1153, %broadcast_in_dim3A_1155, %select_n3A_837 : vector<16xi1>, vector<16xf32>
      %eq3A_1157 = arith.cmpf oeq, %select_n3A_841, %max3A_968 : vector<16xf32>
      %jit3A_1158 = arith.constant 0xFF800000 : f32
      %broadcast_in_dim3A_1159 = vector.broadcast %jit3A_1158 : f32 to vector<16xf32>
      %select_n3A_1160 = arith.select %eq3A_1157, %broadcast_in_dim3A_1159, %select_n3A_841 : vector<16xi1>, vector<16xf32>
      %eq3A_1161 = arith.cmpf oeq, %select_n3A_845, %max3A_968 : vector<16xf32>
      %jit3A_1162 = arith.constant 0xFF800000 : f32
      %broadcast_in_dim3A_1163 = vector.broadcast %jit3A_1162 : f32 to vector<16xf32>
      %select_n3A_1164 = arith.select %eq3A_1161, %broadcast_in_dim3A_1163, %select_n3A_845 : vector<16xi1>, vector<16xf32>
      %eq3A_1165 = arith.cmpf oeq, %select_n3A_849, %max3A_968 : vector<16xf32>
      %jit3A_1166 = arith.constant 0xFF800000 : f32
      %broadcast_in_dim3A_1167 = vector.broadcast %jit3A_1166 : f32 to vector<16xf32>
      %select_n3A_1168 = arith.select %eq3A_1165, %broadcast_in_dim3A_1167, %select_n3A_849 : vector<16xi1>, vector<16xf32>
      %eq3A_1169 = arith.cmpf oeq, %select_n3A_853, %max3A_968 : vector<16xf32>
      %jit3A_1170 = arith.constant 0xFF800000 : f32
      %broadcast_in_dim3A_1171 = vector.broadcast %jit3A_1170 : f32 to vector<16xf32>
      %select_n3A_1172 = arith.select %eq3A_1169, %broadcast_in_dim3A_1171, %select_n3A_853 : vector<16xi1>, vector<16xf32>
      %eq3A_1173 = arith.cmpf oeq, %select_n3A_857, %max3A_968 : vector<16xf32>
      %jit3A_1174 = arith.constant 0xFF800000 : f32
      %broadcast_in_dim3A_1175 = vector.broadcast %jit3A_1174 : f32 to vector<16xf32>
      %select_n3A_1176 = arith.select %eq3A_1173, %broadcast_in_dim3A_1175, %select_n3A_857 : vector<16xi1>, vector<16xf32>
      %eq3A_1177 = arith.cmpf oeq, %select_n3A_861, %max3A_968 : vector<16xf32>
      %jit3A_1178 = arith.constant 0xFF800000 : f32
      %broadcast_in_dim3A_1179 = vector.broadcast %jit3A_1178 : f32 to vector<16xf32>
      %select_n3A_1180 = arith.select %eq3A_1177, %broadcast_in_dim3A_1179, %select_n3A_861 : vector<16xi1>, vector<16xf32>
      %eq3A_1181 = arith.cmpf oeq, %select_n3A_865, %max3A_968 : vector<16xf32>
      %jit3A_1182 = arith.constant 0xFF800000 : f32
      %broadcast_in_dim3A_1183 = vector.broadcast %jit3A_1182 : f32 to vector<16xf32>
      %select_n3A_1184 = arith.select %eq3A_1181, %broadcast_in_dim3A_1183, %select_n3A_865 : vector<16xi1>, vector<16xf32>
      %eq3A_1185 = arith.cmpf oeq, %select_n3A_869, %max3A_968 : vector<16xf32>
      %jit3A_1186 = arith.constant 0xFF800000 : f32
      %broadcast_in_dim3A_1187 = vector.broadcast %jit3A_1186 : f32 to vector<16xf32>
      %select_n3A_1188 = arith.select %eq3A_1185, %broadcast_in_dim3A_1187, %select_n3A_869 : vector<16xi1>, vector<16xf32>
      %eq3A_1189 = arith.cmpf oeq, %select_n3A_873, %max3A_968 : vector<16xf32>
      %jit3A_1190 = arith.constant 0xFF800000 : f32
      %broadcast_in_dim3A_1191 = vector.broadcast %jit3A_1190 : f32 to vector<16xf32>
      %select_n3A_1192 = arith.select %eq3A_1189, %broadcast_in_dim3A_1191, %select_n3A_873 : vector<16xi1>, vector<16xf32>
      %eq3A_1193 = arith.cmpf oeq, %select_n3A_877, %max3A_968 : vector<16xf32>
      %jit3A_1194 = arith.constant 0xFF800000 : f32
      %broadcast_in_dim3A_1195 = vector.broadcast %jit3A_1194 : f32 to vector<16xf32>
      %select_n3A_1196 = arith.select %eq3A_1193, %broadcast_in_dim3A_1195, %select_n3A_877 : vector<16xi1>, vector<16xf32>
      %eq3A_1197 = arith.cmpf oeq, %select_n3A_881, %max3A_968 : vector<16xf32>
      %jit3A_1198 = arith.constant 0xFF800000 : f32
      %broadcast_in_dim3A_1199 = vector.broadcast %jit3A_1198 : f32 to vector<16xf32>
      %select_n3A_1200 = arith.select %eq3A_1197, %broadcast_in_dim3A_1199, %select_n3A_881 : vector<16xi1>, vector<16xf32>
      %eq3A_1201 = arith.cmpf oeq, %select_n3A_885, %max3A_968 : vector<16xf32>
      %jit3A_1202 = arith.constant 0xFF800000 : f32
      %broadcast_in_dim3A_1203 = vector.broadcast %jit3A_1202 : f32 to vector<16xf32>
      %select_n3A_1204 = arith.select %eq3A_1201, %broadcast_in_dim3A_1203, %select_n3A_885 : vector<16xi1>, vector<16xf32>
      %eq3A_1205 = arith.cmpf oeq, %select_n3A_889, %max3A_968 : vector<16xf32>
      %jit3A_1206 = arith.constant 0xFF800000 : f32
      %broadcast_in_dim3A_1207 = vector.broadcast %jit3A_1206 : f32 to vector<16xf32>
      %select_n3A_1208 = arith.select %eq3A_1205, %broadcast_in_dim3A_1207, %select_n3A_889 : vector<16xi1>, vector<16xf32>
      %eq3A_1209 = arith.cmpf oeq, %select_n3A_893, %max3A_968 : vector<16xf32>
      %jit3A_1210 = arith.constant 0xFF800000 : f32
      %broadcast_in_dim3A_1211 = vector.broadcast %jit3A_1210 : f32 to vector<16xf32>
      %select_n3A_1212 = arith.select %eq3A_1209, %broadcast_in_dim3A_1211, %select_n3A_893 : vector<16xi1>, vector<16xf32>
      %eq3A_1213 = arith.cmpf oeq, %select_n3A_897, %max3A_968 : vector<16xf32>
      %jit3A_1214 = arith.constant 0xFF800000 : f32
      %broadcast_in_dim3A_1215 = vector.broadcast %jit3A_1214 : f32 to vector<16xf32>
      %select_n3A_1216 = arith.select %eq3A_1213, %broadcast_in_dim3A_1215, %select_n3A_897 : vector<16xi1>, vector<16xf32>
      %eq3A_1217 = arith.cmpf oeq, %select_n3A_901, %max3A_968 : vector<16xf32>
      %jit3A_1218 = arith.constant 0xFF800000 : f32
      %broadcast_in_dim3A_1219 = vector.broadcast %jit3A_1218 : f32 to vector<16xf32>
      %select_n3A_1220 = arith.select %eq3A_1217, %broadcast_in_dim3A_1219, %select_n3A_901 : vector<16xi1>, vector<16xf32>
      %eq3A_1221 = arith.cmpf oeq, %select_n3A_905, %max3A_968 : vector<16xf32>
      %jit3A_1222 = arith.constant 0xFF800000 : f32
      %broadcast_in_dim3A_1223 = vector.broadcast %jit3A_1222 : f32 to vector<16xf32>
      %select_n3A_1224 = arith.select %eq3A_1221, %broadcast_in_dim3A_1223, %select_n3A_905 : vector<16xi1>, vector<16xf32>
      %max3A_1225 = arith.maximumf %select_n3A_972, %select_n3A_976 : vector<16xf32>
      %max3A_1226 = arith.maximumf %select_n3A_980, %select_n3A_984 : vector<16xf32>
      %max3A_1227 = arith.maximumf %select_n3A_988, %select_n3A_992 : vector<16xf32>
      %max3A_1228 = arith.maximumf %select_n3A_996, %select_n3A_1000 : vector<16xf32>
      %max3A_1229 = arith.maximumf %select_n3A_1004, %select_n3A_1008 : vector<16xf32>
      %max3A_1230 = arith.maximumf %select_n3A_1012, %select_n3A_1016 : vector<16xf32>
      %max3A_1231 = arith.maximumf %select_n3A_1020, %select_n3A_1024 : vector<16xf32>
      %max3A_1232 = arith.maximumf %select_n3A_1028, %select_n3A_1032 : vector<16xf32>
      %max3A_1233 = arith.maximumf %select_n3A_1036, %select_n3A_1040 : vector<16xf32>
      %max3A_1234 = arith.maximumf %select_n3A_1044, %select_n3A_1048 : vector<16xf32>
      %max3A_1235 = arith.maximumf %select_n3A_1052, %select_n3A_1056 : vector<16xf32>
      %max3A_1236 = arith.maximumf %select_n3A_1060, %select_n3A_1064 : vector<16xf32>
      %max3A_1237 = arith.maximumf %select_n3A_1068, %select_n3A_1072 : vector<16xf32>
      %max3A_1238 = arith.maximumf %select_n3A_1076, %select_n3A_1080 : vector<16xf32>
      %max3A_1239 = arith.maximumf %select_n3A_1084, %select_n3A_1088 : vector<16xf32>
      %max3A_1240 = arith.maximumf %select_n3A_1092, %select_n3A_1096 : vector<16xf32>
      %max3A_1241 = arith.maximumf %select_n3A_1100, %select_n3A_1104 : vector<16xf32>
      %max3A_1242 = arith.maximumf %select_n3A_1108, %select_n3A_1112 : vector<16xf32>
      %max3A_1243 = arith.maximumf %select_n3A_1116, %select_n3A_1120 : vector<16xf32>
      %max3A_1244 = arith.maximumf %select_n3A_1124, %select_n3A_1128 : vector<16xf32>
      %max3A_1245 = arith.maximumf %select_n3A_1132, %select_n3A_1136 : vector<16xf32>
      %max3A_1246 = arith.maximumf %select_n3A_1140, %select_n3A_1144 : vector<16xf32>
      %max3A_1247 = arith.maximumf %select_n3A_1148, %select_n3A_1152 : vector<16xf32>
      %max3A_1248 = arith.maximumf %select_n3A_1156, %select_n3A_1160 : vector<16xf32>
      %max3A_1249 = arith.maximumf %select_n3A_1164, %select_n3A_1168 : vector<16xf32>
      %max3A_1250 = arith.maximumf %select_n3A_1172, %select_n3A_1176 : vector<16xf32>
      %max3A_1251 = arith.maximumf %select_n3A_1180, %select_n3A_1184 : vector<16xf32>
      %max3A_1252 = arith.maximumf %select_n3A_1188, %select_n3A_1192 : vector<16xf32>
      %max3A_1253 = arith.maximumf %select_n3A_1196, %select_n3A_1200 : vector<16xf32>
      %max3A_1254 = arith.maximumf %select_n3A_1204, %select_n3A_1208 : vector<16xf32>
      %max3A_1255 = arith.maximumf %select_n3A_1212, %select_n3A_1216 : vector<16xf32>
      %max3A_1256 = arith.maximumf %select_n3A_1220, %select_n3A_1224 : vector<16xf32>
      %max3A_1257 = arith.maximumf %max3A_1225, %max3A_1226 : vector<16xf32>
      %max3A_1258 = arith.maximumf %max3A_1227, %max3A_1228 : vector<16xf32>
      %max3A_1259 = arith.maximumf %max3A_1229, %max3A_1230 : vector<16xf32>
      %max3A_1260 = arith.maximumf %max3A_1231, %max3A_1232 : vector<16xf32>
      %max3A_1261 = arith.maximumf %max3A_1233, %max3A_1234 : vector<16xf32>
      %max3A_1262 = arith.maximumf %max3A_1235, %max3A_1236 : vector<16xf32>
      %max3A_1263 = arith.maximumf %max3A_1237, %max3A_1238 : vector<16xf32>
      %max3A_1264 = arith.maximumf %max3A_1239, %max3A_1240 : vector<16xf32>
      %max3A_1265 = arith.maximumf %max3A_1241, %max3A_1242 : vector<16xf32>
      %max3A_1266 = arith.maximumf %max3A_1243, %max3A_1244 : vector<16xf32>
      %max3A_1267 = arith.maximumf %max3A_1245, %max3A_1246 : vector<16xf32>
      %max3A_1268 = arith.maximumf %max3A_1247, %max3A_1248 : vector<16xf32>
      %max3A_1269 = arith.maximumf %max3A_1249, %max3A_1250 : vector<16xf32>
      %max3A_1270 = arith.maximumf %max3A_1251, %max3A_1252 : vector<16xf32>
      %max3A_1271 = arith.maximumf %max3A_1253, %max3A_1254 : vector<16xf32>
      %max3A_1272 = arith.maximumf %max3A_1255, %max3A_1256 : vector<16xf32>
      %max3A_1273 = arith.maximumf %max3A_1257, %max3A_1258 : vector<16xf32>
      %max3A_1274 = arith.maximumf %max3A_1259, %max3A_1260 : vector<16xf32>
      %max3A_1275 = arith.maximumf %max3A_1261, %max3A_1262 : vector<16xf32>
      %max3A_1276 = arith.maximumf %max3A_1263, %max3A_1264 : vector<16xf32>
      %max3A_1277 = arith.maximumf %max3A_1265, %max3A_1266 : vector<16xf32>
      %max3A_1278 = arith.maximumf %max3A_1267, %max3A_1268 : vector<16xf32>
      %max3A_1279 = arith.maximumf %max3A_1269, %max3A_1270 : vector<16xf32>
      %max3A_1280 = arith.maximumf %max3A_1271, %max3A_1272 : vector<16xf32>
      %max3A_1281 = arith.maximumf %max3A_1273, %max3A_1274 : vector<16xf32>
      %max3A_1282 = arith.maximumf %max3A_1275, %max3A_1276 : vector<16xf32>
      %max3A_1283 = arith.maximumf %max3A_1277, %max3A_1278 : vector<16xf32>
      %max3A_1284 = arith.maximumf %max3A_1279, %max3A_1280 : vector<16xf32>
      %max3A_1285 = arith.maximumf %max3A_1281, %max3A_1282 : vector<16xf32>
      %max3A_1286 = arith.maximumf %max3A_1283, %max3A_1284 : vector<16xf32>
      %max3A_1287 = arith.maximumf %max3A_1285, %max3A_1286 : vector<16xf32>
      %eq3A_1288 = arith.cmpf oeq, %select_n3A_972, %max3A_1287 : vector<16xf32>
      %jit3A_1289 = arith.constant 0xFF800000 : f32
      %broadcast_in_dim3A_1290 = vector.broadcast %jit3A_1289 : f32 to vector<16xf32>
      %select_n3A_1291 = arith.select %eq3A_1288, %broadcast_in_dim3A_1290, %select_n3A_972 : vector<16xi1>, vector<16xf32>
      %eq3A_1292 = arith.cmpf oeq, %select_n3A_976, %max3A_1287 : vector<16xf32>
      %jit3A_1293 = arith.constant 0xFF800000 : f32
      %broadcast_in_dim3A_1294 = vector.broadcast %jit3A_1293 : f32 to vector<16xf32>
      %select_n3A_1295 = arith.select %eq3A_1292, %broadcast_in_dim3A_1294, %select_n3A_976 : vector<16xi1>, vector<16xf32>
      %eq3A_1296 = arith.cmpf oeq, %select_n3A_980, %max3A_1287 : vector<16xf32>
      %jit3A_1297 = arith.constant 0xFF800000 : f32
      %broadcast_in_dim3A_1298 = vector.broadcast %jit3A_1297 : f32 to vector<16xf32>
      %select_n3A_1299 = arith.select %eq3A_1296, %broadcast_in_dim3A_1298, %select_n3A_980 : vector<16xi1>, vector<16xf32>
      %eq3A_1300 = arith.cmpf oeq, %select_n3A_984, %max3A_1287 : vector<16xf32>
      %jit3A_1301 = arith.constant 0xFF800000 : f32
      %broadcast_in_dim3A_1302 = vector.broadcast %jit3A_1301 : f32 to vector<16xf32>
      %select_n3A_1303 = arith.select %eq3A_1300, %broadcast_in_dim3A_1302, %select_n3A_984 : vector<16xi1>, vector<16xf32>
      %eq3A_1304 = arith.cmpf oeq, %select_n3A_988, %max3A_1287 : vector<16xf32>
      %jit3A_1305 = arith.constant 0xFF800000 : f32
      %broadcast_in_dim3A_1306 = vector.broadcast %jit3A_1305 : f32 to vector<16xf32>
      %select_n3A_1307 = arith.select %eq3A_1304, %broadcast_in_dim3A_1306, %select_n3A_988 : vector<16xi1>, vector<16xf32>
      %eq3A_1308 = arith.cmpf oeq, %select_n3A_992, %max3A_1287 : vector<16xf32>
      %jit3A_1309 = arith.constant 0xFF800000 : f32
      %broadcast_in_dim3A_1310 = vector.broadcast %jit3A_1309 : f32 to vector<16xf32>
      %select_n3A_1311 = arith.select %eq3A_1308, %broadcast_in_dim3A_1310, %select_n3A_992 : vector<16xi1>, vector<16xf32>
      %eq3A_1312 = arith.cmpf oeq, %select_n3A_996, %max3A_1287 : vector<16xf32>
      %jit3A_1313 = arith.constant 0xFF800000 : f32
      %broadcast_in_dim3A_1314 = vector.broadcast %jit3A_1313 : f32 to vector<16xf32>
      %select_n3A_1315 = arith.select %eq3A_1312, %broadcast_in_dim3A_1314, %select_n3A_996 : vector<16xi1>, vector<16xf32>
      %eq3A_1316 = arith.cmpf oeq, %select_n3A_1000, %max3A_1287 : vector<16xf32>
      %jit3A_1317 = arith.constant 0xFF800000 : f32
      %broadcast_in_dim3A_1318 = vector.broadcast %jit3A_1317 : f32 to vector<16xf32>
      %select_n3A_1319 = arith.select %eq3A_1316, %broadcast_in_dim3A_1318, %select_n3A_1000 : vector<16xi1>, vector<16xf32>
      %eq3A_1320 = arith.cmpf oeq, %select_n3A_1004, %max3A_1287 : vector<16xf32>
      %jit3A_1321 = arith.constant 0xFF800000 : f32
      %broadcast_in_dim3A_1322 = vector.broadcast %jit3A_1321 : f32 to vector<16xf32>
      %select_n3A_1323 = arith.select %eq3A_1320, %broadcast_in_dim3A_1322, %select_n3A_1004 : vector<16xi1>, vector<16xf32>
      %eq3A_1324 = arith.cmpf oeq, %select_n3A_1008, %max3A_1287 : vector<16xf32>
      %jit3A_1325 = arith.constant 0xFF800000 : f32
      %broadcast_in_dim3A_1326 = vector.broadcast %jit3A_1325 : f32 to vector<16xf32>
      %select_n3A_1327 = arith.select %eq3A_1324, %broadcast_in_dim3A_1326, %select_n3A_1008 : vector<16xi1>, vector<16xf32>
      %eq3A_1328 = arith.cmpf oeq, %select_n3A_1012, %max3A_1287 : vector<16xf32>
      %jit3A_1329 = arith.constant 0xFF800000 : f32
      %broadcast_in_dim3A_1330 = vector.broadcast %jit3A_1329 : f32 to vector<16xf32>
      %select_n3A_1331 = arith.select %eq3A_1328, %broadcast_in_dim3A_1330, %select_n3A_1012 : vector<16xi1>, vector<16xf32>
      %eq3A_1332 = arith.cmpf oeq, %select_n3A_1016, %max3A_1287 : vector<16xf32>
      %jit3A_1333 = arith.constant 0xFF800000 : f32
      %broadcast_in_dim3A_1334 = vector.broadcast %jit3A_1333 : f32 to vector<16xf32>
      %select_n3A_1335 = arith.select %eq3A_1332, %broadcast_in_dim3A_1334, %select_n3A_1016 : vector<16xi1>, vector<16xf32>
      %eq3A_1336 = arith.cmpf oeq, %select_n3A_1020, %max3A_1287 : vector<16xf32>
      %jit3A_1337 = arith.constant 0xFF800000 : f32
      %broadcast_in_dim3A_1338 = vector.broadcast %jit3A_1337 : f32 to vector<16xf32>
      %select_n3A_1339 = arith.select %eq3A_1336, %broadcast_in_dim3A_1338, %select_n3A_1020 : vector<16xi1>, vector<16xf32>
      %eq3A_1340 = arith.cmpf oeq, %select_n3A_1024, %max3A_1287 : vector<16xf32>
      %jit3A_1341 = arith.constant 0xFF800000 : f32
      %broadcast_in_dim3A_1342 = vector.broadcast %jit3A_1341 : f32 to vector<16xf32>
      %select_n3A_1343 = arith.select %eq3A_1340, %broadcast_in_dim3A_1342, %select_n3A_1024 : vector<16xi1>, vector<16xf32>
      %eq3A_1344 = arith.cmpf oeq, %select_n3A_1028, %max3A_1287 : vector<16xf32>
      %jit3A_1345 = arith.constant 0xFF800000 : f32
      %broadcast_in_dim3A_1346 = vector.broadcast %jit3A_1345 : f32 to vector<16xf32>
      %select_n3A_1347 = arith.select %eq3A_1344, %broadcast_in_dim3A_1346, %select_n3A_1028 : vector<16xi1>, vector<16xf32>
      %eq3A_1348 = arith.cmpf oeq, %select_n3A_1032, %max3A_1287 : vector<16xf32>
      %jit3A_1349 = arith.constant 0xFF800000 : f32
      %broadcast_in_dim3A_1350 = vector.broadcast %jit3A_1349 : f32 to vector<16xf32>
      %select_n3A_1351 = arith.select %eq3A_1348, %broadcast_in_dim3A_1350, %select_n3A_1032 : vector<16xi1>, vector<16xf32>
      %eq3A_1352 = arith.cmpf oeq, %select_n3A_1036, %max3A_1287 : vector<16xf32>
      %jit3A_1353 = arith.constant 0xFF800000 : f32
      %broadcast_in_dim3A_1354 = vector.broadcast %jit3A_1353 : f32 to vector<16xf32>
      %select_n3A_1355 = arith.select %eq3A_1352, %broadcast_in_dim3A_1354, %select_n3A_1036 : vector<16xi1>, vector<16xf32>
      %eq3A_1356 = arith.cmpf oeq, %select_n3A_1040, %max3A_1287 : vector<16xf32>
      %jit3A_1357 = arith.constant 0xFF800000 : f32
      %broadcast_in_dim3A_1358 = vector.broadcast %jit3A_1357 : f32 to vector<16xf32>
      %select_n3A_1359 = arith.select %eq3A_1356, %broadcast_in_dim3A_1358, %select_n3A_1040 : vector<16xi1>, vector<16xf32>
      %eq3A_1360 = arith.cmpf oeq, %select_n3A_1044, %max3A_1287 : vector<16xf32>
      %jit3A_1361 = arith.constant 0xFF800000 : f32
      %broadcast_in_dim3A_1362 = vector.broadcast %jit3A_1361 : f32 to vector<16xf32>
      %select_n3A_1363 = arith.select %eq3A_1360, %broadcast_in_dim3A_1362, %select_n3A_1044 : vector<16xi1>, vector<16xf32>
      %eq3A_1364 = arith.cmpf oeq, %select_n3A_1048, %max3A_1287 : vector<16xf32>
      %jit3A_1365 = arith.constant 0xFF800000 : f32
      %broadcast_in_dim3A_1366 = vector.broadcast %jit3A_1365 : f32 to vector<16xf32>
      %select_n3A_1367 = arith.select %eq3A_1364, %broadcast_in_dim3A_1366, %select_n3A_1048 : vector<16xi1>, vector<16xf32>
      %eq3A_1368 = arith.cmpf oeq, %select_n3A_1052, %max3A_1287 : vector<16xf32>
      %jit3A_1369 = arith.constant 0xFF800000 : f32
      %broadcast_in_dim3A_1370 = vector.broadcast %jit3A_1369 : f32 to vector<16xf32>
      %select_n3A_1371 = arith.select %eq3A_1368, %broadcast_in_dim3A_1370, %select_n3A_1052 : vector<16xi1>, vector<16xf32>
      %eq3A_1372 = arith.cmpf oeq, %select_n3A_1056, %max3A_1287 : vector<16xf32>
      %jit3A_1373 = arith.constant 0xFF800000 : f32
      %broadcast_in_dim3A_1374 = vector.broadcast %jit3A_1373 : f32 to vector<16xf32>
      %select_n3A_1375 = arith.select %eq3A_1372, %broadcast_in_dim3A_1374, %select_n3A_1056 : vector<16xi1>, vector<16xf32>
      %eq3A_1376 = arith.cmpf oeq, %select_n3A_1060, %max3A_1287 : vector<16xf32>
      %jit3A_1377 = arith.constant 0xFF800000 : f32
      %broadcast_in_dim3A_1378 = vector.broadcast %jit3A_1377 : f32 to vector<16xf32>
      %select_n3A_1379 = arith.select %eq3A_1376, %broadcast_in_dim3A_1378, %select_n3A_1060 : vector<16xi1>, vector<16xf32>
      %eq3A_1380 = arith.cmpf oeq, %select_n3A_1064, %max3A_1287 : vector<16xf32>
      %jit3A_1381 = arith.constant 0xFF800000 : f32
      %broadcast_in_dim3A_1382 = vector.broadcast %jit3A_1381 : f32 to vector<16xf32>
      %select_n3A_1383 = arith.select %eq3A_1380, %broadcast_in_dim3A_1382, %select_n3A_1064 : vector<16xi1>, vector<16xf32>
      %eq3A_1384 = arith.cmpf oeq, %select_n3A_1068, %max3A_1287 : vector<16xf32>
      %jit3A_1385 = arith.constant 0xFF800000 : f32
      %broadcast_in_dim3A_1386 = vector.broadcast %jit3A_1385 : f32 to vector<16xf32>
      %select_n3A_1387 = arith.select %eq3A_1384, %broadcast_in_dim3A_1386, %select_n3A_1068 : vector<16xi1>, vector<16xf32>
      %eq3A_1388 = arith.cmpf oeq, %select_n3A_1072, %max3A_1287 : vector<16xf32>
      %jit3A_1389 = arith.constant 0xFF800000 : f32
      %broadcast_in_dim3A_1390 = vector.broadcast %jit3A_1389 : f32 to vector<16xf32>
      %select_n3A_1391 = arith.select %eq3A_1388, %broadcast_in_dim3A_1390, %select_n3A_1072 : vector<16xi1>, vector<16xf32>
      %eq3A_1392 = arith.cmpf oeq, %select_n3A_1076, %max3A_1287 : vector<16xf32>
      %jit3A_1393 = arith.constant 0xFF800000 : f32
      %broadcast_in_dim3A_1394 = vector.broadcast %jit3A_1393 : f32 to vector<16xf32>
      %select_n3A_1395 = arith.select %eq3A_1392, %broadcast_in_dim3A_1394, %select_n3A_1076 : vector<16xi1>, vector<16xf32>
      %eq3A_1396 = arith.cmpf oeq, %select_n3A_1080, %max3A_1287 : vector<16xf32>
      %jit3A_1397 = arith.constant 0xFF800000 : f32
      %broadcast_in_dim3A_1398 = vector.broadcast %jit3A_1397 : f32 to vector<16xf32>
      %select_n3A_1399 = arith.select %eq3A_1396, %broadcast_in_dim3A_1398, %select_n3A_1080 : vector<16xi1>, vector<16xf32>
      %eq3A_1400 = arith.cmpf oeq, %select_n3A_1084, %max3A_1287 : vector<16xf32>
      %jit3A_1401 = arith.constant 0xFF800000 : f32
      %broadcast_in_dim3A_1402 = vector.broadcast %jit3A_1401 : f32 to vector<16xf32>
      %select_n3A_1403 = arith.select %eq3A_1400, %broadcast_in_dim3A_1402, %select_n3A_1084 : vector<16xi1>, vector<16xf32>
      %eq3A_1404 = arith.cmpf oeq, %select_n3A_1088, %max3A_1287 : vector<16xf32>
      %jit3A_1405 = arith.constant 0xFF800000 : f32
      %broadcast_in_dim3A_1406 = vector.broadcast %jit3A_1405 : f32 to vector<16xf32>
      %select_n3A_1407 = arith.select %eq3A_1404, %broadcast_in_dim3A_1406, %select_n3A_1088 : vector<16xi1>, vector<16xf32>
      %eq3A_1408 = arith.cmpf oeq, %select_n3A_1092, %max3A_1287 : vector<16xf32>
      %jit3A_1409 = arith.constant 0xFF800000 : f32
      %broadcast_in_dim3A_1410 = vector.broadcast %jit3A_1409 : f32 to vector<16xf32>
      %select_n3A_1411 = arith.select %eq3A_1408, %broadcast_in_dim3A_1410, %select_n3A_1092 : vector<16xi1>, vector<16xf32>
      %eq3A_1412 = arith.cmpf oeq, %select_n3A_1096, %max3A_1287 : vector<16xf32>
      %jit3A_1413 = arith.constant 0xFF800000 : f32
      %broadcast_in_dim3A_1414 = vector.broadcast %jit3A_1413 : f32 to vector<16xf32>
      %select_n3A_1415 = arith.select %eq3A_1412, %broadcast_in_dim3A_1414, %select_n3A_1096 : vector<16xi1>, vector<16xf32>
      %eq3A_1416 = arith.cmpf oeq, %select_n3A_1100, %max3A_1287 : vector<16xf32>
      %jit3A_1417 = arith.constant 0xFF800000 : f32
      %broadcast_in_dim3A_1418 = vector.broadcast %jit3A_1417 : f32 to vector<16xf32>
      %select_n3A_1419 = arith.select %eq3A_1416, %broadcast_in_dim3A_1418, %select_n3A_1100 : vector<16xi1>, vector<16xf32>
      %eq3A_1420 = arith.cmpf oeq, %select_n3A_1104, %max3A_1287 : vector<16xf32>
      %jit3A_1421 = arith.constant 0xFF800000 : f32
      %broadcast_in_dim3A_1422 = vector.broadcast %jit3A_1421 : f32 to vector<16xf32>
      %select_n3A_1423 = arith.select %eq3A_1420, %broadcast_in_dim3A_1422, %select_n3A_1104 : vector<16xi1>, vector<16xf32>
      %eq3A_1424 = arith.cmpf oeq, %select_n3A_1108, %max3A_1287 : vector<16xf32>
      %jit3A_1425 = arith.constant 0xFF800000 : f32
      %broadcast_in_dim3A_1426 = vector.broadcast %jit3A_1425 : f32 to vector<16xf32>
      %select_n3A_1427 = arith.select %eq3A_1424, %broadcast_in_dim3A_1426, %select_n3A_1108 : vector<16xi1>, vector<16xf32>
      %eq3A_1428 = arith.cmpf oeq, %select_n3A_1112, %max3A_1287 : vector<16xf32>
      %jit3A_1429 = arith.constant 0xFF800000 : f32
      %broadcast_in_dim3A_1430 = vector.broadcast %jit3A_1429 : f32 to vector<16xf32>
      %select_n3A_1431 = arith.select %eq3A_1428, %broadcast_in_dim3A_1430, %select_n3A_1112 : vector<16xi1>, vector<16xf32>
      %eq3A_1432 = arith.cmpf oeq, %select_n3A_1116, %max3A_1287 : vector<16xf32>
      %jit3A_1433 = arith.constant 0xFF800000 : f32
      %broadcast_in_dim3A_1434 = vector.broadcast %jit3A_1433 : f32 to vector<16xf32>
      %select_n3A_1435 = arith.select %eq3A_1432, %broadcast_in_dim3A_1434, %select_n3A_1116 : vector<16xi1>, vector<16xf32>
      %eq3A_1436 = arith.cmpf oeq, %select_n3A_1120, %max3A_1287 : vector<16xf32>
      %jit3A_1437 = arith.constant 0xFF800000 : f32
      %broadcast_in_dim3A_1438 = vector.broadcast %jit3A_1437 : f32 to vector<16xf32>
      %select_n3A_1439 = arith.select %eq3A_1436, %broadcast_in_dim3A_1438, %select_n3A_1120 : vector<16xi1>, vector<16xf32>
      %eq3A_1440 = arith.cmpf oeq, %select_n3A_1124, %max3A_1287 : vector<16xf32>
      %jit3A_1441 = arith.constant 0xFF800000 : f32
      %broadcast_in_dim3A_1442 = vector.broadcast %jit3A_1441 : f32 to vector<16xf32>
      %select_n3A_1443 = arith.select %eq3A_1440, %broadcast_in_dim3A_1442, %select_n3A_1124 : vector<16xi1>, vector<16xf32>
      %eq3A_1444 = arith.cmpf oeq, %select_n3A_1128, %max3A_1287 : vector<16xf32>
      %jit3A_1445 = arith.constant 0xFF800000 : f32
      %broadcast_in_dim3A_1446 = vector.broadcast %jit3A_1445 : f32 to vector<16xf32>
      %select_n3A_1447 = arith.select %eq3A_1444, %broadcast_in_dim3A_1446, %select_n3A_1128 : vector<16xi1>, vector<16xf32>
      %eq3A_1448 = arith.cmpf oeq, %select_n3A_1132, %max3A_1287 : vector<16xf32>
      %jit3A_1449 = arith.constant 0xFF800000 : f32
      %broadcast_in_dim3A_1450 = vector.broadcast %jit3A_1449 : f32 to vector<16xf32>
      %select_n3A_1451 = arith.select %eq3A_1448, %broadcast_in_dim3A_1450, %select_n3A_1132 : vector<16xi1>, vector<16xf32>
      %eq3A_1452 = arith.cmpf oeq, %select_n3A_1136, %max3A_1287 : vector<16xf32>
      %jit3A_1453 = arith.constant 0xFF800000 : f32
      %broadcast_in_dim3A_1454 = vector.broadcast %jit3A_1453 : f32 to vector<16xf32>
      %select_n3A_1455 = arith.select %eq3A_1452, %broadcast_in_dim3A_1454, %select_n3A_1136 : vector<16xi1>, vector<16xf32>
      %eq3A_1456 = arith.cmpf oeq, %select_n3A_1140, %max3A_1287 : vector<16xf32>
      %jit3A_1457 = arith.constant 0xFF800000 : f32
      %broadcast_in_dim3A_1458 = vector.broadcast %jit3A_1457 : f32 to vector<16xf32>
      %select_n3A_1459 = arith.select %eq3A_1456, %broadcast_in_dim3A_1458, %select_n3A_1140 : vector<16xi1>, vector<16xf32>
      %eq3A_1460 = arith.cmpf oeq, %select_n3A_1144, %max3A_1287 : vector<16xf32>
      %jit3A_1461 = arith.constant 0xFF800000 : f32
      %broadcast_in_dim3A_1462 = vector.broadcast %jit3A_1461 : f32 to vector<16xf32>
      %select_n3A_1463 = arith.select %eq3A_1460, %broadcast_in_dim3A_1462, %select_n3A_1144 : vector<16xi1>, vector<16xf32>
      %eq3A_1464 = arith.cmpf oeq, %select_n3A_1148, %max3A_1287 : vector<16xf32>
      %jit3A_1465 = arith.constant 0xFF800000 : f32
      %broadcast_in_dim3A_1466 = vector.broadcast %jit3A_1465 : f32 to vector<16xf32>
      %select_n3A_1467 = arith.select %eq3A_1464, %broadcast_in_dim3A_1466, %select_n3A_1148 : vector<16xi1>, vector<16xf32>
      %eq3A_1468 = arith.cmpf oeq, %select_n3A_1152, %max3A_1287 : vector<16xf32>
      %jit3A_1469 = arith.constant 0xFF800000 : f32
      %broadcast_in_dim3A_1470 = vector.broadcast %jit3A_1469 : f32 to vector<16xf32>
      %select_n3A_1471 = arith.select %eq3A_1468, %broadcast_in_dim3A_1470, %select_n3A_1152 : vector<16xi1>, vector<16xf32>
      %eq3A_1472 = arith.cmpf oeq, %select_n3A_1156, %max3A_1287 : vector<16xf32>
      %jit3A_1473 = arith.constant 0xFF800000 : f32
      %broadcast_in_dim3A_1474 = vector.broadcast %jit3A_1473 : f32 to vector<16xf32>
      %select_n3A_1475 = arith.select %eq3A_1472, %broadcast_in_dim3A_1474, %select_n3A_1156 : vector<16xi1>, vector<16xf32>
      %eq3A_1476 = arith.cmpf oeq, %select_n3A_1160, %max3A_1287 : vector<16xf32>
      %jit3A_1477 = arith.constant 0xFF800000 : f32
      %broadcast_in_dim3A_1478 = vector.broadcast %jit3A_1477 : f32 to vector<16xf32>
      %select_n3A_1479 = arith.select %eq3A_1476, %broadcast_in_dim3A_1478, %select_n3A_1160 : vector<16xi1>, vector<16xf32>
      %eq3A_1480 = arith.cmpf oeq, %select_n3A_1164, %max3A_1287 : vector<16xf32>
      %jit3A_1481 = arith.constant 0xFF800000 : f32
      %broadcast_in_dim3A_1482 = vector.broadcast %jit3A_1481 : f32 to vector<16xf32>
      %select_n3A_1483 = arith.select %eq3A_1480, %broadcast_in_dim3A_1482, %select_n3A_1164 : vector<16xi1>, vector<16xf32>
      %eq3A_1484 = arith.cmpf oeq, %select_n3A_1168, %max3A_1287 : vector<16xf32>
      %jit3A_1485 = arith.constant 0xFF800000 : f32
      %broadcast_in_dim3A_1486 = vector.broadcast %jit3A_1485 : f32 to vector<16xf32>
      %select_n3A_1487 = arith.select %eq3A_1484, %broadcast_in_dim3A_1486, %select_n3A_1168 : vector<16xi1>, vector<16xf32>
      %eq3A_1488 = arith.cmpf oeq, %select_n3A_1172, %max3A_1287 : vector<16xf32>
      %jit3A_1489 = arith.constant 0xFF800000 : f32
      %broadcast_in_dim3A_1490 = vector.broadcast %jit3A_1489 : f32 to vector<16xf32>
      %select_n3A_1491 = arith.select %eq3A_1488, %broadcast_in_dim3A_1490, %select_n3A_1172 : vector<16xi1>, vector<16xf32>
      %eq3A_1492 = arith.cmpf oeq, %select_n3A_1176, %max3A_1287 : vector<16xf32>
      %jit3A_1493 = arith.constant 0xFF800000 : f32
      %broadcast_in_dim3A_1494 = vector.broadcast %jit3A_1493 : f32 to vector<16xf32>
      %select_n3A_1495 = arith.select %eq3A_1492, %broadcast_in_dim3A_1494, %select_n3A_1176 : vector<16xi1>, vector<16xf32>
      %eq3A_1496 = arith.cmpf oeq, %select_n3A_1180, %max3A_1287 : vector<16xf32>
      %jit3A_1497 = arith.constant 0xFF800000 : f32
      %broadcast_in_dim3A_1498 = vector.broadcast %jit3A_1497 : f32 to vector<16xf32>
      %select_n3A_1499 = arith.select %eq3A_1496, %broadcast_in_dim3A_1498, %select_n3A_1180 : vector<16xi1>, vector<16xf32>
      %eq3A_1500 = arith.cmpf oeq, %select_n3A_1184, %max3A_1287 : vector<16xf32>
      %jit3A_1501 = arith.constant 0xFF800000 : f32
      %broadcast_in_dim3A_1502 = vector.broadcast %jit3A_1501 : f32 to vector<16xf32>
      %select_n3A_1503 = arith.select %eq3A_1500, %broadcast_in_dim3A_1502, %select_n3A_1184 : vector<16xi1>, vector<16xf32>
      %eq3A_1504 = arith.cmpf oeq, %select_n3A_1188, %max3A_1287 : vector<16xf32>
      %jit3A_1505 = arith.constant 0xFF800000 : f32
      %broadcast_in_dim3A_1506 = vector.broadcast %jit3A_1505 : f32 to vector<16xf32>
      %select_n3A_1507 = arith.select %eq3A_1504, %broadcast_in_dim3A_1506, %select_n3A_1188 : vector<16xi1>, vector<16xf32>
      %eq3A_1508 = arith.cmpf oeq, %select_n3A_1192, %max3A_1287 : vector<16xf32>
      %jit3A_1509 = arith.constant 0xFF800000 : f32
      %broadcast_in_dim3A_1510 = vector.broadcast %jit3A_1509 : f32 to vector<16xf32>
      %select_n3A_1511 = arith.select %eq3A_1508, %broadcast_in_dim3A_1510, %select_n3A_1192 : vector<16xi1>, vector<16xf32>
      %eq3A_1512 = arith.cmpf oeq, %select_n3A_1196, %max3A_1287 : vector<16xf32>
      %jit3A_1513 = arith.constant 0xFF800000 : f32
      %broadcast_in_dim3A_1514 = vector.broadcast %jit3A_1513 : f32 to vector<16xf32>
      %select_n3A_1515 = arith.select %eq3A_1512, %broadcast_in_dim3A_1514, %select_n3A_1196 : vector<16xi1>, vector<16xf32>
      %eq3A_1516 = arith.cmpf oeq, %select_n3A_1200, %max3A_1287 : vector<16xf32>
      %jit3A_1517 = arith.constant 0xFF800000 : f32
      %broadcast_in_dim3A_1518 = vector.broadcast %jit3A_1517 : f32 to vector<16xf32>
      %select_n3A_1519 = arith.select %eq3A_1516, %broadcast_in_dim3A_1518, %select_n3A_1200 : vector<16xi1>, vector<16xf32>
      %eq3A_1520 = arith.cmpf oeq, %select_n3A_1204, %max3A_1287 : vector<16xf32>
      %jit3A_1521 = arith.constant 0xFF800000 : f32
      %broadcast_in_dim3A_1522 = vector.broadcast %jit3A_1521 : f32 to vector<16xf32>
      %select_n3A_1523 = arith.select %eq3A_1520, %broadcast_in_dim3A_1522, %select_n3A_1204 : vector<16xi1>, vector<16xf32>
      %eq3A_1524 = arith.cmpf oeq, %select_n3A_1208, %max3A_1287 : vector<16xf32>
      %jit3A_1525 = arith.constant 0xFF800000 : f32
      %broadcast_in_dim3A_1526 = vector.broadcast %jit3A_1525 : f32 to vector<16xf32>
      %select_n3A_1527 = arith.select %eq3A_1524, %broadcast_in_dim3A_1526, %select_n3A_1208 : vector<16xi1>, vector<16xf32>
      %eq3A_1528 = arith.cmpf oeq, %select_n3A_1212, %max3A_1287 : vector<16xf32>
      %jit3A_1529 = arith.constant 0xFF800000 : f32
      %broadcast_in_dim3A_1530 = vector.broadcast %jit3A_1529 : f32 to vector<16xf32>
      %select_n3A_1531 = arith.select %eq3A_1528, %broadcast_in_dim3A_1530, %select_n3A_1212 : vector<16xi1>, vector<16xf32>
      %eq3A_1532 = arith.cmpf oeq, %select_n3A_1216, %max3A_1287 : vector<16xf32>
      %jit3A_1533 = arith.constant 0xFF800000 : f32
      %broadcast_in_dim3A_1534 = vector.broadcast %jit3A_1533 : f32 to vector<16xf32>
      %select_n3A_1535 = arith.select %eq3A_1532, %broadcast_in_dim3A_1534, %select_n3A_1216 : vector<16xi1>, vector<16xf32>
      %eq3A_1536 = arith.cmpf oeq, %select_n3A_1220, %max3A_1287 : vector<16xf32>
      %jit3A_1537 = arith.constant 0xFF800000 : f32
      %broadcast_in_dim3A_1538 = vector.broadcast %jit3A_1537 : f32 to vector<16xf32>
      %select_n3A_1539 = arith.select %eq3A_1536, %broadcast_in_dim3A_1538, %select_n3A_1220 : vector<16xi1>, vector<16xf32>
      %eq3A_1540 = arith.cmpf oeq, %select_n3A_1224, %max3A_1287 : vector<16xf32>
      %jit3A_1541 = arith.constant 0xFF800000 : f32
      %broadcast_in_dim3A_1542 = vector.broadcast %jit3A_1541 : f32 to vector<16xf32>
      %select_n3A_1543 = arith.select %eq3A_1540, %broadcast_in_dim3A_1542, %select_n3A_1224 : vector<16xi1>, vector<16xf32>
      %max3A_1544 = arith.maximumf %select_n3A_1291, %select_n3A_1295 : vector<16xf32>
      %max3A_1545 = arith.maximumf %select_n3A_1299, %select_n3A_1303 : vector<16xf32>
      %max3A_1546 = arith.maximumf %select_n3A_1307, %select_n3A_1311 : vector<16xf32>
      %max3A_1547 = arith.maximumf %select_n3A_1315, %select_n3A_1319 : vector<16xf32>
      %max3A_1548 = arith.maximumf %select_n3A_1323, %select_n3A_1327 : vector<16xf32>
      %max3A_1549 = arith.maximumf %select_n3A_1331, %select_n3A_1335 : vector<16xf32>
      %max3A_1550 = arith.maximumf %select_n3A_1339, %select_n3A_1343 : vector<16xf32>
      %max3A_1551 = arith.maximumf %select_n3A_1347, %select_n3A_1351 : vector<16xf32>
      %max3A_1552 = arith.maximumf %select_n3A_1355, %select_n3A_1359 : vector<16xf32>
      %max3A_1553 = arith.maximumf %select_n3A_1363, %select_n3A_1367 : vector<16xf32>
      %max3A_1554 = arith.maximumf %select_n3A_1371, %select_n3A_1375 : vector<16xf32>
      %max3A_1555 = arith.maximumf %select_n3A_1379, %select_n3A_1383 : vector<16xf32>
      %max3A_1556 = arith.maximumf %select_n3A_1387, %select_n3A_1391 : vector<16xf32>
      %max3A_1557 = arith.maximumf %select_n3A_1395, %select_n3A_1399 : vector<16xf32>
      %max3A_1558 = arith.maximumf %select_n3A_1403, %select_n3A_1407 : vector<16xf32>
      %max3A_1559 = arith.maximumf %select_n3A_1411, %select_n3A_1415 : vector<16xf32>
      %max3A_1560 = arith.maximumf %select_n3A_1419, %select_n3A_1423 : vector<16xf32>
      %max3A_1561 = arith.maximumf %select_n3A_1427, %select_n3A_1431 : vector<16xf32>
      %max3A_1562 = arith.maximumf %select_n3A_1435, %select_n3A_1439 : vector<16xf32>
      %max3A_1563 = arith.maximumf %select_n3A_1443, %select_n3A_1447 : vector<16xf32>
      %max3A_1564 = arith.maximumf %select_n3A_1451, %select_n3A_1455 : vector<16xf32>
      %max3A_1565 = arith.maximumf %select_n3A_1459, %select_n3A_1463 : vector<16xf32>
      %max3A_1566 = arith.maximumf %select_n3A_1467, %select_n3A_1471 : vector<16xf32>
      %max3A_1567 = arith.maximumf %select_n3A_1475, %select_n3A_1479 : vector<16xf32>
      %max3A_1568 = arith.maximumf %select_n3A_1483, %select_n3A_1487 : vector<16xf32>
      %max3A_1569 = arith.maximumf %select_n3A_1491, %select_n3A_1495 : vector<16xf32>
      %max3A_1570 = arith.maximumf %select_n3A_1499, %select_n3A_1503 : vector<16xf32>
      %max3A_1571 = arith.maximumf %select_n3A_1507, %select_n3A_1511 : vector<16xf32>
      %max3A_1572 = arith.maximumf %select_n3A_1515, %select_n3A_1519 : vector<16xf32>
      %max3A_1573 = arith.maximumf %select_n3A_1523, %select_n3A_1527 : vector<16xf32>
      %max3A_1574 = arith.maximumf %select_n3A_1531, %select_n3A_1535 : vector<16xf32>
      %max3A_1575 = arith.maximumf %select_n3A_1539, %select_n3A_1543 : vector<16xf32>
      %max3A_1576 = arith.maximumf %max3A_1544, %max3A_1545 : vector<16xf32>
      %max3A_1577 = arith.maximumf %max3A_1546, %max3A_1547 : vector<16xf32>
      %max3A_1578 = arith.maximumf %max3A_1548, %max3A_1549 : vector<16xf32>
      %max3A_1579 = arith.maximumf %max3A_1550, %max3A_1551 : vector<16xf32>
      %max3A_1580 = arith.maximumf %max3A_1552, %max3A_1553 : vector<16xf32>
      %max3A_1581 = arith.maximumf %max3A_1554, %max3A_1555 : vector<16xf32>
      %max3A_1582 = arith.maximumf %max3A_1556, %max3A_1557 : vector<16xf32>
      %max3A_1583 = arith.maximumf %max3A_1558, %max3A_1559 : vector<16xf32>
      %max3A_1584 = arith.maximumf %max3A_1560, %max3A_1561 : vector<16xf32>
      %max3A_1585 = arith.maximumf %max3A_1562, %max3A_1563 : vector<16xf32>
      %max3A_1586 = arith.maximumf %max3A_1564, %max3A_1565 : vector<16xf32>
      %max3A_1587 = arith.maximumf %max3A_1566, %max3A_1567 : vector<16xf32>
      %max3A_1588 = arith.maximumf %max3A_1568, %max3A_1569 : vector<16xf32>
      %max3A_1589 = arith.maximumf %max3A_1570, %max3A_1571 : vector<16xf32>
      %max3A_1590 = arith.maximumf %max3A_1572, %max3A_1573 : vector<16xf32>
      %max3A_1591 = arith.maximumf %max3A_1574, %max3A_1575 : vector<16xf32>
      %max3A_1592 = arith.maximumf %max3A_1576, %max3A_1577 : vector<16xf32>
      %max3A_1593 = arith.maximumf %max3A_1578, %max3A_1579 : vector<16xf32>
      %max3A_1594 = arith.maximumf %max3A_1580, %max3A_1581 : vector<16xf32>
      %max3A_1595 = arith.maximumf %max3A_1582, %max3A_1583 : vector<16xf32>
      %max3A_1596 = arith.maximumf %max3A_1584, %max3A_1585 : vector<16xf32>
      %max3A_1597 = arith.maximumf %max3A_1586, %max3A_1587 : vector<16xf32>
      %max3A_1598 = arith.maximumf %max3A_1588, %max3A_1589 : vector<16xf32>
      %max3A_1599 = arith.maximumf %max3A_1590, %max3A_1591 : vector<16xf32>
      %max3A_1600 = arith.maximumf %max3A_1592, %max3A_1593 : vector<16xf32>
      %max3A_1601 = arith.maximumf %max3A_1594, %max3A_1595 : vector<16xf32>
      %max3A_1602 = arith.maximumf %max3A_1596, %max3A_1597 : vector<16xf32>
      %max3A_1603 = arith.maximumf %max3A_1598, %max3A_1599 : vector<16xf32>
      %max3A_1604 = arith.maximumf %max3A_1600, %max3A_1601 : vector<16xf32>
      %max3A_1605 = arith.maximumf %max3A_1602, %max3A_1603 : vector<16xf32>
      %max3A_1606 = arith.maximumf %max3A_1604, %max3A_1605 : vector<16xf32>
      %eq3A_1607 = arith.cmpf oeq, %select_n3A_1291, %max3A_1606 : vector<16xf32>
      %jit3A_1608 = arith.constant 0xFF800000 : f32
      %broadcast_in_dim3A_1609 = vector.broadcast %jit3A_1608 : f32 to vector<16xf32>
      %select_n3A_1610 = arith.select %eq3A_1607, %broadcast_in_dim3A_1609, %select_n3A_1291 : vector<16xi1>, vector<16xf32>
      %eq3A_1611 = arith.cmpf oeq, %select_n3A_1295, %max3A_1606 : vector<16xf32>
      %jit3A_1612 = arith.constant 0xFF800000 : f32
      %broadcast_in_dim3A_1613 = vector.broadcast %jit3A_1612 : f32 to vector<16xf32>
      %select_n3A_1614 = arith.select %eq3A_1611, %broadcast_in_dim3A_1613, %select_n3A_1295 : vector<16xi1>, vector<16xf32>
      %eq3A_1615 = arith.cmpf oeq, %select_n3A_1299, %max3A_1606 : vector<16xf32>
      %jit3A_1616 = arith.constant 0xFF800000 : f32
      %broadcast_in_dim3A_1617 = vector.broadcast %jit3A_1616 : f32 to vector<16xf32>
      %select_n3A_1618 = arith.select %eq3A_1615, %broadcast_in_dim3A_1617, %select_n3A_1299 : vector<16xi1>, vector<16xf32>
      %eq3A_1619 = arith.cmpf oeq, %select_n3A_1303, %max3A_1606 : vector<16xf32>
      %jit3A_1620 = arith.constant 0xFF800000 : f32
      %broadcast_in_dim3A_1621 = vector.broadcast %jit3A_1620 : f32 to vector<16xf32>
      %select_n3A_1622 = arith.select %eq3A_1619, %broadcast_in_dim3A_1621, %select_n3A_1303 : vector<16xi1>, vector<16xf32>
      %eq3A_1623 = arith.cmpf oeq, %select_n3A_1307, %max3A_1606 : vector<16xf32>
      %jit3A_1624 = arith.constant 0xFF800000 : f32
      %broadcast_in_dim3A_1625 = vector.broadcast %jit3A_1624 : f32 to vector<16xf32>
      %select_n3A_1626 = arith.select %eq3A_1623, %broadcast_in_dim3A_1625, %select_n3A_1307 : vector<16xi1>, vector<16xf32>
      %eq3A_1627 = arith.cmpf oeq, %select_n3A_1311, %max3A_1606 : vector<16xf32>
      %jit3A_1628 = arith.constant 0xFF800000 : f32
      %broadcast_in_dim3A_1629 = vector.broadcast %jit3A_1628 : f32 to vector<16xf32>
      %select_n3A_1630 = arith.select %eq3A_1627, %broadcast_in_dim3A_1629, %select_n3A_1311 : vector<16xi1>, vector<16xf32>
      %eq3A_1631 = arith.cmpf oeq, %select_n3A_1315, %max3A_1606 : vector<16xf32>
      %jit3A_1632 = arith.constant 0xFF800000 : f32
      %broadcast_in_dim3A_1633 = vector.broadcast %jit3A_1632 : f32 to vector<16xf32>
      %select_n3A_1634 = arith.select %eq3A_1631, %broadcast_in_dim3A_1633, %select_n3A_1315 : vector<16xi1>, vector<16xf32>
      %eq3A_1635 = arith.cmpf oeq, %select_n3A_1319, %max3A_1606 : vector<16xf32>
      %jit3A_1636 = arith.constant 0xFF800000 : f32
      %broadcast_in_dim3A_1637 = vector.broadcast %jit3A_1636 : f32 to vector<16xf32>
      %select_n3A_1638 = arith.select %eq3A_1635, %broadcast_in_dim3A_1637, %select_n3A_1319 : vector<16xi1>, vector<16xf32>
      %eq3A_1639 = arith.cmpf oeq, %select_n3A_1323, %max3A_1606 : vector<16xf32>
      %jit3A_1640 = arith.constant 0xFF800000 : f32
      %broadcast_in_dim3A_1641 = vector.broadcast %jit3A_1640 : f32 to vector<16xf32>
      %select_n3A_1642 = arith.select %eq3A_1639, %broadcast_in_dim3A_1641, %select_n3A_1323 : vector<16xi1>, vector<16xf32>
      %eq3A_1643 = arith.cmpf oeq, %select_n3A_1327, %max3A_1606 : vector<16xf32>
      %jit3A_1644 = arith.constant 0xFF800000 : f32
      %broadcast_in_dim3A_1645 = vector.broadcast %jit3A_1644 : f32 to vector<16xf32>
      %select_n3A_1646 = arith.select %eq3A_1643, %broadcast_in_dim3A_1645, %select_n3A_1327 : vector<16xi1>, vector<16xf32>
      %eq3A_1647 = arith.cmpf oeq, %select_n3A_1331, %max3A_1606 : vector<16xf32>
      %jit3A_1648 = arith.constant 0xFF800000 : f32
      %broadcast_in_dim3A_1649 = vector.broadcast %jit3A_1648 : f32 to vector<16xf32>
      %select_n3A_1650 = arith.select %eq3A_1647, %broadcast_in_dim3A_1649, %select_n3A_1331 : vector<16xi1>, vector<16xf32>
      %eq3A_1651 = arith.cmpf oeq, %select_n3A_1335, %max3A_1606 : vector<16xf32>
      %jit3A_1652 = arith.constant 0xFF800000 : f32
      %broadcast_in_dim3A_1653 = vector.broadcast %jit3A_1652 : f32 to vector<16xf32>
      %select_n3A_1654 = arith.select %eq3A_1651, %broadcast_in_dim3A_1653, %select_n3A_1335 : vector<16xi1>, vector<16xf32>
      %eq3A_1655 = arith.cmpf oeq, %select_n3A_1339, %max3A_1606 : vector<16xf32>
      %jit3A_1656 = arith.constant 0xFF800000 : f32
      %broadcast_in_dim3A_1657 = vector.broadcast %jit3A_1656 : f32 to vector<16xf32>
      %select_n3A_1658 = arith.select %eq3A_1655, %broadcast_in_dim3A_1657, %select_n3A_1339 : vector<16xi1>, vector<16xf32>
      %eq3A_1659 = arith.cmpf oeq, %select_n3A_1343, %max3A_1606 : vector<16xf32>
      %jit3A_1660 = arith.constant 0xFF800000 : f32
      %broadcast_in_dim3A_1661 = vector.broadcast %jit3A_1660 : f32 to vector<16xf32>
      %select_n3A_1662 = arith.select %eq3A_1659, %broadcast_in_dim3A_1661, %select_n3A_1343 : vector<16xi1>, vector<16xf32>
      %eq3A_1663 = arith.cmpf oeq, %select_n3A_1347, %max3A_1606 : vector<16xf32>
      %jit3A_1664 = arith.constant 0xFF800000 : f32
      %broadcast_in_dim3A_1665 = vector.broadcast %jit3A_1664 : f32 to vector<16xf32>
      %select_n3A_1666 = arith.select %eq3A_1663, %broadcast_in_dim3A_1665, %select_n3A_1347 : vector<16xi1>, vector<16xf32>
      %eq3A_1667 = arith.cmpf oeq, %select_n3A_1351, %max3A_1606 : vector<16xf32>
      %jit3A_1668 = arith.constant 0xFF800000 : f32
      %broadcast_in_dim3A_1669 = vector.broadcast %jit3A_1668 : f32 to vector<16xf32>
      %select_n3A_1670 = arith.select %eq3A_1667, %broadcast_in_dim3A_1669, %select_n3A_1351 : vector<16xi1>, vector<16xf32>
      %eq3A_1671 = arith.cmpf oeq, %select_n3A_1355, %max3A_1606 : vector<16xf32>
      %jit3A_1672 = arith.constant 0xFF800000 : f32
      %broadcast_in_dim3A_1673 = vector.broadcast %jit3A_1672 : f32 to vector<16xf32>
      %select_n3A_1674 = arith.select %eq3A_1671, %broadcast_in_dim3A_1673, %select_n3A_1355 : vector<16xi1>, vector<16xf32>
      %eq3A_1675 = arith.cmpf oeq, %select_n3A_1359, %max3A_1606 : vector<16xf32>
      %jit3A_1676 = arith.constant 0xFF800000 : f32
      %broadcast_in_dim3A_1677 = vector.broadcast %jit3A_1676 : f32 to vector<16xf32>
      %select_n3A_1678 = arith.select %eq3A_1675, %broadcast_in_dim3A_1677, %select_n3A_1359 : vector<16xi1>, vector<16xf32>
      %eq3A_1679 = arith.cmpf oeq, %select_n3A_1363, %max3A_1606 : vector<16xf32>
      %jit3A_1680 = arith.constant 0xFF800000 : f32
      %broadcast_in_dim3A_1681 = vector.broadcast %jit3A_1680 : f32 to vector<16xf32>
      %select_n3A_1682 = arith.select %eq3A_1679, %broadcast_in_dim3A_1681, %select_n3A_1363 : vector<16xi1>, vector<16xf32>
      %eq3A_1683 = arith.cmpf oeq, %select_n3A_1367, %max3A_1606 : vector<16xf32>
      %jit3A_1684 = arith.constant 0xFF800000 : f32
      %broadcast_in_dim3A_1685 = vector.broadcast %jit3A_1684 : f32 to vector<16xf32>
      %select_n3A_1686 = arith.select %eq3A_1683, %broadcast_in_dim3A_1685, %select_n3A_1367 : vector<16xi1>, vector<16xf32>
      %eq3A_1687 = arith.cmpf oeq, %select_n3A_1371, %max3A_1606 : vector<16xf32>
      %jit3A_1688 = arith.constant 0xFF800000 : f32
      %broadcast_in_dim3A_1689 = vector.broadcast %jit3A_1688 : f32 to vector<16xf32>
      %select_n3A_1690 = arith.select %eq3A_1687, %broadcast_in_dim3A_1689, %select_n3A_1371 : vector<16xi1>, vector<16xf32>
      %eq3A_1691 = arith.cmpf oeq, %select_n3A_1375, %max3A_1606 : vector<16xf32>
      %jit3A_1692 = arith.constant 0xFF800000 : f32
      %broadcast_in_dim3A_1693 = vector.broadcast %jit3A_1692 : f32 to vector<16xf32>
      %select_n3A_1694 = arith.select %eq3A_1691, %broadcast_in_dim3A_1693, %select_n3A_1375 : vector<16xi1>, vector<16xf32>
      %eq3A_1695 = arith.cmpf oeq, %select_n3A_1379, %max3A_1606 : vector<16xf32>
      %jit3A_1696 = arith.constant 0xFF800000 : f32
      %broadcast_in_dim3A_1697 = vector.broadcast %jit3A_1696 : f32 to vector<16xf32>
      %select_n3A_1698 = arith.select %eq3A_1695, %broadcast_in_dim3A_1697, %select_n3A_1379 : vector<16xi1>, vector<16xf32>
      %eq3A_1699 = arith.cmpf oeq, %select_n3A_1383, %max3A_1606 : vector<16xf32>
      %jit3A_1700 = arith.constant 0xFF800000 : f32
      %broadcast_in_dim3A_1701 = vector.broadcast %jit3A_1700 : f32 to vector<16xf32>
      %select_n3A_1702 = arith.select %eq3A_1699, %broadcast_in_dim3A_1701, %select_n3A_1383 : vector<16xi1>, vector<16xf32>
      %eq3A_1703 = arith.cmpf oeq, %select_n3A_1387, %max3A_1606 : vector<16xf32>
      %jit3A_1704 = arith.constant 0xFF800000 : f32
      %broadcast_in_dim3A_1705 = vector.broadcast %jit3A_1704 : f32 to vector<16xf32>
      %select_n3A_1706 = arith.select %eq3A_1703, %broadcast_in_dim3A_1705, %select_n3A_1387 : vector<16xi1>, vector<16xf32>
      %eq3A_1707 = arith.cmpf oeq, %select_n3A_1391, %max3A_1606 : vector<16xf32>
      %jit3A_1708 = arith.constant 0xFF800000 : f32
      %broadcast_in_dim3A_1709 = vector.broadcast %jit3A_1708 : f32 to vector<16xf32>
      %select_n3A_1710 = arith.select %eq3A_1707, %broadcast_in_dim3A_1709, %select_n3A_1391 : vector<16xi1>, vector<16xf32>
      %eq3A_1711 = arith.cmpf oeq, %select_n3A_1395, %max3A_1606 : vector<16xf32>
      %jit3A_1712 = arith.constant 0xFF800000 : f32
      %broadcast_in_dim3A_1713 = vector.broadcast %jit3A_1712 : f32 to vector<16xf32>
      %select_n3A_1714 = arith.select %eq3A_1711, %broadcast_in_dim3A_1713, %select_n3A_1395 : vector<16xi1>, vector<16xf32>
      %eq3A_1715 = arith.cmpf oeq, %select_n3A_1399, %max3A_1606 : vector<16xf32>
      %jit3A_1716 = arith.constant 0xFF800000 : f32
      %broadcast_in_dim3A_1717 = vector.broadcast %jit3A_1716 : f32 to vector<16xf32>
      %select_n3A_1718 = arith.select %eq3A_1715, %broadcast_in_dim3A_1717, %select_n3A_1399 : vector<16xi1>, vector<16xf32>
      %eq3A_1719 = arith.cmpf oeq, %select_n3A_1403, %max3A_1606 : vector<16xf32>
      %jit3A_1720 = arith.constant 0xFF800000 : f32
      %broadcast_in_dim3A_1721 = vector.broadcast %jit3A_1720 : f32 to vector<16xf32>
      %select_n3A_1722 = arith.select %eq3A_1719, %broadcast_in_dim3A_1721, %select_n3A_1403 : vector<16xi1>, vector<16xf32>
      %eq3A_1723 = arith.cmpf oeq, %select_n3A_1407, %max3A_1606 : vector<16xf32>
      %jit3A_1724 = arith.constant 0xFF800000 : f32
      %broadcast_in_dim3A_1725 = vector.broadcast %jit3A_1724 : f32 to vector<16xf32>
      %select_n3A_1726 = arith.select %eq3A_1723, %broadcast_in_dim3A_1725, %select_n3A_1407 : vector<16xi1>, vector<16xf32>
      %eq3A_1727 = arith.cmpf oeq, %select_n3A_1411, %max3A_1606 : vector<16xf32>
      %jit3A_1728 = arith.constant 0xFF800000 : f32
      %broadcast_in_dim3A_1729 = vector.broadcast %jit3A_1728 : f32 to vector<16xf32>
      %select_n3A_1730 = arith.select %eq3A_1727, %broadcast_in_dim3A_1729, %select_n3A_1411 : vector<16xi1>, vector<16xf32>
      %eq3A_1731 = arith.cmpf oeq, %select_n3A_1415, %max3A_1606 : vector<16xf32>
      %jit3A_1732 = arith.constant 0xFF800000 : f32
      %broadcast_in_dim3A_1733 = vector.broadcast %jit3A_1732 : f32 to vector<16xf32>
      %select_n3A_1734 = arith.select %eq3A_1731, %broadcast_in_dim3A_1733, %select_n3A_1415 : vector<16xi1>, vector<16xf32>
      %eq3A_1735 = arith.cmpf oeq, %select_n3A_1419, %max3A_1606 : vector<16xf32>
      %jit3A_1736 = arith.constant 0xFF800000 : f32
      %broadcast_in_dim3A_1737 = vector.broadcast %jit3A_1736 : f32 to vector<16xf32>
      %select_n3A_1738 = arith.select %eq3A_1735, %broadcast_in_dim3A_1737, %select_n3A_1419 : vector<16xi1>, vector<16xf32>
      %eq3A_1739 = arith.cmpf oeq, %select_n3A_1423, %max3A_1606 : vector<16xf32>
      %jit3A_1740 = arith.constant 0xFF800000 : f32
      %broadcast_in_dim3A_1741 = vector.broadcast %jit3A_1740 : f32 to vector<16xf32>
      %select_n3A_1742 = arith.select %eq3A_1739, %broadcast_in_dim3A_1741, %select_n3A_1423 : vector<16xi1>, vector<16xf32>
      %eq3A_1743 = arith.cmpf oeq, %select_n3A_1427, %max3A_1606 : vector<16xf32>
      %jit3A_1744 = arith.constant 0xFF800000 : f32
      %broadcast_in_dim3A_1745 = vector.broadcast %jit3A_1744 : f32 to vector<16xf32>
      %select_n3A_1746 = arith.select %eq3A_1743, %broadcast_in_dim3A_1745, %select_n3A_1427 : vector<16xi1>, vector<16xf32>
      %eq3A_1747 = arith.cmpf oeq, %select_n3A_1431, %max3A_1606 : vector<16xf32>
      %jit3A_1748 = arith.constant 0xFF800000 : f32
      %broadcast_in_dim3A_1749 = vector.broadcast %jit3A_1748 : f32 to vector<16xf32>
      %select_n3A_1750 = arith.select %eq3A_1747, %broadcast_in_dim3A_1749, %select_n3A_1431 : vector<16xi1>, vector<16xf32>
      %eq3A_1751 = arith.cmpf oeq, %select_n3A_1435, %max3A_1606 : vector<16xf32>
      %jit3A_1752 = arith.constant 0xFF800000 : f32
      %broadcast_in_dim3A_1753 = vector.broadcast %jit3A_1752 : f32 to vector<16xf32>
      %select_n3A_1754 = arith.select %eq3A_1751, %broadcast_in_dim3A_1753, %select_n3A_1435 : vector<16xi1>, vector<16xf32>
      %eq3A_1755 = arith.cmpf oeq, %select_n3A_1439, %max3A_1606 : vector<16xf32>
      %jit3A_1756 = arith.constant 0xFF800000 : f32
      %broadcast_in_dim3A_1757 = vector.broadcast %jit3A_1756 : f32 to vector<16xf32>
      %select_n3A_1758 = arith.select %eq3A_1755, %broadcast_in_dim3A_1757, %select_n3A_1439 : vector<16xi1>, vector<16xf32>
      %eq3A_1759 = arith.cmpf oeq, %select_n3A_1443, %max3A_1606 : vector<16xf32>
      %jit3A_1760 = arith.constant 0xFF800000 : f32
      %broadcast_in_dim3A_1761 = vector.broadcast %jit3A_1760 : f32 to vector<16xf32>
      %select_n3A_1762 = arith.select %eq3A_1759, %broadcast_in_dim3A_1761, %select_n3A_1443 : vector<16xi1>, vector<16xf32>
      %eq3A_1763 = arith.cmpf oeq, %select_n3A_1447, %max3A_1606 : vector<16xf32>
      %jit3A_1764 = arith.constant 0xFF800000 : f32
      %broadcast_in_dim3A_1765 = vector.broadcast %jit3A_1764 : f32 to vector<16xf32>
      %select_n3A_1766 = arith.select %eq3A_1763, %broadcast_in_dim3A_1765, %select_n3A_1447 : vector<16xi1>, vector<16xf32>
      %eq3A_1767 = arith.cmpf oeq, %select_n3A_1451, %max3A_1606 : vector<16xf32>
      %jit3A_1768 = arith.constant 0xFF800000 : f32
      %broadcast_in_dim3A_1769 = vector.broadcast %jit3A_1768 : f32 to vector<16xf32>
      %select_n3A_1770 = arith.select %eq3A_1767, %broadcast_in_dim3A_1769, %select_n3A_1451 : vector<16xi1>, vector<16xf32>
      %eq3A_1771 = arith.cmpf oeq, %select_n3A_1455, %max3A_1606 : vector<16xf32>
      %jit3A_1772 = arith.constant 0xFF800000 : f32
      %broadcast_in_dim3A_1773 = vector.broadcast %jit3A_1772 : f32 to vector<16xf32>
      %select_n3A_1774 = arith.select %eq3A_1771, %broadcast_in_dim3A_1773, %select_n3A_1455 : vector<16xi1>, vector<16xf32>
      %eq3A_1775 = arith.cmpf oeq, %select_n3A_1459, %max3A_1606 : vector<16xf32>
      %jit3A_1776 = arith.constant 0xFF800000 : f32
      %broadcast_in_dim3A_1777 = vector.broadcast %jit3A_1776 : f32 to vector<16xf32>
      %select_n3A_1778 = arith.select %eq3A_1775, %broadcast_in_dim3A_1777, %select_n3A_1459 : vector<16xi1>, vector<16xf32>
      %eq3A_1779 = arith.cmpf oeq, %select_n3A_1463, %max3A_1606 : vector<16xf32>
      %jit3A_1780 = arith.constant 0xFF800000 : f32
      %broadcast_in_dim3A_1781 = vector.broadcast %jit3A_1780 : f32 to vector<16xf32>
      %select_n3A_1782 = arith.select %eq3A_1779, %broadcast_in_dim3A_1781, %select_n3A_1463 : vector<16xi1>, vector<16xf32>
      %eq3A_1783 = arith.cmpf oeq, %select_n3A_1467, %max3A_1606 : vector<16xf32>
      %jit3A_1784 = arith.constant 0xFF800000 : f32
      %broadcast_in_dim3A_1785 = vector.broadcast %jit3A_1784 : f32 to vector<16xf32>
      %select_n3A_1786 = arith.select %eq3A_1783, %broadcast_in_dim3A_1785, %select_n3A_1467 : vector<16xi1>, vector<16xf32>
      %eq3A_1787 = arith.cmpf oeq, %select_n3A_1471, %max3A_1606 : vector<16xf32>
      %jit3A_1788 = arith.constant 0xFF800000 : f32
      %broadcast_in_dim3A_1789 = vector.broadcast %jit3A_1788 : f32 to vector<16xf32>
      %select_n3A_1790 = arith.select %eq3A_1787, %broadcast_in_dim3A_1789, %select_n3A_1471 : vector<16xi1>, vector<16xf32>
      %eq3A_1791 = arith.cmpf oeq, %select_n3A_1475, %max3A_1606 : vector<16xf32>
      %jit3A_1792 = arith.constant 0xFF800000 : f32
      %broadcast_in_dim3A_1793 = vector.broadcast %jit3A_1792 : f32 to vector<16xf32>
      %select_n3A_1794 = arith.select %eq3A_1791, %broadcast_in_dim3A_1793, %select_n3A_1475 : vector<16xi1>, vector<16xf32>
      %eq3A_1795 = arith.cmpf oeq, %select_n3A_1479, %max3A_1606 : vector<16xf32>
      %jit3A_1796 = arith.constant 0xFF800000 : f32
      %broadcast_in_dim3A_1797 = vector.broadcast %jit3A_1796 : f32 to vector<16xf32>
      %select_n3A_1798 = arith.select %eq3A_1795, %broadcast_in_dim3A_1797, %select_n3A_1479 : vector<16xi1>, vector<16xf32>
      %eq3A_1799 = arith.cmpf oeq, %select_n3A_1483, %max3A_1606 : vector<16xf32>
      %jit3A_1800 = arith.constant 0xFF800000 : f32
      %broadcast_in_dim3A_1801 = vector.broadcast %jit3A_1800 : f32 to vector<16xf32>
      %select_n3A_1802 = arith.select %eq3A_1799, %broadcast_in_dim3A_1801, %select_n3A_1483 : vector<16xi1>, vector<16xf32>
      %eq3A_1803 = arith.cmpf oeq, %select_n3A_1487, %max3A_1606 : vector<16xf32>
      %jit3A_1804 = arith.constant 0xFF800000 : f32
      %broadcast_in_dim3A_1805 = vector.broadcast %jit3A_1804 : f32 to vector<16xf32>
      %select_n3A_1806 = arith.select %eq3A_1803, %broadcast_in_dim3A_1805, %select_n3A_1487 : vector<16xi1>, vector<16xf32>
      %eq3A_1807 = arith.cmpf oeq, %select_n3A_1491, %max3A_1606 : vector<16xf32>
      %jit3A_1808 = arith.constant 0xFF800000 : f32
      %broadcast_in_dim3A_1809 = vector.broadcast %jit3A_1808 : f32 to vector<16xf32>
      %select_n3A_1810 = arith.select %eq3A_1807, %broadcast_in_dim3A_1809, %select_n3A_1491 : vector<16xi1>, vector<16xf32>
      %eq3A_1811 = arith.cmpf oeq, %select_n3A_1495, %max3A_1606 : vector<16xf32>
      %jit3A_1812 = arith.constant 0xFF800000 : f32
      %broadcast_in_dim3A_1813 = vector.broadcast %jit3A_1812 : f32 to vector<16xf32>
      %select_n3A_1814 = arith.select %eq3A_1811, %broadcast_in_dim3A_1813, %select_n3A_1495 : vector<16xi1>, vector<16xf32>
      %eq3A_1815 = arith.cmpf oeq, %select_n3A_1499, %max3A_1606 : vector<16xf32>
      %jit3A_1816 = arith.constant 0xFF800000 : f32
      %broadcast_in_dim3A_1817 = vector.broadcast %jit3A_1816 : f32 to vector<16xf32>
      %select_n3A_1818 = arith.select %eq3A_1815, %broadcast_in_dim3A_1817, %select_n3A_1499 : vector<16xi1>, vector<16xf32>
      %eq3A_1819 = arith.cmpf oeq, %select_n3A_1503, %max3A_1606 : vector<16xf32>
      %jit3A_1820 = arith.constant 0xFF800000 : f32
      %broadcast_in_dim3A_1821 = vector.broadcast %jit3A_1820 : f32 to vector<16xf32>
      %select_n3A_1822 = arith.select %eq3A_1819, %broadcast_in_dim3A_1821, %select_n3A_1503 : vector<16xi1>, vector<16xf32>
      %eq3A_1823 = arith.cmpf oeq, %select_n3A_1507, %max3A_1606 : vector<16xf32>
      %jit3A_1824 = arith.constant 0xFF800000 : f32
      %broadcast_in_dim3A_1825 = vector.broadcast %jit3A_1824 : f32 to vector<16xf32>
      %select_n3A_1826 = arith.select %eq3A_1823, %broadcast_in_dim3A_1825, %select_n3A_1507 : vector<16xi1>, vector<16xf32>
      %eq3A_1827 = arith.cmpf oeq, %select_n3A_1511, %max3A_1606 : vector<16xf32>
      %jit3A_1828 = arith.constant 0xFF800000 : f32
      %broadcast_in_dim3A_1829 = vector.broadcast %jit3A_1828 : f32 to vector<16xf32>
      %select_n3A_1830 = arith.select %eq3A_1827, %broadcast_in_dim3A_1829, %select_n3A_1511 : vector<16xi1>, vector<16xf32>
      %eq3A_1831 = arith.cmpf oeq, %select_n3A_1515, %max3A_1606 : vector<16xf32>
      %jit3A_1832 = arith.constant 0xFF800000 : f32
      %broadcast_in_dim3A_1833 = vector.broadcast %jit3A_1832 : f32 to vector<16xf32>
      %select_n3A_1834 = arith.select %eq3A_1831, %broadcast_in_dim3A_1833, %select_n3A_1515 : vector<16xi1>, vector<16xf32>
      %eq3A_1835 = arith.cmpf oeq, %select_n3A_1519, %max3A_1606 : vector<16xf32>
      %jit3A_1836 = arith.constant 0xFF800000 : f32
      %broadcast_in_dim3A_1837 = vector.broadcast %jit3A_1836 : f32 to vector<16xf32>
      %select_n3A_1838 = arith.select %eq3A_1835, %broadcast_in_dim3A_1837, %select_n3A_1519 : vector<16xi1>, vector<16xf32>
      %eq3A_1839 = arith.cmpf oeq, %select_n3A_1523, %max3A_1606 : vector<16xf32>
      %jit3A_1840 = arith.constant 0xFF800000 : f32
      %broadcast_in_dim3A_1841 = vector.broadcast %jit3A_1840 : f32 to vector<16xf32>
      %select_n3A_1842 = arith.select %eq3A_1839, %broadcast_in_dim3A_1841, %select_n3A_1523 : vector<16xi1>, vector<16xf32>
      %eq3A_1843 = arith.cmpf oeq, %select_n3A_1527, %max3A_1606 : vector<16xf32>
      %jit3A_1844 = arith.constant 0xFF800000 : f32
      %broadcast_in_dim3A_1845 = vector.broadcast %jit3A_1844 : f32 to vector<16xf32>
      %select_n3A_1846 = arith.select %eq3A_1843, %broadcast_in_dim3A_1845, %select_n3A_1527 : vector<16xi1>, vector<16xf32>
      %eq3A_1847 = arith.cmpf oeq, %select_n3A_1531, %max3A_1606 : vector<16xf32>
      %jit3A_1848 = arith.constant 0xFF800000 : f32
      %broadcast_in_dim3A_1849 = vector.broadcast %jit3A_1848 : f32 to vector<16xf32>
      %select_n3A_1850 = arith.select %eq3A_1847, %broadcast_in_dim3A_1849, %select_n3A_1531 : vector<16xi1>, vector<16xf32>
      %eq3A_1851 = arith.cmpf oeq, %select_n3A_1535, %max3A_1606 : vector<16xf32>
      %jit3A_1852 = arith.constant 0xFF800000 : f32
      %broadcast_in_dim3A_1853 = vector.broadcast %jit3A_1852 : f32 to vector<16xf32>
      %select_n3A_1854 = arith.select %eq3A_1851, %broadcast_in_dim3A_1853, %select_n3A_1535 : vector<16xi1>, vector<16xf32>
      %eq3A_1855 = arith.cmpf oeq, %select_n3A_1539, %max3A_1606 : vector<16xf32>
      %jit3A_1856 = arith.constant 0xFF800000 : f32
      %broadcast_in_dim3A_1857 = vector.broadcast %jit3A_1856 : f32 to vector<16xf32>
      %select_n3A_1858 = arith.select %eq3A_1855, %broadcast_in_dim3A_1857, %select_n3A_1539 : vector<16xi1>, vector<16xf32>
      %eq3A_1859 = arith.cmpf oeq, %select_n3A_1543, %max3A_1606 : vector<16xf32>
      %jit3A_1860 = arith.constant 0xFF800000 : f32
      %broadcast_in_dim3A_1861 = vector.broadcast %jit3A_1860 : f32 to vector<16xf32>
      %select_n3A_1862 = arith.select %eq3A_1859, %broadcast_in_dim3A_1861, %select_n3A_1543 : vector<16xi1>, vector<16xf32>
      %max3A_1863 = arith.maximumf %select_n3A_1610, %select_n3A_1614 : vector<16xf32>
      %max3A_1864 = arith.maximumf %select_n3A_1618, %select_n3A_1622 : vector<16xf32>
      %max3A_1865 = arith.maximumf %select_n3A_1626, %select_n3A_1630 : vector<16xf32>
      %max3A_1866 = arith.maximumf %select_n3A_1634, %select_n3A_1638 : vector<16xf32>
      %max3A_1867 = arith.maximumf %select_n3A_1642, %select_n3A_1646 : vector<16xf32>
      %max3A_1868 = arith.maximumf %select_n3A_1650, %select_n3A_1654 : vector<16xf32>
      %max3A_1869 = arith.maximumf %select_n3A_1658, %select_n3A_1662 : vector<16xf32>
      %max3A_1870 = arith.maximumf %select_n3A_1666, %select_n3A_1670 : vector<16xf32>
      %max3A_1871 = arith.maximumf %select_n3A_1674, %select_n3A_1678 : vector<16xf32>
      %max3A_1872 = arith.maximumf %select_n3A_1682, %select_n3A_1686 : vector<16xf32>
      %max3A_1873 = arith.maximumf %select_n3A_1690, %select_n3A_1694 : vector<16xf32>
      %max3A_1874 = arith.maximumf %select_n3A_1698, %select_n3A_1702 : vector<16xf32>
      %max3A_1875 = arith.maximumf %select_n3A_1706, %select_n3A_1710 : vector<16xf32>
      %max3A_1876 = arith.maximumf %select_n3A_1714, %select_n3A_1718 : vector<16xf32>
      %max3A_1877 = arith.maximumf %select_n3A_1722, %select_n3A_1726 : vector<16xf32>
      %max3A_1878 = arith.maximumf %select_n3A_1730, %select_n3A_1734 : vector<16xf32>
      %max3A_1879 = arith.maximumf %select_n3A_1738, %select_n3A_1742 : vector<16xf32>
      %max3A_1880 = arith.maximumf %select_n3A_1746, %select_n3A_1750 : vector<16xf32>
      %max3A_1881 = arith.maximumf %select_n3A_1754, %select_n3A_1758 : vector<16xf32>
      %max3A_1882 = arith.maximumf %select_n3A_1762, %select_n3A_1766 : vector<16xf32>
      %max3A_1883 = arith.maximumf %select_n3A_1770, %select_n3A_1774 : vector<16xf32>
      %max3A_1884 = arith.maximumf %select_n3A_1778, %select_n3A_1782 : vector<16xf32>
      %max3A_1885 = arith.maximumf %select_n3A_1786, %select_n3A_1790 : vector<16xf32>
      %max3A_1886 = arith.maximumf %select_n3A_1794, %select_n3A_1798 : vector<16xf32>
      %max3A_1887 = arith.maximumf %select_n3A_1802, %select_n3A_1806 : vector<16xf32>
      %max3A_1888 = arith.maximumf %select_n3A_1810, %select_n3A_1814 : vector<16xf32>
      %max3A_1889 = arith.maximumf %select_n3A_1818, %select_n3A_1822 : vector<16xf32>
      %max3A_1890 = arith.maximumf %select_n3A_1826, %select_n3A_1830 : vector<16xf32>
      %max3A_1891 = arith.maximumf %select_n3A_1834, %select_n3A_1838 : vector<16xf32>
      %max3A_1892 = arith.maximumf %select_n3A_1842, %select_n3A_1846 : vector<16xf32>
      %max3A_1893 = arith.maximumf %select_n3A_1850, %select_n3A_1854 : vector<16xf32>
      %max3A_1894 = arith.maximumf %select_n3A_1858, %select_n3A_1862 : vector<16xf32>
      %max3A_1895 = arith.maximumf %max3A_1863, %max3A_1864 : vector<16xf32>
      %max3A_1896 = arith.maximumf %max3A_1865, %max3A_1866 : vector<16xf32>
      %max3A_1897 = arith.maximumf %max3A_1867, %max3A_1868 : vector<16xf32>
      %max3A_1898 = arith.maximumf %max3A_1869, %max3A_1870 : vector<16xf32>
      %max3A_1899 = arith.maximumf %max3A_1871, %max3A_1872 : vector<16xf32>
      %max3A_1900 = arith.maximumf %max3A_1873, %max3A_1874 : vector<16xf32>
      %max3A_1901 = arith.maximumf %max3A_1875, %max3A_1876 : vector<16xf32>
      %max3A_1902 = arith.maximumf %max3A_1877, %max3A_1878 : vector<16xf32>
      %max3A_1903 = arith.maximumf %max3A_1879, %max3A_1880 : vector<16xf32>
      %max3A_1904 = arith.maximumf %max3A_1881, %max3A_1882 : vector<16xf32>
      %max3A_1905 = arith.maximumf %max3A_1883, %max3A_1884 : vector<16xf32>
      %max3A_1906 = arith.maximumf %max3A_1885, %max3A_1886 : vector<16xf32>
      %max3A_1907 = arith.maximumf %max3A_1887, %max3A_1888 : vector<16xf32>
      %max3A_1908 = arith.maximumf %max3A_1889, %max3A_1890 : vector<16xf32>
      %max3A_1909 = arith.maximumf %max3A_1891, %max3A_1892 : vector<16xf32>
      %max3A_1910 = arith.maximumf %max3A_1893, %max3A_1894 : vector<16xf32>
      %max3A_1911 = arith.maximumf %max3A_1895, %max3A_1896 : vector<16xf32>
      %max3A_1912 = arith.maximumf %max3A_1897, %max3A_1898 : vector<16xf32>
      %max3A_1913 = arith.maximumf %max3A_1899, %max3A_1900 : vector<16xf32>
      %max3A_1914 = arith.maximumf %max3A_1901, %max3A_1902 : vector<16xf32>
      %max3A_1915 = arith.maximumf %max3A_1903, %max3A_1904 : vector<16xf32>
      %max3A_1916 = arith.maximumf %max3A_1905, %max3A_1906 : vector<16xf32>
      %max3A_1917 = arith.maximumf %max3A_1907, %max3A_1908 : vector<16xf32>
      %max3A_1918 = arith.maximumf %max3A_1909, %max3A_1910 : vector<16xf32>
      %max3A_1919 = arith.maximumf %max3A_1911, %max3A_1912 : vector<16xf32>
      %max3A_1920 = arith.maximumf %max3A_1913, %max3A_1914 : vector<16xf32>
      %max3A_1921 = arith.maximumf %max3A_1915, %max3A_1916 : vector<16xf32>
      %max3A_1922 = arith.maximumf %max3A_1917, %max3A_1918 : vector<16xf32>
      %max3A_1923 = arith.maximumf %max3A_1919, %max3A_1920 : vector<16xf32>
      %max3A_1924 = arith.maximumf %max3A_1921, %max3A_1922 : vector<16xf32>
      %max3A_1925 = arith.maximumf %max3A_1923, %max3A_1924 : vector<16xf32>
      %eq3A_1926 = arith.cmpf oeq, %select_n3A_1610, %max3A_1925 : vector<16xf32>
      %jit3A_1927 = arith.constant 0xFF800000 : f32
      %broadcast_in_dim3A_1928 = vector.broadcast %jit3A_1927 : f32 to vector<16xf32>
      %select_n3A_1929 = arith.select %eq3A_1926, %broadcast_in_dim3A_1928, %select_n3A_1610 : vector<16xi1>, vector<16xf32>
      %eq3A_1930 = arith.cmpf oeq, %select_n3A_1614, %max3A_1925 : vector<16xf32>
      %jit3A_1931 = arith.constant 0xFF800000 : f32
      %broadcast_in_dim3A_1932 = vector.broadcast %jit3A_1931 : f32 to vector<16xf32>
      %select_n3A_1933 = arith.select %eq3A_1930, %broadcast_in_dim3A_1932, %select_n3A_1614 : vector<16xi1>, vector<16xf32>
      %eq3A_1934 = arith.cmpf oeq, %select_n3A_1618, %max3A_1925 : vector<16xf32>
      %jit3A_1935 = arith.constant 0xFF800000 : f32
      %broadcast_in_dim3A_1936 = vector.broadcast %jit3A_1935 : f32 to vector<16xf32>
      %select_n3A_1937 = arith.select %eq3A_1934, %broadcast_in_dim3A_1936, %select_n3A_1618 : vector<16xi1>, vector<16xf32>
      %eq3A_1938 = arith.cmpf oeq, %select_n3A_1622, %max3A_1925 : vector<16xf32>
      %jit3A_1939 = arith.constant 0xFF800000 : f32
      %broadcast_in_dim3A_1940 = vector.broadcast %jit3A_1939 : f32 to vector<16xf32>
      %select_n3A_1941 = arith.select %eq3A_1938, %broadcast_in_dim3A_1940, %select_n3A_1622 : vector<16xi1>, vector<16xf32>
      %eq3A_1942 = arith.cmpf oeq, %select_n3A_1626, %max3A_1925 : vector<16xf32>
      %jit3A_1943 = arith.constant 0xFF800000 : f32
      %broadcast_in_dim3A_1944 = vector.broadcast %jit3A_1943 : f32 to vector<16xf32>
      %select_n3A_1945 = arith.select %eq3A_1942, %broadcast_in_dim3A_1944, %select_n3A_1626 : vector<16xi1>, vector<16xf32>
      %eq3A_1946 = arith.cmpf oeq, %select_n3A_1630, %max3A_1925 : vector<16xf32>
      %jit3A_1947 = arith.constant 0xFF800000 : f32
      %broadcast_in_dim3A_1948 = vector.broadcast %jit3A_1947 : f32 to vector<16xf32>
      %select_n3A_1949 = arith.select %eq3A_1946, %broadcast_in_dim3A_1948, %select_n3A_1630 : vector<16xi1>, vector<16xf32>
      %eq3A_1950 = arith.cmpf oeq, %select_n3A_1634, %max3A_1925 : vector<16xf32>
      %jit3A_1951 = arith.constant 0xFF800000 : f32
      %broadcast_in_dim3A_1952 = vector.broadcast %jit3A_1951 : f32 to vector<16xf32>
      %select_n3A_1953 = arith.select %eq3A_1950, %broadcast_in_dim3A_1952, %select_n3A_1634 : vector<16xi1>, vector<16xf32>
      %eq3A_1954 = arith.cmpf oeq, %select_n3A_1638, %max3A_1925 : vector<16xf32>
      %jit3A_1955 = arith.constant 0xFF800000 : f32
      %broadcast_in_dim3A_1956 = vector.broadcast %jit3A_1955 : f32 to vector<16xf32>
      %select_n3A_1957 = arith.select %eq3A_1954, %broadcast_in_dim3A_1956, %select_n3A_1638 : vector<16xi1>, vector<16xf32>
      %eq3A_1958 = arith.cmpf oeq, %select_n3A_1642, %max3A_1925 : vector<16xf32>
      %jit3A_1959 = arith.constant 0xFF800000 : f32
      %broadcast_in_dim3A_1960 = vector.broadcast %jit3A_1959 : f32 to vector<16xf32>
      %select_n3A_1961 = arith.select %eq3A_1958, %broadcast_in_dim3A_1960, %select_n3A_1642 : vector<16xi1>, vector<16xf32>
      %eq3A_1962 = arith.cmpf oeq, %select_n3A_1646, %max3A_1925 : vector<16xf32>
      %jit3A_1963 = arith.constant 0xFF800000 : f32
      %broadcast_in_dim3A_1964 = vector.broadcast %jit3A_1963 : f32 to vector<16xf32>
      %select_n3A_1965 = arith.select %eq3A_1962, %broadcast_in_dim3A_1964, %select_n3A_1646 : vector<16xi1>, vector<16xf32>
      %eq3A_1966 = arith.cmpf oeq, %select_n3A_1650, %max3A_1925 : vector<16xf32>
      %jit3A_1967 = arith.constant 0xFF800000 : f32
      %broadcast_in_dim3A_1968 = vector.broadcast %jit3A_1967 : f32 to vector<16xf32>
      %select_n3A_1969 = arith.select %eq3A_1966, %broadcast_in_dim3A_1968, %select_n3A_1650 : vector<16xi1>, vector<16xf32>
      %eq3A_1970 = arith.cmpf oeq, %select_n3A_1654, %max3A_1925 : vector<16xf32>
      %jit3A_1971 = arith.constant 0xFF800000 : f32
      %broadcast_in_dim3A_1972 = vector.broadcast %jit3A_1971 : f32 to vector<16xf32>
      %select_n3A_1973 = arith.select %eq3A_1970, %broadcast_in_dim3A_1972, %select_n3A_1654 : vector<16xi1>, vector<16xf32>
      %eq3A_1974 = arith.cmpf oeq, %select_n3A_1658, %max3A_1925 : vector<16xf32>
      %jit3A_1975 = arith.constant 0xFF800000 : f32
      %broadcast_in_dim3A_1976 = vector.broadcast %jit3A_1975 : f32 to vector<16xf32>
      %select_n3A_1977 = arith.select %eq3A_1974, %broadcast_in_dim3A_1976, %select_n3A_1658 : vector<16xi1>, vector<16xf32>
      %eq3A_1978 = arith.cmpf oeq, %select_n3A_1662, %max3A_1925 : vector<16xf32>
      %jit3A_1979 = arith.constant 0xFF800000 : f32
      %broadcast_in_dim3A_1980 = vector.broadcast %jit3A_1979 : f32 to vector<16xf32>
      %select_n3A_1981 = arith.select %eq3A_1978, %broadcast_in_dim3A_1980, %select_n3A_1662 : vector<16xi1>, vector<16xf32>
      %eq3A_1982 = arith.cmpf oeq, %select_n3A_1666, %max3A_1925 : vector<16xf32>
      %jit3A_1983 = arith.constant 0xFF800000 : f32
      %broadcast_in_dim3A_1984 = vector.broadcast %jit3A_1983 : f32 to vector<16xf32>
      %select_n3A_1985 = arith.select %eq3A_1982, %broadcast_in_dim3A_1984, %select_n3A_1666 : vector<16xi1>, vector<16xf32>
      %eq3A_1986 = arith.cmpf oeq, %select_n3A_1670, %max3A_1925 : vector<16xf32>
      %jit3A_1987 = arith.constant 0xFF800000 : f32
      %broadcast_in_dim3A_1988 = vector.broadcast %jit3A_1987 : f32 to vector<16xf32>
      %select_n3A_1989 = arith.select %eq3A_1986, %broadcast_in_dim3A_1988, %select_n3A_1670 : vector<16xi1>, vector<16xf32>
      %eq3A_1990 = arith.cmpf oeq, %select_n3A_1674, %max3A_1925 : vector<16xf32>
      %jit3A_1991 = arith.constant 0xFF800000 : f32
      %broadcast_in_dim3A_1992 = vector.broadcast %jit3A_1991 : f32 to vector<16xf32>
      %select_n3A_1993 = arith.select %eq3A_1990, %broadcast_in_dim3A_1992, %select_n3A_1674 : vector<16xi1>, vector<16xf32>
      %eq3A_1994 = arith.cmpf oeq, %select_n3A_1678, %max3A_1925 : vector<16xf32>
      %jit3A_1995 = arith.constant 0xFF800000 : f32
      %broadcast_in_dim3A_1996 = vector.broadcast %jit3A_1995 : f32 to vector<16xf32>
      %select_n3A_1997 = arith.select %eq3A_1994, %broadcast_in_dim3A_1996, %select_n3A_1678 : vector<16xi1>, vector<16xf32>
      %eq3A_1998 = arith.cmpf oeq, %select_n3A_1682, %max3A_1925 : vector<16xf32>
      %jit3A_1999 = arith.constant 0xFF800000 : f32
      %broadcast_in_dim3A_2000 = vector.broadcast %jit3A_1999 : f32 to vector<16xf32>
      %select_n3A_2001 = arith.select %eq3A_1998, %broadcast_in_dim3A_2000, %select_n3A_1682 : vector<16xi1>, vector<16xf32>
      %eq3A_2002 = arith.cmpf oeq, %select_n3A_1686, %max3A_1925 : vector<16xf32>
      %jit3A_2003 = arith.constant 0xFF800000 : f32
      %broadcast_in_dim3A_2004 = vector.broadcast %jit3A_2003 : f32 to vector<16xf32>
      %select_n3A_2005 = arith.select %eq3A_2002, %broadcast_in_dim3A_2004, %select_n3A_1686 : vector<16xi1>, vector<16xf32>
      %eq3A_2006 = arith.cmpf oeq, %select_n3A_1690, %max3A_1925 : vector<16xf32>
      %jit3A_2007 = arith.constant 0xFF800000 : f32
      %broadcast_in_dim3A_2008 = vector.broadcast %jit3A_2007 : f32 to vector<16xf32>
      %select_n3A_2009 = arith.select %eq3A_2006, %broadcast_in_dim3A_2008, %select_n3A_1690 : vector<16xi1>, vector<16xf32>
      %eq3A_2010 = arith.cmpf oeq, %select_n3A_1694, %max3A_1925 : vector<16xf32>
      %jit3A_2011 = arith.constant 0xFF800000 : f32
      %broadcast_in_dim3A_2012 = vector.broadcast %jit3A_2011 : f32 to vector<16xf32>
      %select_n3A_2013 = arith.select %eq3A_2010, %broadcast_in_dim3A_2012, %select_n3A_1694 : vector<16xi1>, vector<16xf32>
      %eq3A_2014 = arith.cmpf oeq, %select_n3A_1698, %max3A_1925 : vector<16xf32>
      %jit3A_2015 = arith.constant 0xFF800000 : f32
      %broadcast_in_dim3A_2016 = vector.broadcast %jit3A_2015 : f32 to vector<16xf32>
      %select_n3A_2017 = arith.select %eq3A_2014, %broadcast_in_dim3A_2016, %select_n3A_1698 : vector<16xi1>, vector<16xf32>
      %eq3A_2018 = arith.cmpf oeq, %select_n3A_1702, %max3A_1925 : vector<16xf32>
      %jit3A_2019 = arith.constant 0xFF800000 : f32
      %broadcast_in_dim3A_2020 = vector.broadcast %jit3A_2019 : f32 to vector<16xf32>
      %select_n3A_2021 = arith.select %eq3A_2018, %broadcast_in_dim3A_2020, %select_n3A_1702 : vector<16xi1>, vector<16xf32>
      %eq3A_2022 = arith.cmpf oeq, %select_n3A_1706, %max3A_1925 : vector<16xf32>
      %jit3A_2023 = arith.constant 0xFF800000 : f32
      %broadcast_in_dim3A_2024 = vector.broadcast %jit3A_2023 : f32 to vector<16xf32>
      %select_n3A_2025 = arith.select %eq3A_2022, %broadcast_in_dim3A_2024, %select_n3A_1706 : vector<16xi1>, vector<16xf32>
      %eq3A_2026 = arith.cmpf oeq, %select_n3A_1710, %max3A_1925 : vector<16xf32>
      %jit3A_2027 = arith.constant 0xFF800000 : f32
      %broadcast_in_dim3A_2028 = vector.broadcast %jit3A_2027 : f32 to vector<16xf32>
      %select_n3A_2029 = arith.select %eq3A_2026, %broadcast_in_dim3A_2028, %select_n3A_1710 : vector<16xi1>, vector<16xf32>
      %eq3A_2030 = arith.cmpf oeq, %select_n3A_1714, %max3A_1925 : vector<16xf32>
      %jit3A_2031 = arith.constant 0xFF800000 : f32
      %broadcast_in_dim3A_2032 = vector.broadcast %jit3A_2031 : f32 to vector<16xf32>
      %select_n3A_2033 = arith.select %eq3A_2030, %broadcast_in_dim3A_2032, %select_n3A_1714 : vector<16xi1>, vector<16xf32>
      %eq3A_2034 = arith.cmpf oeq, %select_n3A_1718, %max3A_1925 : vector<16xf32>
      %jit3A_2035 = arith.constant 0xFF800000 : f32
      %broadcast_in_dim3A_2036 = vector.broadcast %jit3A_2035 : f32 to vector<16xf32>
      %select_n3A_2037 = arith.select %eq3A_2034, %broadcast_in_dim3A_2036, %select_n3A_1718 : vector<16xi1>, vector<16xf32>
      %eq3A_2038 = arith.cmpf oeq, %select_n3A_1722, %max3A_1925 : vector<16xf32>
      %jit3A_2039 = arith.constant 0xFF800000 : f32
      %broadcast_in_dim3A_2040 = vector.broadcast %jit3A_2039 : f32 to vector<16xf32>
      %select_n3A_2041 = arith.select %eq3A_2038, %broadcast_in_dim3A_2040, %select_n3A_1722 : vector<16xi1>, vector<16xf32>
      %eq3A_2042 = arith.cmpf oeq, %select_n3A_1726, %max3A_1925 : vector<16xf32>
      %jit3A_2043 = arith.constant 0xFF800000 : f32
      %broadcast_in_dim3A_2044 = vector.broadcast %jit3A_2043 : f32 to vector<16xf32>
      %select_n3A_2045 = arith.select %eq3A_2042, %broadcast_in_dim3A_2044, %select_n3A_1726 : vector<16xi1>, vector<16xf32>
      %eq3A_2046 = arith.cmpf oeq, %select_n3A_1730, %max3A_1925 : vector<16xf32>
      %jit3A_2047 = arith.constant 0xFF800000 : f32
      %broadcast_in_dim3A_2048 = vector.broadcast %jit3A_2047 : f32 to vector<16xf32>
      %select_n3A_2049 = arith.select %eq3A_2046, %broadcast_in_dim3A_2048, %select_n3A_1730 : vector<16xi1>, vector<16xf32>
      %eq3A_2050 = arith.cmpf oeq, %select_n3A_1734, %max3A_1925 : vector<16xf32>
      %jit3A_2051 = arith.constant 0xFF800000 : f32
      %broadcast_in_dim3A_2052 = vector.broadcast %jit3A_2051 : f32 to vector<16xf32>
      %select_n3A_2053 = arith.select %eq3A_2050, %broadcast_in_dim3A_2052, %select_n3A_1734 : vector<16xi1>, vector<16xf32>
      %eq3A_2054 = arith.cmpf oeq, %select_n3A_1738, %max3A_1925 : vector<16xf32>
      %jit3A_2055 = arith.constant 0xFF800000 : f32
      %broadcast_in_dim3A_2056 = vector.broadcast %jit3A_2055 : f32 to vector<16xf32>
      %select_n3A_2057 = arith.select %eq3A_2054, %broadcast_in_dim3A_2056, %select_n3A_1738 : vector<16xi1>, vector<16xf32>
      %eq3A_2058 = arith.cmpf oeq, %select_n3A_1742, %max3A_1925 : vector<16xf32>
      %jit3A_2059 = arith.constant 0xFF800000 : f32
      %broadcast_in_dim3A_2060 = vector.broadcast %jit3A_2059 : f32 to vector<16xf32>
      %select_n3A_2061 = arith.select %eq3A_2058, %broadcast_in_dim3A_2060, %select_n3A_1742 : vector<16xi1>, vector<16xf32>
      %eq3A_2062 = arith.cmpf oeq, %select_n3A_1746, %max3A_1925 : vector<16xf32>
      %jit3A_2063 = arith.constant 0xFF800000 : f32
      %broadcast_in_dim3A_2064 = vector.broadcast %jit3A_2063 : f32 to vector<16xf32>
      %select_n3A_2065 = arith.select %eq3A_2062, %broadcast_in_dim3A_2064, %select_n3A_1746 : vector<16xi1>, vector<16xf32>
      %eq3A_2066 = arith.cmpf oeq, %select_n3A_1750, %max3A_1925 : vector<16xf32>
      %jit3A_2067 = arith.constant 0xFF800000 : f32
      %broadcast_in_dim3A_2068 = vector.broadcast %jit3A_2067 : f32 to vector<16xf32>
      %select_n3A_2069 = arith.select %eq3A_2066, %broadcast_in_dim3A_2068, %select_n3A_1750 : vector<16xi1>, vector<16xf32>
      %eq3A_2070 = arith.cmpf oeq, %select_n3A_1754, %max3A_1925 : vector<16xf32>
      %jit3A_2071 = arith.constant 0xFF800000 : f32
      %broadcast_in_dim3A_2072 = vector.broadcast %jit3A_2071 : f32 to vector<16xf32>
      %select_n3A_2073 = arith.select %eq3A_2070, %broadcast_in_dim3A_2072, %select_n3A_1754 : vector<16xi1>, vector<16xf32>
      %eq3A_2074 = arith.cmpf oeq, %select_n3A_1758, %max3A_1925 : vector<16xf32>
      %jit3A_2075 = arith.constant 0xFF800000 : f32
      %broadcast_in_dim3A_2076 = vector.broadcast %jit3A_2075 : f32 to vector<16xf32>
      %select_n3A_2077 = arith.select %eq3A_2074, %broadcast_in_dim3A_2076, %select_n3A_1758 : vector<16xi1>, vector<16xf32>
      %eq3A_2078 = arith.cmpf oeq, %select_n3A_1762, %max3A_1925 : vector<16xf32>
      %jit3A_2079 = arith.constant 0xFF800000 : f32
      %broadcast_in_dim3A_2080 = vector.broadcast %jit3A_2079 : f32 to vector<16xf32>
      %select_n3A_2081 = arith.select %eq3A_2078, %broadcast_in_dim3A_2080, %select_n3A_1762 : vector<16xi1>, vector<16xf32>
      %eq3A_2082 = arith.cmpf oeq, %select_n3A_1766, %max3A_1925 : vector<16xf32>
      %jit3A_2083 = arith.constant 0xFF800000 : f32
      %broadcast_in_dim3A_2084 = vector.broadcast %jit3A_2083 : f32 to vector<16xf32>
      %select_n3A_2085 = arith.select %eq3A_2082, %broadcast_in_dim3A_2084, %select_n3A_1766 : vector<16xi1>, vector<16xf32>
      %eq3A_2086 = arith.cmpf oeq, %select_n3A_1770, %max3A_1925 : vector<16xf32>
      %jit3A_2087 = arith.constant 0xFF800000 : f32
      %broadcast_in_dim3A_2088 = vector.broadcast %jit3A_2087 : f32 to vector<16xf32>
      %select_n3A_2089 = arith.select %eq3A_2086, %broadcast_in_dim3A_2088, %select_n3A_1770 : vector<16xi1>, vector<16xf32>
      %eq3A_2090 = arith.cmpf oeq, %select_n3A_1774, %max3A_1925 : vector<16xf32>
      %jit3A_2091 = arith.constant 0xFF800000 : f32
      %broadcast_in_dim3A_2092 = vector.broadcast %jit3A_2091 : f32 to vector<16xf32>
      %select_n3A_2093 = arith.select %eq3A_2090, %broadcast_in_dim3A_2092, %select_n3A_1774 : vector<16xi1>, vector<16xf32>
      %eq3A_2094 = arith.cmpf oeq, %select_n3A_1778, %max3A_1925 : vector<16xf32>
      %jit3A_2095 = arith.constant 0xFF800000 : f32
      %broadcast_in_dim3A_2096 = vector.broadcast %jit3A_2095 : f32 to vector<16xf32>
      %select_n3A_2097 = arith.select %eq3A_2094, %broadcast_in_dim3A_2096, %select_n3A_1778 : vector<16xi1>, vector<16xf32>
      %eq3A_2098 = arith.cmpf oeq, %select_n3A_1782, %max3A_1925 : vector<16xf32>
      %jit3A_2099 = arith.constant 0xFF800000 : f32
      %broadcast_in_dim3A_2100 = vector.broadcast %jit3A_2099 : f32 to vector<16xf32>
      %select_n3A_2101 = arith.select %eq3A_2098, %broadcast_in_dim3A_2100, %select_n3A_1782 : vector<16xi1>, vector<16xf32>
      %eq3A_2102 = arith.cmpf oeq, %select_n3A_1786, %max3A_1925 : vector<16xf32>
      %jit3A_2103 = arith.constant 0xFF800000 : f32
      %broadcast_in_dim3A_2104 = vector.broadcast %jit3A_2103 : f32 to vector<16xf32>
      %select_n3A_2105 = arith.select %eq3A_2102, %broadcast_in_dim3A_2104, %select_n3A_1786 : vector<16xi1>, vector<16xf32>
      %eq3A_2106 = arith.cmpf oeq, %select_n3A_1790, %max3A_1925 : vector<16xf32>
      %jit3A_2107 = arith.constant 0xFF800000 : f32
      %broadcast_in_dim3A_2108 = vector.broadcast %jit3A_2107 : f32 to vector<16xf32>
      %select_n3A_2109 = arith.select %eq3A_2106, %broadcast_in_dim3A_2108, %select_n3A_1790 : vector<16xi1>, vector<16xf32>
      %eq3A_2110 = arith.cmpf oeq, %select_n3A_1794, %max3A_1925 : vector<16xf32>
      %jit3A_2111 = arith.constant 0xFF800000 : f32
      %broadcast_in_dim3A_2112 = vector.broadcast %jit3A_2111 : f32 to vector<16xf32>
      %select_n3A_2113 = arith.select %eq3A_2110, %broadcast_in_dim3A_2112, %select_n3A_1794 : vector<16xi1>, vector<16xf32>
      %eq3A_2114 = arith.cmpf oeq, %select_n3A_1798, %max3A_1925 : vector<16xf32>
      %jit3A_2115 = arith.constant 0xFF800000 : f32
      %broadcast_in_dim3A_2116 = vector.broadcast %jit3A_2115 : f32 to vector<16xf32>
      %select_n3A_2117 = arith.select %eq3A_2114, %broadcast_in_dim3A_2116, %select_n3A_1798 : vector<16xi1>, vector<16xf32>
      %eq3A_2118 = arith.cmpf oeq, %select_n3A_1802, %max3A_1925 : vector<16xf32>
      %jit3A_2119 = arith.constant 0xFF800000 : f32
      %broadcast_in_dim3A_2120 = vector.broadcast %jit3A_2119 : f32 to vector<16xf32>
      %select_n3A_2121 = arith.select %eq3A_2118, %broadcast_in_dim3A_2120, %select_n3A_1802 : vector<16xi1>, vector<16xf32>
      %eq3A_2122 = arith.cmpf oeq, %select_n3A_1806, %max3A_1925 : vector<16xf32>
      %jit3A_2123 = arith.constant 0xFF800000 : f32
      %broadcast_in_dim3A_2124 = vector.broadcast %jit3A_2123 : f32 to vector<16xf32>
      %select_n3A_2125 = arith.select %eq3A_2122, %broadcast_in_dim3A_2124, %select_n3A_1806 : vector<16xi1>, vector<16xf32>
      %eq3A_2126 = arith.cmpf oeq, %select_n3A_1810, %max3A_1925 : vector<16xf32>
      %jit3A_2127 = arith.constant 0xFF800000 : f32
      %broadcast_in_dim3A_2128 = vector.broadcast %jit3A_2127 : f32 to vector<16xf32>
      %select_n3A_2129 = arith.select %eq3A_2126, %broadcast_in_dim3A_2128, %select_n3A_1810 : vector<16xi1>, vector<16xf32>
      %eq3A_2130 = arith.cmpf oeq, %select_n3A_1814, %max3A_1925 : vector<16xf32>
      %jit3A_2131 = arith.constant 0xFF800000 : f32
      %broadcast_in_dim3A_2132 = vector.broadcast %jit3A_2131 : f32 to vector<16xf32>
      %select_n3A_2133 = arith.select %eq3A_2130, %broadcast_in_dim3A_2132, %select_n3A_1814 : vector<16xi1>, vector<16xf32>
      %eq3A_2134 = arith.cmpf oeq, %select_n3A_1818, %max3A_1925 : vector<16xf32>
      %jit3A_2135 = arith.constant 0xFF800000 : f32
      %broadcast_in_dim3A_2136 = vector.broadcast %jit3A_2135 : f32 to vector<16xf32>
      %select_n3A_2137 = arith.select %eq3A_2134, %broadcast_in_dim3A_2136, %select_n3A_1818 : vector<16xi1>, vector<16xf32>
      %eq3A_2138 = arith.cmpf oeq, %select_n3A_1822, %max3A_1925 : vector<16xf32>
      %jit3A_2139 = arith.constant 0xFF800000 : f32
      %broadcast_in_dim3A_2140 = vector.broadcast %jit3A_2139 : f32 to vector<16xf32>
      %select_n3A_2141 = arith.select %eq3A_2138, %broadcast_in_dim3A_2140, %select_n3A_1822 : vector<16xi1>, vector<16xf32>
      %eq3A_2142 = arith.cmpf oeq, %select_n3A_1826, %max3A_1925 : vector<16xf32>
      %jit3A_2143 = arith.constant 0xFF800000 : f32
      %broadcast_in_dim3A_2144 = vector.broadcast %jit3A_2143 : f32 to vector<16xf32>
      %select_n3A_2145 = arith.select %eq3A_2142, %broadcast_in_dim3A_2144, %select_n3A_1826 : vector<16xi1>, vector<16xf32>
      %eq3A_2146 = arith.cmpf oeq, %select_n3A_1830, %max3A_1925 : vector<16xf32>
      %jit3A_2147 = arith.constant 0xFF800000 : f32
      %broadcast_in_dim3A_2148 = vector.broadcast %jit3A_2147 : f32 to vector<16xf32>
      %select_n3A_2149 = arith.select %eq3A_2146, %broadcast_in_dim3A_2148, %select_n3A_1830 : vector<16xi1>, vector<16xf32>
      %eq3A_2150 = arith.cmpf oeq, %select_n3A_1834, %max3A_1925 : vector<16xf32>
      %jit3A_2151 = arith.constant 0xFF800000 : f32
      %broadcast_in_dim3A_2152 = vector.broadcast %jit3A_2151 : f32 to vector<16xf32>
      %select_n3A_2153 = arith.select %eq3A_2150, %broadcast_in_dim3A_2152, %select_n3A_1834 : vector<16xi1>, vector<16xf32>
      %eq3A_2154 = arith.cmpf oeq, %select_n3A_1838, %max3A_1925 : vector<16xf32>
      %jit3A_2155 = arith.constant 0xFF800000 : f32
      %broadcast_in_dim3A_2156 = vector.broadcast %jit3A_2155 : f32 to vector<16xf32>
      %select_n3A_2157 = arith.select %eq3A_2154, %broadcast_in_dim3A_2156, %select_n3A_1838 : vector<16xi1>, vector<16xf32>
      %eq3A_2158 = arith.cmpf oeq, %select_n3A_1842, %max3A_1925 : vector<16xf32>
      %jit3A_2159 = arith.constant 0xFF800000 : f32
      %broadcast_in_dim3A_2160 = vector.broadcast %jit3A_2159 : f32 to vector<16xf32>
      %select_n3A_2161 = arith.select %eq3A_2158, %broadcast_in_dim3A_2160, %select_n3A_1842 : vector<16xi1>, vector<16xf32>
      %eq3A_2162 = arith.cmpf oeq, %select_n3A_1846, %max3A_1925 : vector<16xf32>
      %jit3A_2163 = arith.constant 0xFF800000 : f32
      %broadcast_in_dim3A_2164 = vector.broadcast %jit3A_2163 : f32 to vector<16xf32>
      %select_n3A_2165 = arith.select %eq3A_2162, %broadcast_in_dim3A_2164, %select_n3A_1846 : vector<16xi1>, vector<16xf32>
      %eq3A_2166 = arith.cmpf oeq, %select_n3A_1850, %max3A_1925 : vector<16xf32>
      %jit3A_2167 = arith.constant 0xFF800000 : f32
      %broadcast_in_dim3A_2168 = vector.broadcast %jit3A_2167 : f32 to vector<16xf32>
      %select_n3A_2169 = arith.select %eq3A_2166, %broadcast_in_dim3A_2168, %select_n3A_1850 : vector<16xi1>, vector<16xf32>
      %eq3A_2170 = arith.cmpf oeq, %select_n3A_1854, %max3A_1925 : vector<16xf32>
      %jit3A_2171 = arith.constant 0xFF800000 : f32
      %broadcast_in_dim3A_2172 = vector.broadcast %jit3A_2171 : f32 to vector<16xf32>
      %select_n3A_2173 = arith.select %eq3A_2170, %broadcast_in_dim3A_2172, %select_n3A_1854 : vector<16xi1>, vector<16xf32>
      %eq3A_2174 = arith.cmpf oeq, %select_n3A_1858, %max3A_1925 : vector<16xf32>
      %jit3A_2175 = arith.constant 0xFF800000 : f32
      %broadcast_in_dim3A_2176 = vector.broadcast %jit3A_2175 : f32 to vector<16xf32>
      %select_n3A_2177 = arith.select %eq3A_2174, %broadcast_in_dim3A_2176, %select_n3A_1858 : vector<16xi1>, vector<16xf32>
      %eq3A_2178 = arith.cmpf oeq, %select_n3A_1862, %max3A_1925 : vector<16xf32>
      %jit3A_2179 = arith.constant 0xFF800000 : f32
      %broadcast_in_dim3A_2180 = vector.broadcast %jit3A_2179 : f32 to vector<16xf32>
      %select_n3A_2181 = arith.select %eq3A_2178, %broadcast_in_dim3A_2180, %select_n3A_1862 : vector<16xi1>, vector<16xf32>
      %max3A_2182 = arith.maximumf %select_n3A_1929, %select_n3A_1933 : vector<16xf32>
      %max3A_2183 = arith.maximumf %select_n3A_1937, %select_n3A_1941 : vector<16xf32>
      %max3A_2184 = arith.maximumf %select_n3A_1945, %select_n3A_1949 : vector<16xf32>
      %max3A_2185 = arith.maximumf %select_n3A_1953, %select_n3A_1957 : vector<16xf32>
      %max3A_2186 = arith.maximumf %select_n3A_1961, %select_n3A_1965 : vector<16xf32>
      %max3A_2187 = arith.maximumf %select_n3A_1969, %select_n3A_1973 : vector<16xf32>
      %max3A_2188 = arith.maximumf %select_n3A_1977, %select_n3A_1981 : vector<16xf32>
      %max3A_2189 = arith.maximumf %select_n3A_1985, %select_n3A_1989 : vector<16xf32>
      %max3A_2190 = arith.maximumf %select_n3A_1993, %select_n3A_1997 : vector<16xf32>
      %max3A_2191 = arith.maximumf %select_n3A_2001, %select_n3A_2005 : vector<16xf32>
      %max3A_2192 = arith.maximumf %select_n3A_2009, %select_n3A_2013 : vector<16xf32>
      %max3A_2193 = arith.maximumf %select_n3A_2017, %select_n3A_2021 : vector<16xf32>
      %max3A_2194 = arith.maximumf %select_n3A_2025, %select_n3A_2029 : vector<16xf32>
      %max3A_2195 = arith.maximumf %select_n3A_2033, %select_n3A_2037 : vector<16xf32>
      %max3A_2196 = arith.maximumf %select_n3A_2041, %select_n3A_2045 : vector<16xf32>
      %max3A_2197 = arith.maximumf %select_n3A_2049, %select_n3A_2053 : vector<16xf32>
      %max3A_2198 = arith.maximumf %select_n3A_2057, %select_n3A_2061 : vector<16xf32>
      %max3A_2199 = arith.maximumf %select_n3A_2065, %select_n3A_2069 : vector<16xf32>
      %max3A_2200 = arith.maximumf %select_n3A_2073, %select_n3A_2077 : vector<16xf32>
      %max3A_2201 = arith.maximumf %select_n3A_2081, %select_n3A_2085 : vector<16xf32>
      %max3A_2202 = arith.maximumf %select_n3A_2089, %select_n3A_2093 : vector<16xf32>
      %max3A_2203 = arith.maximumf %select_n3A_2097, %select_n3A_2101 : vector<16xf32>
      %max3A_2204 = arith.maximumf %select_n3A_2105, %select_n3A_2109 : vector<16xf32>
      %max3A_2205 = arith.maximumf %select_n3A_2113, %select_n3A_2117 : vector<16xf32>
      %max3A_2206 = arith.maximumf %select_n3A_2121, %select_n3A_2125 : vector<16xf32>
      %max3A_2207 = arith.maximumf %select_n3A_2129, %select_n3A_2133 : vector<16xf32>
      %max3A_2208 = arith.maximumf %select_n3A_2137, %select_n3A_2141 : vector<16xf32>
      %max3A_2209 = arith.maximumf %select_n3A_2145, %select_n3A_2149 : vector<16xf32>
      %max3A_2210 = arith.maximumf %select_n3A_2153, %select_n3A_2157 : vector<16xf32>
      %max3A_2211 = arith.maximumf %select_n3A_2161, %select_n3A_2165 : vector<16xf32>
      %max3A_2212 = arith.maximumf %select_n3A_2169, %select_n3A_2173 : vector<16xf32>
      %max3A_2213 = arith.maximumf %select_n3A_2177, %select_n3A_2181 : vector<16xf32>
      %max3A_2214 = arith.maximumf %max3A_2182, %max3A_2183 : vector<16xf32>
      %max3A_2215 = arith.maximumf %max3A_2184, %max3A_2185 : vector<16xf32>
      %max3A_2216 = arith.maximumf %max3A_2186, %max3A_2187 : vector<16xf32>
      %max3A_2217 = arith.maximumf %max3A_2188, %max3A_2189 : vector<16xf32>
      %max3A_2218 = arith.maximumf %max3A_2190, %max3A_2191 : vector<16xf32>
      %max3A_2219 = arith.maximumf %max3A_2192, %max3A_2193 : vector<16xf32>
      %max3A_2220 = arith.maximumf %max3A_2194, %max3A_2195 : vector<16xf32>
      %max3A_2221 = arith.maximumf %max3A_2196, %max3A_2197 : vector<16xf32>
      %max3A_2222 = arith.maximumf %max3A_2198, %max3A_2199 : vector<16xf32>
      %max3A_2223 = arith.maximumf %max3A_2200, %max3A_2201 : vector<16xf32>
      %max3A_2224 = arith.maximumf %max3A_2202, %max3A_2203 : vector<16xf32>
      %max3A_2225 = arith.maximumf %max3A_2204, %max3A_2205 : vector<16xf32>
      %max3A_2226 = arith.maximumf %max3A_2206, %max3A_2207 : vector<16xf32>
      %max3A_2227 = arith.maximumf %max3A_2208, %max3A_2209 : vector<16xf32>
      %max3A_2228 = arith.maximumf %max3A_2210, %max3A_2211 : vector<16xf32>
      %max3A_2229 = arith.maximumf %max3A_2212, %max3A_2213 : vector<16xf32>
      %max3A_2230 = arith.maximumf %max3A_2214, %max3A_2215 : vector<16xf32>
      %max3A_2231 = arith.maximumf %max3A_2216, %max3A_2217 : vector<16xf32>
      %max3A_2232 = arith.maximumf %max3A_2218, %max3A_2219 : vector<16xf32>
      %max3A_2233 = arith.maximumf %max3A_2220, %max3A_2221 : vector<16xf32>
      %max3A_2234 = arith.maximumf %max3A_2222, %max3A_2223 : vector<16xf32>
      %max3A_2235 = arith.maximumf %max3A_2224, %max3A_2225 : vector<16xf32>
      %max3A_2236 = arith.maximumf %max3A_2226, %max3A_2227 : vector<16xf32>
      %max3A_2237 = arith.maximumf %max3A_2228, %max3A_2229 : vector<16xf32>
      %max3A_2238 = arith.maximumf %max3A_2230, %max3A_2231 : vector<16xf32>
      %max3A_2239 = arith.maximumf %max3A_2232, %max3A_2233 : vector<16xf32>
      %max3A_2240 = arith.maximumf %max3A_2234, %max3A_2235 : vector<16xf32>
      %max3A_2241 = arith.maximumf %max3A_2236, %max3A_2237 : vector<16xf32>
      %max3A_2242 = arith.maximumf %max3A_2238, %max3A_2239 : vector<16xf32>
      %max3A_2243 = arith.maximumf %max3A_2240, %max3A_2241 : vector<16xf32>
      %max3A_2244 = arith.maximumf %max3A_2242, %max3A_2243 : vector<16xf32>
      %eq3A_2245 = arith.cmpf oeq, %select_n3A_1929, %max3A_2244 : vector<16xf32>
      %jit3A_2246 = arith.constant 0xFF800000 : f32
      %broadcast_in_dim3A_2247 = vector.broadcast %jit3A_2246 : f32 to vector<16xf32>
      %select_n3A_2248 = arith.select %eq3A_2245, %broadcast_in_dim3A_2247, %select_n3A_1929 : vector<16xi1>, vector<16xf32>
      %eq3A_2249 = arith.cmpf oeq, %select_n3A_1933, %max3A_2244 : vector<16xf32>
      %jit3A_2250 = arith.constant 0xFF800000 : f32
      %broadcast_in_dim3A_2251 = vector.broadcast %jit3A_2250 : f32 to vector<16xf32>
      %select_n3A_2252 = arith.select %eq3A_2249, %broadcast_in_dim3A_2251, %select_n3A_1933 : vector<16xi1>, vector<16xf32>
      %eq3A_2253 = arith.cmpf oeq, %select_n3A_1937, %max3A_2244 : vector<16xf32>
      %jit3A_2254 = arith.constant 0xFF800000 : f32
      %broadcast_in_dim3A_2255 = vector.broadcast %jit3A_2254 : f32 to vector<16xf32>
      %select_n3A_2256 = arith.select %eq3A_2253, %broadcast_in_dim3A_2255, %select_n3A_1937 : vector<16xi1>, vector<16xf32>
      %eq3A_2257 = arith.cmpf oeq, %select_n3A_1941, %max3A_2244 : vector<16xf32>
      %jit3A_2258 = arith.constant 0xFF800000 : f32
      %broadcast_in_dim3A_2259 = vector.broadcast %jit3A_2258 : f32 to vector<16xf32>
      %select_n3A_2260 = arith.select %eq3A_2257, %broadcast_in_dim3A_2259, %select_n3A_1941 : vector<16xi1>, vector<16xf32>
      %eq3A_2261 = arith.cmpf oeq, %select_n3A_1945, %max3A_2244 : vector<16xf32>
      %jit3A_2262 = arith.constant 0xFF800000 : f32
      %broadcast_in_dim3A_2263 = vector.broadcast %jit3A_2262 : f32 to vector<16xf32>
      %select_n3A_2264 = arith.select %eq3A_2261, %broadcast_in_dim3A_2263, %select_n3A_1945 : vector<16xi1>, vector<16xf32>
      %eq3A_2265 = arith.cmpf oeq, %select_n3A_1949, %max3A_2244 : vector<16xf32>
      %jit3A_2266 = arith.constant 0xFF800000 : f32
      %broadcast_in_dim3A_2267 = vector.broadcast %jit3A_2266 : f32 to vector<16xf32>
      %select_n3A_2268 = arith.select %eq3A_2265, %broadcast_in_dim3A_2267, %select_n3A_1949 : vector<16xi1>, vector<16xf32>
      %eq3A_2269 = arith.cmpf oeq, %select_n3A_1953, %max3A_2244 : vector<16xf32>
      %jit3A_2270 = arith.constant 0xFF800000 : f32
      %broadcast_in_dim3A_2271 = vector.broadcast %jit3A_2270 : f32 to vector<16xf32>
      %select_n3A_2272 = arith.select %eq3A_2269, %broadcast_in_dim3A_2271, %select_n3A_1953 : vector<16xi1>, vector<16xf32>
      %eq3A_2273 = arith.cmpf oeq, %select_n3A_1957, %max3A_2244 : vector<16xf32>
      %jit3A_2274 = arith.constant 0xFF800000 : f32
      %broadcast_in_dim3A_2275 = vector.broadcast %jit3A_2274 : f32 to vector<16xf32>
      %select_n3A_2276 = arith.select %eq3A_2273, %broadcast_in_dim3A_2275, %select_n3A_1957 : vector<16xi1>, vector<16xf32>
      %eq3A_2277 = arith.cmpf oeq, %select_n3A_1961, %max3A_2244 : vector<16xf32>
      %jit3A_2278 = arith.constant 0xFF800000 : f32
      %broadcast_in_dim3A_2279 = vector.broadcast %jit3A_2278 : f32 to vector<16xf32>
      %select_n3A_2280 = arith.select %eq3A_2277, %broadcast_in_dim3A_2279, %select_n3A_1961 : vector<16xi1>, vector<16xf32>
      %eq3A_2281 = arith.cmpf oeq, %select_n3A_1965, %max3A_2244 : vector<16xf32>
      %jit3A_2282 = arith.constant 0xFF800000 : f32
      %broadcast_in_dim3A_2283 = vector.broadcast %jit3A_2282 : f32 to vector<16xf32>
      %select_n3A_2284 = arith.select %eq3A_2281, %broadcast_in_dim3A_2283, %select_n3A_1965 : vector<16xi1>, vector<16xf32>
      %eq3A_2285 = arith.cmpf oeq, %select_n3A_1969, %max3A_2244 : vector<16xf32>
      %jit3A_2286 = arith.constant 0xFF800000 : f32
      %broadcast_in_dim3A_2287 = vector.broadcast %jit3A_2286 : f32 to vector<16xf32>
      %select_n3A_2288 = arith.select %eq3A_2285, %broadcast_in_dim3A_2287, %select_n3A_1969 : vector<16xi1>, vector<16xf32>
      %eq3A_2289 = arith.cmpf oeq, %select_n3A_1973, %max3A_2244 : vector<16xf32>
      %jit3A_2290 = arith.constant 0xFF800000 : f32
      %broadcast_in_dim3A_2291 = vector.broadcast %jit3A_2290 : f32 to vector<16xf32>
      %select_n3A_2292 = arith.select %eq3A_2289, %broadcast_in_dim3A_2291, %select_n3A_1973 : vector<16xi1>, vector<16xf32>
      %eq3A_2293 = arith.cmpf oeq, %select_n3A_1977, %max3A_2244 : vector<16xf32>
      %jit3A_2294 = arith.constant 0xFF800000 : f32
      %broadcast_in_dim3A_2295 = vector.broadcast %jit3A_2294 : f32 to vector<16xf32>
      %select_n3A_2296 = arith.select %eq3A_2293, %broadcast_in_dim3A_2295, %select_n3A_1977 : vector<16xi1>, vector<16xf32>
      %eq3A_2297 = arith.cmpf oeq, %select_n3A_1981, %max3A_2244 : vector<16xf32>
      %jit3A_2298 = arith.constant 0xFF800000 : f32
      %broadcast_in_dim3A_2299 = vector.broadcast %jit3A_2298 : f32 to vector<16xf32>
      %select_n3A_2300 = arith.select %eq3A_2297, %broadcast_in_dim3A_2299, %select_n3A_1981 : vector<16xi1>, vector<16xf32>
      %eq3A_2301 = arith.cmpf oeq, %select_n3A_1985, %max3A_2244 : vector<16xf32>
      %jit3A_2302 = arith.constant 0xFF800000 : f32
      %broadcast_in_dim3A_2303 = vector.broadcast %jit3A_2302 : f32 to vector<16xf32>
      %select_n3A_2304 = arith.select %eq3A_2301, %broadcast_in_dim3A_2303, %select_n3A_1985 : vector<16xi1>, vector<16xf32>
      %eq3A_2305 = arith.cmpf oeq, %select_n3A_1989, %max3A_2244 : vector<16xf32>
      %jit3A_2306 = arith.constant 0xFF800000 : f32
      %broadcast_in_dim3A_2307 = vector.broadcast %jit3A_2306 : f32 to vector<16xf32>
      %select_n3A_2308 = arith.select %eq3A_2305, %broadcast_in_dim3A_2307, %select_n3A_1989 : vector<16xi1>, vector<16xf32>
      %eq3A_2309 = arith.cmpf oeq, %select_n3A_1993, %max3A_2244 : vector<16xf32>
      %jit3A_2310 = arith.constant 0xFF800000 : f32
      %broadcast_in_dim3A_2311 = vector.broadcast %jit3A_2310 : f32 to vector<16xf32>
      %select_n3A_2312 = arith.select %eq3A_2309, %broadcast_in_dim3A_2311, %select_n3A_1993 : vector<16xi1>, vector<16xf32>
      %eq3A_2313 = arith.cmpf oeq, %select_n3A_1997, %max3A_2244 : vector<16xf32>
      %jit3A_2314 = arith.constant 0xFF800000 : f32
      %broadcast_in_dim3A_2315 = vector.broadcast %jit3A_2314 : f32 to vector<16xf32>
      %select_n3A_2316 = arith.select %eq3A_2313, %broadcast_in_dim3A_2315, %select_n3A_1997 : vector<16xi1>, vector<16xf32>
      %eq3A_2317 = arith.cmpf oeq, %select_n3A_2001, %max3A_2244 : vector<16xf32>
      %jit3A_2318 = arith.constant 0xFF800000 : f32
      %broadcast_in_dim3A_2319 = vector.broadcast %jit3A_2318 : f32 to vector<16xf32>
      %select_n3A_2320 = arith.select %eq3A_2317, %broadcast_in_dim3A_2319, %select_n3A_2001 : vector<16xi1>, vector<16xf32>
      %eq3A_2321 = arith.cmpf oeq, %select_n3A_2005, %max3A_2244 : vector<16xf32>
      %jit3A_2322 = arith.constant 0xFF800000 : f32
      %broadcast_in_dim3A_2323 = vector.broadcast %jit3A_2322 : f32 to vector<16xf32>
      %select_n3A_2324 = arith.select %eq3A_2321, %broadcast_in_dim3A_2323, %select_n3A_2005 : vector<16xi1>, vector<16xf32>
      %eq3A_2325 = arith.cmpf oeq, %select_n3A_2009, %max3A_2244 : vector<16xf32>
      %jit3A_2326 = arith.constant 0xFF800000 : f32
      %broadcast_in_dim3A_2327 = vector.broadcast %jit3A_2326 : f32 to vector<16xf32>
      %select_n3A_2328 = arith.select %eq3A_2325, %broadcast_in_dim3A_2327, %select_n3A_2009 : vector<16xi1>, vector<16xf32>
      %eq3A_2329 = arith.cmpf oeq, %select_n3A_2013, %max3A_2244 : vector<16xf32>
      %jit3A_2330 = arith.constant 0xFF800000 : f32
      %broadcast_in_dim3A_2331 = vector.broadcast %jit3A_2330 : f32 to vector<16xf32>
      %select_n3A_2332 = arith.select %eq3A_2329, %broadcast_in_dim3A_2331, %select_n3A_2013 : vector<16xi1>, vector<16xf32>
      %eq3A_2333 = arith.cmpf oeq, %select_n3A_2017, %max3A_2244 : vector<16xf32>
      %jit3A_2334 = arith.constant 0xFF800000 : f32
      %broadcast_in_dim3A_2335 = vector.broadcast %jit3A_2334 : f32 to vector<16xf32>
      %select_n3A_2336 = arith.select %eq3A_2333, %broadcast_in_dim3A_2335, %select_n3A_2017 : vector<16xi1>, vector<16xf32>
      %eq3A_2337 = arith.cmpf oeq, %select_n3A_2021, %max3A_2244 : vector<16xf32>
      %jit3A_2338 = arith.constant 0xFF800000 : f32
      %broadcast_in_dim3A_2339 = vector.broadcast %jit3A_2338 : f32 to vector<16xf32>
      %select_n3A_2340 = arith.select %eq3A_2337, %broadcast_in_dim3A_2339, %select_n3A_2021 : vector<16xi1>, vector<16xf32>
      %eq3A_2341 = arith.cmpf oeq, %select_n3A_2025, %max3A_2244 : vector<16xf32>
      %jit3A_2342 = arith.constant 0xFF800000 : f32
      %broadcast_in_dim3A_2343 = vector.broadcast %jit3A_2342 : f32 to vector<16xf32>
      %select_n3A_2344 = arith.select %eq3A_2341, %broadcast_in_dim3A_2343, %select_n3A_2025 : vector<16xi1>, vector<16xf32>
      %eq3A_2345 = arith.cmpf oeq, %select_n3A_2029, %max3A_2244 : vector<16xf32>
      %jit3A_2346 = arith.constant 0xFF800000 : f32
      %broadcast_in_dim3A_2347 = vector.broadcast %jit3A_2346 : f32 to vector<16xf32>
      %select_n3A_2348 = arith.select %eq3A_2345, %broadcast_in_dim3A_2347, %select_n3A_2029 : vector<16xi1>, vector<16xf32>
      %eq3A_2349 = arith.cmpf oeq, %select_n3A_2033, %max3A_2244 : vector<16xf32>
      %jit3A_2350 = arith.constant 0xFF800000 : f32
      %broadcast_in_dim3A_2351 = vector.broadcast %jit3A_2350 : f32 to vector<16xf32>
      %select_n3A_2352 = arith.select %eq3A_2349, %broadcast_in_dim3A_2351, %select_n3A_2033 : vector<16xi1>, vector<16xf32>
      %eq3A_2353 = arith.cmpf oeq, %select_n3A_2037, %max3A_2244 : vector<16xf32>
      %jit3A_2354 = arith.constant 0xFF800000 : f32
      %broadcast_in_dim3A_2355 = vector.broadcast %jit3A_2354 : f32 to vector<16xf32>
      %select_n3A_2356 = arith.select %eq3A_2353, %broadcast_in_dim3A_2355, %select_n3A_2037 : vector<16xi1>, vector<16xf32>
      %eq3A_2357 = arith.cmpf oeq, %select_n3A_2041, %max3A_2244 : vector<16xf32>
      %jit3A_2358 = arith.constant 0xFF800000 : f32
      %broadcast_in_dim3A_2359 = vector.broadcast %jit3A_2358 : f32 to vector<16xf32>
      %select_n3A_2360 = arith.select %eq3A_2357, %broadcast_in_dim3A_2359, %select_n3A_2041 : vector<16xi1>, vector<16xf32>
      %eq3A_2361 = arith.cmpf oeq, %select_n3A_2045, %max3A_2244 : vector<16xf32>
      %jit3A_2362 = arith.constant 0xFF800000 : f32
      %broadcast_in_dim3A_2363 = vector.broadcast %jit3A_2362 : f32 to vector<16xf32>
      %select_n3A_2364 = arith.select %eq3A_2361, %broadcast_in_dim3A_2363, %select_n3A_2045 : vector<16xi1>, vector<16xf32>
      %eq3A_2365 = arith.cmpf oeq, %select_n3A_2049, %max3A_2244 : vector<16xf32>
      %jit3A_2366 = arith.constant 0xFF800000 : f32
      %broadcast_in_dim3A_2367 = vector.broadcast %jit3A_2366 : f32 to vector<16xf32>
      %select_n3A_2368 = arith.select %eq3A_2365, %broadcast_in_dim3A_2367, %select_n3A_2049 : vector<16xi1>, vector<16xf32>
      %eq3A_2369 = arith.cmpf oeq, %select_n3A_2053, %max3A_2244 : vector<16xf32>
      %jit3A_2370 = arith.constant 0xFF800000 : f32
      %broadcast_in_dim3A_2371 = vector.broadcast %jit3A_2370 : f32 to vector<16xf32>
      %select_n3A_2372 = arith.select %eq3A_2369, %broadcast_in_dim3A_2371, %select_n3A_2053 : vector<16xi1>, vector<16xf32>
      %eq3A_2373 = arith.cmpf oeq, %select_n3A_2057, %max3A_2244 : vector<16xf32>
      %jit3A_2374 = arith.constant 0xFF800000 : f32
      %broadcast_in_dim3A_2375 = vector.broadcast %jit3A_2374 : f32 to vector<16xf32>
      %select_n3A_2376 = arith.select %eq3A_2373, %broadcast_in_dim3A_2375, %select_n3A_2057 : vector<16xi1>, vector<16xf32>
      %eq3A_2377 = arith.cmpf oeq, %select_n3A_2061, %max3A_2244 : vector<16xf32>
      %jit3A_2378 = arith.constant 0xFF800000 : f32
      %broadcast_in_dim3A_2379 = vector.broadcast %jit3A_2378 : f32 to vector<16xf32>
      %select_n3A_2380 = arith.select %eq3A_2377, %broadcast_in_dim3A_2379, %select_n3A_2061 : vector<16xi1>, vector<16xf32>
      %eq3A_2381 = arith.cmpf oeq, %select_n3A_2065, %max3A_2244 : vector<16xf32>
      %jit3A_2382 = arith.constant 0xFF800000 : f32
      %broadcast_in_dim3A_2383 = vector.broadcast %jit3A_2382 : f32 to vector<16xf32>
      %select_n3A_2384 = arith.select %eq3A_2381, %broadcast_in_dim3A_2383, %select_n3A_2065 : vector<16xi1>, vector<16xf32>
      %eq3A_2385 = arith.cmpf oeq, %select_n3A_2069, %max3A_2244 : vector<16xf32>
      %jit3A_2386 = arith.constant 0xFF800000 : f32
      %broadcast_in_dim3A_2387 = vector.broadcast %jit3A_2386 : f32 to vector<16xf32>
      %select_n3A_2388 = arith.select %eq3A_2385, %broadcast_in_dim3A_2387, %select_n3A_2069 : vector<16xi1>, vector<16xf32>
      %eq3A_2389 = arith.cmpf oeq, %select_n3A_2073, %max3A_2244 : vector<16xf32>
      %jit3A_2390 = arith.constant 0xFF800000 : f32
      %broadcast_in_dim3A_2391 = vector.broadcast %jit3A_2390 : f32 to vector<16xf32>
      %select_n3A_2392 = arith.select %eq3A_2389, %broadcast_in_dim3A_2391, %select_n3A_2073 : vector<16xi1>, vector<16xf32>
      %eq3A_2393 = arith.cmpf oeq, %select_n3A_2077, %max3A_2244 : vector<16xf32>
      %jit3A_2394 = arith.constant 0xFF800000 : f32
      %broadcast_in_dim3A_2395 = vector.broadcast %jit3A_2394 : f32 to vector<16xf32>
      %select_n3A_2396 = arith.select %eq3A_2393, %broadcast_in_dim3A_2395, %select_n3A_2077 : vector<16xi1>, vector<16xf32>
      %eq3A_2397 = arith.cmpf oeq, %select_n3A_2081, %max3A_2244 : vector<16xf32>
      %jit3A_2398 = arith.constant 0xFF800000 : f32
      %broadcast_in_dim3A_2399 = vector.broadcast %jit3A_2398 : f32 to vector<16xf32>
      %select_n3A_2400 = arith.select %eq3A_2397, %broadcast_in_dim3A_2399, %select_n3A_2081 : vector<16xi1>, vector<16xf32>
      %eq3A_2401 = arith.cmpf oeq, %select_n3A_2085, %max3A_2244 : vector<16xf32>
      %jit3A_2402 = arith.constant 0xFF800000 : f32
      %broadcast_in_dim3A_2403 = vector.broadcast %jit3A_2402 : f32 to vector<16xf32>
      %select_n3A_2404 = arith.select %eq3A_2401, %broadcast_in_dim3A_2403, %select_n3A_2085 : vector<16xi1>, vector<16xf32>
      %eq3A_2405 = arith.cmpf oeq, %select_n3A_2089, %max3A_2244 : vector<16xf32>
      %jit3A_2406 = arith.constant 0xFF800000 : f32
      %broadcast_in_dim3A_2407 = vector.broadcast %jit3A_2406 : f32 to vector<16xf32>
      %select_n3A_2408 = arith.select %eq3A_2405, %broadcast_in_dim3A_2407, %select_n3A_2089 : vector<16xi1>, vector<16xf32>
      %eq3A_2409 = arith.cmpf oeq, %select_n3A_2093, %max3A_2244 : vector<16xf32>
      %jit3A_2410 = arith.constant 0xFF800000 : f32
      %broadcast_in_dim3A_2411 = vector.broadcast %jit3A_2410 : f32 to vector<16xf32>
      %select_n3A_2412 = arith.select %eq3A_2409, %broadcast_in_dim3A_2411, %select_n3A_2093 : vector<16xi1>, vector<16xf32>
      %eq3A_2413 = arith.cmpf oeq, %select_n3A_2097, %max3A_2244 : vector<16xf32>
      %jit3A_2414 = arith.constant 0xFF800000 : f32
      %broadcast_in_dim3A_2415 = vector.broadcast %jit3A_2414 : f32 to vector<16xf32>
      %select_n3A_2416 = arith.select %eq3A_2413, %broadcast_in_dim3A_2415, %select_n3A_2097 : vector<16xi1>, vector<16xf32>
      %eq3A_2417 = arith.cmpf oeq, %select_n3A_2101, %max3A_2244 : vector<16xf32>
      %jit3A_2418 = arith.constant 0xFF800000 : f32
      %broadcast_in_dim3A_2419 = vector.broadcast %jit3A_2418 : f32 to vector<16xf32>
      %select_n3A_2420 = arith.select %eq3A_2417, %broadcast_in_dim3A_2419, %select_n3A_2101 : vector<16xi1>, vector<16xf32>
      %eq3A_2421 = arith.cmpf oeq, %select_n3A_2105, %max3A_2244 : vector<16xf32>
      %jit3A_2422 = arith.constant 0xFF800000 : f32
      %broadcast_in_dim3A_2423 = vector.broadcast %jit3A_2422 : f32 to vector<16xf32>
      %select_n3A_2424 = arith.select %eq3A_2421, %broadcast_in_dim3A_2423, %select_n3A_2105 : vector<16xi1>, vector<16xf32>
      %eq3A_2425 = arith.cmpf oeq, %select_n3A_2109, %max3A_2244 : vector<16xf32>
      %jit3A_2426 = arith.constant 0xFF800000 : f32
      %broadcast_in_dim3A_2427 = vector.broadcast %jit3A_2426 : f32 to vector<16xf32>
      %select_n3A_2428 = arith.select %eq3A_2425, %broadcast_in_dim3A_2427, %select_n3A_2109 : vector<16xi1>, vector<16xf32>
      %eq3A_2429 = arith.cmpf oeq, %select_n3A_2113, %max3A_2244 : vector<16xf32>
      %jit3A_2430 = arith.constant 0xFF800000 : f32
      %broadcast_in_dim3A_2431 = vector.broadcast %jit3A_2430 : f32 to vector<16xf32>
      %select_n3A_2432 = arith.select %eq3A_2429, %broadcast_in_dim3A_2431, %select_n3A_2113 : vector<16xi1>, vector<16xf32>
      %eq3A_2433 = arith.cmpf oeq, %select_n3A_2117, %max3A_2244 : vector<16xf32>
      %jit3A_2434 = arith.constant 0xFF800000 : f32
      %broadcast_in_dim3A_2435 = vector.broadcast %jit3A_2434 : f32 to vector<16xf32>
      %select_n3A_2436 = arith.select %eq3A_2433, %broadcast_in_dim3A_2435, %select_n3A_2117 : vector<16xi1>, vector<16xf32>
      %eq3A_2437 = arith.cmpf oeq, %select_n3A_2121, %max3A_2244 : vector<16xf32>
      %jit3A_2438 = arith.constant 0xFF800000 : f32
      %broadcast_in_dim3A_2439 = vector.broadcast %jit3A_2438 : f32 to vector<16xf32>
      %select_n3A_2440 = arith.select %eq3A_2437, %broadcast_in_dim3A_2439, %select_n3A_2121 : vector<16xi1>, vector<16xf32>
      %eq3A_2441 = arith.cmpf oeq, %select_n3A_2125, %max3A_2244 : vector<16xf32>
      %jit3A_2442 = arith.constant 0xFF800000 : f32
      %broadcast_in_dim3A_2443 = vector.broadcast %jit3A_2442 : f32 to vector<16xf32>
      %select_n3A_2444 = arith.select %eq3A_2441, %broadcast_in_dim3A_2443, %select_n3A_2125 : vector<16xi1>, vector<16xf32>
      %eq3A_2445 = arith.cmpf oeq, %select_n3A_2129, %max3A_2244 : vector<16xf32>
      %jit3A_2446 = arith.constant 0xFF800000 : f32
      %broadcast_in_dim3A_2447 = vector.broadcast %jit3A_2446 : f32 to vector<16xf32>
      %select_n3A_2448 = arith.select %eq3A_2445, %broadcast_in_dim3A_2447, %select_n3A_2129 : vector<16xi1>, vector<16xf32>
      %eq3A_2449 = arith.cmpf oeq, %select_n3A_2133, %max3A_2244 : vector<16xf32>
      %jit3A_2450 = arith.constant 0xFF800000 : f32
      %broadcast_in_dim3A_2451 = vector.broadcast %jit3A_2450 : f32 to vector<16xf32>
      %select_n3A_2452 = arith.select %eq3A_2449, %broadcast_in_dim3A_2451, %select_n3A_2133 : vector<16xi1>, vector<16xf32>
      %eq3A_2453 = arith.cmpf oeq, %select_n3A_2137, %max3A_2244 : vector<16xf32>
      %jit3A_2454 = arith.constant 0xFF800000 : f32
      %broadcast_in_dim3A_2455 = vector.broadcast %jit3A_2454 : f32 to vector<16xf32>
      %select_n3A_2456 = arith.select %eq3A_2453, %broadcast_in_dim3A_2455, %select_n3A_2137 : vector<16xi1>, vector<16xf32>
      %eq3A_2457 = arith.cmpf oeq, %select_n3A_2141, %max3A_2244 : vector<16xf32>
      %jit3A_2458 = arith.constant 0xFF800000 : f32
      %broadcast_in_dim3A_2459 = vector.broadcast %jit3A_2458 : f32 to vector<16xf32>
      %select_n3A_2460 = arith.select %eq3A_2457, %broadcast_in_dim3A_2459, %select_n3A_2141 : vector<16xi1>, vector<16xf32>
      %eq3A_2461 = arith.cmpf oeq, %select_n3A_2145, %max3A_2244 : vector<16xf32>
      %jit3A_2462 = arith.constant 0xFF800000 : f32
      %broadcast_in_dim3A_2463 = vector.broadcast %jit3A_2462 : f32 to vector<16xf32>
      %select_n3A_2464 = arith.select %eq3A_2461, %broadcast_in_dim3A_2463, %select_n3A_2145 : vector<16xi1>, vector<16xf32>
      %eq3A_2465 = arith.cmpf oeq, %select_n3A_2149, %max3A_2244 : vector<16xf32>
      %jit3A_2466 = arith.constant 0xFF800000 : f32
      %broadcast_in_dim3A_2467 = vector.broadcast %jit3A_2466 : f32 to vector<16xf32>
      %select_n3A_2468 = arith.select %eq3A_2465, %broadcast_in_dim3A_2467, %select_n3A_2149 : vector<16xi1>, vector<16xf32>
      %eq3A_2469 = arith.cmpf oeq, %select_n3A_2153, %max3A_2244 : vector<16xf32>
      %jit3A_2470 = arith.constant 0xFF800000 : f32
      %broadcast_in_dim3A_2471 = vector.broadcast %jit3A_2470 : f32 to vector<16xf32>
      %select_n3A_2472 = arith.select %eq3A_2469, %broadcast_in_dim3A_2471, %select_n3A_2153 : vector<16xi1>, vector<16xf32>
      %eq3A_2473 = arith.cmpf oeq, %select_n3A_2157, %max3A_2244 : vector<16xf32>
      %jit3A_2474 = arith.constant 0xFF800000 : f32
      %broadcast_in_dim3A_2475 = vector.broadcast %jit3A_2474 : f32 to vector<16xf32>
      %select_n3A_2476 = arith.select %eq3A_2473, %broadcast_in_dim3A_2475, %select_n3A_2157 : vector<16xi1>, vector<16xf32>
      %eq3A_2477 = arith.cmpf oeq, %select_n3A_2161, %max3A_2244 : vector<16xf32>
      %jit3A_2478 = arith.constant 0xFF800000 : f32
      %broadcast_in_dim3A_2479 = vector.broadcast %jit3A_2478 : f32 to vector<16xf32>
      %select_n3A_2480 = arith.select %eq3A_2477, %broadcast_in_dim3A_2479, %select_n3A_2161 : vector<16xi1>, vector<16xf32>
      %eq3A_2481 = arith.cmpf oeq, %select_n3A_2165, %max3A_2244 : vector<16xf32>
      %jit3A_2482 = arith.constant 0xFF800000 : f32
      %broadcast_in_dim3A_2483 = vector.broadcast %jit3A_2482 : f32 to vector<16xf32>
      %select_n3A_2484 = arith.select %eq3A_2481, %broadcast_in_dim3A_2483, %select_n3A_2165 : vector<16xi1>, vector<16xf32>
      %eq3A_2485 = arith.cmpf oeq, %select_n3A_2169, %max3A_2244 : vector<16xf32>
      %jit3A_2486 = arith.constant 0xFF800000 : f32
      %broadcast_in_dim3A_2487 = vector.broadcast %jit3A_2486 : f32 to vector<16xf32>
      %select_n3A_2488 = arith.select %eq3A_2485, %broadcast_in_dim3A_2487, %select_n3A_2169 : vector<16xi1>, vector<16xf32>
      %eq3A_2489 = arith.cmpf oeq, %select_n3A_2173, %max3A_2244 : vector<16xf32>
      %jit3A_2490 = arith.constant 0xFF800000 : f32
      %broadcast_in_dim3A_2491 = vector.broadcast %jit3A_2490 : f32 to vector<16xf32>
      %select_n3A_2492 = arith.select %eq3A_2489, %broadcast_in_dim3A_2491, %select_n3A_2173 : vector<16xi1>, vector<16xf32>
      %eq3A_2493 = arith.cmpf oeq, %select_n3A_2177, %max3A_2244 : vector<16xf32>
      %jit3A_2494 = arith.constant 0xFF800000 : f32
      %broadcast_in_dim3A_2495 = vector.broadcast %jit3A_2494 : f32 to vector<16xf32>
      %select_n3A_2496 = arith.select %eq3A_2493, %broadcast_in_dim3A_2495, %select_n3A_2177 : vector<16xi1>, vector<16xf32>
      %eq3A_2497 = arith.cmpf oeq, %select_n3A_2181, %max3A_2244 : vector<16xf32>
      %jit3A_2498 = arith.constant 0xFF800000 : f32
      %broadcast_in_dim3A_2499 = vector.broadcast %jit3A_2498 : f32 to vector<16xf32>
      %select_n3A_2500 = arith.select %eq3A_2497, %broadcast_in_dim3A_2499, %select_n3A_2181 : vector<16xi1>, vector<16xf32>
      %max3A_2501 = arith.maximumf %select_n3A_2248, %select_n3A_2252 : vector<16xf32>
      %max3A_2502 = arith.maximumf %select_n3A_2256, %select_n3A_2260 : vector<16xf32>
      %max3A_2503 = arith.maximumf %select_n3A_2264, %select_n3A_2268 : vector<16xf32>
      %max3A_2504 = arith.maximumf %select_n3A_2272, %select_n3A_2276 : vector<16xf32>
      %max3A_2505 = arith.maximumf %select_n3A_2280, %select_n3A_2284 : vector<16xf32>
      %max3A_2506 = arith.maximumf %select_n3A_2288, %select_n3A_2292 : vector<16xf32>
      %max3A_2507 = arith.maximumf %select_n3A_2296, %select_n3A_2300 : vector<16xf32>
      %max3A_2508 = arith.maximumf %select_n3A_2304, %select_n3A_2308 : vector<16xf32>
      %max3A_2509 = arith.maximumf %select_n3A_2312, %select_n3A_2316 : vector<16xf32>
      %max3A_2510 = arith.maximumf %select_n3A_2320, %select_n3A_2324 : vector<16xf32>
      %max3A_2511 = arith.maximumf %select_n3A_2328, %select_n3A_2332 : vector<16xf32>
      %max3A_2512 = arith.maximumf %select_n3A_2336, %select_n3A_2340 : vector<16xf32>
      %max3A_2513 = arith.maximumf %select_n3A_2344, %select_n3A_2348 : vector<16xf32>
      %max3A_2514 = arith.maximumf %select_n3A_2352, %select_n3A_2356 : vector<16xf32>
      %max3A_2515 = arith.maximumf %select_n3A_2360, %select_n3A_2364 : vector<16xf32>
      %max3A_2516 = arith.maximumf %select_n3A_2368, %select_n3A_2372 : vector<16xf32>
      %max3A_2517 = arith.maximumf %select_n3A_2376, %select_n3A_2380 : vector<16xf32>
      %max3A_2518 = arith.maximumf %select_n3A_2384, %select_n3A_2388 : vector<16xf32>
      %max3A_2519 = arith.maximumf %select_n3A_2392, %select_n3A_2396 : vector<16xf32>
      %max3A_2520 = arith.maximumf %select_n3A_2400, %select_n3A_2404 : vector<16xf32>
      %max3A_2521 = arith.maximumf %select_n3A_2408, %select_n3A_2412 : vector<16xf32>
      %max3A_2522 = arith.maximumf %select_n3A_2416, %select_n3A_2420 : vector<16xf32>
      %max3A_2523 = arith.maximumf %select_n3A_2424, %select_n3A_2428 : vector<16xf32>
      %max3A_2524 = arith.maximumf %select_n3A_2432, %select_n3A_2436 : vector<16xf32>
      %max3A_2525 = arith.maximumf %select_n3A_2440, %select_n3A_2444 : vector<16xf32>
      %max3A_2526 = arith.maximumf %select_n3A_2448, %select_n3A_2452 : vector<16xf32>
      %max3A_2527 = arith.maximumf %select_n3A_2456, %select_n3A_2460 : vector<16xf32>
      %max3A_2528 = arith.maximumf %select_n3A_2464, %select_n3A_2468 : vector<16xf32>
      %max3A_2529 = arith.maximumf %select_n3A_2472, %select_n3A_2476 : vector<16xf32>
      %max3A_2530 = arith.maximumf %select_n3A_2480, %select_n3A_2484 : vector<16xf32>
      %max3A_2531 = arith.maximumf %select_n3A_2488, %select_n3A_2492 : vector<16xf32>
      %max3A_2532 = arith.maximumf %select_n3A_2496, %select_n3A_2500 : vector<16xf32>
      %max3A_2533 = arith.maximumf %max3A_2501, %max3A_2502 : vector<16xf32>
      %max3A_2534 = arith.maximumf %max3A_2503, %max3A_2504 : vector<16xf32>
      %max3A_2535 = arith.maximumf %max3A_2505, %max3A_2506 : vector<16xf32>
      %max3A_2536 = arith.maximumf %max3A_2507, %max3A_2508 : vector<16xf32>
      %max3A_2537 = arith.maximumf %max3A_2509, %max3A_2510 : vector<16xf32>
      %max3A_2538 = arith.maximumf %max3A_2511, %max3A_2512 : vector<16xf32>
      %max3A_2539 = arith.maximumf %max3A_2513, %max3A_2514 : vector<16xf32>
      %max3A_2540 = arith.maximumf %max3A_2515, %max3A_2516 : vector<16xf32>
      %max3A_2541 = arith.maximumf %max3A_2517, %max3A_2518 : vector<16xf32>
      %max3A_2542 = arith.maximumf %max3A_2519, %max3A_2520 : vector<16xf32>
      %max3A_2543 = arith.maximumf %max3A_2521, %max3A_2522 : vector<16xf32>
      %max3A_2544 = arith.maximumf %max3A_2523, %max3A_2524 : vector<16xf32>
      %max3A_2545 = arith.maximumf %max3A_2525, %max3A_2526 : vector<16xf32>
      %max3A_2546 = arith.maximumf %max3A_2527, %max3A_2528 : vector<16xf32>
      %max3A_2547 = arith.maximumf %max3A_2529, %max3A_2530 : vector<16xf32>
      %max3A_2548 = arith.maximumf %max3A_2531, %max3A_2532 : vector<16xf32>
      %max3A_2549 = arith.maximumf %max3A_2533, %max3A_2534 : vector<16xf32>
      %max3A_2550 = arith.maximumf %max3A_2535, %max3A_2536 : vector<16xf32>
      %max3A_2551 = arith.maximumf %max3A_2537, %max3A_2538 : vector<16xf32>
      %max3A_2552 = arith.maximumf %max3A_2539, %max3A_2540 : vector<16xf32>
      %max3A_2553 = arith.maximumf %max3A_2541, %max3A_2542 : vector<16xf32>
      %max3A_2554 = arith.maximumf %max3A_2543, %max3A_2544 : vector<16xf32>
      %max3A_2555 = arith.maximumf %max3A_2545, %max3A_2546 : vector<16xf32>
      %max3A_2556 = arith.maximumf %max3A_2547, %max3A_2548 : vector<16xf32>
      %max3A_2557 = arith.maximumf %max3A_2549, %max3A_2550 : vector<16xf32>
      %max3A_2558 = arith.maximumf %max3A_2551, %max3A_2552 : vector<16xf32>
      %max3A_2559 = arith.maximumf %max3A_2553, %max3A_2554 : vector<16xf32>
      %max3A_2560 = arith.maximumf %max3A_2555, %max3A_2556 : vector<16xf32>
      %max3A_2561 = arith.maximumf %max3A_2557, %max3A_2558 : vector<16xf32>
      %max3A_2562 = arith.maximumf %max3A_2559, %max3A_2560 : vector<16xf32>
      %max3A_2563 = arith.maximumf %max3A_2561, %max3A_2562 : vector<16xf32>
      %broadcast_in_dim3A_2564 = arith.constant 0.000000e+00 : f32
      %broadcast_in_dim3A_2565 = vector.broadcast %broadcast_in_dim3A_2564 : f32 to vector<16xf32>
      %gather3A_2566 = tpu.vector_load_idx %arg4[%add3A_20] : memref<32768xf32, #tpu.memory_space<vmem>>[vector<16xi32>], vector<16xf32>,
      %ge3A = arith.cmpf oge, %gather3A_2566, %max3A_2563 : vector<16xf32>
      %sub3A = arith.subf %gather3A_2566, %max3A_334 : vector<16xf32>
      %exp3A = math.exp %sub3A : vector<16xf32>
      %jit3A_2567 = arith.constant 0.000000e+00 : f32
      %broadcast_in_dim3A_2568 = vector.broadcast %jit3A_2567 : f32 to vector<16xf32>
      %select_n3A_2569 = arith.select %ge3A, %exp3A, %broadcast_in_dim3A_2568 : vector<16xi1>, vector<16xf32>
      %add3A_2570 = arith.addf %broadcast_in_dim3A_2565, %select_n3A_2569 : vector<16xf32>
      %gather3A_2571 = tpu.vector_load_idx %arg4[%add3A_23] : memref<32768xf32, #tpu.memory_space<vmem>>[vector<16xi32>], vector<16xf32>,
      %ge3A_2572 = arith.cmpf oge, %gather3A_2571, %max3A_2563 : vector<16xf32>
      %sub3A_2573 = arith.subf %gather3A_2571, %max3A_334 : vector<16xf32>
      %exp3A_2574 = math.exp %sub3A_2573 : vector<16xf32>
      %jit3A_2575 = arith.constant 0.000000e+00 : f32
      %broadcast_in_dim3A_2576 = vector.broadcast %jit3A_2575 : f32 to vector<16xf32>
      %select_n3A_2577 = arith.select %ge3A_2572, %exp3A_2574, %broadcast_in_dim3A_2576 : vector<16xi1>, vector<16xf32>
      %add3A_2578 = arith.addf %add3A_2570, %select_n3A_2577 : vector<16xf32>
      %gather3A_2579 = tpu.vector_load_idx %arg4[%add3A_26] : memref<32768xf32, #tpu.memory_space<vmem>>[vector<16xi32>], vector<16xf32>,
      %ge3A_2580 = arith.cmpf oge, %gather3A_2579, %max3A_2563 : vector<16xf32>
      %sub3A_2581 = arith.subf %gather3A_2579, %max3A_334 : vector<16xf32>
      %exp3A_2582 = math.exp %sub3A_2581 : vector<16xf32>
      %jit3A_2583 = arith.constant 0.000000e+00 : f32
      %broadcast_in_dim3A_2584 = vector.broadcast %jit3A_2583 : f32 to vector<16xf32>
      %select_n3A_2585 = arith.select %ge3A_2580, %exp3A_2582, %broadcast_in_dim3A_2584 : vector<16xi1>, vector<16xf32>
      %add3A_2586 = arith.addf %add3A_2578, %select_n3A_2585 : vector<16xf32>
      %gather3A_2587 = tpu.vector_load_idx %arg4[%add3A_29] : memref<32768xf32, #tpu.memory_space<vmem>>[vector<16xi32>], vector<16xf32>,
      %ge3A_2588 = arith.cmpf oge, %gather3A_2587, %max3A_2563 : vector<16xf32>
      %sub3A_2589 = arith.subf %gather3A_2587, %max3A_334 : vector<16xf32>
      %exp3A_2590 = math.exp %sub3A_2589 : vector<16xf32>
      %jit3A_2591 = arith.constant 0.000000e+00 : f32
      %broadcast_in_dim3A_2592 = vector.broadcast %jit3A_2591 : f32 to vector<16xf32>
      %select_n3A_2593 = arith.select %ge3A_2588, %exp3A_2590, %broadcast_in_dim3A_2592 : vector<16xi1>, vector<16xf32>
      %add3A_2594 = arith.addf %add3A_2586, %select_n3A_2593 : vector<16xf32>
      %gather3A_2595 = tpu.vector_load_idx %arg4[%add3A_32] : memref<32768xf32, #tpu.memory_space<vmem>>[vector<16xi32>], vector<16xf32>,
      %ge3A_2596 = arith.cmpf oge, %gather3A_2595, %max3A_2563 : vector<16xf32>
      %sub3A_2597 = arith.subf %gather3A_2595, %max3A_334 : vector<16xf32>
      %exp3A_2598 = math.exp %sub3A_2597 : vector<16xf32>
      %jit3A_2599 = arith.constant 0.000000e+00 : f32
      %broadcast_in_dim3A_2600 = vector.broadcast %jit3A_2599 : f32 to vector<16xf32>
      %select_n3A_2601 = arith.select %ge3A_2596, %exp3A_2598, %broadcast_in_dim3A_2600 : vector<16xi1>, vector<16xf32>
      %add3A_2602 = arith.addf %add3A_2594, %select_n3A_2601 : vector<16xf32>
      %gather3A_2603 = tpu.vector_load_idx %arg4[%add3A_35] : memref<32768xf32, #tpu.memory_space<vmem>>[vector<16xi32>], vector<16xf32>,
      %ge3A_2604 = arith.cmpf oge, %gather3A_2603, %max3A_2563 : vector<16xf32>
      %sub3A_2605 = arith.subf %gather3A_2603, %max3A_334 : vector<16xf32>
      %exp3A_2606 = math.exp %sub3A_2605 : vector<16xf32>
      %jit3A_2607 = arith.constant 0.000000e+00 : f32
      %broadcast_in_dim3A_2608 = vector.broadcast %jit3A_2607 : f32 to vector<16xf32>
      %select_n3A_2609 = arith.select %ge3A_2604, %exp3A_2606, %broadcast_in_dim3A_2608 : vector<16xi1>, vector<16xf32>
      %add3A_2610 = arith.addf %add3A_2602, %select_n3A_2609 : vector<16xf32>
      %gather3A_2611 = tpu.vector_load_idx %arg4[%add3A_38] : memref<32768xf32, #tpu.memory_space<vmem>>[vector<16xi32>], vector<16xf32>,
      %ge3A_2612 = arith.cmpf oge, %gather3A_2611, %max3A_2563 : vector<16xf32>
      %sub3A_2613 = arith.subf %gather3A_2611, %max3A_334 : vector<16xf32>
      %exp3A_2614 = math.exp %sub3A_2613 : vector<16xf32>
      %jit3A_2615 = arith.constant 0.000000e+00 : f32
      %broadcast_in_dim3A_2616 = vector.broadcast %jit3A_2615 : f32 to vector<16xf32>
      %select_n3A_2617 = arith.select %ge3A_2612, %exp3A_2614, %broadcast_in_dim3A_2616 : vector<16xi1>, vector<16xf32>
      %add3A_2618 = arith.addf %add3A_2610, %select_n3A_2617 : vector<16xf32>
      %gather3A_2619 = tpu.vector_load_idx %arg4[%add3A_41] : memref<32768xf32, #tpu.memory_space<vmem>>[vector<16xi32>], vector<16xf32>,
      %ge3A_2620 = arith.cmpf oge, %gather3A_2619, %max3A_2563 : vector<16xf32>
      %sub3A_2621 = arith.subf %gather3A_2619, %max3A_334 : vector<16xf32>
      %exp3A_2622 = math.exp %sub3A_2621 : vector<16xf32>
      %jit3A_2623 = arith.constant 0.000000e+00 : f32
      %broadcast_in_dim3A_2624 = vector.broadcast %jit3A_2623 : f32 to vector<16xf32>
      %select_n3A_2625 = arith.select %ge3A_2620, %exp3A_2622, %broadcast_in_dim3A_2624 : vector<16xi1>, vector<16xf32>
      %add3A_2626 = arith.addf %add3A_2618, %select_n3A_2625 : vector<16xf32>
      %gather3A_2627 = tpu.vector_load_idx %arg4[%add3A_44] : memref<32768xf32, #tpu.memory_space<vmem>>[vector<16xi32>], vector<16xf32>,
      %ge3A_2628 = arith.cmpf oge, %gather3A_2627, %max3A_2563 : vector<16xf32>
      %sub3A_2629 = arith.subf %gather3A_2627, %max3A_334 : vector<16xf32>
      %exp3A_2630 = math.exp %sub3A_2629 : vector<16xf32>
      %jit3A_2631 = arith.constant 0.000000e+00 : f32
      %broadcast_in_dim3A_2632 = vector.broadcast %jit3A_2631 : f32 to vector<16xf32>
      %select_n3A_2633 = arith.select %ge3A_2628, %exp3A_2630, %broadcast_in_dim3A_2632 : vector<16xi1>, vector<16xf32>
      %add3A_2634 = arith.addf %add3A_2626, %select_n3A_2633 : vector<16xf32>
      %gather3A_2635 = tpu.vector_load_idx %arg4[%add3A_47] : memref<32768xf32, #tpu.memory_space<vmem>>[vector<16xi32>], vector<16xf32>,
      %ge3A_2636 = arith.cmpf oge, %gather3A_2635, %max3A_2563 : vector<16xf32>
      %sub3A_2637 = arith.subf %gather3A_2635, %max3A_334 : vector<16xf32>
      %exp3A_2638 = math.exp %sub3A_2637 : vector<16xf32>
      %jit3A_2639 = arith.constant 0.000000e+00 : f32
      %broadcast_in_dim3A_2640 = vector.broadcast %jit3A_2639 : f32 to vector<16xf32>
      %select_n3A_2641 = arith.select %ge3A_2636, %exp3A_2638, %broadcast_in_dim3A_2640 : vector<16xi1>, vector<16xf32>
      %add3A_2642 = arith.addf %add3A_2634, %select_n3A_2641 : vector<16xf32>
      %gather3A_2643 = tpu.vector_load_idx %arg4[%add3A_50] : memref<32768xf32, #tpu.memory_space<vmem>>[vector<16xi32>], vector<16xf32>,
      %ge3A_2644 = arith.cmpf oge, %gather3A_2643, %max3A_2563 : vector<16xf32>
      %sub3A_2645 = arith.subf %gather3A_2643, %max3A_334 : vector<16xf32>
      %exp3A_2646 = math.exp %sub3A_2645 : vector<16xf32>
      %jit3A_2647 = arith.constant 0.000000e+00 : f32
      %broadcast_in_dim3A_2648 = vector.broadcast %jit3A_2647 : f32 to vector<16xf32>
      %select_n3A_2649 = arith.select %ge3A_2644, %exp3A_2646, %broadcast_in_dim3A_2648 : vector<16xi1>, vector<16xf32>
      %add3A_2650 = arith.addf %add3A_2642, %select_n3A_2649 : vector<16xf32>
      %gather3A_2651 = tpu.vector_load_idx %arg4[%add3A_53] : memref<32768xf32, #tpu.memory_space<vmem>>[vector<16xi32>], vector<16xf32>,
      %ge3A_2652 = arith.cmpf oge, %gather3A_2651, %max3A_2563 : vector<16xf32>
      %sub3A_2653 = arith.subf %gather3A_2651, %max3A_334 : vector<16xf32>
      %exp3A_2654 = math.exp %sub3A_2653 : vector<16xf32>
      %jit3A_2655 = arith.constant 0.000000e+00 : f32
      %broadcast_in_dim3A_2656 = vector.broadcast %jit3A_2655 : f32 to vector<16xf32>
      %select_n3A_2657 = arith.select %ge3A_2652, %exp3A_2654, %broadcast_in_dim3A_2656 : vector<16xi1>, vector<16xf32>
      %add3A_2658 = arith.addf %add3A_2650, %select_n3A_2657 : vector<16xf32>
      %gather3A_2659 = tpu.vector_load_idx %arg4[%add3A_56] : memref<32768xf32, #tpu.memory_space<vmem>>[vector<16xi32>], vector<16xf32>,
      %ge3A_2660 = arith.cmpf oge, %gather3A_2659, %max3A_2563 : vector<16xf32>
      %sub3A_2661 = arith.subf %gather3A_2659, %max3A_334 : vector<16xf32>
      %exp3A_2662 = math.exp %sub3A_2661 : vector<16xf32>
      %jit3A_2663 = arith.constant 0.000000e+00 : f32
      %broadcast_in_dim3A_2664 = vector.broadcast %jit3A_2663 : f32 to vector<16xf32>
      %select_n3A_2665 = arith.select %ge3A_2660, %exp3A_2662, %broadcast_in_dim3A_2664 : vector<16xi1>, vector<16xf32>
      %add3A_2666 = arith.addf %add3A_2658, %select_n3A_2665 : vector<16xf32>
      %gather3A_2667 = tpu.vector_load_idx %arg4[%add3A_59] : memref<32768xf32, #tpu.memory_space<vmem>>[vector<16xi32>], vector<16xf32>,
      %ge3A_2668 = arith.cmpf oge, %gather3A_2667, %max3A_2563 : vector<16xf32>
      %sub3A_2669 = arith.subf %gather3A_2667, %max3A_334 : vector<16xf32>
      %exp3A_2670 = math.exp %sub3A_2669 : vector<16xf32>
      %jit3A_2671 = arith.constant 0.000000e+00 : f32
      %broadcast_in_dim3A_2672 = vector.broadcast %jit3A_2671 : f32 to vector<16xf32>
      %select_n3A_2673 = arith.select %ge3A_2668, %exp3A_2670, %broadcast_in_dim3A_2672 : vector<16xi1>, vector<16xf32>
      %add3A_2674 = arith.addf %add3A_2666, %select_n3A_2673 : vector<16xf32>
      %gather3A_2675 = tpu.vector_load_idx %arg4[%add3A_62] : memref<32768xf32, #tpu.memory_space<vmem>>[vector<16xi32>], vector<16xf32>,
      %ge3A_2676 = arith.cmpf oge, %gather3A_2675, %max3A_2563 : vector<16xf32>
      %sub3A_2677 = arith.subf %gather3A_2675, %max3A_334 : vector<16xf32>
      %exp3A_2678 = math.exp %sub3A_2677 : vector<16xf32>
      %jit3A_2679 = arith.constant 0.000000e+00 : f32
      %broadcast_in_dim3A_2680 = vector.broadcast %jit3A_2679 : f32 to vector<16xf32>
      %select_n3A_2681 = arith.select %ge3A_2676, %exp3A_2678, %broadcast_in_dim3A_2680 : vector<16xi1>, vector<16xf32>
      %add3A_2682 = arith.addf %add3A_2674, %select_n3A_2681 : vector<16xf32>
      %gather3A_2683 = tpu.vector_load_idx %arg4[%add3A_65] : memref<32768xf32, #tpu.memory_space<vmem>>[vector<16xi32>], vector<16xf32>,
      %ge3A_2684 = arith.cmpf oge, %gather3A_2683, %max3A_2563 : vector<16xf32>
      %sub3A_2685 = arith.subf %gather3A_2683, %max3A_334 : vector<16xf32>
      %exp3A_2686 = math.exp %sub3A_2685 : vector<16xf32>
      %jit3A_2687 = arith.constant 0.000000e+00 : f32
      %broadcast_in_dim3A_2688 = vector.broadcast %jit3A_2687 : f32 to vector<16xf32>
      %select_n3A_2689 = arith.select %ge3A_2684, %exp3A_2686, %broadcast_in_dim3A_2688 : vector<16xi1>, vector<16xf32>
      %add3A_2690 = arith.addf %add3A_2682, %select_n3A_2689 : vector<16xf32>
      %gather3A_2691 = tpu.vector_load_idx %arg4[%add3A_68] : memref<32768xf32, #tpu.memory_space<vmem>>[vector<16xi32>], vector<16xf32>,
      %ge3A_2692 = arith.cmpf oge, %gather3A_2691, %max3A_2563 : vector<16xf32>
      %sub3A_2693 = arith.subf %gather3A_2691, %max3A_334 : vector<16xf32>
      %exp3A_2694 = math.exp %sub3A_2693 : vector<16xf32>
      %jit3A_2695 = arith.constant 0.000000e+00 : f32
      %broadcast_in_dim3A_2696 = vector.broadcast %jit3A_2695 : f32 to vector<16xf32>
      %select_n3A_2697 = arith.select %ge3A_2692, %exp3A_2694, %broadcast_in_dim3A_2696 : vector<16xi1>, vector<16xf32>
      %add3A_2698 = arith.addf %add3A_2690, %select_n3A_2697 : vector<16xf32>
      %gather3A_2699 = tpu.vector_load_idx %arg4[%add3A_71] : memref<32768xf32, #tpu.memory_space<vmem>>[vector<16xi32>], vector<16xf32>,
      %ge3A_2700 = arith.cmpf oge, %gather3A_2699, %max3A_2563 : vector<16xf32>
      %sub3A_2701 = arith.subf %gather3A_2699, %max3A_334 : vector<16xf32>
      %exp3A_2702 = math.exp %sub3A_2701 : vector<16xf32>
      %jit3A_2703 = arith.constant 0.000000e+00 : f32
      %broadcast_in_dim3A_2704 = vector.broadcast %jit3A_2703 : f32 to vector<16xf32>
      %select_n3A_2705 = arith.select %ge3A_2700, %exp3A_2702, %broadcast_in_dim3A_2704 : vector<16xi1>, vector<16xf32>
      %add3A_2706 = arith.addf %add3A_2698, %select_n3A_2705 : vector<16xf32>
      %gather3A_2707 = tpu.vector_load_idx %arg4[%add3A_74] : memref<32768xf32, #tpu.memory_space<vmem>>[vector<16xi32>], vector<16xf32>,
      %ge3A_2708 = arith.cmpf oge, %gather3A_2707, %max3A_2563 : vector<16xf32>
      %sub3A_2709 = arith.subf %gather3A_2707, %max3A_334 : vector<16xf32>
      %exp3A_2710 = math.exp %sub3A_2709 : vector<16xf32>
      %jit3A_2711 = arith.constant 0.000000e+00 : f32
      %broadcast_in_dim3A_2712 = vector.broadcast %jit3A_2711 : f32 to vector<16xf32>
      %select_n3A_2713 = arith.select %ge3A_2708, %exp3A_2710, %broadcast_in_dim3A_2712 : vector<16xi1>, vector<16xf32>
      %add3A_2714 = arith.addf %add3A_2706, %select_n3A_2713 : vector<16xf32>
      %gather3A_2715 = tpu.vector_load_idx %arg4[%add3A_77] : memref<32768xf32, #tpu.memory_space<vmem>>[vector<16xi32>], vector<16xf32>,
      %ge3A_2716 = arith.cmpf oge, %gather3A_2715, %max3A_2563 : vector<16xf32>
      %sub3A_2717 = arith.subf %gather3A_2715, %max3A_334 : vector<16xf32>
      %exp3A_2718 = math.exp %sub3A_2717 : vector<16xf32>
      %jit3A_2719 = arith.constant 0.000000e+00 : f32
      %broadcast_in_dim3A_2720 = vector.broadcast %jit3A_2719 : f32 to vector<16xf32>
      %select_n3A_2721 = arith.select %ge3A_2716, %exp3A_2718, %broadcast_in_dim3A_2720 : vector<16xi1>, vector<16xf32>
      %add3A_2722 = arith.addf %add3A_2714, %select_n3A_2721 : vector<16xf32>
      %gather3A_2723 = tpu.vector_load_idx %arg4[%add3A_80] : memref<32768xf32, #tpu.memory_space<vmem>>[vector<16xi32>], vector<16xf32>,
      %ge3A_2724 = arith.cmpf oge, %gather3A_2723, %max3A_2563 : vector<16xf32>
      %sub3A_2725 = arith.subf %gather3A_2723, %max3A_334 : vector<16xf32>
      %exp3A_2726 = math.exp %sub3A_2725 : vector<16xf32>
      %jit3A_2727 = arith.constant 0.000000e+00 : f32
      %broadcast_in_dim3A_2728 = vector.broadcast %jit3A_2727 : f32 to vector<16xf32>
      %select_n3A_2729 = arith.select %ge3A_2724, %exp3A_2726, %broadcast_in_dim3A_2728 : vector<16xi1>, vector<16xf32>
      %add3A_2730 = arith.addf %add3A_2722, %select_n3A_2729 : vector<16xf32>
      %gather3A_2731 = tpu.vector_load_idx %arg4[%add3A_83] : memref<32768xf32, #tpu.memory_space<vmem>>[vector<16xi32>], vector<16xf32>,
      %ge3A_2732 = arith.cmpf oge, %gather3A_2731, %max3A_2563 : vector<16xf32>
      %sub3A_2733 = arith.subf %gather3A_2731, %max3A_334 : vector<16xf32>
      %exp3A_2734 = math.exp %sub3A_2733 : vector<16xf32>
      %jit3A_2735 = arith.constant 0.000000e+00 : f32
      %broadcast_in_dim3A_2736 = vector.broadcast %jit3A_2735 : f32 to vector<16xf32>
      %select_n3A_2737 = arith.select %ge3A_2732, %exp3A_2734, %broadcast_in_dim3A_2736 : vector<16xi1>, vector<16xf32>
      %add3A_2738 = arith.addf %add3A_2730, %select_n3A_2737 : vector<16xf32>
      %gather3A_2739 = tpu.vector_load_idx %arg4[%add3A_86] : memref<32768xf32, #tpu.memory_space<vmem>>[vector<16xi32>], vector<16xf32>,
      %ge3A_2740 = arith.cmpf oge, %gather3A_2739, %max3A_2563 : vector<16xf32>
      %sub3A_2741 = arith.subf %gather3A_2739, %max3A_334 : vector<16xf32>
      %exp3A_2742 = math.exp %sub3A_2741 : vector<16xf32>
      %jit3A_2743 = arith.constant 0.000000e+00 : f32
      %broadcast_in_dim3A_2744 = vector.broadcast %jit3A_2743 : f32 to vector<16xf32>
      %select_n3A_2745 = arith.select %ge3A_2740, %exp3A_2742, %broadcast_in_dim3A_2744 : vector<16xi1>, vector<16xf32>
      %add3A_2746 = arith.addf %add3A_2738, %select_n3A_2745 : vector<16xf32>
      %gather3A_2747 = tpu.vector_load_idx %arg4[%add3A_89] : memref<32768xf32, #tpu.memory_space<vmem>>[vector<16xi32>], vector<16xf32>,
      %ge3A_2748 = arith.cmpf oge, %gather3A_2747, %max3A_2563 : vector<16xf32>
      %sub3A_2749 = arith.subf %gather3A_2747, %max3A_334 : vector<16xf32>
      %exp3A_2750 = math.exp %sub3A_2749 : vector<16xf32>
      %jit3A_2751 = arith.constant 0.000000e+00 : f32
      %broadcast_in_dim3A_2752 = vector.broadcast %jit3A_2751 : f32 to vector<16xf32>
      %select_n3A_2753 = arith.select %ge3A_2748, %exp3A_2750, %broadcast_in_dim3A_2752 : vector<16xi1>, vector<16xf32>
      %add3A_2754 = arith.addf %add3A_2746, %select_n3A_2753 : vector<16xf32>
      %gather3A_2755 = tpu.vector_load_idx %arg4[%add3A_92] : memref<32768xf32, #tpu.memory_space<vmem>>[vector<16xi32>], vector<16xf32>,
      %ge3A_2756 = arith.cmpf oge, %gather3A_2755, %max3A_2563 : vector<16xf32>
      %sub3A_2757 = arith.subf %gather3A_2755, %max3A_334 : vector<16xf32>
      %exp3A_2758 = math.exp %sub3A_2757 : vector<16xf32>
      %jit3A_2759 = arith.constant 0.000000e+00 : f32
      %broadcast_in_dim3A_2760 = vector.broadcast %jit3A_2759 : f32 to vector<16xf32>
      %select_n3A_2761 = arith.select %ge3A_2756, %exp3A_2758, %broadcast_in_dim3A_2760 : vector<16xi1>, vector<16xf32>
      %add3A_2762 = arith.addf %add3A_2754, %select_n3A_2761 : vector<16xf32>
      %gather3A_2763 = tpu.vector_load_idx %arg4[%add3A_95] : memref<32768xf32, #tpu.memory_space<vmem>>[vector<16xi32>], vector<16xf32>,
      %ge3A_2764 = arith.cmpf oge, %gather3A_2763, %max3A_2563 : vector<16xf32>
      %sub3A_2765 = arith.subf %gather3A_2763, %max3A_334 : vector<16xf32>
      %exp3A_2766 = math.exp %sub3A_2765 : vector<16xf32>
      %jit3A_2767 = arith.constant 0.000000e+00 : f32
      %broadcast_in_dim3A_2768 = vector.broadcast %jit3A_2767 : f32 to vector<16xf32>
      %select_n3A_2769 = arith.select %ge3A_2764, %exp3A_2766, %broadcast_in_dim3A_2768 : vector<16xi1>, vector<16xf32>
      %add3A_2770 = arith.addf %add3A_2762, %select_n3A_2769 : vector<16xf32>
      %gather3A_2771 = tpu.vector_load_idx %arg4[%add3A_98] : memref<32768xf32, #tpu.memory_space<vmem>>[vector<16xi32>], vector<16xf32>,
      %ge3A_2772 = arith.cmpf oge, %gather3A_2771, %max3A_2563 : vector<16xf32>
      %sub3A_2773 = arith.subf %gather3A_2771, %max3A_334 : vector<16xf32>
      %exp3A_2774 = math.exp %sub3A_2773 : vector<16xf32>
      %jit3A_2775 = arith.constant 0.000000e+00 : f32
      %broadcast_in_dim3A_2776 = vector.broadcast %jit3A_2775 : f32 to vector<16xf32>
      %select_n3A_2777 = arith.select %ge3A_2772, %exp3A_2774, %broadcast_in_dim3A_2776 : vector<16xi1>, vector<16xf32>
      %add3A_2778 = arith.addf %add3A_2770, %select_n3A_2777 : vector<16xf32>
      %gather3A_2779 = tpu.vector_load_idx %arg4[%add3A_101] : memref<32768xf32, #tpu.memory_space<vmem>>[vector<16xi32>], vector<16xf32>,
      %ge3A_2780 = arith.cmpf oge, %gather3A_2779, %max3A_2563 : vector<16xf32>
      %sub3A_2781 = arith.subf %gather3A_2779, %max3A_334 : vector<16xf32>
      %exp3A_2782 = math.exp %sub3A_2781 : vector<16xf32>
      %jit3A_2783 = arith.constant 0.000000e+00 : f32
      %broadcast_in_dim3A_2784 = vector.broadcast %jit3A_2783 : f32 to vector<16xf32>
      %select_n3A_2785 = arith.select %ge3A_2780, %exp3A_2782, %broadcast_in_dim3A_2784 : vector<16xi1>, vector<16xf32>
      %add3A_2786 = arith.addf %add3A_2778, %select_n3A_2785 : vector<16xf32>
      %gather3A_2787 = tpu.vector_load_idx %arg4[%add3A_104] : memref<32768xf32, #tpu.memory_space<vmem>>[vector<16xi32>], vector<16xf32>,
      %ge3A_2788 = arith.cmpf oge, %gather3A_2787, %max3A_2563 : vector<16xf32>
      %sub3A_2789 = arith.subf %gather3A_2787, %max3A_334 : vector<16xf32>
      %exp3A_2790 = math.exp %sub3A_2789 : vector<16xf32>
      %jit3A_2791 = arith.constant 0.000000e+00 : f32
      %broadcast_in_dim3A_2792 = vector.broadcast %jit3A_2791 : f32 to vector<16xf32>
      %select_n3A_2793 = arith.select %ge3A_2788, %exp3A_2790, %broadcast_in_dim3A_2792 : vector<16xi1>, vector<16xf32>
      %add3A_2794 = arith.addf %add3A_2786, %select_n3A_2793 : vector<16xf32>
      %gather3A_2795 = tpu.vector_load_idx %arg4[%add3A_107] : memref<32768xf32, #tpu.memory_space<vmem>>[vector<16xi32>], vector<16xf32>,
      %ge3A_2796 = arith.cmpf oge, %gather3A_2795, %max3A_2563 : vector<16xf32>
      %sub3A_2797 = arith.subf %gather3A_2795, %max3A_334 : vector<16xf32>
      %exp3A_2798 = math.exp %sub3A_2797 : vector<16xf32>
      %jit3A_2799 = arith.constant 0.000000e+00 : f32
      %broadcast_in_dim3A_2800 = vector.broadcast %jit3A_2799 : f32 to vector<16xf32>
      %select_n3A_2801 = arith.select %ge3A_2796, %exp3A_2798, %broadcast_in_dim3A_2800 : vector<16xi1>, vector<16xf32>
      %add3A_2802 = arith.addf %add3A_2794, %select_n3A_2801 : vector<16xf32>
      %gather3A_2803 = tpu.vector_load_idx %arg4[%add3A_110] : memref<32768xf32, #tpu.memory_space<vmem>>[vector<16xi32>], vector<16xf32>,
      %ge3A_2804 = arith.cmpf oge, %gather3A_2803, %max3A_2563 : vector<16xf32>
      %sub3A_2805 = arith.subf %gather3A_2803, %max3A_334 : vector<16xf32>
      %exp3A_2806 = math.exp %sub3A_2805 : vector<16xf32>
      %jit3A_2807 = arith.constant 0.000000e+00 : f32
      %broadcast_in_dim3A_2808 = vector.broadcast %jit3A_2807 : f32 to vector<16xf32>
      %select_n3A_2809 = arith.select %ge3A_2804, %exp3A_2806, %broadcast_in_dim3A_2808 : vector<16xi1>, vector<16xf32>
      %add3A_2810 = arith.addf %add3A_2802, %select_n3A_2809 : vector<16xf32>
      %gather3A_2811 = tpu.vector_load_idx %arg4[%add3A_113] : memref<32768xf32, #tpu.memory_space<vmem>>[vector<16xi32>], vector<16xf32>,
      %ge3A_2812 = arith.cmpf oge, %gather3A_2811, %max3A_2563 : vector<16xf32>
      %sub3A_2813 = arith.subf %gather3A_2811, %max3A_334 : vector<16xf32>
      %exp3A_2814 = math.exp %sub3A_2813 : vector<16xf32>
      %jit3A_2815 = arith.constant 0.000000e+00 : f32
      %broadcast_in_dim3A_2816 = vector.broadcast %jit3A_2815 : f32 to vector<16xf32>
      %select_n3A_2817 = arith.select %ge3A_2812, %exp3A_2814, %broadcast_in_dim3A_2816 : vector<16xi1>, vector<16xf32>
      %add3A_2818 = arith.addf %add3A_2810, %select_n3A_2817 : vector<16xf32>
      %gather3A_2819 = tpu.vector_load_idx %arg4[%add3A_116] : memref<32768xf32, #tpu.memory_space<vmem>>[vector<16xi32>], vector<16xf32>,
      %ge3A_2820 = arith.cmpf oge, %gather3A_2819, %max3A_2563 : vector<16xf32>
      %sub3A_2821 = arith.subf %gather3A_2819, %max3A_334 : vector<16xf32>
      %exp3A_2822 = math.exp %sub3A_2821 : vector<16xf32>
      %jit3A_2823 = arith.constant 0.000000e+00 : f32
      %broadcast_in_dim3A_2824 = vector.broadcast %jit3A_2823 : f32 to vector<16xf32>
      %select_n3A_2825 = arith.select %ge3A_2820, %exp3A_2822, %broadcast_in_dim3A_2824 : vector<16xi1>, vector<16xf32>
      %add3A_2826 = arith.addf %add3A_2818, %select_n3A_2825 : vector<16xf32>
      %gather3A_2827 = tpu.vector_load_idx %arg4[%add3A_119] : memref<32768xf32, #tpu.memory_space<vmem>>[vector<16xi32>], vector<16xf32>,
      %ge3A_2828 = arith.cmpf oge, %gather3A_2827, %max3A_2563 : vector<16xf32>
      %sub3A_2829 = arith.subf %gather3A_2827, %max3A_334 : vector<16xf32>
      %exp3A_2830 = math.exp %sub3A_2829 : vector<16xf32>
      %jit3A_2831 = arith.constant 0.000000e+00 : f32
      %broadcast_in_dim3A_2832 = vector.broadcast %jit3A_2831 : f32 to vector<16xf32>
      %select_n3A_2833 = arith.select %ge3A_2828, %exp3A_2830, %broadcast_in_dim3A_2832 : vector<16xi1>, vector<16xf32>
      %add3A_2834 = arith.addf %add3A_2826, %select_n3A_2833 : vector<16xf32>
      %gather3A_2835 = tpu.vector_load_idx %arg4[%add3A_122] : memref<32768xf32, #tpu.memory_space<vmem>>[vector<16xi32>], vector<16xf32>,
      %ge3A_2836 = arith.cmpf oge, %gather3A_2835, %max3A_2563 : vector<16xf32>
      %sub3A_2837 = arith.subf %gather3A_2835, %max3A_334 : vector<16xf32>
      %exp3A_2838 = math.exp %sub3A_2837 : vector<16xf32>
      %jit3A_2839 = arith.constant 0.000000e+00 : f32
      %broadcast_in_dim3A_2840 = vector.broadcast %jit3A_2839 : f32 to vector<16xf32>
      %select_n3A_2841 = arith.select %ge3A_2836, %exp3A_2838, %broadcast_in_dim3A_2840 : vector<16xi1>, vector<16xf32>
      %add3A_2842 = arith.addf %add3A_2834, %select_n3A_2841 : vector<16xf32>
      %gather3A_2843 = tpu.vector_load_idx %arg4[%add3A_125] : memref<32768xf32, #tpu.memory_space<vmem>>[vector<16xi32>], vector<16xf32>,
      %ge3A_2844 = arith.cmpf oge, %gather3A_2843, %max3A_2563 : vector<16xf32>
      %sub3A_2845 = arith.subf %gather3A_2843, %max3A_334 : vector<16xf32>
      %exp3A_2846 = math.exp %sub3A_2845 : vector<16xf32>
      %jit3A_2847 = arith.constant 0.000000e+00 : f32
      %broadcast_in_dim3A_2848 = vector.broadcast %jit3A_2847 : f32 to vector<16xf32>
      %select_n3A_2849 = arith.select %ge3A_2844, %exp3A_2846, %broadcast_in_dim3A_2848 : vector<16xi1>, vector<16xf32>
      %add3A_2850 = arith.addf %add3A_2842, %select_n3A_2849 : vector<16xf32>
      %gather3A_2851 = tpu.vector_load_idx %arg4[%add3A_128] : memref<32768xf32, #tpu.memory_space<vmem>>[vector<16xi32>], vector<16xf32>,
      %ge3A_2852 = arith.cmpf oge, %gather3A_2851, %max3A_2563 : vector<16xf32>
      %sub3A_2853 = arith.subf %gather3A_2851, %max3A_334 : vector<16xf32>
      %exp3A_2854 = math.exp %sub3A_2853 : vector<16xf32>
      %jit3A_2855 = arith.constant 0.000000e+00 : f32
      %broadcast_in_dim3A_2856 = vector.broadcast %jit3A_2855 : f32 to vector<16xf32>
      %select_n3A_2857 = arith.select %ge3A_2852, %exp3A_2854, %broadcast_in_dim3A_2856 : vector<16xi1>, vector<16xf32>
      %add3A_2858 = arith.addf %add3A_2850, %select_n3A_2857 : vector<16xf32>
      %gather3A_2859 = tpu.vector_load_idx %arg4[%add3A_131] : memref<32768xf32, #tpu.memory_space<vmem>>[vector<16xi32>], vector<16xf32>,
      %ge3A_2860 = arith.cmpf oge, %gather3A_2859, %max3A_2563 : vector<16xf32>
      %sub3A_2861 = arith.subf %gather3A_2859, %max3A_334 : vector<16xf32>
      %exp3A_2862 = math.exp %sub3A_2861 : vector<16xf32>
      %jit3A_2863 = arith.constant 0.000000e+00 : f32
      %broadcast_in_dim3A_2864 = vector.broadcast %jit3A_2863 : f32 to vector<16xf32>
      %select_n3A_2865 = arith.select %ge3A_2860, %exp3A_2862, %broadcast_in_dim3A_2864 : vector<16xi1>, vector<16xf32>
      %add3A_2866 = arith.addf %add3A_2858, %select_n3A_2865 : vector<16xf32>
      %gather3A_2867 = tpu.vector_load_idx %arg4[%add3A_134] : memref<32768xf32, #tpu.memory_space<vmem>>[vector<16xi32>], vector<16xf32>,
      %ge3A_2868 = arith.cmpf oge, %gather3A_2867, %max3A_2563 : vector<16xf32>
      %sub3A_2869 = arith.subf %gather3A_2867, %max3A_334 : vector<16xf32>
      %exp3A_2870 = math.exp %sub3A_2869 : vector<16xf32>
      %jit3A_2871 = arith.constant 0.000000e+00 : f32
      %broadcast_in_dim3A_2872 = vector.broadcast %jit3A_2871 : f32 to vector<16xf32>
      %select_n3A_2873 = arith.select %ge3A_2868, %exp3A_2870, %broadcast_in_dim3A_2872 : vector<16xi1>, vector<16xf32>
      %add3A_2874 = arith.addf %add3A_2866, %select_n3A_2873 : vector<16xf32>
      %gather3A_2875 = tpu.vector_load_idx %arg4[%add3A_137] : memref<32768xf32, #tpu.memory_space<vmem>>[vector<16xi32>], vector<16xf32>,
      %ge3A_2876 = arith.cmpf oge, %gather3A_2875, %max3A_2563 : vector<16xf32>
      %sub3A_2877 = arith.subf %gather3A_2875, %max3A_334 : vector<16xf32>
      %exp3A_2878 = math.exp %sub3A_2877 : vector<16xf32>
      %jit3A_2879 = arith.constant 0.000000e+00 : f32
      %broadcast_in_dim3A_2880 = vector.broadcast %jit3A_2879 : f32 to vector<16xf32>
      %select_n3A_2881 = arith.select %ge3A_2876, %exp3A_2878, %broadcast_in_dim3A_2880 : vector<16xi1>, vector<16xf32>
      %add3A_2882 = arith.addf %add3A_2874, %select_n3A_2881 : vector<16xf32>
      %gather3A_2883 = tpu.vector_load_idx %arg4[%add3A_140] : memref<32768xf32, #tpu.memory_space<vmem>>[vector<16xi32>], vector<16xf32>,
      %ge3A_2884 = arith.cmpf oge, %gather3A_2883, %max3A_2563 : vector<16xf32>
      %sub3A_2885 = arith.subf %gather3A_2883, %max3A_334 : vector<16xf32>
      %exp3A_2886 = math.exp %sub3A_2885 : vector<16xf32>
      %jit3A_2887 = arith.constant 0.000000e+00 : f32
      %broadcast_in_dim3A_2888 = vector.broadcast %jit3A_2887 : f32 to vector<16xf32>
      %select_n3A_2889 = arith.select %ge3A_2884, %exp3A_2886, %broadcast_in_dim3A_2888 : vector<16xi1>, vector<16xf32>
      %add3A_2890 = arith.addf %add3A_2882, %select_n3A_2889 : vector<16xf32>
      %gather3A_2891 = tpu.vector_load_idx %arg4[%add3A_143] : memref<32768xf32, #tpu.memory_space<vmem>>[vector<16xi32>], vector<16xf32>,
      %ge3A_2892 = arith.cmpf oge, %gather3A_2891, %max3A_2563 : vector<16xf32>
      %sub3A_2893 = arith.subf %gather3A_2891, %max3A_334 : vector<16xf32>
      %exp3A_2894 = math.exp %sub3A_2893 : vector<16xf32>
      %jit3A_2895 = arith.constant 0.000000e+00 : f32
      %broadcast_in_dim3A_2896 = vector.broadcast %jit3A_2895 : f32 to vector<16xf32>
      %select_n3A_2897 = arith.select %ge3A_2892, %exp3A_2894, %broadcast_in_dim3A_2896 : vector<16xi1>, vector<16xf32>
      %add3A_2898 = arith.addf %add3A_2890, %select_n3A_2897 : vector<16xf32>
      %gather3A_2899 = tpu.vector_load_idx %arg4[%add3A_146] : memref<32768xf32, #tpu.memory_space<vmem>>[vector<16xi32>], vector<16xf32>,
      %ge3A_2900 = arith.cmpf oge, %gather3A_2899, %max3A_2563 : vector<16xf32>
      %sub3A_2901 = arith.subf %gather3A_2899, %max3A_334 : vector<16xf32>
      %exp3A_2902 = math.exp %sub3A_2901 : vector<16xf32>
      %jit3A_2903 = arith.constant 0.000000e+00 : f32
      %broadcast_in_dim3A_2904 = vector.broadcast %jit3A_2903 : f32 to vector<16xf32>
      %select_n3A_2905 = arith.select %ge3A_2900, %exp3A_2902, %broadcast_in_dim3A_2904 : vector<16xi1>, vector<16xf32>
      %add3A_2906 = arith.addf %add3A_2898, %select_n3A_2905 : vector<16xf32>
      %gather3A_2907 = tpu.vector_load_idx %arg4[%add3A_149] : memref<32768xf32, #tpu.memory_space<vmem>>[vector<16xi32>], vector<16xf32>,
      %ge3A_2908 = arith.cmpf oge, %gather3A_2907, %max3A_2563 : vector<16xf32>
      %sub3A_2909 = arith.subf %gather3A_2907, %max3A_334 : vector<16xf32>
      %exp3A_2910 = math.exp %sub3A_2909 : vector<16xf32>
      %jit3A_2911 = arith.constant 0.000000e+00 : f32
      %broadcast_in_dim3A_2912 = vector.broadcast %jit3A_2911 : f32 to vector<16xf32>
      %select_n3A_2913 = arith.select %ge3A_2908, %exp3A_2910, %broadcast_in_dim3A_2912 : vector<16xi1>, vector<16xf32>
      %add3A_2914 = arith.addf %add3A_2906, %select_n3A_2913 : vector<16xf32>
      %gather3A_2915 = tpu.vector_load_idx %arg4[%add3A_152] : memref<32768xf32, #tpu.memory_space<vmem>>[vector<16xi32>], vector<16xf32>,
      %ge3A_2916 = arith.cmpf oge, %gather3A_2915, %max3A_2563 : vector<16xf32>
      %sub3A_2917 = arith.subf %gather3A_2915, %max3A_334 : vector<16xf32>
      %exp3A_2918 = math.exp %sub3A_2917 : vector<16xf32>
      %jit3A_2919 = arith.constant 0.000000e+00 : f32
      %broadcast_in_dim3A_2920 = vector.broadcast %jit3A_2919 : f32 to vector<16xf32>
      %select_n3A_2921 = arith.select %ge3A_2916, %exp3A_2918, %broadcast_in_dim3A_2920 : vector<16xi1>, vector<16xf32>
      %add3A_2922 = arith.addf %add3A_2914, %select_n3A_2921 : vector<16xf32>
      %gather3A_2923 = tpu.vector_load_idx %arg4[%add3A_155] : memref<32768xf32, #tpu.memory_space<vmem>>[vector<16xi32>], vector<16xf32>,
      %ge3A_2924 = arith.cmpf oge, %gather3A_2923, %max3A_2563 : vector<16xf32>
      %sub3A_2925 = arith.subf %gather3A_2923, %max3A_334 : vector<16xf32>
      %exp3A_2926 = math.exp %sub3A_2925 : vector<16xf32>
      %jit3A_2927 = arith.constant 0.000000e+00 : f32
      %broadcast_in_dim3A_2928 = vector.broadcast %jit3A_2927 : f32 to vector<16xf32>
      %select_n3A_2929 = arith.select %ge3A_2924, %exp3A_2926, %broadcast_in_dim3A_2928 : vector<16xi1>, vector<16xf32>
      %add3A_2930 = arith.addf %add3A_2922, %select_n3A_2929 : vector<16xf32>
      %gather3A_2931 = tpu.vector_load_idx %arg4[%add3A_158] : memref<32768xf32, #tpu.memory_space<vmem>>[vector<16xi32>], vector<16xf32>,
      %ge3A_2932 = arith.cmpf oge, %gather3A_2931, %max3A_2563 : vector<16xf32>
      %sub3A_2933 = arith.subf %gather3A_2931, %max3A_334 : vector<16xf32>
      %exp3A_2934 = math.exp %sub3A_2933 : vector<16xf32>
      %jit3A_2935 = arith.constant 0.000000e+00 : f32
      %broadcast_in_dim3A_2936 = vector.broadcast %jit3A_2935 : f32 to vector<16xf32>
      %select_n3A_2937 = arith.select %ge3A_2932, %exp3A_2934, %broadcast_in_dim3A_2936 : vector<16xi1>, vector<16xf32>
      %add3A_2938 = arith.addf %add3A_2930, %select_n3A_2937 : vector<16xf32>
      %gather3A_2939 = tpu.vector_load_idx %arg4[%add3A_161] : memref<32768xf32, #tpu.memory_space<vmem>>[vector<16xi32>], vector<16xf32>,
      %ge3A_2940 = arith.cmpf oge, %gather3A_2939, %max3A_2563 : vector<16xf32>
      %sub3A_2941 = arith.subf %gather3A_2939, %max3A_334 : vector<16xf32>
      %exp3A_2942 = math.exp %sub3A_2941 : vector<16xf32>
      %jit3A_2943 = arith.constant 0.000000e+00 : f32
      %broadcast_in_dim3A_2944 = vector.broadcast %jit3A_2943 : f32 to vector<16xf32>
      %select_n3A_2945 = arith.select %ge3A_2940, %exp3A_2942, %broadcast_in_dim3A_2944 : vector<16xi1>, vector<16xf32>
      %add3A_2946 = arith.addf %add3A_2938, %select_n3A_2945 : vector<16xf32>
      %gather3A_2947 = tpu.vector_load_idx %arg4[%add3A_164] : memref<32768xf32, #tpu.memory_space<vmem>>[vector<16xi32>], vector<16xf32>,
      %ge3A_2948 = arith.cmpf oge, %gather3A_2947, %max3A_2563 : vector<16xf32>
      %sub3A_2949 = arith.subf %gather3A_2947, %max3A_334 : vector<16xf32>
      %exp3A_2950 = math.exp %sub3A_2949 : vector<16xf32>
      %jit3A_2951 = arith.constant 0.000000e+00 : f32
      %broadcast_in_dim3A_2952 = vector.broadcast %jit3A_2951 : f32 to vector<16xf32>
      %select_n3A_2953 = arith.select %ge3A_2948, %exp3A_2950, %broadcast_in_dim3A_2952 : vector<16xi1>, vector<16xf32>
      %add3A_2954 = arith.addf %add3A_2946, %select_n3A_2953 : vector<16xf32>
      %gather3A_2955 = tpu.vector_load_idx %arg4[%add3A_167] : memref<32768xf32, #tpu.memory_space<vmem>>[vector<16xi32>], vector<16xf32>,
      %ge3A_2956 = arith.cmpf oge, %gather3A_2955, %max3A_2563 : vector<16xf32>
      %sub3A_2957 = arith.subf %gather3A_2955, %max3A_334 : vector<16xf32>
      %exp3A_2958 = math.exp %sub3A_2957 : vector<16xf32>
      %jit3A_2959 = arith.constant 0.000000e+00 : f32
      %broadcast_in_dim3A_2960 = vector.broadcast %jit3A_2959 : f32 to vector<16xf32>
      %select_n3A_2961 = arith.select %ge3A_2956, %exp3A_2958, %broadcast_in_dim3A_2960 : vector<16xi1>, vector<16xf32>
      %add3A_2962 = arith.addf %add3A_2954, %select_n3A_2961 : vector<16xf32>
      %gather3A_2963 = tpu.vector_load_idx %arg4[%add3A_170] : memref<32768xf32, #tpu.memory_space<vmem>>[vector<16xi32>], vector<16xf32>,
      %ge3A_2964 = arith.cmpf oge, %gather3A_2963, %max3A_2563 : vector<16xf32>
      %sub3A_2965 = arith.subf %gather3A_2963, %max3A_334 : vector<16xf32>
      %exp3A_2966 = math.exp %sub3A_2965 : vector<16xf32>
      %jit3A_2967 = arith.constant 0.000000e+00 : f32
      %broadcast_in_dim3A_2968 = vector.broadcast %jit3A_2967 : f32 to vector<16xf32>
      %select_n3A_2969 = arith.select %ge3A_2964, %exp3A_2966, %broadcast_in_dim3A_2968 : vector<16xi1>, vector<16xf32>
      %add3A_2970 = arith.addf %add3A_2962, %select_n3A_2969 : vector<16xf32>
      %gather3A_2971 = tpu.vector_load_idx %arg4[%add3A_173] : memref<32768xf32, #tpu.memory_space<vmem>>[vector<16xi32>], vector<16xf32>,
      %ge3A_2972 = arith.cmpf oge, %gather3A_2971, %max3A_2563 : vector<16xf32>
      %sub3A_2973 = arith.subf %gather3A_2971, %max3A_334 : vector<16xf32>
      %exp3A_2974 = math.exp %sub3A_2973 : vector<16xf32>
      %jit3A_2975 = arith.constant 0.000000e+00 : f32
      %broadcast_in_dim3A_2976 = vector.broadcast %jit3A_2975 : f32 to vector<16xf32>
      %select_n3A_2977 = arith.select %ge3A_2972, %exp3A_2974, %broadcast_in_dim3A_2976 : vector<16xi1>, vector<16xf32>
      %add3A_2978 = arith.addf %add3A_2970, %select_n3A_2977 : vector<16xf32>
      %gather3A_2979 = tpu.vector_load_idx %arg4[%add3A_176] : memref<32768xf32, #tpu.memory_space<vmem>>[vector<16xi32>], vector<16xf32>,
      %ge3A_2980 = arith.cmpf oge, %gather3A_2979, %max3A_2563 : vector<16xf32>
      %sub3A_2981 = arith.subf %gather3A_2979, %max3A_334 : vector<16xf32>
      %exp3A_2982 = math.exp %sub3A_2981 : vector<16xf32>
      %jit3A_2983 = arith.constant 0.000000e+00 : f32
      %broadcast_in_dim3A_2984 = vector.broadcast %jit3A_2983 : f32 to vector<16xf32>
      %select_n3A_2985 = arith.select %ge3A_2980, %exp3A_2982, %broadcast_in_dim3A_2984 : vector<16xi1>, vector<16xf32>
      %add3A_2986 = arith.addf %add3A_2978, %select_n3A_2985 : vector<16xf32>
      %gather3A_2987 = tpu.vector_load_idx %arg4[%add3A_179] : memref<32768xf32, #tpu.memory_space<vmem>>[vector<16xi32>], vector<16xf32>,
      %ge3A_2988 = arith.cmpf oge, %gather3A_2987, %max3A_2563 : vector<16xf32>
      %sub3A_2989 = arith.subf %gather3A_2987, %max3A_334 : vector<16xf32>
      %exp3A_2990 = math.exp %sub3A_2989 : vector<16xf32>
      %jit3A_2991 = arith.constant 0.000000e+00 : f32
      %broadcast_in_dim3A_2992 = vector.broadcast %jit3A_2991 : f32 to vector<16xf32>
      %select_n3A_2993 = arith.select %ge3A_2988, %exp3A_2990, %broadcast_in_dim3A_2992 : vector<16xi1>, vector<16xf32>
      %add3A_2994 = arith.addf %add3A_2986, %select_n3A_2993 : vector<16xf32>
      %gather3A_2995 = tpu.vector_load_idx %arg4[%add3A_182] : memref<32768xf32, #tpu.memory_space<vmem>>[vector<16xi32>], vector<16xf32>,
      %ge3A_2996 = arith.cmpf oge, %gather3A_2995, %max3A_2563 : vector<16xf32>
      %sub3A_2997 = arith.subf %gather3A_2995, %max3A_334 : vector<16xf32>
      %exp3A_2998 = math.exp %sub3A_2997 : vector<16xf32>
      %jit3A_2999 = arith.constant 0.000000e+00 : f32
      %broadcast_in_dim3A_3000 = vector.broadcast %jit3A_2999 : f32 to vector<16xf32>
      %select_n3A_3001 = arith.select %ge3A_2996, %exp3A_2998, %broadcast_in_dim3A_3000 : vector<16xi1>, vector<16xf32>
      %add3A_3002 = arith.addf %add3A_2994, %select_n3A_3001 : vector<16xf32>
      %gather3A_3003 = tpu.vector_load_idx %arg4[%add3A_185] : memref<32768xf32, #tpu.memory_space<vmem>>[vector<16xi32>], vector<16xf32>,
      %ge3A_3004 = arith.cmpf oge, %gather3A_3003, %max3A_2563 : vector<16xf32>
      %sub3A_3005 = arith.subf %gather3A_3003, %max3A_334 : vector<16xf32>
      %exp3A_3006 = math.exp %sub3A_3005 : vector<16xf32>
      %jit3A_3007 = arith.constant 0.000000e+00 : f32
      %broadcast_in_dim3A_3008 = vector.broadcast %jit3A_3007 : f32 to vector<16xf32>
      %select_n3A_3009 = arith.select %ge3A_3004, %exp3A_3006, %broadcast_in_dim3A_3008 : vector<16xi1>, vector<16xf32>
      %add3A_3010 = arith.addf %add3A_3002, %select_n3A_3009 : vector<16xf32>
      %gather3A_3011 = tpu.vector_load_idx %arg4[%add3A_188] : memref<32768xf32, #tpu.memory_space<vmem>>[vector<16xi32>], vector<16xf32>,
      %ge3A_3012 = arith.cmpf oge, %gather3A_3011, %max3A_2563 : vector<16xf32>
      %sub3A_3013 = arith.subf %gather3A_3011, %max3A_334 : vector<16xf32>
      %exp3A_3014 = math.exp %sub3A_3013 : vector<16xf32>
      %jit3A_3015 = arith.constant 0.000000e+00 : f32
      %broadcast_in_dim3A_3016 = vector.broadcast %jit3A_3015 : f32 to vector<16xf32>
      %select_n3A_3017 = arith.select %ge3A_3012, %exp3A_3014, %broadcast_in_dim3A_3016 : vector<16xi1>, vector<16xf32>
      %add3A_3018 = arith.addf %add3A_3010, %select_n3A_3017 : vector<16xf32>
      %gather3A_3019 = tpu.vector_load_idx %arg4[%add3A_191] : memref<32768xf32, #tpu.memory_space<vmem>>[vector<16xi32>], vector<16xf32>,
      %ge3A_3020 = arith.cmpf oge, %gather3A_3019, %max3A_2563 : vector<16xf32>
      %sub3A_3021 = arith.subf %gather3A_3019, %max3A_334 : vector<16xf32>
      %exp3A_3022 = math.exp %sub3A_3021 : vector<16xf32>
      %jit3A_3023 = arith.constant 0.000000e+00 : f32
      %broadcast_in_dim3A_3024 = vector.broadcast %jit3A_3023 : f32 to vector<16xf32>
      %select_n3A_3025 = arith.select %ge3A_3020, %exp3A_3022, %broadcast_in_dim3A_3024 : vector<16xi1>, vector<16xf32>
      %add3A_3026 = arith.addf %add3A_3018, %select_n3A_3025 : vector<16xf32>
      %gather3A_3027 = tpu.vector_load_idx %arg4[%add3A_194] : memref<32768xf32, #tpu.memory_space<vmem>>[vector<16xi32>], vector<16xf32>,
      %ge3A_3028 = arith.cmpf oge, %gather3A_3027, %max3A_2563 : vector<16xf32>
      %sub3A_3029 = arith.subf %gather3A_3027, %max3A_334 : vector<16xf32>
      %exp3A_3030 = math.exp %sub3A_3029 : vector<16xf32>
      %jit3A_3031 = arith.constant 0.000000e+00 : f32
      %broadcast_in_dim3A_3032 = vector.broadcast %jit3A_3031 : f32 to vector<16xf32>
      %select_n3A_3033 = arith.select %ge3A_3028, %exp3A_3030, %broadcast_in_dim3A_3032 : vector<16xi1>, vector<16xf32>
      %add3A_3034 = arith.addf %add3A_3026, %select_n3A_3033 : vector<16xf32>
      %gather3A_3035 = tpu.vector_load_idx %arg4[%add3A_197] : memref<32768xf32, #tpu.memory_space<vmem>>[vector<16xi32>], vector<16xf32>,
      %ge3A_3036 = arith.cmpf oge, %gather3A_3035, %max3A_2563 : vector<16xf32>
      %sub3A_3037 = arith.subf %gather3A_3035, %max3A_334 : vector<16xf32>
      %exp3A_3038 = math.exp %sub3A_3037 : vector<16xf32>
      %jit3A_3039 = arith.constant 0.000000e+00 : f32
      %broadcast_in_dim3A_3040 = vector.broadcast %jit3A_3039 : f32 to vector<16xf32>
      %select_n3A_3041 = arith.select %ge3A_3036, %exp3A_3038, %broadcast_in_dim3A_3040 : vector<16xi1>, vector<16xf32>
      %add3A_3042 = arith.addf %add3A_3034, %select_n3A_3041 : vector<16xf32>
      %gather3A_3043 = tpu.vector_load_idx %arg4[%add3A_200] : memref<32768xf32, #tpu.memory_space<vmem>>[vector<16xi32>], vector<16xf32>,
      %ge3A_3044 = arith.cmpf oge, %gather3A_3043, %max3A_2563 : vector<16xf32>
      %sub3A_3045 = arith.subf %gather3A_3043, %max3A_334 : vector<16xf32>
      %exp3A_3046 = math.exp %sub3A_3045 : vector<16xf32>
      %jit3A_3047 = arith.constant 0.000000e+00 : f32
      %broadcast_in_dim3A_3048 = vector.broadcast %jit3A_3047 : f32 to vector<16xf32>
      %select_n3A_3049 = arith.select %ge3A_3044, %exp3A_3046, %broadcast_in_dim3A_3048 : vector<16xi1>, vector<16xf32>
      %add3A_3050 = arith.addf %add3A_3042, %select_n3A_3049 : vector<16xf32>
      %gather3A_3051 = tpu.vector_load_idx %arg4[%add3A_203] : memref<32768xf32, #tpu.memory_space<vmem>>[vector<16xi32>], vector<16xf32>,
      %ge3A_3052 = arith.cmpf oge, %gather3A_3051, %max3A_2563 : vector<16xf32>
      %sub3A_3053 = arith.subf %gather3A_3051, %max3A_334 : vector<16xf32>
      %exp3A_3054 = math.exp %sub3A_3053 : vector<16xf32>
      %jit3A_3055 = arith.constant 0.000000e+00 : f32
      %broadcast_in_dim3A_3056 = vector.broadcast %jit3A_3055 : f32 to vector<16xf32>
      %select_n3A_3057 = arith.select %ge3A_3052, %exp3A_3054, %broadcast_in_dim3A_3056 : vector<16xi1>, vector<16xf32>
      %add3A_3058 = arith.addf %add3A_3050, %select_n3A_3057 : vector<16xf32>
      %gather3A_3059 = tpu.vector_load_idx %arg4[%add3A_206] : memref<32768xf32, #tpu.memory_space<vmem>>[vector<16xi32>], vector<16xf32>,
      %ge3A_3060 = arith.cmpf oge, %gather3A_3059, %max3A_2563 : vector<16xf32>
      %sub3A_3061 = arith.subf %gather3A_3059, %max3A_334 : vector<16xf32>
      %exp3A_3062 = math.exp %sub3A_3061 : vector<16xf32>
      %jit3A_3063 = arith.constant 0.000000e+00 : f32
      %broadcast_in_dim3A_3064 = vector.broadcast %jit3A_3063 : f32 to vector<16xf32>
      %select_n3A_3065 = arith.select %ge3A_3060, %exp3A_3062, %broadcast_in_dim3A_3064 : vector<16xi1>, vector<16xf32>
      %add3A_3066 = arith.addf %add3A_3058, %select_n3A_3065 : vector<16xf32>
      %gather3A_3067 = tpu.vector_load_idx %arg4[%add3A_209] : memref<32768xf32, #tpu.memory_space<vmem>>[vector<16xi32>], vector<16xf32>,
      %ge3A_3068 = arith.cmpf oge, %gather3A_3067, %max3A_2563 : vector<16xf32>
      %sub3A_3069 = arith.subf %gather3A_3067, %max3A_334 : vector<16xf32>
      %exp3A_3070 = math.exp %sub3A_3069 : vector<16xf32>
      %jit3A_3071 = arith.constant 0.000000e+00 : f32
      %broadcast_in_dim3A_3072 = vector.broadcast %jit3A_3071 : f32 to vector<16xf32>
      %select_n3A_3073 = arith.select %ge3A_3068, %exp3A_3070, %broadcast_in_dim3A_3072 : vector<16xi1>, vector<16xf32>
      %add3A_3074 = arith.addf %add3A_3066, %select_n3A_3073 : vector<16xf32>
      %div3A = arith.constant 1.000000e+00 : f32
      %div3A_3075 = vector.broadcast %div3A : f32 to vector<16xf32>
      %div3A_3076 = arith.divf %div3A_3075, %add3A_3074 : vector<16xf32>
      %mul3A_3077 = arith.mulf %select_n3A_2569, %div3A_3076 : vector<16xf32>
      tpu.vector_store_idx %arg5[%add3A_20], %mul3A_3077 : memref<32768xf32, #tpu.memory_space<vmem>>[vector<16xi32>], vector<16xf32>,
      %mul3A_3078 = arith.mulf %select_n3A_2577, %div3A_3076 : vector<16xf32>
      tpu.vector_store_idx %arg5[%add3A_23], %mul3A_3078 : memref<32768xf32, #tpu.memory_space<vmem>>[vector<16xi32>], vector<16xf32>,
      %mul3A_3079 = arith.mulf %select_n3A_2585, %div3A_3076 : vector<16xf32>
      tpu.vector_store_idx %arg5[%add3A_26], %mul3A_3079 : memref<32768xf32, #tpu.memory_space<vmem>>[vector<16xi32>], vector<16xf32>,
      %mul3A_3080 = arith.mulf %select_n3A_2593, %div3A_3076 : vector<16xf32>
      tpu.vector_store_idx %arg5[%add3A_29], %mul3A_3080 : memref<32768xf32, #tpu.memory_space<vmem>>[vector<16xi32>], vector<16xf32>,
      %mul3A_3081 = arith.mulf %select_n3A_2601, %div3A_3076 : vector<16xf32>
      tpu.vector_store_idx %arg5[%add3A_32], %mul3A_3081 : memref<32768xf32, #tpu.memory_space<vmem>>[vector<16xi32>], vector<16xf32>,
      %mul3A_3082 = arith.mulf %select_n3A_2609, %div3A_3076 : vector<16xf32>
      tpu.vector_store_idx %arg5[%add3A_35], %mul3A_3082 : memref<32768xf32, #tpu.memory_space<vmem>>[vector<16xi32>], vector<16xf32>,
      %mul3A_3083 = arith.mulf %select_n3A_2617, %div3A_3076 : vector<16xf32>
      tpu.vector_store_idx %arg5[%add3A_38], %mul3A_3083 : memref<32768xf32, #tpu.memory_space<vmem>>[vector<16xi32>], vector<16xf32>,
      %mul3A_3084 = arith.mulf %select_n3A_2625, %div3A_3076 : vector<16xf32>
      tpu.vector_store_idx %arg5[%add3A_41], %mul3A_3084 : memref<32768xf32, #tpu.memory_space<vmem>>[vector<16xi32>], vector<16xf32>,
      %mul3A_3085 = arith.mulf %select_n3A_2633, %div3A_3076 : vector<16xf32>
      tpu.vector_store_idx %arg5[%add3A_44], %mul3A_3085 : memref<32768xf32, #tpu.memory_space<vmem>>[vector<16xi32>], vector<16xf32>,
      %mul3A_3086 = arith.mulf %select_n3A_2641, %div3A_3076 : vector<16xf32>
      tpu.vector_store_idx %arg5[%add3A_47], %mul3A_3086 : memref<32768xf32, #tpu.memory_space<vmem>>[vector<16xi32>], vector<16xf32>,
      %mul3A_3087 = arith.mulf %select_n3A_2649, %div3A_3076 : vector<16xf32>
      tpu.vector_store_idx %arg5[%add3A_50], %mul3A_3087 : memref<32768xf32, #tpu.memory_space<vmem>>[vector<16xi32>], vector<16xf32>,
      %mul3A_3088 = arith.mulf %select_n3A_2657, %div3A_3076 : vector<16xf32>
      tpu.vector_store_idx %arg5[%add3A_53], %mul3A_3088 : memref<32768xf32, #tpu.memory_space<vmem>>[vector<16xi32>], vector<16xf32>,
      %mul3A_3089 = arith.mulf %select_n3A_2665, %div3A_3076 : vector<16xf32>
      tpu.vector_store_idx %arg5[%add3A_56], %mul3A_3089 : memref<32768xf32, #tpu.memory_space<vmem>>[vector<16xi32>], vector<16xf32>,
      %mul3A_3090 = arith.mulf %select_n3A_2673, %div3A_3076 : vector<16xf32>
      tpu.vector_store_idx %arg5[%add3A_59], %mul3A_3090 : memref<32768xf32, #tpu.memory_space<vmem>>[vector<16xi32>], vector<16xf32>,
      %mul3A_3091 = arith.mulf %select_n3A_2681, %div3A_3076 : vector<16xf32>
      tpu.vector_store_idx %arg5[%add3A_62], %mul3A_3091 : memref<32768xf32, #tpu.memory_space<vmem>>[vector<16xi32>], vector<16xf32>,
      %mul3A_3092 = arith.mulf %select_n3A_2689, %div3A_3076 : vector<16xf32>
      tpu.vector_store_idx %arg5[%add3A_65], %mul3A_3092 : memref<32768xf32, #tpu.memory_space<vmem>>[vector<16xi32>], vector<16xf32>,
      %mul3A_3093 = arith.mulf %select_n3A_2697, %div3A_3076 : vector<16xf32>
      tpu.vector_store_idx %arg5[%add3A_68], %mul3A_3093 : memref<32768xf32, #tpu.memory_space<vmem>>[vector<16xi32>], vector<16xf32>,
      %mul3A_3094 = arith.mulf %select_n3A_2705, %div3A_3076 : vector<16xf32>
      tpu.vector_store_idx %arg5[%add3A_71], %mul3A_3094 : memref<32768xf32, #tpu.memory_space<vmem>>[vector<16xi32>], vector<16xf32>,
      %mul3A_3095 = arith.mulf %select_n3A_2713, %div3A_3076 : vector<16xf32>
      tpu.vector_store_idx %arg5[%add3A_74], %mul3A_3095 : memref<32768xf32, #tpu.memory_space<vmem>>[vector<16xi32>], vector<16xf32>,
      %mul3A_3096 = arith.mulf %select_n3A_2721, %div3A_3076 : vector<16xf32>
      tpu.vector_store_idx %arg5[%add3A_77], %mul3A_3096 : memref<32768xf32, #tpu.memory_space<vmem>>[vector<16xi32>], vector<16xf32>,
      %mul3A_3097 = arith.mulf %select_n3A_2729, %div3A_3076 : vector<16xf32>
      tpu.vector_store_idx %arg5[%add3A_80], %mul3A_3097 : memref<32768xf32, #tpu.memory_space<vmem>>[vector<16xi32>], vector<16xf32>,
      %mul3A_3098 = arith.mulf %select_n3A_2737, %div3A_3076 : vector<16xf32>
      tpu.vector_store_idx %arg5[%add3A_83], %mul3A_3098 : memref<32768xf32, #tpu.memory_space<vmem>>[vector<16xi32>], vector<16xf32>,
      %mul3A_3099 = arith.mulf %select_n3A_2745, %div3A_3076 : vector<16xf32>
      tpu.vector_store_idx %arg5[%add3A_86], %mul3A_3099 : memref<32768xf32, #tpu.memory_space<vmem>>[vector<16xi32>], vector<16xf32>,
      %mul3A_3100 = arith.mulf %select_n3A_2753, %div3A_3076 : vector<16xf32>
      tpu.vector_store_idx %arg5[%add3A_89], %mul3A_3100 : memref<32768xf32, #tpu.memory_space<vmem>>[vector<16xi32>], vector<16xf32>,
      %mul3A_3101 = arith.mulf %select_n3A_2761, %div3A_3076 : vector<16xf32>
      tpu.vector_store_idx %arg5[%add3A_92], %mul3A_3101 : memref<32768xf32, #tpu.memory_space<vmem>>[vector<16xi32>], vector<16xf32>,
      %mul3A_3102 = arith.mulf %select_n3A_2769, %div3A_3076 : vector<16xf32>
      tpu.vector_store_idx %arg5[%add3A_95], %mul3A_3102 : memref<32768xf32, #tpu.memory_space<vmem>>[vector<16xi32>], vector<16xf32>,
      %mul3A_3103 = arith.mulf %select_n3A_2777, %div3A_3076 : vector<16xf32>
      tpu.vector_store_idx %arg5[%add3A_98], %mul3A_3103 : memref<32768xf32, #tpu.memory_space<vmem>>[vector<16xi32>], vector<16xf32>,
      %mul3A_3104 = arith.mulf %select_n3A_2785, %div3A_3076 : vector<16xf32>
      tpu.vector_store_idx %arg5[%add3A_101], %mul3A_3104 : memref<32768xf32, #tpu.memory_space<vmem>>[vector<16xi32>], vector<16xf32>,
      %mul3A_3105 = arith.mulf %select_n3A_2793, %div3A_3076 : vector<16xf32>
      tpu.vector_store_idx %arg5[%add3A_104], %mul3A_3105 : memref<32768xf32, #tpu.memory_space<vmem>>[vector<16xi32>], vector<16xf32>,
      %mul3A_3106 = arith.mulf %select_n3A_2801, %div3A_3076 : vector<16xf32>
      tpu.vector_store_idx %arg5[%add3A_107], %mul3A_3106 : memref<32768xf32, #tpu.memory_space<vmem>>[vector<16xi32>], vector<16xf32>,
      %mul3A_3107 = arith.mulf %select_n3A_2809, %div3A_3076 : vector<16xf32>
      tpu.vector_store_idx %arg5[%add3A_110], %mul3A_3107 : memref<32768xf32, #tpu.memory_space<vmem>>[vector<16xi32>], vector<16xf32>,
      %mul3A_3108 = arith.mulf %select_n3A_2817, %div3A_3076 : vector<16xf32>
      tpu.vector_store_idx %arg5[%add3A_113], %mul3A_3108 : memref<32768xf32, #tpu.memory_space<vmem>>[vector<16xi32>], vector<16xf32>,
      %mul3A_3109 = arith.mulf %select_n3A_2825, %div3A_3076 : vector<16xf32>
      tpu.vector_store_idx %arg5[%add3A_116], %mul3A_3109 : memref<32768xf32, #tpu.memory_space<vmem>>[vector<16xi32>], vector<16xf32>,
      %mul3A_3110 = arith.mulf %select_n3A_2833, %div3A_3076 : vector<16xf32>
      tpu.vector_store_idx %arg5[%add3A_119], %mul3A_3110 : memref<32768xf32, #tpu.memory_space<vmem>>[vector<16xi32>], vector<16xf32>,
      %mul3A_3111 = arith.mulf %select_n3A_2841, %div3A_3076 : vector<16xf32>
      tpu.vector_store_idx %arg5[%add3A_122], %mul3A_3111 : memref<32768xf32, #tpu.memory_space<vmem>>[vector<16xi32>], vector<16xf32>,
      %mul3A_3112 = arith.mulf %select_n3A_2849, %div3A_3076 : vector<16xf32>
      tpu.vector_store_idx %arg5[%add3A_125], %mul3A_3112 : memref<32768xf32, #tpu.memory_space<vmem>>[vector<16xi32>], vector<16xf32>,
      %mul3A_3113 = arith.mulf %select_n3A_2857, %div3A_3076 : vector<16xf32>
      tpu.vector_store_idx %arg5[%add3A_128], %mul3A_3113 : memref<32768xf32, #tpu.memory_space<vmem>>[vector<16xi32>], vector<16xf32>,
      %mul3A_3114 = arith.mulf %select_n3A_2865, %div3A_3076 : vector<16xf32>
      tpu.vector_store_idx %arg5[%add3A_131], %mul3A_3114 : memref<32768xf32, #tpu.memory_space<vmem>>[vector<16xi32>], vector<16xf32>,
      %mul3A_3115 = arith.mulf %select_n3A_2873, %div3A_3076 : vector<16xf32>
      tpu.vector_store_idx %arg5[%add3A_134], %mul3A_3115 : memref<32768xf32, #tpu.memory_space<vmem>>[vector<16xi32>], vector<16xf32>,
      %mul3A_3116 = arith.mulf %select_n3A_2881, %div3A_3076 : vector<16xf32>
      tpu.vector_store_idx %arg5[%add3A_137], %mul3A_3116 : memref<32768xf32, #tpu.memory_space<vmem>>[vector<16xi32>], vector<16xf32>,
      %mul3A_3117 = arith.mulf %select_n3A_2889, %div3A_3076 : vector<16xf32>
      tpu.vector_store_idx %arg5[%add3A_140], %mul3A_3117 : memref<32768xf32, #tpu.memory_space<vmem>>[vector<16xi32>], vector<16xf32>,
      %mul3A_3118 = arith.mulf %select_n3A_2897, %div3A_3076 : vector<16xf32>
      tpu.vector_store_idx %arg5[%add3A_143], %mul3A_3118 : memref<32768xf32, #tpu.memory_space<vmem>>[vector<16xi32>], vector<16xf32>,
      %mul3A_3119 = arith.mulf %select_n3A_2905, %div3A_3076 : vector<16xf32>
      tpu.vector_store_idx %arg5[%add3A_146], %mul3A_3119 : memref<32768xf32, #tpu.memory_space<vmem>>[vector<16xi32>], vector<16xf32>,
      %mul3A_3120 = arith.mulf %select_n3A_2913, %div3A_3076 : vector<16xf32>
      tpu.vector_store_idx %arg5[%add3A_149], %mul3A_3120 : memref<32768xf32, #tpu.memory_space<vmem>>[vector<16xi32>], vector<16xf32>,
      %mul3A_3121 = arith.mulf %select_n3A_2921, %div3A_3076 : vector<16xf32>
      tpu.vector_store_idx %arg5[%add3A_152], %mul3A_3121 : memref<32768xf32, #tpu.memory_space<vmem>>[vector<16xi32>], vector<16xf32>,
      %mul3A_3122 = arith.mulf %select_n3A_2929, %div3A_3076 : vector<16xf32>
      tpu.vector_store_idx %arg5[%add3A_155], %mul3A_3122 : memref<32768xf32, #tpu.memory_space<vmem>>[vector<16xi32>], vector<16xf32>,
      %mul3A_3123 = arith.mulf %select_n3A_2937, %div3A_3076 : vector<16xf32>
      tpu.vector_store_idx %arg5[%add3A_158], %mul3A_3123 : memref<32768xf32, #tpu.memory_space<vmem>>[vector<16xi32>], vector<16xf32>,
      %mul3A_3124 = arith.mulf %select_n3A_2945, %div3A_3076 : vector<16xf32>
      tpu.vector_store_idx %arg5[%add3A_161], %mul3A_3124 : memref<32768xf32, #tpu.memory_space<vmem>>[vector<16xi32>], vector<16xf32>,
      %mul3A_3125 = arith.mulf %select_n3A_2953, %div3A_3076 : vector<16xf32>
      tpu.vector_store_idx %arg5[%add3A_164], %mul3A_3125 : memref<32768xf32, #tpu.memory_space<vmem>>[vector<16xi32>], vector<16xf32>,
      %mul3A_3126 = arith.mulf %select_n3A_2961, %div3A_3076 : vector<16xf32>
      tpu.vector_store_idx %arg5[%add3A_167], %mul3A_3126 : memref<32768xf32, #tpu.memory_space<vmem>>[vector<16xi32>], vector<16xf32>,
      %mul3A_3127 = arith.mulf %select_n3A_2969, %div3A_3076 : vector<16xf32>
      tpu.vector_store_idx %arg5[%add3A_170], %mul3A_3127 : memref<32768xf32, #tpu.memory_space<vmem>>[vector<16xi32>], vector<16xf32>,
      %mul3A_3128 = arith.mulf %select_n3A_2977, %div3A_3076 : vector<16xf32>
      tpu.vector_store_idx %arg5[%add3A_173], %mul3A_3128 : memref<32768xf32, #tpu.memory_space<vmem>>[vector<16xi32>], vector<16xf32>,
      %mul3A_3129 = arith.mulf %select_n3A_2985, %div3A_3076 : vector<16xf32>
      tpu.vector_store_idx %arg5[%add3A_176], %mul3A_3129 : memref<32768xf32, #tpu.memory_space<vmem>>[vector<16xi32>], vector<16xf32>,
      %mul3A_3130 = arith.mulf %select_n3A_2993, %div3A_3076 : vector<16xf32>
      tpu.vector_store_idx %arg5[%add3A_179], %mul3A_3130 : memref<32768xf32, #tpu.memory_space<vmem>>[vector<16xi32>], vector<16xf32>,
      %mul3A_3131 = arith.mulf %select_n3A_3001, %div3A_3076 : vector<16xf32>
      tpu.vector_store_idx %arg5[%add3A_182], %mul3A_3131 : memref<32768xf32, #tpu.memory_space<vmem>>[vector<16xi32>], vector<16xf32>,
      %mul3A_3132 = arith.mulf %select_n3A_3009, %div3A_3076 : vector<16xf32>
      tpu.vector_store_idx %arg5[%add3A_185], %mul3A_3132 : memref<32768xf32, #tpu.memory_space<vmem>>[vector<16xi32>], vector<16xf32>,
      %mul3A_3133 = arith.mulf %select_n3A_3017, %div3A_3076 : vector<16xf32>
      tpu.vector_store_idx %arg5[%add3A_188], %mul3A_3133 : memref<32768xf32, #tpu.memory_space<vmem>>[vector<16xi32>], vector<16xf32>,
      %mul3A_3134 = arith.mulf %select_n3A_3025, %div3A_3076 : vector<16xf32>
      tpu.vector_store_idx %arg5[%add3A_191], %mul3A_3134 : memref<32768xf32, #tpu.memory_space<vmem>>[vector<16xi32>], vector<16xf32>,
      %mul3A_3135 = arith.mulf %select_n3A_3033, %div3A_3076 : vector<16xf32>
      tpu.vector_store_idx %arg5[%add3A_194], %mul3A_3135 : memref<32768xf32, #tpu.memory_space<vmem>>[vector<16xi32>], vector<16xf32>,
      %mul3A_3136 = arith.mulf %select_n3A_3041, %div3A_3076 : vector<16xf32>
      tpu.vector_store_idx %arg5[%add3A_197], %mul3A_3136 : memref<32768xf32, #tpu.memory_space<vmem>>[vector<16xi32>], vector<16xf32>,
      %mul3A_3137 = arith.mulf %select_n3A_3049, %div3A_3076 : vector<16xf32>
      tpu.vector_store_idx %arg5[%add3A_200], %mul3A_3137 : memref<32768xf32, #tpu.memory_space<vmem>>[vector<16xi32>], vector<16xf32>,
      %mul3A_3138 = arith.mulf %select_n3A_3057, %div3A_3076 : vector<16xf32>
      tpu.vector_store_idx %arg5[%add3A_203], %mul3A_3138 : memref<32768xf32, #tpu.memory_space<vmem>>[vector<16xi32>], vector<16xf32>,
      %mul3A_3139 = arith.mulf %select_n3A_3065, %div3A_3076 : vector<16xf32>
      tpu.vector_store_idx %arg5[%add3A_206], %mul3A_3139 : memref<32768xf32, #tpu.memory_space<vmem>>[vector<16xi32>], vector<16xf32>,
      %mul3A_3140 = arith.mulf %select_n3A_3073, %div3A_3076 : vector<16xf32>
      tpu.vector_store_idx %arg5[%add3A_209], %mul3A_3140 : memref<32768xf32, #tpu.memory_space<vmem>>[vector<16xi32>], vector<16xf32>,
    }
    %scan3A_9 = arith.constant 32 : i32
    "tpu.region"() ({
      %run_scoped3A = tpu.sem_alloc : memref<!tpu.dma_semaphore, #tpu.memory_space<semaphore_mem>>
      %dma_start3A = tpu.memref_slice %arg3[%mul3A_4] : memref<1048576xf32, #tpu.memory_space<hbm>> -> memref<32768xf32, #tpu.memory_space<hbm>>
      %dma_start3A_10 = tpu.memref_slice %arg3[%mul3A_4] : memref<1048576xf32, #tpu.memory_space<hbm>> -> memref<32768xf32, #tpu.memory_space<hbm>>
      tpu.enqueue_dma source(%arg5 : memref<32768xf32, #tpu.memory_space<vmem>>) target(%dma_start3A_10 : memref<32768xf32, #tpu.memory_space<hbm>>) target_semaphore(%run_scoped3A : memref<!tpu.dma_semaphore, #tpu.memory_space<semaphore_mem>>)
      %dma_wait3A = tpu.memref_slice %arg3[%mul3A_4] : memref<1048576xf32, #tpu.memory_space<hbm>> -> memref<32768xf32, #tpu.memory_space<hbm>>
      %dma_wait3A_11 = tpu.memref_slice %arg3[%mul3A_4] : memref<1048576xf32, #tpu.memory_space<hbm>> -> memref<32768xf32, #tpu.memory_space<hbm>>
      tpu.wait_dma2 semaphore(%run_scoped3A : memref<!tpu.dma_semaphore, #tpu.memory_space<semaphore_mem>>) src(%arg5 : memref<32768xf32, #tpu.memory_space<vmem>>) dst(%dma_wait3A_11 : memref<32768xf32, #tpu.memory_space<hbm>>)
      tpu.yield
    }) : () -> ()
    return
  }
}

module attributes {stable_mosaic.version = 14 : i64} {
  func.func @_matmul_kernel(%arg0: i32, %arg1: memref<1024x2048xf32, #tpu.memory_space<vmem>>, %arg2: memref<64x2048xf32, #tpu.memory_space<vmem>>, %arg3: memref<1x64xf32, #tpu.memory_space<vmem>>, %arg4: memref<1024x64xf32, #tpu.memory_space<vmem>>) attributes {dimension_semantics = [#tpu.dimension_semantics<arbitrary>], iteration_bounds = array<i64: 16>, scalar_prefetch = 0 : i64, scratch_operands = 0 : i64, tpu.core_type = #tpu.core_type<tc>, window_params = [{transform_indices = @transform_0, window_bounds = array<i64: 1024, 2048>}, {pipeline_mode = #tpu.pipeline_mode<synchronous>, transform_indices = @transform_1, window_bounds = array<i64: 64, 2048>}, {pipeline_mode = #tpu.pipeline_mode<synchronous>, transform_indices = @transform_2, window_bounds = array<i64: 1, 64>}, {transform_indices = @transform_3, window_bounds = array<i64: 1024, 64>}]} {
    %get3A = arith.constant 0 : index
    %get3A_0 = arith.constant 0 : index
    %get3A_1 = vector.load %arg1[%get3A, %get3A_0] : memref<1024x2048xf32, #tpu.memory_space<vmem>>, vector<1024x2048xf32>
    %get3A_2 = arith.constant 0 : index
    %get3A_3 = arith.constant 0 : index
    %get3A_4 = vector.load %arg2[%get3A_2, %get3A_3] : memref<64x2048xf32, #tpu.memory_space<vmem>>, vector<64x2048xf32>
    %dot_general3A = arith.constant dense<0.000000e+00> : vector<1024x64xf32>
    %dot_general3A_5 = tpu.matmul %get3A_1, %get3A_4, %dot_general3A {dimension_numbers = #tpu.dot_dimension_numbers<[1], [1], [0], [0], [0, 0, 1, 0], [], []>, transpose_lhs_hint = false} : vector<1024x2048xf32>, vector<64x2048xf32>, vector<1024x64xf32> -> vector<1024x64xf32>
    %get3A_6 = arith.constant 0 : index
    %get3A_7 = arith.constant 0 : index
    %get3A_8 = vector.load %arg3[%get3A_6, %get3A_7] : memref<1x64xf32, #tpu.memory_space<vmem>>, vector<1x64xf32>
    %add3A = vector.broadcast %get3A_8 : vector<1x64xf32> to vector<1024x64xf32>
    %add3A_9 = arith.addf %dot_general3A_5, %add3A : vector<1024x64xf32>
    %swap3A = arith.constant 0 : index
    %swap3A_10 = arith.constant 0 : index
    %swap3A_11 = vector.load %arg4[%swap3A, %swap3A_10] : memref<1024x64xf32, #tpu.memory_space<vmem>>, vector<1024x64xf32>
    tpu.vector_store %arg4[%swap3A, %swap3A_10], %add3A_9 {strides = array<i32>} : memref<1024x64xf32, #tpu.memory_space<vmem>>, vector<1024x64xf32>,
    return
  }
  func.func @transform_0(%arg0: i32) -> (i32, i32) {
    %c0_i32 = arith.constant 0 : i32
    %c0_i32_0 = arith.constant 0 : i32
    return %arg0, %c0_i32 : i32, i32
  }
  func.func @transform_1(%arg0: i32) -> (i32, i32) {
    %c0_i32 = arith.constant 0 : i32
    %c0_i32_0 = arith.constant 0 : i32
    %c0_i32_1 = arith.constant 0 : i32
    return %c0_i32, %c0_i32_0 : i32, i32
  }
  func.func @transform_2(%arg0: i32) -> (i32, i32) {
    %c0_i32 = arith.constant 0 : i32
    %c0_i32_0 = arith.constant 0 : i32
    %c0_i32_1 = arith.constant 0 : i32
    return %c0_i32, %c0_i32_0 : i32, i32
  }
  func.func @transform_3(%arg0: i32) -> (i32, i32) {
    %c0_i32 = arith.constant 0 : i32
    %c0_i32_0 = arith.constant 0 : i32
    return %arg0, %c0_i32 : i32, i32
  }
}

</mosaic_0001>

<sc_bundles>
// kernel: kernel.4.cloned.1.call-start
scs
__scs_entry_jumppad:
0x0: {  	(pc) =	sbr.rel $0x88, $3  }
0x1: {  	(tag) =	ssettag $0x0;
	lr =	simm.s32 $0x1  }
0x2: {  	[smem:$0x3F9E] =	sst lr;
	_ =	strace $0xD0000000  }
0x3: {  	_ = 	snop  }
0x4: {  	_ = 	snop  }
0x5: {  	_ = 	snop  }
0x6: {  	_ = 	snop  }
0x7: {  	_ = 	snop  }
__scs_overlays_trampoline_lowered:
0x8: {  	[smem:$0x3FAD] =	sst s0  }
0x9: {  	[smem:$0x3FAE] =	sst s1  }
0xa: {  	[smem:$0x3FAF] =	sst s2  }
0xb: {  	[smem:$0x3FB0] =	sst s3  }
0xc: {  	[smem:$0x3FB1] =	sst s4  }
0xd: {  	[smem:$0x3FB2] =	sst s5  }
0xe: {  	[smem:$0x3FB3] =	sst s6  }
0xf: {  	[smem:$0x3FB4] =	sst s7  }
0x10: {  	[smem:$0x3FB5] =	sst s8  }
0x11: {  	[smem:$0x3FB6] =	sst s9;
	s0 =	simm.s32 @!p0 $0x0  }
0x12: {  	s1 =	sld [smem:$0x3F9C];
	s0 =	simm.s32 @p0 $0x1  }
0x13: {  	[smem:$0x3FB7] =	sst s0;
	s0 =	simm.s32 @!p1 $0x0  }
0x14: {  	s2 =	sld [smem:$0x3F9B];
	s0 =	simm.s32 @p1 $0x1  }
0x15: {  	[smem:$0x3FB8] =	sst s0;
	s0 =	simm.s32 @!p2 $0x0  }
0x16: {  	s3 =	sld [smem:$0x3FDB];
	s0 =	simm.s32 @p2 $0x1  }
0x17: {  	s4 =	simm.s32 $0x1BF5;
	[smem:$0x3FBA] =	sst s0  }
0x18: {  	s0 =	sld [smem:$0x3F9D];
	_ =	swait.ge [sflag:s4], $0x0  }
0x19: {  	s7 =	sld [smem:$0x3F9E]  }
0x1a: {  	s8 =	sadd.s32 $0xFFFFE003, lr  }
0x1b: {  	s9 =	sadd.s32 $0xFFFFFEF7, lr;
	s5 =	simm.s32 $0xFFFFFFFF;
	p2 =	slt.u32 s8, $0xFFFFF086  }
0x1c: {  	p1 =	slt.u32 s9, $0xF7A;
	s5 =	simm.s32 @!p2 $0x0  }
0x1d: {  	s5 =	simm.s32 @p1 $0x1;
	p0 =	seq.s32 s7, s2  }
0x1e: {  	s7 =	smul.u32 @!p0 $0xF7A, s2;
	p2 =	seq.s32 @!p0 s5, $0x0  }
0x1f: {  	s9 =	smul.u32 $0xF7A, s1;
	s8 =	simm.s32 @!p0 $0x1BF5;
	p2 =	por !p2, p0  }
0x20: {  	[sflag:s8] =	ssyncset.s32 @!p0 $0xFFFFF086;
	s6 =	sadd.s32 @!p0 s3, s7;
	s7 =	simm.s32 @!p0 $0x108  }
0x21: {  	s3 =	sadd.s32 s3, s9;
	s6 =	sadd.s32 @!p0 $0x88, s6;
	s7 =	simm.s32 @p2 $0x1082  }
0x22: {  	[simem:s7], [sflag:s8] =	dma.local @!p0 [hbm:s6], $0xF7A  }
0x23: {  	s9 =	sor.u32 $0xD0000000, s2;
	s6 =	simm.s32 $0x108;
	_ =	swait.ge @!p0 [sflag:s8], $0x0  }
0x24: {  	s3 =	sadd.s32 $0x88, s3;
	s6 =	simm.s32 @!p1 $0x1082;
	[sflag:s4] =	ssyncset.s32 $0xFFFFF086  }
0x25: {  	[simem:s6], [sflag:s4] =	dma.local [hbm:s3], $0xF7A  }
0x26: {  	[smem:$0x3F9E] =	sst s1;
	(tag) =	ssettag s2;
	_ =	strace s9  }
0x27: {  	s1 =	sld [smem:$0x3FAE]  }
0x28: {  	s2 =	sld [smem:$0x3FAF]  }
0x29: {  	s4 =	sld [smem:$0x3FB1]  }
0x2a: {  	p0 =	seq.s32 s5, $0x0;
	s5 =	sld [smem:$0x3FB2]  }
0x2b: {  	s6 =	sld [smem:$0x3FB3]  }
0x2c: {  	s7 =	sld [smem:$0x3FB4]  }
0x2d: {  	s3 =	simm.s32 $0x108;
	s8 =	sld [smem:$0x3FB5]  }
0x2e: {  	s3 =	simm.s32 @!p0 $0x1082;
	s9 =	sld [smem:$0x3FB6]  }
0x2f: {  	lr =	sadd.s32 s0, s3;
	s0 =	sld [smem:$0x3FAD]  }
0x30: {  	s3 =	sld [smem:$0x3FB0]  }
0x31: {  	[smem:$0x3FB9] =	sst s10  }
0x32: {  	s10 =	sld [smem:$0x3FB7];
	_ =	sdelay $0x3  }
0x33: {  	p0 =	seq.s32 s10, $0x1;
	s10 =	sld [smem:$0x3FB9];
	_ =	sdelay $0x3  }
0x34: {  	[smem:$0x3FB9] =	sst s10  }
0x35: {  	s10 =	sld [smem:$0x3FB8];
	_ =	sdelay $0x3  }
0x36: {  	p1 =	seq.s32 s10, $0x1;
	s10 =	sld [smem:$0x3FB9];
	_ =	sdelay $0x3  }
0x37: {  	[smem:$0x3FB9] =	sst s10  }
0x38: {  	s10 =	sld [smem:$0x3FBA]  }
0x39: {  	_ = 	snop;
	(pc) =	sbr.ind lr, $3  }
0x3a: {  	_ = 	snop  }
0x3b: {  	_ = 	snop  }
0x3c: {  	p2 =	seq.s32 s10, $0x1;
	s10 =	sld [smem:$0x3FB9]  }
0x3d: {  	_ =	shalt  }
0x3e: {  	_ =	shalt  }
0x3f: {  	_ =	shalt  }
0x40: {  	_ =	shalt  }
0x41: {  	_ =	shalt  }
0x42: {  	_ =	shalt  }
0x43: {  	_ =	shalt  }
0x44: {  	_ =	shalt  }
0x45: {  	_ =	shalt  }
0x46: {  	_ =	shalt  }
0x47: {  	_ =	shalt  }
0x48: {  	_ =	shalt  }
0x49: {  	_ =	shalt  }
0x4a: {  	_ =	shalt  }
0x4b: {  	_ =	shalt  }
0x4c: {  	_ =	shalt  }
0x4d: {  	_ =	shalt  }
0x4e: {  	_ =	shalt  }
0x4f: {  	_ =	shalt  }
0x50: {  	_ =	shalt  }
0x51: {  	_ =	shalt  }
0x52: {  	_ =	shalt  }
0x53: {  	_ =	shalt  }
0x54: {  	_ =	shalt  }
0x55: {  	_ =	shalt  }
0x56: {  	_ =	shalt  }
0x57: {  	_ =	shalt  }
0x58: {  	_ =	shalt  }
0x59: {  	_ =	shalt  }
0x5a: {  	_ =	shalt  }
0x5b: {  	_ =	shalt  }
0x5c: {  	_ =	shalt  }
0x5d: {  	_ =	shalt  }
0x5e: {  	_ =	shalt  }
0x5f: {  	_ =	shalt  }
0x60: {  	_ =	shalt  }
0x61: {  	_ =	shalt  }
0x62: {  	_ =	shalt  }
0x63: {  	_ =	shalt  }
0x64: {  	_ =	shalt  }
0x65: {  	_ =	shalt  }
0x66: {  	_ =	shalt  }
0x67: {  	_ =	shalt  }
0x68: {  	_ =	shalt  }
0x69: {  	_ =	shalt  }
0x6a: {  	_ =	shalt  }
0x6b: {  	_ =	shalt  }
0x6c: {  	_ =	shalt  }
0x6d: {  	_ =	shalt  }
0x6e: {  	_ =	shalt  }
0x6f: {  	_ =	shalt  }
0x70: {  	_ =	shalt  }
0x71: {  	_ =	shalt  }
0x72: {  	_ =	shalt  }
0x73: {  	_ =	shalt  }
0x74: {  	_ =	shalt  }
0x75: {  	_ =	shalt  }
0x76: {  	_ =	shalt  }
0x77: {  	_ =	shalt  }
0x78: {  	_ =	shalt  }
0x79: {  	_ =	shalt  }
0x7a: {  	_ =	shalt  }
0x7b: {  	_ =	shalt  }
0x7c: {  	_ =	shalt  }
0x7d: {  	_ =	shalt  }
0x7e: {  	_ =	shalt  }
0x7f: {  	_ =	shalt  }
0x80: {  	_ =	shalt  }
0x81: {  	_ =	shalt  }
0x82: {  	_ =	shalt  }
0x83: {  	_ =	shalt  }
0x84: {  	_ =	shalt  }
0x85: {  	_ =	shalt  }
0x86: {  	_ =	shalt  }
0x87: {  	_ =	shalt  }
.Lfunc_end0:
.L_simem_size_0:
called_computation_lowered:
.L_overlay_start_0:
0x88: {  	s2 =	sld [smem:$0x3FD9]  }
0x89: {  	s3 =	sld [smem:$0x3FFE];
	_ =	sdelay $0x1  }
0x8a: {  	s1 =	srdreg.scid  }
0x8b: {  	s0 =	sand.u32 $0x1, s1  }
0x8c: {  	s17 =	sshll.u32 s0, $0xA;
	s2 =	sadd.s32 s3, s2  }
0x8d: {  	s2 =	sadd.s32 s2, s17  }
0x8e: {  	[smem:$0x3FC5] =	sst s2  }
0x8f: {  	_ = 	snop  }
0x90: {  	s2 =	sld [smem:$0x3FD0];
	(tm) =	ssettm $0x1  }
0x91: {  	s18 =	sld [smem:$0x3FFB];
	_ =	sdelay $0x3  }
0x92: {  	_ =	strace s18  }
0x93: {  	s3 =	sld [smem:$0x3FFC];
	_ =	sdelay $0x3  }
0x94: {  	_ =	strace s3  }
0x95: {  	s3 =	sld [smem:$0x3FFD];
	_ =	sdelay $0x3  }
0x96: {  	_ =	strace s3  }
0x97: {  	_ =	strace $0x8FFFFFFF  }
0x98: {  	s19 =	sld [smem:$0x3FDB];
	_ =	sdelay $0x1  }
0x99: {  	s4 =	simm.s32 $_scs_section_size  }
0x9a: {  	s5 =	simm.s32 $_size__tile_overlayer_lowered;
	s6 =	simm.s32 $_tile_overlayer_lowered  }
0x9b: {  	s22 =	simm.s32 $0x1BFF;
	s21 =	sshll.u32 s6, $0x1;
	s3 =	sadd.s32 s4, s19  }
0x9c: {  	s7 =	simm.s32 $0x0;
	s20 =	sshll.u32 s5, $0x1;
	s5 =	sadd.s32 s21, s3  }
0x9d: {  	[timem:s7], [sflag:s22] =	dma.local [hbm:s5], s20  }
0x9e: {  	_ =	swait.ge [sflag:s22], s20  }
0x9f: {  	s4 =	ssub.s32 $0x0, s20;
	[sflag:s22] =	ssyncset.done $0x0  }
0xa0: {  	[sflag:s22] =	ssyncadd.s32 s4;
	_ =	sdelay $0x1  }
0xa1: {  	s23 =	simm.s32 $0x1B8B  }
0xa2: {  	_ =	swait.ge [sflag:s23], $0x1  }
0xa3: {  	[sflag:s23] =	ssyncset.done $0x0  }
0xa4: {  	s25 =	simm.s32 $0x1B8E;
	s24 =	sld [smem:$0x3FFE];
	[sflag:s23] =	ssyncadd.s32 $0xFFFFFFFF  }
0xa5: {  	s26 =	simm.s32 $execute0_lowered;
	[smem:$0x3FD2] =	sst s25  }
0xa6: {  	s5 =	sshll.u32 s26, $0x1;
	_ =	strace $0x80000046;
	[dreg:$0x1] =	wrdreg $0xFFFFFFFF  }
0xa7: {  	s28 =	simm.s32 $_size_execute0_lowered;
	s3 =	sadd.s32 s3, s5;
	[dreg:$0x0] =	wrdreg $0x0  }
0xa8: {  	s5 =	sshll.u32 s28, $0x1;
	[dreg:$0x2] =	wrdreg s3  }
0xa9: {  	[dreg:$0x3] =	wrdreg s5  }
0xaa: {  	[dreg:$0x4] =	wrdreg $0xC0  }
0xab: {  	_ =	task [dreg:s7], $0x5FFFF  }
0xac: {  	[dreg:$0x1] =	wrdreg $0xFFFFFFFF  }
0xad: {  	[dreg:$0x0] =	wrdreg $0x60  }
0xae: {  	[dreg:$0x2] =	wrdreg s2  }
0xaf: {  	[dreg:$0x3] =	wrdreg s24  }
0xb0: {  	[dreg:$0x4] =	wrdreg $0x9  }
0xb1: {  	_ =	task.clear_ibuf [dreg:s7], $0x5FFFF;
	_ =	strace $0x90000046  }
0xb2: {  	s29 =	simm.s32 $0x9;
	_ =	strace $0x80000048  }
0xb3: {  	_ =	swait.ge [sflag:s29], $0x1  }
0xb4: {  	[sflag:s29] =	ssyncadd.s32 $0xFFFFFFFF  }
0xb5: {  	_ =	strace $0x90000048  }
0xb6: {  	_ =	sfence  }
0xb7: {  	s30 =	sld [smem:$0x0];
	_ =	sdelay $0x2  }
0xb8: {  	s31 =	sshll.u32 s1, $0xD;
	s1 =	sshrl.u32 s1, $0x2  }
0xb9: {  	s3 =	sand.u32 $0x4000, s31;
	s1 =	sadd.s32 s1, s30  }
0xba: {  	s0 =	sor.u32 s3, s0;
	s1 =	sshll.u32 s1, $0x11  }
0xbb: {  	s0 =	sor.u32 s1, s0  }
0xbc: {  	s0 =	sadd.s32 $0x8F2B, s0  }
0xbd: {  	[sflag:s0] =	ssyncadd.remote.s32 $0x1  }
0xbe: {  	_ =	sfence.sel $0xFFFF  }
0xbf: {  	[dreg:$0x0] =	wrdreg $0xFFFFFFFF;
	(pc) =	sbr.abs _section_cstart, $3  }
0xc0: {  	[dreg:$0x1] =	wrdreg $0xFFFFFFFF  }
0xc1: {  	_ =	task.clear_ibuf [dreg:s7], $0x2FFFF;
	_ =	strace $0x9FFFFFFF  }
0xc2: {  	(tm) =	ssettm $0x7FFFFFFF  }
0xc3: {  	_ =	shalt  }
tec
execute0_lowered:
.L_overlay_start_1:
0x0: {  	(tag) =	ssettag $0x1  }
0x1: {  	s3 =	rddreg [dreg:$0x0]  }
0x2: {  	s4 =	rddreg [dreg:$0x1]  }
0x3: {  	s0 =	rddreg [dreg:$0x2];
	s5 =	srdreg.scid  }
0x4: {  	s2 =	simm.s32 $0x0;
	s1 =	stileid.u32;
	s8 =	simm.s32 $0x0  }
0x5: {  	s5 =	sand.u32 $0x1, s5;
	s6 =	sshll.u32 s1, $0xD;
	[smem:$0x7FF] =	sst s2  }
0x6: {  	v0 =	vlaneseq.u32;
	s7 =	sshll.u32 s5, $0xC;
	s5 =	ssub.s32 $0x2, s5;
	_ =	strace $0x80000047  }
0x7: {  	v1 =	vmul.u32 $0x40, v0;
	s6 =	sor.u32 s7, s6;
	s31 =	sshrl.u32 s5, $0x1;
	s7 =	simm.s32 $0x8000  }
0x8: {  	s4 =	sadd.s32 s6, s4;
	s5 =	ssub.s32 s5, s31;
	s3 =	sadd.s32 s3, s6  }
0x9: {  	[tilespmem:$0x1FFF0] =	vst v1;
	s6 =	simm.s32 $0x1;
	s4 =	sadd.s32 $0x800, s4;
	s5 =	smax.u32 s5, $0x1  }
.LBB2_1:
0xa: {  	[tilespmem:s2], [sflag:$0x1] =	stream.linear.gather [hbm4b:s3+s2], $0x8000, $0x38;
	[tilespmem:$0x10000] =	vst v63  }
0xb: {  	_ =	swait.ge [sflag:s6], $0x8000  }
0xc: {  	[sflag:s6] =	ssyncset.done $0x0  }
0xd: {  	s9 =	simm.s32 $0x0;
	[sflag:s6] =	ssyncadd.s32 $0xFFFF8000  }
.LBB2_2:
0xe: {  	_ =	sdelay $0x1  }
0xf: {  	v0 =	vmov s9  }
0x10: {  	v0 =	vshll.u32 v0, $0x6  }
0x11: {  	v44 =	vor.u32 v1, v0  }
0x12: {  	v2 =	vor.u32 $0x1, v44;
	[tilespmem:$0x1FBB0] =	vst v44  }
0x13: {  	v3 =	vor.u32 $0x2, v44;
	[tilespmem:$0x1FBD0] =	vst v2  }
0x14: {  	v4 =	vor.u32 $0x3, v44;
	[tilespmem:$0x1FBF0] =	vst v3  }
0x15: {  	v0 =	vor.u32 $0x4, v44;
	[tilespmem:$0x1FC10] =	vst v4  }
0x16: {  	v1 =	vor.u32 $0x5, v44;
	[tilespmem:$0x1FC30] =	vst v0  }
0x17: {  	v33 =	vor.u32 $0x8, v44;
	[tilespmem:$0x1FC40] =	vst v1  }
0x18: {  	v34 =	vor.u32 $0xD, v44;
	[tilespmem:$0x1FC70] =	vst v33  }
0x19: {  	v35 =	vor.u32 $0x12, v44;
	[tilespmem:$0x1FCC0] =	vst v34  }
0x1a: {  	v36 =	vor.u32 $0x17, v44;
	[tilespmem:$0x1FD10] =	vst v35  }
0x1b: {  	v37 =	vor.u32 $0x1C, v44;
	[tilespmem:$0x1FD60] =	vst v36  }
0x1c: {  	v38 =	vor.u32 $0x21, v44;
	[tilespmem:$0x1FDB0] =	vst v37  }
0x1d: {  	v43 =	vor.u32 $0x26, v44;
	[tilespmem:$0x1FE00] =	vst v38  }
0x1e: {  	v15 =	vor.u32 $0x2B, v44;
	[tilespmem:$0x1FE50] =	vst v43  }
0x1f: {  	v19 =	vor.u32 $0x30, v44;
	[tilespmem:$0x1FEA0] =	vst v15  }
0x20: {  	v5 =	vor.u32 $0x36, v44;
	[tilespmem:$0x1FEF0] =	vst v19;
	v8 =	vld.idx.msk [tilespmem:v44+s2+$0x0], $0xffff  }
0x21: {  	v6 =	vor.u32 $0x37, v44;
	[tilespmem:$0x1FF50] =	vst v5;
	v9 =	vld.idx.msk [tilespmem:v2+s2+$0x0], $0xffff  }
0x22: {  	v7 =	vor.u32 $0x38, v44;
	[tilespmem:$0x1FF60] =	vst v6;
	v10 =	vld.idx.msk [tilespmem:v3+s2+$0x0], $0xffff  }
0x23: {  	[tilespmem:$0x1FF70] =	vst v7;
	v2 =	vor.u32 $0x6, v44;
	v17 =	vld.idx.msk [tilespmem:v4+s2+$0x0], $0xffff  }
0x24: {  	v3 =	vor.u32 $0x7, v44;
	v18 =	vld.idx.msk [tilespmem:v0+s2+$0x0], $0xffff;
	[tilespmem:$0x1FC50] =	vst v2  }
0x25: {  	v0 =	vor.u32 $0x9, v44;
	v45 =	vld.idx.msk [tilespmem:v1+s2+$0x0], $0xffff;
	[tilespmem:$0x1FC60] =	vst v3  }
0x26: {  	v1 =	vor.u32 $0xA, v44;
	v13 =	vld.idx.msk [tilespmem:v33+s2+$0x0], $0xffff;
	[tilespmem:$0x1FC80] =	vst v0  }
0x27: {  	v33 =	vld.idx.msk [tilespmem:v43+s2+$0x0], $0xffff;
	v43 =	vor.u32 $0x35, v44;
	[tilespmem:$0x1FC90] =	vst v1  }
0x28: {  	[tilespmem:$0x1FF40] =	vst v43  }
0x29: {  	[tilespmem:$0x1F790] =	vst v8  }
0x2a: {  	[tilespmem:$0x1F7A0] =	vst v9  }
0x2b: {  	v38 =	vld.idx.msk [tilespmem:v38+s2+$0x0], $0xffff;
	[tilespmem:$0x1F7B0] =	vst v10  }
0x2c: {  	[tilespmem:$0x1F7C0] =	vst v17  }
0x2d: {  	v29 =	vld.idx.msk [tilespmem:v15+s2+$0x0], $0xffff;
	[tilespmem:$0x1F7D0] =	vst v18  }
0x2e: {  	v22 =	vld.idx.msk [tilespmem:v19+s2+$0x0], $0xffff;
	[tilespmem:$0x1F7E0] =	vst v45  }
0x2f: {  	v42 =	vld.idx.msk [tilespmem:v34+s2+$0x0], $0xffff;
	[tilespmem:$0x1F810] =	vst v13  }
0x30: {  	v47 =	vld.idx.msk [tilespmem:v35+s2+$0x0], $0xffff;
	[tilespmem:$0x1F9A0] =	vst v38  }
0x31: {  	[tilespmem:$0x1F9F0] =	vst v33  }
0x32: {  	[tilespmem:$0x1FA40] =	vst v29  }
0x33: {  	[tilespmem:$0x1FA90] =	vst v22  }
0x34: {  	[tilespmem:$0x1F860] =	vst v42  }
0x35: {  	v11 =	vld.idx.msk [tilespmem:v2+s2+$0x0], $0xffff;
	v2 =	vor.u32 $0xB, v44;
	[tilespmem:$0x1F8B0] =	vst v47  }
0x36: {  	v12 =	vld.idx.msk [tilespmem:v3+s2+$0x0], $0xffff;
	v3 =	vor.u32 $0xC, v44;
	[tilespmem:$0x1FCA0] =	vst v2  }
0x37: {  	v14 =	vld.idx.msk [tilespmem:v0+s2+$0x0], $0xffff;
	v0 =	vor.u32 $0xE, v44;
	[tilespmem:$0x1FCB0] =	vst v3  }
0x38: {  	v16 =	vld.idx.msk [tilespmem:v1+s2+$0x0], $0xffff;
	v1 =	vor.u32 $0xF, v44;
	[tilespmem:$0x1FCD0] =	vst v0  }
0x39: {  	[tilespmem:$0x1FCE0] =	vst v1  }
0x3a: {  	[tilespmem:$0x1F7F0] =	vst v11  }
0x3b: {  	[tilespmem:$0x1F800] =	vst v12;
	v25 =	vld.idx.msk [tilespmem:v2+s2+$0x0], $0xffff;
	v2 =	vor.u32 $0x10, v44  }
0x3c: {  	[tilespmem:$0x1F820] =	vst v14;
	v56 =	vld.idx.msk [tilespmem:v3+s2+$0x0], $0xffff;
	v3 =	vor.u32 $0x11, v44  }
0x3d: {  	[tilespmem:$0x1F830] =	vst v16;
	v58 =	vld.idx.msk [tilespmem:v0+s2+$0x0], $0xffff;
	v0 =	vor.u32 $0x13, v44  }
0x3e: {  	v60 =	vld.idx.msk [tilespmem:v1+s2+$0x0], $0xffff;
	v1 =	vor.u32 $0x14, v44;
	[tilespmem:$0x1FCF0] =	vst v2  }
0x3f: {  	[tilespmem:$0x1FD00] =	vst v3  }
0x40: {  	[tilespmem:$0x1FD20] =	vst v0;
	v52 =	vld.idx.msk [tilespmem:v2+s2+$0x0], $0xffff;
	v2 =	vor.u32 $0x15, v44  }
0x41: {  	[tilespmem:$0x1FD30] =	vst v1;
	v46 =	vld.idx.msk [tilespmem:v3+s2+$0x0], $0xffff;
	v3 =	vor.u32 $0x16, v44  }
0x42: {  	[tilespmem:$0x1F840] =	vst v25;
	v51 =	vld.idx.msk [tilespmem:v0+s2+$0x0], $0xffff;
	v0 =	vor.u32 $0x18, v44  }
0x43: {  	[tilespmem:$0x1F880] =	vst v60;
	v48 =	vld.idx.msk [tilespmem:v1+s2+$0x0], $0xffff;
	v1 =	vor.u32 $0x19, v44  }
0x44: {  	[tilespmem:$0x1FD40] =	vst v2  }
0x45: {  	[tilespmem:$0x1FD50] =	vst v3;
	v54 =	vld.idx.msk [tilespmem:v2+s2+$0x0], $0xffff;
	v2 =	vor.u32 $0x1A, v44  }
0x46: {  	[tilespmem:$0x1FD70] =	vst v0;
	v49 =	vld.idx.msk [tilespmem:v3+s2+$0x0], $0xffff;
	v3 =	vor.u32 $0x1B, v44  }
0x47: {  	[tilespmem:$0x1FD80] =	vst v1;
	v50 =	vld.idx.msk [tilespmem:v0+s2+$0x0], $0xffff;
	v0 =	vor.u32 $0x1D, v44  }
0x48: {  	v57 =	vld.idx.msk [tilespmem:v1+s2+$0x0], $0xffff;
	v1 =	vor.u32 $0x1E, v44;
	[tilespmem:$0x1FD90] =	vst v2  }
0x49: {  	[tilespmem:$0x1FDA0] =	vst v3  }
0x4a: {  	[tilespmem:$0x1FDC0] =	vst v0;
	v55 =	vld.idx.msk [tilespmem:v2+s2+$0x0], $0xffff;
	v2 =	vor.u32 $0x1F, v44  }
0x4b: {  	[tilespmem:$0x1FDD0] =	vst v1;
	v63 =	vld.idx.msk [tilespmem:v3+s2+$0x0], $0xffff;
	v3 =	vor.u32 $0x20, v44  }
0x4c: {  	v62 =	vld.idx.msk [tilespmem:v0+s2+$0x0], $0xffff;
	v0 =	vor.u32 $0x22, v44;
	[tilespmem:$0x1FDE0] =	vst v2  }
0x4d: {  	v61 =	vld.idx.msk [tilespmem:v1+s2+$0x0], $0xffff;
	v1 =	vor.u32 $0x23, v44;
	[tilespmem:$0x1FDF0] =	vst v3  }
0x4e: {  	v59 =	vld.idx.msk [tilespmem:v37+s2+$0x0], $0xffff;
	[tilespmem:$0x1FE10] =	vst v0  }
0x4f: {  	[tilespmem:$0x1FE20] =	vst v1;
	v41 =	vld.idx.msk [tilespmem:v2+s2+$0x0], $0xffff;
	v2 =	vor.u32 $0x24, v44  }
0x50: {  	v40 =	vld.idx.msk [tilespmem:v3+s2+$0x0], $0xffff;
	v3 =	vor.u32 $0x25, v44;
	[tilespmem:$0x1FE30] =	vst v2  }
0x51: {  	v39 =	vld.idx.msk [tilespmem:v0+s2+$0x0], $0xffff;
	v0 =	vor.u32 $0x27, v44;
	[tilespmem:$0x1FE40] =	vst v3  }
0x52: {  	v37 =	vld.idx.msk [tilespmem:v1+s2+$0x0], $0xffff;
	v1 =	vor.u32 $0x28, v44;
	[tilespmem:$0x1FE60] =	vst v0  }
0x53: {  	[tilespmem:$0x1FE70] =	vst v1  }
0x54: {  	[tilespmem:$0x1F980] =	vst v41  }
0x55: {  	v53 =	vld.idx.msk [tilespmem:v36+s2+$0x0], $0xffff;
	[tilespmem:$0x1F990] =	vst v40  }
0x56: {  	[tilespmem:$0x1F9B0] =	vst v39;
	v36 =	vld.idx.msk [tilespmem:v2+s2+$0x0], $0xffff  }
0x57: {  	[tilespmem:$0x1F9C0] =	vst v37;
	v2 =	vor.u32 $0x29, v44;
	v34 =	vld.idx.msk [tilespmem:v3+s2+$0x0], $0xffff  }
0x58: {  	v3 =	vor.u32 $0x2A, v44;
	v30 =	vld.idx.msk [tilespmem:v0+s2+$0x0], $0xffff;
	[tilespmem:$0x1FE80] =	vst v2  }
0x59: {  	v0 =	vor.u32 $0x2C, v44;
	v35 =	vld.idx.msk [tilespmem:v1+s2+$0x0], $0xffff;
	[tilespmem:$0x1FE90] =	vst v3  }
0x5a: {  	v1 =	vor.u32 $0x2D, v44;
	[tilespmem:$0x1FEB0] =	vst v0  }
0x5b: {  	[tilespmem:$0x1FEC0] =	vst v1  }
0x5c: {  	[tilespmem:$0x1F9D0] =	vst v36  }
0x5d: {  	[tilespmem:$0x1F9E0] =	vst v34;
	v32 =	vld.idx.msk [tilespmem:v2+s2+$0x0], $0xffff  }
0x5e: {  	[tilespmem:$0x1FA10] =	vst v35;
	v2 =	vor.u32 $0x2E, v44;
	v31 =	vld.idx.msk [tilespmem:v3+s2+$0x0], $0xffff  }
0x5f: {  	v3 =	vor.u32 $0x2F, v44;
	v28 =	vld.idx.msk [tilespmem:v0+s2+$0x0], $0xffff;
	v0 =	vor.u32 $0x31, v44;
	[tilespmem:$0x1FED0] =	vst v2  }
0x60: {  	v26 =	vld.idx.msk [tilespmem:v1+s2+$0x0], $0xffff;
	v1 =	vor.u32 $0x32, v44;
	[tilespmem:$0x1FEE0] =	vst v3  }
0x61: {  	[tilespmem:$0x1FF00] =	vst v0  }
0x62: {  	v19 =	vld.idx.msk [tilespmem:v43+s2+$0x0], $0xffff;
	[tilespmem:$0x1FF10] =	vst v1  }
0x63: {  	[tilespmem:$0x1FA20] =	vst v32;
	v24 =	vld.idx.msk [tilespmem:v2+s2+$0x0], $0xffff  }
0x64: {  	v25 =	vmax.f32 v16, v25;
	[tilespmem:$0x1FA30] =	vst v31;
	v15 =	vld.idx.msk [tilespmem:v0+s2+$0x0], $0xffff  }
0x65: {  	[tilespmem:$0x1FA50] =	vst v28;
	v2 =	vor.u32 $0x33, v44;
	v27 =	vld.idx.msk [tilespmem:v1+s2+$0x0], $0xffff;
	v0 =	vmax.f32 v8, v9;
	v1 =	vmax.f32 v10, v17  }
0x66: {  	v43 =	vmax.f32 v58, v60;
	[tilespmem:$0x1FA60] =	vst v26;
	v23 =	vld.idx.msk [tilespmem:v3+s2+$0x0], $0xffff;
	v3 =	vor.u32 $0x34, v44;
	v0 =	vmax.f32 v0, v1  }
0x67: {  	v16 =	vld.idx.msk [tilespmem:v7+s2+$0x0], $0xffff;
	v4 =	vmax.f32 v52, v46;
	v7 =	vmax.f32 v49, v53;
	v10 =	vor.u32 $0x3A, v44;
	[tilespmem:$0x1FF20] =	vst v2  }
0x68: {  	v60 =	vmax.f32 v55, v63;
	v36 =	vmax.f32 v36, v34;
	v8 =	vor.u32 $0x3B, v44;
	v17 =	vld.idx.msk [tilespmem:v6+s2+$0x0], $0xffff;
	[tilespmem:$0x1FF30] =	vst v3  }
0x69: {  	v9 =	vor.u32 $0x39, v44;
	v1 =	vmax.f32 v18, v45;
	v18 =	vld.idx.msk [tilespmem:v5+s2+$0x0], $0xffff;
	[tilespmem:$0x1EF20] =	vst v0;
	v0 =	vmov v44  }
0x6a: {  	v6 =	vmax.f32 v48, v54;
	[tilespmem:$0x1FF80] =	vst v9;
	v21 =	vld.idx.msk [tilespmem:v2+s2+$0x0], $0xffff;
	v2 =	vmax.f32 v11, v12;
	v11 =	vor.u32 $0x3C, v0  }
0x6b: {  	[tilespmem:$0x1FF90] =	vst v10;
	v5 =	vmax.f32 v47, v51;
	v20 =	vld.idx.msk [tilespmem:v3+s2+$0x0], $0xffff;
	v3 =	vmax.f32 v13, v14;
	v12 =	vor.u32 $0x3D, v0  }
0x6c: {  	[tilespmem:$0x1FFA0] =	vst v8;
	v4 =	vmax.f32 v4, v5;
	v44 =	vmax.f32 v3, v25;
	v25 =	vld.idx.msk [tilespmem:v10+s2+$0x0], $0xffff  }
0x6d: {  	v5 =	vmax.f32 v6, v7;
	[tilespmem:$0x1FAA0] =	vst v15;
	v45 =	vmax.f32 v1, v2;
	v2 =	vld.idx.msk [tilespmem:v8+s2+$0x0], $0xffff  }
0x6e: {  	v7 =	vmax.f32 v59, v62;
	[tilespmem:$0x1FB00] =	vst v17;
	v14 =	vor.u32 $0x3E, v0;
	v34 =	vmax.f32 v18, v17;
	v17 =	vld [tilespmem:$0x1F840]  }
0x6f: {  	v13 =	vor.u32 $0x3F, v0;
	[tilespmem:$0x1FFB0] =	vst v11;
	v3 =	vmax.f32 v56, v42;
	v8 =	vmax.f32 v50, v57;
	v1 =	vld.idx.msk [tilespmem:v11+s2+$0x0], $0xffff  }
0x70: {  	v43 =	vmax.f32 v3, v43;
	v6 =	vmax.f32 v8, v60;
	v8 =	vmax.f32 v61, v41;
	v0 =	vld.idx.msk [tilespmem:v12+s2+$0x0], $0xffff  }
0x71: {  	v3 =	vld.idx.msk [tilespmem:v9+s2+$0x0], $0xffff;
	v41 =	vmax.f32 v40, v38;
	v60 =	vmax.f32 v39, v37;
	v7 =	vmax.f32 v7, v8  }
0x72: {  	[tilespmem:$0x1FFC0] =	vst v12;
	v8 =	vmax.f32 v41, v60;
	v60 =	vmax.f32 v28, v26;
	v28 =	vmax.f32 v22, v15;
	v15 =	vld [tilespmem:$0x1F820]  }
0x73: {  	[tilespmem:$0x1FFE0] =	vst v13;
	v37 =	vmax.f32 v33, v30;
	v40 =	vmax.f32 v35, v32;
	v38 =	vld.idx.msk [tilespmem:v14+s2+$0x0], $0xffff  }
0x74: {  	v9 =	vmax.f32 v36, v37;
	v41 =	vmax.f32 v31, v29;
	v26 =	vmax.f32 v24, v23;
	v39 =	vld.idx.msk [tilespmem:v13+s2+$0x0], $0xffff  }
0x75: {  	v10 =	vmax.f32 v40, v41;
	v29 =	vmax.f32 v27, v21;
	[tilespmem:$0x1FB60] =	vst v0;
	v37 =	vmax.f32 v1, v0;
	v0 =	vld [tilespmem:$0x1EF20]  }
0x76: {  	v31 =	vmax.f32 v60, v26;
	v33 =	vmax.f32 v20, v19;
	v11 =	vld [tilespmem:$0x1F7E0];
	[tilespmem:$0x1FB40] =	vst v2;
	v32 =	vmax.f32 v28, v29  }
0x77: {  	v12 =	vld [tilespmem:$0x1F7F0];
	v36 =	vmax.f32 v25, v2;
	v13 =	vmax.f32 v33, v34;
	v2 =	vmax.f32 v4, v5;
	[tilespmem:$0x1FB20] =	vst v3  }
0x78: {  	v35 =	vmax.f32 v16, v3;
	[tilespmem:$0x1FB50] =	vst v1;
	v1 =	vmax.f32 v44, v43;
	v43 =	vmax.f32 v8, v9;
	v8 =	vld [tilespmem:$0x1F790]  }
0x79: {  	v3 =	vmax.f32 v6, v7;
	v40 =	vmax.f32 v35, v36;
	[tilespmem:$0x1FB80] =	vst v39;
	v39 =	vmax.f32 v38, v39;
	v9 =	vld [tilespmem:$0x1F7A0]  }
0x7a: {  	[tilespmem:$0x1F900] =	vst v53;
	v44 =	vmax.f32 v10, v31;
	v10 =	vld [tilespmem:$0x1F7D0];
	v41 =	vmax.f32 v37, v39;
	v0 =	vmax.f32 v0, v45  }
0x7b: {  	[tilespmem:$0x1FFD0] =	vst v14;
	v14 =	vld [tilespmem:$0x1F810];
	v60 =	vmax.f32 v40, v41;
	v45 =	vmax.f32 v32, v13;
	v0 =	vmax.f32 v0, v1  }
0x7c: {  	[tilespmem:$0x1FB10] =	vst v16;
	v16 =	vld [tilespmem:$0x1F830];
	v1 =	vmax.f32 v2, v3;
	v2 =	vmax.f32 v43, v44;
	v3 =	vmax.f32 v45, v60  }
0x7d: {  	[tilespmem:$0x1F950] =	vst v59;
	v0 =	vmax.f32 v0, v1;
	v1 =	vmax.f32 v2, v3  }
0x7e: {  	[tilespmem:$0x1FAE0] =	vst v19;
	v13 =	vld [tilespmem:$0x1F800];
	v60 =	vmax.f32 v0, v1  }
0x7f: {  	[tilespmem:$0x1F850] =	vst v56;
	vm0 =	veq.f32 v8, v60;
	vm1 =	veq.f32 v9, v60;
	vm12 =	veq.f32 v10, v60  }
0x80: {  	[tilespmem:$0x1F870] =	vst v58;
	vm13 =	veq.f32 v11, v60;
	vm14 =	veq.f32 v12, v60;
	vm4 =	veq.f32 v14, v60  }
0x81: {  	[tilespmem:$0x1F890] =	vst v52;
	vm5 =	veq.f32 v15, v60;
	vm6 =	veq.f32 v16, v60;
	vm7 =	veq.f32 v17, v60  }
0x82: {  	[tilespmem:$0x1F8A0] =	vst v46;
	vm8 =	veq.f32 v56, v60;
	vm9 =	veq.f32 v42, v60;
	vm10 =	veq.f32 v58, v60  }
0x83: {  	[tilespmem:$0x1F8C0] =	vst v51;
	v28 =	vsel vm0, $0xFF800000, v8;
	v29 =	vsel vm1, $0xFF800000, v9;
	vm15 =	veq.f32 v13, v60  }
0x84: {  	[tilespmem:$0x1FB70] =	vst v38;
	v2 =	vld [tilespmem:$0x1F7B0];
	v31 =	vsel vm12, $0xFF800000, v10;
	v38 =	vsel vm13, $0xFF800000, v11;
	v39 =	vsel vm14, $0xFF800000, v12  }
0x85: {  	[tilespmem:$0x1F8D0] =	vst v48;
	v0 =	vld [tilespmem:$0x1F7C0];
	v33 =	vsel vm4, $0xFF800000, v14;
	v34 =	vsel vm5, $0xFF800000, v15;
	v35 =	vsel vm6, $0xFF800000, v16  }
0x86: {  	[tilespmem:$0x1FAF0] =	vst v18;
	v36 =	vsel vm7, $0xFF800000, v17;
	v37 =	vsel vm8, $0xFF800000, v56;
	v18 =	vsel vm9, $0xFF800000, v42  }
0x87: {  	[tilespmem:$0x1F8E0] =	vst v54;
	v19 =	vsel vm10, $0xFF800000, v58;
	vm0 =	veq.f32 v52, v60;
	vm1 =	veq.f32 v46, v60  }
0x88: {  	[tilespmem:$0x1F8F0] =	vst v49;
	vm4 =	veq.f32 v48, v60;
	vm5 =	veq.f32 v54, v60;
	vm6 =	veq.f32 v49, v60  }
0x89: {  	[tilespmem:$0x1F910] =	vst v50;
	vm7 =	veq.f32 v53, v60;
	vm12 =	veq.f32 v50, v60;
	vm13 =	veq.f32 v57, v60  }
0x8a: {  	[tilespmem:$0x1FA00] =	vst v30;
	vm14 =	veq.f32 v55, v60;
	vm2 =	veq.f32 v2, v60;
	vm3 =	veq.f32 v0, v60  }
0x8b: {  	[tilespmem:$0x1FAC0] =	vst v21;
	v32 =	vsel vm15, $0xFF800000, v13;
	v30 =	vsel vm2, $0xFF800000, v2;
	v2 =	vsel vm3, $0xFF800000, v0  }
0x8c: {  	v3 =	vmax.f32 v33, v34;
	v0 =	vmax.f32 v28, v29;
	[tilespmem:$0x1EFA0] =	vst v2;
	v2 =	vmax.f32 v30, v2  }
0x8d: {  	v56 =	vmovc v48;
	v21 =	vmax.f32 v35, v36;
	v5 =	vmax.f32 v37, v18;
	v0 =	vmax.f32 v0, v2  }
0x8e: {  	vm15 =	veq.f32 v63, v60;
	v40 =	vsel vm0, $0xFF800000, v52;
	v42 =	vsel vm4, $0xFF800000, v56;
	[tilespmem:$0x1EF30] =	vst v0;
	v0 =	vld [tilespmem:$0x1F880]  }
0x8f: {  	[tilespmem:$0x1F920] =	vst v57;
	v43 =	vsel vm5, $0xFF800000, v54;
	v44 =	vsel vm6, $0xFF800000, v49;
	v45 =	vsel vm7, $0xFF800000, v53  }
0x90: {  	[tilespmem:$0x1F940] =	vst v63;
	v57 =	vsel vm13, $0xFF800000, v57;
	v58 =	vsel vm14, $0xFF800000, v55;
	vm0 =	veq.f32 v59, v60  }
0x91: {  	[tilespmem:$0x1FAD0] =	vst v20;
	v12 =	vmax.f32 v44, v45;
	v49 =	vsel vm0, $0xFF800000, v59;
	vm2 =	veq.f32 v47, v60  }
0x92: {  	v22 =	vmovc v47;
	v15 =	vld [tilespmem:$0x1F980];
	[tilespmem:$0x1EFB0] =	vst v18;
	v47 =	vsel vm1, $0xFF800000, v46;
	v46 =	vsel vm12, $0xFF800000, v50;
	vm1 =	veq.f32 v62, v60  }
0x93: {  	[tilespmem:$0x1EFC0] =	vst v19;
	vm3 =	veq.f32 v51, v60;
	v48 =	vsel vm2, $0xFF800000, v22;
	vm11 =	veq.f32 v0, v60  }
0x94: {  	v16 =	vld [tilespmem:$0x1F990];
	[tilespmem:$0x1EFE0] =	vst v57;
	v2 =	vmax.f32 v39, v32;
	v20 =	vsel vm11, $0xFF800000, v0;
	v0 =	vmax.f32 v31, v38  }
0x95: {  	v17 =	vld [tilespmem:$0x1F9A0];
	v13 =	vmax.f32 v46, v57;
	vm2 =	veq.f32 v61, v60;
	[tilespmem:$0x1EFD0] =	vst v20;
	v0 =	vmax.f32 v0, v2  }
0x96: {  	v18 =	vld [tilespmem:$0x1F9B0];
	v56 =	vsel vm1, $0xFF800000, v62;
	v7 =	vmax.f32 v19, v20;
	[tilespmem:$0x1EF40] =	vst v0;
	v0 =	vmax.f32 v3, v21  }
0x97: {  	v41 =	vsel vm3, $0xFF800000, v51;
	vm3 =	veq.f32 v15, v60;
	v19 =	vld [tilespmem:$0x1F9C0];
	[tilespmem:$0x1EF50] =	vst v0;
	v0 =	vmax.f32 v5, v7  }
0x98: {  	v2 =	vmax.f32 v40, v47;
	v20 =	vld [tilespmem:$0x1F9D0];
	v3 =	vmax.f32 v48, v41;
	[tilespmem:$0x1EF60] =	vst v0;
	v0 =	vsel vm15, $0xFF800000, v63  }
0x99: {  	v63 =	vmax.f32 v42, v43;
	[tilespmem:$0x1F000] =	vst v0;
	v14 =	vmax.f32 v58, v0;
	v0 =	vmax.f32 v2, v3;
	v3 =	vld [tilespmem:$0x1F9E0]  }
0x9a: {  	vm4 =	veq.f32 v16, v60;
	vm5 =	veq.f32 v17, v60;
	v2 =	vld [tilespmem:$0x1F9F0];
	[tilespmem:$0x1EF70] =	vst v0;
	v0 =	vmax.f32 v63, v12  }
0x9b: {  	v6 =	vld [tilespmem:$0x1FA20];
	v57 =	vsel vm2, $0xFF800000, v61;
	vm6 =	veq.f32 v18, v60;
	[tilespmem:$0x1EF80] =	vst v0;
	v0 =	vmax.f32 v13, v14  }
0x9c: {  	v50 =	vsel vm3, $0xFF800000, v15;
	v51 =	vsel vm4, $0xFF800000, v16;
	v52 =	vsel vm5, $0xFF800000, v17;
	[tilespmem:$0x1EF90] =	vst v0;
	v0 =	vld [tilespmem:$0x1FA00]  }
0x9d: {  	[tilespmem:$0x1F930] =	vst v55;
	v59 =	vld [tilespmem:$0x1FA10];
	v53 =	vsel vm6, $0xFF800000, v18;
	vm7 =	veq.f32 v19, v60;
	vm12 =	veq.f32 v20, v60  }
0x9e: {  	[tilespmem:$0x1FA80] =	vst v23;
	v23 =	vmovc v24;
	v24 =	vmax.f32 v51, v52;
	v18 =	vld [tilespmem:$0x1FAE0];
	v54 =	vsel vm7, $0xFF800000, v19;
	v55 =	vsel vm12, $0xFF800000, v20  }
0x9f: {  	v20 =	vld [tilespmem:$0x1FA40];
	v5 =	vmax.f32 v53, v54;
	vm13 =	veq.f32 v3, v60;
	vm14 =	veq.f32 v2, v60  }
0xa0: {  	v11 =	vmax.f32 v24, v5;
	v5 =	vld [tilespmem:$0x1FA30];
	v21 =	vsel vm13, $0xFF800000, v3;
	v22 =	vsel vm14, $0xFF800000, v2  }
0xa1: {  	v24 =	vld [tilespmem:$0x1FAA0];
	v2 =	vmax.f32 v49, v56;
	v3 =	vmax.f32 v57, v50;
	vm15 =	veq.f32 v0, v60  }
0xa2: {  	[tilespmem:$0x1EFF0] =	vst v58;
	v12 =	vmax.f32 v2, v3;
	v2 =	vld [tilespmem:$0x1FA80];
	v0 =	vsel vm15, $0xFF800000, v0  }
0xa3: {  	vm1 =	veq.f32 v6, v60;
	[tilespmem:$0x1F020] =	vst v22;
	v58 =	vmax.f32 v22, v0;
	v22 =	vld [tilespmem:$0x1FA60]  }
0xa4: {  	vm0 =	veq.f32 v59, v60;
	vm6 =	veq.f32 v23, v60;
	v26 =	vmax.f32 v55, v21;
	[tilespmem:$0x1F030] =	vst v0;
	v0 =	vld [tilespmem:$0x1FA90]  }
0xa5: {  	v63 =	vsel vm6, $0xFF800000, v23;
	vm6 =	veq.f32 v25, v60;
	v10 =	vmax.f32 v26, v58;
	v26 =	vld [tilespmem:$0x1FAC0]  }
0xa6: {  	v14 =	vsel vm1, $0xFF800000, v6;
	vm1 =	veq.f32 v18, v60;
	v1 =	vsel vm6, $0xFF800000, v25  }
0xa7: {  	v4 =	vld [tilespmem:$0x1FB80];
	v17 =	vsel vm1, $0xFF800000, v18;
	vm14 =	veq.f32 v27, v60;
	vm3 =	veq.f32 v20, v60  }
0xa8: {  	[tilespmem:$0x1F960] =	vst v62;
	v19 =	vld [tilespmem:$0x1FAF0];
	vm2 =	veq.f32 v5, v60;
	vm13 =	veq.f32 v24, v60;
	vm7 =	veq.f32 v2, v60  }
0xa9: {  	[tilespmem:$0x1F010] =	vst v21;
	v21 =	vld [tilespmem:$0x1FA50];
	v58 =	vsel vm0, $0xFF800000, v59;
	v59 =	vsel vm3, $0xFF800000, v20;
	v15 =	vsel vm7, $0xFF800000, v2  }
0xaa: {  	[tilespmem:$0x1FA70] =	vst v23;
	v23 =	vld [tilespmem:$0x1FB10];
	vm5 =	veq.f32 v22, v60;
	vm12 =	veq.f32 v0, v60;
	vm15 =	veq.f32 v26, v60  }
0xab: {  	[tilespmem:$0x1FAB0] =	vst v27;
	v20 =	vld [tilespmem:$0x1FB00];
	v62 =	vsel vm5, $0xFF800000, v22;
	v22 =	vsel vm12, $0xFF800000, v0;
	v0 =	vsel vm13, $0xFF800000, v24  }
0xac: {  	v2 =	vsel vm14, $0xFF800000, v27;
	[tilespmem:$0x1F040] =	vst v0;
	v3 =	vsel vm15, $0xFF800000, v26;
	v26 =	vmax.f32 v22, v0;
	v0 =	vld [tilespmem:$0x1FB40]  }
0xad: {  	v13 =	vsel vm2, $0xFF800000, v5;
	vm2 =	veq.f32 v19, v60;
	[tilespmem:$0x1F050] =	vst v2;
	v27 =	vmax.f32 v2, v3;
	v2 =	vld [tilespmem:$0x1FB60]  }
0xae: {  	v18 =	vsel vm2, $0xFF800000, v19;
	vm4 =	veq.f32 v21, v60;
	v5 =	vmax.f32 v58, v14;
	[tilespmem:$0x1F060] =	vst v3;
	v3 =	vld [tilespmem:$0x1FB70]  }
0xaf: {  	[tilespmem:$0x1F970] =	vst v61;
	v6 =	vmax.f32 v13, v59;
	v61 =	vsel vm4, $0xFF800000, v21;
	v8 =	vmax.f32 v26, v27;
	v27 =	vld [tilespmem:$0x1FB50]  }
0xb0: {  	v9 =	vmax.f32 v5, v6;
	vm4 =	veq.f32 v23, v60;
	v24 =	vmax.f32 v63, v15  }
0xb1: {  	vm3 =	veq.f32 v20, v60;
	v7 =	vmax.f32 v61, v62;
	vm15 =	veq.f32 v4, v60  }
0xb2: {  	v19 =	vsel vm3, $0xFF800000, v20;
	v20 =	vsel vm4, $0xFF800000, v23;
	v7 =	vmax.f32 v7, v24  }
0xb3: {  	v5 =	vld [tilespmem:$0x1FB20];
	vm7 =	veq.f32 v0, v60;
	vm13 =	veq.f32 v2, v60;
	vm14 =	veq.f32 v3, v60  }
0xb4: {  	[tilespmem:$0x1FB30] =	vst v25;
	v23 =	vsel vm7, $0xFF800000, v0;
	vm12 =	veq.f32 v27, v60;
	v25 =	vsel vm13, $0xFF800000, v2  }
0xb5: {  	v26 =	vsel vm14, $0xFF800000, v3;
	v24 =	vsel vm12, $0xFF800000, v27;
	v27 =	vsel vm15, $0xFF800000, v4  }
0xb6: {  	[tilespmem:$0x1F070] =	vst v1;
	v3 =	vmax.f32 v1, v23;
	v1 =	vld [tilespmem:$0x1EF30];
	v2 =	vmax.f32 v24, v25;
	v0 =	vmax.f32 v26, v27  }
0xb7: {  	v0 =	vmax.f32 v2, v0;
	v2 =	vld [tilespmem:$0x1EF40]  }
0xb8: {  	v16 =	vld [tilespmem:$0x1FAD0];
	vm5 =	veq.f32 v5, v60  }
0xb9: {  	v21 =	vsel vm5, $0xFF800000, v5  }
0xba: {  	v4 =	vmax.f32 v20, v21  }
0xbb: {  	v3 =	vmax.f32 v4, v3;
	v4 =	vld [tilespmem:$0x1EF60]  }
0xbc: {  	v2 =	vmax.f32 v1, v2;
	v1 =	vld [tilespmem:$0x1EF50]  }
0xbd: {  	vm0 =	veq.f32 v16, v60  }
0xbe: {  	v16 =	vsel vm0, $0xFF800000, v16  }
0xbf: {  	v6 =	vmax.f32 v16, v17;
	v5 =	vmax.f32 v18, v19  }
0xc0: {  	v5 =	vmax.f32 v6, v5;
	v6 =	vld [tilespmem:$0x1EF80]  }
0xc1: {  	v4 =	vmax.f32 v1, v4;
	v1 =	vld [tilespmem:$0x1EF70];
	_ =	sdelay $0x4  }
0xc2: {  	v6 =	vmax.f32 v1, v6;
	v1 =	vld [tilespmem:$0x1EF90];
	_ =	sdelay $0x3  }
0xc3: {  	v10 =	vmax.f32 v11, v10;
	v7 =	vmax.f32 v9, v7;
	v5 =	vmax.f32 v8, v5  }
0xc4: {  	v8 =	vmax.f32 v10, v7;
	v0 =	vmax.f32 v3, v0;
	v12 =	vmax.f32 v1, v12  }
0xc5: {  	v0 =	vmax.f32 v5, v0;
	v2 =	vmax.f32 v2, v4;
	v3 =	vmax.f32 v6, v12  }
0xc6: {  	v0 =	vmax.f32 v8, v0;
	v2 =	vmax.f32 v2, v3  }
0xc7: {  	v0 =	vmax.f32 v2, v0  }
0xc8: {  	vm8 =	veq.f32 v28, v0;
	vm9 =	veq.f32 v29, v0;
	vm10 =	veq.f32 v30, v0  }
0xc9: {  	vm12 =	veq.f32 v31, v0;
	vm13 =	veq.f32 v38, v0;
	vm14 =	veq.f32 v39, v0  }
0xca: {  	vm15 =	veq.f32 v32, v0;
	vm4 =	veq.f32 v33, v0;
	vm5 =	veq.f32 v34, v0  }
0xcb: {  	vm6 =	veq.f32 v35, v0;
	vm7 =	veq.f32 v36, v0;
	vm3 =	veq.f32 v19, v0  }
0xcc: {  	v28 =	vsel vm8, $0xFF800000, v28;
	v3 =	vsel vm9, $0xFF800000, v29;
	v9 =	vsel vm10, $0xFF800000, v30  }
0xcd: {  	v29 =	vsel vm12, $0xFF800000, v31;
	v30 =	vsel vm13, $0xFF800000, v38;
	v31 =	vsel vm14, $0xFF800000, v39  }
0xce: {  	v32 =	vsel vm15, $0xFF800000, v32;
	v33 =	vsel vm4, $0xFF800000, v33;
	v34 =	vsel vm5, $0xFF800000, v34  }
0xcf: {  	vm8 =	veq.f32 v37, v0;
	v35 =	vsel vm6, $0xFF800000, v35;
	v36 =	vsel vm7, $0xFF800000, v36  }
0xd0: {  	vm12 =	veq.f32 v40, v0;
	vm13 =	veq.f32 v47, v0;
	vm14 =	veq.f32 v48, v0  }
0xd1: {  	vm15 =	veq.f32 v41, v0;
	vm4 =	veq.f32 v42, v0;
	vm5 =	veq.f32 v43, v0  }
0xd2: {  	vm6 =	veq.f32 v44, v0;
	vm7 =	veq.f32 v45, v0;
	v37 =	vsel vm8, $0xFF800000, v37  }
0xd3: {  	v2 =	vld [tilespmem:$0x1EFA0];
	v39 =	vmax.f32 v33, v34;
	v41 =	vsel vm15, $0xFF800000, v41;
	v42 =	vsel vm4, $0xFF800000, v42  }
0xd4: {  	v43 =	vsel vm5, $0xFF800000, v43;
	vm8 =	veq.f32 v46, v0;
	v44 =	vsel vm6, $0xFF800000, v44  }
0xd5: {  	v45 =	vsel vm7, $0xFF800000, v45;
	vm15 =	veq.f32 v50, v0;
	vm4 =	veq.f32 v51, v0  }
0xd6: {  	vm5 =	veq.f32 v52, v0;
	vm6 =	veq.f32 v53, v0;
	vm7 =	veq.f32 v54, v0  }
0xd7: {  	v46 =	vsel vm8, $0xFF800000, v46;
	v50 =	vsel vm15, $0xFF800000, v50;
	v51 =	vsel vm4, $0xFF800000, v51  }
0xd8: {  	v52 =	vsel vm5, $0xFF800000, v52;
	vm8 =	veq.f32 v55, v0;
	vm11 =	veq.f32 v2, v0  }
0xd9: {  	v11 =	vld [tilespmem:$0x1EFD0];
	v53 =	vsel vm6, $0xFF800000, v53;
	v54 =	vsel vm7, $0xFF800000, v54;
	v10 =	vsel vm11, $0xFF800000, v2  }
0xda: {  	[tilespmem:$0x1F0F0] =	vst v3;
	vm15 =	veq.f32 v59, v0;
	v2 =	vmax.f32 v28, v3;
	v3 =	vmax.f32 v9, v10  }
0xdb: {  	vm4 =	veq.f32 v61, v0;
	vm5 =	veq.f32 v62, v0;
	v1 =	vmax.f32 v2, v3;
	v2 =	vld [tilespmem:$0x1EFB0]  }
0xdc: {  	vm6 =	veq.f32 v63, v0;
	vm7 =	veq.f32 v15, v0;
	v55 =	vsel vm8, $0xFF800000, v55;
	v3 =	vld [tilespmem:$0x1EFC0]  }
0xdd: {  	v59 =	vsel vm15, $0xFF800000, v59;
	v61 =	vsel vm4, $0xFF800000, v61;
	v62 =	vsel vm5, $0xFF800000, v62  }
0xde: {  	vm8 =	veq.f32 v22, v0;
	v63 =	vsel vm6, $0xFF800000, v63;
	vm11 =	veq.f32 v11, v0  }
0xdf: {  	vm4 =	veq.f32 v20, v0;
	vm5 =	veq.f32 v21, v0;
	v38 =	vsel vm11, $0xFF800000, v11;
	v11 =	vld [tilespmem:$0x1F000]  }
0xe0: {  	v22 =	vsel vm8, $0xFF800000, v22;
	vm8 =	veq.f32 v24, v0;
	vm9 =	veq.f32 v2, v0  }
0xe1: {  	v20 =	vsel vm4, $0xFF800000, v20;
	vm10 =	veq.f32 v3, v0;
	v6 =	vsel vm9, $0xFF800000, v2  }
0xe2: {  	[tilespmem:$0x1F110] =	vst v10;
	v12 =	vsel vm10, $0xFF800000, v3;
	v2 =	vmax.f32 v29, v30;
	v3 =	vmax.f32 v31, v32  }
0xe3: {  	v21 =	vsel vm5, $0xFF800000, v21;
	v10 =	vmax.f32 v35, v36;
	[tilespmem:$0x1F080] =	vst v1;
	v1 =	vmax.f32 v2, v3;
	v2 =	vld [tilespmem:$0x1EFE0]  }
0xe4: {  	v24 =	vsel vm8, $0xFF800000, v24;
	vm11 =	veq.f32 v11, v0;
	[tilespmem:$0x1F120] =	vst v6;
	v6 =	vmax.f32 v37, v6;
	v3 =	vld [tilespmem:$0x1EFF0]  }
0xe5: {  	[tilespmem:$0x1F140] =	vst v38;
	v7 =	vmax.f32 v12, v38;
	v38 =	vsel vm12, $0xFF800000, v40;
	v40 =	vsel vm14, $0xFF800000, v48  }
0xe6: {  	[tilespmem:$0x1F090] =	vst v1;
	v1 =	vmax.f32 v39, v10;
	v39 =	vsel vm13, $0xFF800000, v47;
	v47 =	vsel vm11, $0xFF800000, v11;
	v11 =	vld [tilespmem:$0x1F030]  }
0xe7: {  	v48 =	vmax.f32 v42, v43;
	vm12 =	veq.f32 v49, v0;
	vm14 =	veq.f32 v57, v0  }
0xe8: {  	[tilespmem:$0x1F130] =	vst v12;
	v10 =	vmax.f32 v44, v45;
	vm13 =	veq.f32 v56, v0;
	vm9 =	veq.f32 v2, v0  }
0xe9: {  	[tilespmem:$0x1F0A0] =	vst v1;
	v1 =	vmax.f32 v6, v7;
	vm10 =	veq.f32 v3, v0;
	v6 =	vsel vm9, $0xFF800000, v2  }
0xea: {  	[tilespmem:$0x1F0B0] =	vst v1;
	v12 =	vsel vm10, $0xFF800000, v3;
	v2 =	vmax.f32 v38, v39;
	v3 =	vmax.f32 v40, v41  }
0xeb: {  	vm11 =	veq.f32 v11, v0;
	[tilespmem:$0x1F150] =	vst v6;
	v6 =	vmax.f32 v46, v6;
	v1 =	vmax.f32 v2, v3;
	v2 =	vld [tilespmem:$0x1F010]  }
0xec: {  	[tilespmem:$0x1F170] =	vst v47;
	v7 =	vmax.f32 v12, v47;
	v47 =	vsel vm12, $0xFF800000, v49;
	v49 =	vsel vm14, $0xFF800000, v57  }
0xed: {  	[tilespmem:$0x1F160] =	vst v12;
	v3 =	vld [tilespmem:$0x1F020];
	v4 =	vsel vm11, $0xFF800000, v11;
	v12 =	vmax.f32 v53, v54;
	vm12 =	veq.f32 v58, v0  }
0xee: {  	vm14 =	veq.f32 v13, v0;
	v11 =	vld [tilespmem:$0x1F060];
	[tilespmem:$0x1F0C0] =	vst v1;
	v1 =	vmax.f32 v48, v10;
	v48 =	vsel vm13, $0xFF800000, v56  }
0xef: {  	vm13 =	veq.f32 v14, v0;
	v10 =	vmax.f32 v61, v62;
	[tilespmem:$0x1F0D0] =	vst v1;
	v1 =	vmax.f32 v6, v7  }
0xf0: {  	v5 =	vmax.f32 v47, v48;
	v6 =	vmax.f32 v49, v50;
	vm9 =	veq.f32 v2, v0  }
0xf1: {  	v7 =	vmax.f32 v51, v52;
	[tilespmem:$0x1F0E0] =	vst v1;
	v5 =	vmax.f32 v5, v6;
	v2 =	vsel vm9, $0xFF800000, v2  }
0xf2: {  	v6 =	vmax.f32 v7, v12;
	v1 =	vsel vm7, $0xFF800000, v15;
	[tilespmem:$0x1F180] =	vst v2;
	v56 =	vmax.f32 v55, v2;
	v2 =	vld [tilespmem:$0x1F040]  }
0xf3: {  	vm7 =	veq.f32 v23, v0;
	vm10 =	veq.f32 v3, v0;
	vm11 =	veq.f32 v11, v0  }
0xf4: {  	v23 =	vsel vm7, $0xFF800000, v23;
	v3 =	vsel vm10, $0xFF800000, v3;
	v15 =	vsel vm11, $0xFF800000, v11  }
0xf5: {  	v11 =	vmax.f32 v63, v1;
	vm11 =	veq.f32 v27, v0;
	[tilespmem:$0x1F190] =	vst v3;
	v57 =	vmax.f32 v3, v4;
	v3 =	vld [tilespmem:$0x1F050]  }
0xf6: {  	v27 =	vsel vm11, $0xFF800000, v27;
	v7 =	vmax.f32 v56, v57;
	v56 =	vsel vm12, $0xFF800000, v58  }
0xf7: {  	v57 =	vsel vm13, $0xFF800000, v14;
	v58 =	vsel vm14, $0xFF800000, v13;
	vm9 =	veq.f32 v2, v0  }
0xf8: {  	vm12 =	veq.f32 v16, v0;
	vm13 =	veq.f32 v17, v0;
	v13 =	vsel vm9, $0xFF800000, v2;
	v2 =	vld [tilespmem:$0x1F070]  }
0xf9: {  	[tilespmem:$0x1F100] =	vst v9;
	vm14 =	veq.f32 v18, v0;
	v8 =	vmax.f32 v56, v57;
	v9 =	vmax.f32 v58, v59  }
0xfa: {  	v8 =	vmax.f32 v8, v9;
	v9 =	vmax.f32 v10, v11;
	vm10 =	veq.f32 v3, v0  }
0xfb: {  	v14 =	vsel vm10, $0xFF800000, v3;
	vm9 =	veq.f32 v25, v0;
	vm10 =	veq.f32 v26, v0  }
0xfc: {  	[tilespmem:$0x1F1A0] =	vst v4;
	v12 =	vmax.f32 v22, v13;
	v4 =	vmax.f32 v14, v15;
	v25 =	vsel vm9, $0xFF800000, v25  }
0xfd: {  	v26 =	vsel vm10, $0xFF800000, v26;
	v10 =	vmax.f32 v12, v4;
	vm15 =	veq.f32 v2, v0  }
0xfe: {  	[tilespmem:$0x1F1C0] =	vst v22;
	v0 =	vmax.f32 v26, v27;
	v22 =	vsel vm15, $0xFF800000, v2;
	v2 =	vmax.f32 v24, v25  }
0xff: {  	v12 =	vmax.f32 v20, v21;
	v3 =	vmax.f32 v22, v23;
	v0 =	vmax.f32 v2, v0;
	v2 =	vld [tilespmem:$0x1F080]  }
0x100: {  	v3 =	vmax.f32 v12, v3;
	v12 =	vld [tilespmem:$0x1F090]  }
0x101: {  	v19 =	vsel vm3, $0xFF800000, v19  }
0x102: {  	v16 =	vsel vm12, $0xFF800000, v16;
	v17 =	vsel vm13, $0xFF800000, v17;
	v18 =	vsel vm14, $0xFF800000, v18  }
0x103: {  	v11 =	vmax.f32 v18, v19;
	v4 =	vmax.f32 v16, v17  }
0x104: {  	v4 =	vmax.f32 v4, v11;
	v11 =	vld [tilespmem:$0x1F0A0]  }
0x105: {  	v2 =	vmax.f32 v2, v12;
	v12 =	vld [tilespmem:$0x1F0B0];
	_ =	sdelay $0x3  }
0x106: {  	[tilespmem:$0x1F1B0] =	vst v1;
	v1 =	vld [tilespmem:$0x1F0D0]  }
0x107: {  	v11 =	vmax.f32 v11, v12;
	v12 =	vld [tilespmem:$0x1F0C0];
	_ =	sdelay $0x4  }
0x108: {  	v12 =	vmax.f32 v12, v1;
	v1 =	vld [tilespmem:$0x1F0E0];
	_ =	sdelay $0x2  }
0x109: {  	v6 =	vmax.f32 v6, v7;
	v9 =	vmax.f32 v8, v9  }
0x10a: {  	v8 =	vmax.f32 v6, v9;
	v9 =	vld [tilespmem:$0x1F100]  }
0x10b: {  	v4 =	vmax.f32 v10, v4;
	v0 =	vmax.f32 v3, v0;
	v5 =	vmax.f32 v1, v5  }
0x10c: {  	v0 =	vmax.f32 v4, v0;
	v2 =	vmax.f32 v2, v11;
	v3 =	vmax.f32 v12, v5  }
0x10d: {  	v0 =	vmax.f32 v8, v0;
	v2 =	vmax.f32 v2, v3  }
0x10e: {  	v0 =	vmax.f32 v2, v0  }
0x10f: {  	vm9 =	veq.f32 v28, v0;
	vm11 =	veq.f32 v9, v0;
	vm13 =	veq.f32 v29, v0  }
0x110: {  	vm14 =	veq.f32 v30, v0;
	vm15 =	veq.f32 v31, v0;
	vm4 =	veq.f32 v32, v0  }
0x111: {  	vm5 =	veq.f32 v33, v0;
	vm6 =	veq.f32 v34, v0;
	vm7 =	veq.f32 v35, v0  }
0x112: {  	vm8 =	veq.f32 v36, v0;
	vm3 =	veq.f32 v19, v0;
	v28 =	vsel vm9, $0xFF800000, v28  }
0x113: {  	v10 =	vsel vm11, $0xFF800000, v9;
	v29 =	vsel vm13, $0xFF800000, v29;
	v30 =	vsel vm14, $0xFF800000, v30  }
0x114: {  	v31 =	vsel vm15, $0xFF800000, v31;
	v32 =	vsel vm4, $0xFF800000, v32;
	v33 =	vsel vm5, $0xFF800000, v33  }
0x115: {  	v34 =	vsel vm6, $0xFF800000, v34;
	vm9 =	veq.f32 v37, v0;
	v35 =	vsel vm7, $0xFF800000, v35  }
0x116: {  	v36 =	vsel vm8, $0xFF800000, v36;
	vm13 =	veq.f32 v38, v0;
	vm14 =	veq.f32 v39, v0  }
0x117: {  	v3 =	vld [tilespmem:$0x1F0F0];
	vm15 =	veq.f32 v40, v0;
	vm4 =	veq.f32 v41, v0;
	vm5 =	veq.f32 v42, v0  }
0x118: {  	v2 =	vld [tilespmem:$0x1F110];
	vm6 =	veq.f32 v43, v0;
	vm7 =	veq.f32 v44, v0;
	vm8 =	veq.f32 v45, v0  }
0x119: {  	v19 =	vsel vm3, $0xFF800000, v19;
	v37 =	vsel vm9, $0xFF800000, v37;
	v7 =	vmax.f32 v29, v30  }
0x11a: {  	v8 =	vmax.f32 v31, v32;
	v9 =	vmax.f32 v33, v34;
	v38 =	vsel vm13, $0xFF800000, v38  }
0x11b: {  	v39 =	vsel vm14, $0xFF800000, v39;
	v40 =	vsel vm15, $0xFF800000, v40;
	v41 =	vsel vm4, $0xFF800000, v41  }
0x11c: {  	v42 =	vsel vm5, $0xFF800000, v42;
	v43 =	vsel vm6, $0xFF800000, v43;
	vm9 =	veq.f32 v46, v0  }
0x11d: {  	v44 =	vsel vm7, $0xFF800000, v44;
	vm10 =	veq.f32 v3, v0;
	vm12 =	veq.f32 v2, v0  }
0x11e: {  	v45 =	vsel vm8, $0xFF800000, v45;
	v3 =	vsel vm10, $0xFF800000, v3;
	v2 =	vsel vm12, $0xFF800000, v2  }
0x11f: {  	v12 =	vld [tilespmem:$0x1F140];
	vm13 =	veq.f32 v47, v0;
	[tilespmem:$0x1F240] =	vst v3;
	v11 =	vmax.f32 v28, v3;
	v5 =	vmax.f32 v10, v2  }
0x120: {  	vm14 =	veq.f32 v48, v0;
	vm15 =	veq.f32 v49, v0;
	v3 =	vld [tilespmem:$0x1F130];
	[tilespmem:$0x1F260] =	vst v2;
	v2 =	vmax.f32 v11, v5  }
0x121: {  	vm4 =	veq.f32 v50, v0;
	vm5 =	veq.f32 v51, v0;
	vm6 =	veq.f32 v52, v0;
	[tilespmem:$0x1F1D0] =	vst v2;
	v2 =	vld [tilespmem:$0x1F120]  }
0x122: {  	vm7 =	veq.f32 v53, v0;
	vm8 =	veq.f32 v54, v0;
	v46 =	vsel vm9, $0xFF800000, v46  }
0x123: {  	v47 =	vsel vm13, $0xFF800000, v47;
	v48 =	vsel vm14, $0xFF800000, v48;
	v49 =	vsel vm15, $0xFF800000, v49  }
0x124: {  	v50 =	vsel vm4, $0xFF800000, v50;
	v51 =	vsel vm5, $0xFF800000, v51;
	v52 =	vsel vm6, $0xFF800000, v52  }
0x125: {  	vm9 =	veq.f32 v55, v0;
	v53 =	vsel vm7, $0xFF800000, v53;
	vm11 =	veq.f32 v3, v0  }
0x126: {  	[tilespmem:$0x1F250] =	vst v10;
	vm12 =	veq.f32 v12, v0;
	v3 =	vsel vm11, $0xFF800000, v3;
	vm10 =	veq.f32 v2, v0  }
0x127: {  	v54 =	vsel vm8, $0xFF800000, v54;
	v4 =	vsel vm12, $0xFF800000, v12;
	[tilespmem:$0x1F280] =	vst v3;
	v2 =	vsel vm10, $0xFF800000, v2  }
0x128: {  	v10 =	vmax.f32 v35, v36;
	[tilespmem:$0x1F270] =	vst v2;
	v5 =	vmax.f32 v37, v2;
	v2 =	vmax.f32 v7, v8  }
0x129: {  	vm13 =	veq.f32 v56, v0;
	v12 =	vld [tilespmem:$0x1F170];
	v6 =	vmax.f32 v3, v4;
	[tilespmem:$0x1F1E0] =	vst v2;
	v2 =	vmax.f32 v9, v10  }
0x12a: {  	vm14 =	veq.f32 v57, v0;
	vm15 =	veq.f32 v58, v0;
	v3 =	vld [tilespmem:$0x1F160];
	[tilespmem:$0x1F1F0] =	vst v2;
	v2 =	vmax.f32 v5, v6  }
0x12b: {  	vm4 =	veq.f32 v59, v0;
	vm5 =	veq.f32 v61, v0;
	vm6 =	veq.f32 v62, v0;
	[tilespmem:$0x1F200] =	vst v2;
	v2 =	vld [tilespmem:$0x1F150]  }
0x12c: {  	vm7 =	veq.f32 v63, v0;
	v55 =	vsel vm9, $0xFF800000, v55;
	v56 =	vsel vm13, $0xFF800000, v56  }
0x12d: {  	v57 =	vsel vm14, $0xFF800000, v57;
	v58 =	vsel vm15, $0xFF800000, v58;
	v59 =	vsel vm4, $0xFF800000, v59  }
0x12e: {  	v61 =	vsel vm5, $0xFF800000, v61;
	v62 =	vsel vm6, $0xFF800000, v62;
	v63 =	vsel vm7, $0xFF800000, v63  }
0x12f: {  	vm13 =	veq.f32 v16, v0;
	vm12 =	veq.f32 v12, v0;
	v8 =	vmax.f32 v42, v43  }
0x130: {  	v9 =	vmax.f32 v44, v45;
	vm11 =	veq.f32 v3, v0;
	vm10 =	veq.f32 v2, v0  }
0x131: {  	v6 =	vsel vm12, $0xFF800000, v12;
	v5 =	vsel vm11, $0xFF800000, v3;
	v2 =	vsel vm10, $0xFF800000, v2  }
0x132: {  	v1 =	vmax.f32 v8, v9;
	v12 =	vld [tilespmem:$0x1F1A0];
	[tilespmem:$0x1F2A0] =	vst v2;
	v3 =	vmax.f32 v46, v2;
	v2 =	vmax.f32 v5, v6  }
0x133: {  	vm14 =	veq.f32 v17, v0;
	vm15 =	veq.f32 v18, v0;
	[tilespmem:$0x1F220] =	vst v1;
	v1 =	vmax.f32 v3, v2;
	v2 =	vld [tilespmem:$0x1F180]  }
0x134: {  	vm4 =	veq.f32 v20, v0;
	vm5 =	veq.f32 v21, v0;
	vm6 =	veq.f32 v22, v0;
	v3 =	vld [tilespmem:$0x1F190]  }
0x135: {  	vm7 =	veq.f32 v23, v0;
	v16 =	vsel vm13, $0xFF800000, v16;
	v17 =	vsel vm14, $0xFF800000, v17  }
0x136: {  	v18 =	vsel vm15, $0xFF800000, v18;
	v20 =	vsel vm4, $0xFF800000, v20;
	v21 =	vsel vm5, $0xFF800000, v21  }
0x137: {  	v22 =	vsel vm6, $0xFF800000, v22;
	v11 =	vmax.f32 v40, v41;
	v10 =	vmax.f32 v38, v39  }
0x138: {  	v23 =	vsel vm7, $0xFF800000, v23;
	v11 =	vmax.f32 v10, v11;
	v10 =	vmax.f32 v47, v48  }
0x139: {  	vm12 =	veq.f32 v12, v0;
	vm10 =	veq.f32 v2, v0;
	vm11 =	veq.f32 v3, v0  }
0x13a: {  	[tilespmem:$0x1F210] =	vst v11;
	v9 =	vsel vm12, $0xFF800000, v12;
	v2 =	vsel vm10, $0xFF800000, v2;
	v8 =	vsel vm11, $0xFF800000, v3  }
0x13b: {  	v11 =	vmax.f32 v49, v50;
	[tilespmem:$0x1F2D0] =	vst v2;
	v3 =	vmax.f32 v55, v2;
	v2 =	vmax.f32 v8, v9  }
0x13c: {  	v11 =	vmax.f32 v10, v11;
	vm12 =	veq.f32 v15, v0;
	v10 =	vmax.f32 v3, v2;
	v2 =	vld [tilespmem:$0x1F1B0]  }
0x13d: {  	v7 =	vmax.f32 v61, v62;
	[tilespmem:$0x1F2C0] =	vst v6;
	v12 =	vmax.f32 v53, v54;
	v15 =	vsel vm12, $0xFF800000, v15;
	v3 =	vld [tilespmem:$0x1F1C0]  }
0x13e: {  	[tilespmem:$0x1F2B0] =	vst v5;
	v5 =	vmax.f32 v51, v52;
	v6 =	vmax.f32 v56, v57;
	vm10 =	veq.f32 v13, v0  }
0x13f: {  	v12 =	vmax.f32 v5, v12;
	vm11 =	veq.f32 v14, v0;
	v13 =	vsel vm10, $0xFF800000, v13  }
0x140: {  	[tilespmem:$0x1F2F0] =	vst v9;
	v14 =	vsel vm11, $0xFF800000, v14;
	v9 =	vmax.f32 v58, v59;
	vm10 =	veq.f32 v26, v0  }
0x141: {  	[tilespmem:$0x1F290] =	vst v4;
	vm11 =	veq.f32 v27, v0;
	v9 =	vmax.f32 v6, v9;
	v26 =	vsel vm10, $0xFF800000, v26  }
0x142: {  	[tilespmem:$0x1F230] =	vst v1;
	v27 =	vsel vm11, $0xFF800000, v27;
	vm8 =	veq.f32 v2, v0;
	vm9 =	veq.f32 v3, v0  }
0x143: {  	[tilespmem:$0x1F2E0] =	vst v8;
	v6 =	vmax.f32 v20, v21;
	v1 =	vsel vm8, $0xFF800000, v2;
	v3 =	vsel vm9, $0xFF800000, v3  }
0x144: {  	v2 =	vmax.f32 v14, v15;
	vm8 =	veq.f32 v24, v0;
	vm9 =	veq.f32 v25, v0;
	[tilespmem:$0x1F300] =	vst v1  }
0x145: {  	v0 =	vmax.f32 v26, v27;
	[tilespmem:$0x1F310] =	vst v3;
	v4 =	vmax.f32 v63, v1;
	v3 =	vmax.f32 v3, v13  }
0x146: {  	v24 =	vsel vm8, $0xFF800000, v24;
	v25 =	vsel vm9, $0xFF800000, v25;
	v8 =	vmax.f32 v7, v4  }
0x147: {  	v5 =	vmax.f32 v3, v2;
	v4 =	vmax.f32 v16, v17;
	v2 =	vmax.f32 v24, v25  }
0x148: {  	v3 =	vmax.f32 v18, v19;
	v7 =	vmax.f32 v22, v23;
	v0 =	vmax.f32 v2, v0;
	v2 =	vld [tilespmem:$0x1F1D0]  }
0x149: {  	v3 =	vmax.f32 v4, v3;
	v4 =	vmax.f32 v6, v7;
	v6 =	vld [tilespmem:$0x1F1E0];
	_ =	sdelay $0x3  }
0x14a: {  	v7 =	vld [tilespmem:$0x1F200]  }
0x14b: {  	v2 =	vmax.f32 v2, v6;
	v6 =	vld [tilespmem:$0x1F1F0];
	_ =	sdelay $0x3  }
0x14c: {  	v1 =	vld [tilespmem:$0x1F220]  }
0x14d: {  	v6 =	vmax.f32 v6, v7;
	v7 =	vld [tilespmem:$0x1F210];
	_ =	sdelay $0x4  }
0x14e: {  	v7 =	vmax.f32 v7, v1;
	v1 =	vld [tilespmem:$0x1F230];
	_ =	sdelay $0x1  }
0x14f: {  	v10 =	vmax.f32 v12, v10;
	v8 =	vmax.f32 v9, v8  }
0x150: {  	v3 =	vmax.f32 v5, v3;
	v0 =	vmax.f32 v4, v0;
	v12 =	vmax.f32 v10, v8;
	v8 =	vld [tilespmem:$0x1F260]  }
0x151: {  	v0 =	vmax.f32 v3, v0;
	v3 =	vld [tilespmem:$0x1F250]  }
0x152: {  	v11 =	vmax.f32 v1, v11  }
0x153: {  	v2 =	vmax.f32 v2, v6;
	v11 =	vmax.f32 v7, v11  }
0x154: {  	v0 =	vmax.f32 v12, v0;
	v2 =	vmax.f32 v2, v11  }
0x155: {  	v0 =	vmax.f32 v2, v0  }
0x156: {  	vm9 =	veq.f32 v28, v0;
	vm11 =	veq.f32 v3, v0;
	vm12 =	veq.f32 v8, v0  }
0x157: {  	vm13 =	veq.f32 v29, v0;
	vm14 =	veq.f32 v30, v0;
	vm15 =	veq.f32 v31, v0  }
0x158: {  	vm4 =	veq.f32 v32, v0;
	vm5 =	veq.f32 v33, v0;
	vm6 =	veq.f32 v34, v0  }
0x159: {  	vm7 =	veq.f32 v35, v0;
	vm8 =	veq.f32 v36, v0;
	vm3 =	veq.f32 v19, v0  }
0x15a: {  	v28 =	vsel vm9, $0xFF800000, v28;
	v3 =	vsel vm11, $0xFF800000, v3;
	v29 =	vsel vm13, $0xFF800000, v29  }
0x15b: {  	v30 =	vsel vm14, $0xFF800000, v30;
	v31 =	vsel vm15, $0xFF800000, v31;
	v32 =	vsel vm4, $0xFF800000, v32  }
0x15c: {  	v33 =	vsel vm5, $0xFF800000, v33;
	v34 =	vsel vm6, $0xFF800000, v34;
	vm9 =	veq.f32 v37, v0  }
0x15d: {  	v35 =	vsel vm7, $0xFF800000, v35;
	v36 =	vsel vm8, $0xFF800000, v36;
	vm13 =	veq.f32 v38, v0  }
0x15e: {  	vm14 =	veq.f32 v39, v0;
	vm15 =	veq.f32 v40, v0;
	vm4 =	veq.f32 v41, v0  }
0x15f: {  	v2 =	vld [tilespmem:$0x1F240];
	vm5 =	veq.f32 v42, v0;
	vm6 =	veq.f32 v43, v0;
	vm7 =	veq.f32 v44, v0  }
0x160: {  	vm8 =	veq.f32 v45, v0;
	v19 =	vsel vm3, $0xFF800000, v19;
	v37 =	vsel vm9, $0xFF800000, v37  }
0x161: {  	v7 =	vmax.f32 v29, v30;
	v38 =	vsel vm13, $0xFF800000, v38;
	v39 =	vsel vm14, $0xFF800000, v39  }
0x162: {  	v40 =	vsel vm15, $0xFF800000, v40;
	v41 =	vsel vm4, $0xFF800000, v41;
	v42 =	vsel vm5, $0xFF800000, v42  }
0x163: {  	v43 =	vsel vm6, $0xFF800000, v43;
	vm9 =	veq.f32 v46, v0;
	v44 =	vsel vm7, $0xFF800000, v44  }
0x164: {  	v45 =	vsel vm8, $0xFF800000, v45;
	vm13 =	veq.f32 v47, v0;
	vm10 =	veq.f32 v2, v0  }
0x165: {  	vm14 =	veq.f32 v48, v0;
	v9 =	vsel vm10, $0xFF800000, v2;
	v2 =	vsel vm12, $0xFF800000, v8  }
0x166: {  	v12 =	vld [tilespmem:$0x1F290];
	[tilespmem:$0x1F3A0] =	vst v3;
	vm15 =	veq.f32 v49, v0;
	v10 =	vmax.f32 v28, v9;
	v11 =	vmax.f32 v3, v2  }
0x167: {  	vm4 =	veq.f32 v50, v0;
	vm5 =	veq.f32 v51, v0;
	[tilespmem:$0x1F3B0] =	vst v2;
	v3 =	vld [tilespmem:$0x1F280];
	v2 =	vmax.f32 v10, v11  }
0x168: {  	vm6 =	veq.f32 v52, v0;
	vm7 =	veq.f32 v53, v0;
	vm8 =	veq.f32 v54, v0;
	[tilespmem:$0x1F320] =	vst v2;
	v2 =	vld [tilespmem:$0x1F270]  }
0x169: {  	v46 =	vsel vm9, $0xFF800000, v46;
	v47 =	vsel vm13, $0xFF800000, v47;
	v48 =	vsel vm14, $0xFF800000, v48  }
0x16a: {  	v49 =	vsel vm15, $0xFF800000, v49;
	v50 =	vsel vm4, $0xFF800000, v50;
	v51 =	vsel vm5, $0xFF800000, v51  }
0x16b: {  	v52 =	vsel vm6, $0xFF800000, v52;
	vm9 =	veq.f32 v55, v0;
	v53 =	vsel vm7, $0xFF800000, v53  }
0x16c: {  	v54 =	vsel vm8, $0xFF800000, v54;
	vm12 =	veq.f32 v12, v0;
	vm11 =	veq.f32 v3, v0  }
0x16d: {  	v8 =	vmax.f32 v31, v32;
	[tilespmem:$0x1F390] =	vst v9;
	v3 =	vsel vm11, $0xFF800000, v3;
	vm10 =	veq.f32 v2, v0  }
0x16e: {  	v4 =	vsel vm12, $0xFF800000, v12;
	v9 =	vmax.f32 v33, v34;
	[tilespmem:$0x1F3D0] =	vst v3;
	v2 =	vsel vm10, $0xFF800000, v2  }
0x16f: {  	v10 =	vmax.f32 v35, v36;
	[tilespmem:$0x1F3C0] =	vst v2;
	v5 =	vmax.f32 v37, v2;
	v2 =	vmax.f32 v7, v8  }
0x170: {  	vm13 =	veq.f32 v56, v0;
	v12 =	vld [tilespmem:$0x1F2C0];
	v6 =	vmax.f32 v3, v4;
	[tilespmem:$0x1F330] =	vst v2;
	v2 =	vmax.f32 v9, v10  }
0x171: {  	vm14 =	veq.f32 v57, v0;
	vm15 =	veq.f32 v58, v0;
	v3 =	vld [tilespmem:$0x1F2B0];
	[tilespmem:$0x1F340] =	vst v2;
	v2 =	vmax.f32 v5, v6  }
0x172: {  	vm4 =	veq.f32 v59, v0;
	vm5 =	veq.f32 v61, v0;
	vm6 =	veq.f32 v62, v0;
	[tilespmem:$0x1F350] =	vst v2;
	v2 =	vld [tilespmem:$0x1F2A0]  }
0x173: {  	vm7 =	veq.f32 v63, v0;
	v55 =	vsel vm9, $0xFF800000, v55;
	v56 =	vsel vm13, $0xFF800000, v56  }
0x174: {  	v57 =	vsel vm14, $0xFF800000, v57;
	v58 =	vsel vm15, $0xFF800000, v58;
	v59 =	vsel vm4, $0xFF800000, v59  }
0x175: {  	v61 =	vsel vm5, $0xFF800000, v61;
	v62 =	vsel vm6, $0xFF800000, v62;
	v63 =	vsel vm7, $0xFF800000, v63  }
0x176: {  	vm13 =	veq.f32 v16, v0;
	vm12 =	veq.f32 v12, v0;
	v8 =	vmax.f32 v42, v43  }
0x177: {  	v9 =	vmax.f32 v44, v45;
	vm11 =	veq.f32 v3, v0;
	vm10 =	veq.f32 v2, v0  }
0x178: {  	v6 =	vsel vm12, $0xFF800000, v12;
	v5 =	vsel vm11, $0xFF800000, v3;
	v2 =	vsel vm10, $0xFF800000, v2  }
0x179: {  	v1 =	vmax.f32 v8, v9;
	v12 =	vld [tilespmem:$0x1F2F0];
	[tilespmem:$0x1F3F0] =	vst v2;
	v3 =	vmax.f32 v46, v2;
	v2 =	vmax.f32 v5, v6  }
0x17a: {  	vm14 =	veq.f32 v17, v0;
	vm15 =	veq.f32 v18, v0;
	[tilespmem:$0x1F370] =	vst v1;
	v1 =	vmax.f32 v3, v2;
	v2 =	vld [tilespmem:$0x1F2D0]  }
0x17b: {  	vm4 =	veq.f32 v20, v0;
	vm5 =	veq.f32 v21, v0;
	vm6 =	veq.f32 v22, v0;
	v3 =	vld [tilespmem:$0x1F2E0]  }
0x17c: {  	vm7 =	veq.f32 v23, v0;
	v16 =	vsel vm13, $0xFF800000, v16;
	v17 =	vsel vm14, $0xFF800000, v17  }
0x17d: {  	v18 =	vsel vm15, $0xFF800000, v18;
	v20 =	vsel vm4, $0xFF800000, v20;
	v21 =	vsel vm5, $0xFF800000, v21  }
0x17e: {  	v22 =	vsel vm6, $0xFF800000, v22;
	v11 =	vmax.f32 v40, v41;
	v10 =	vmax.f32 v38, v39  }
0x17f: {  	v23 =	vsel vm7, $0xFF800000, v23;
	v11 =	vmax.f32 v10, v11;
	v10 =	vmax.f32 v47, v48  }
0x180: {  	vm12 =	veq.f32 v12, v0;
	vm10 =	veq.f32 v2, v0;
	vm11 =	veq.f32 v3, v0  }
0x181: {  	[tilespmem:$0x1F360] =	vst v11;
	v9 =	vsel vm12, $0xFF800000, v12;
	v2 =	vsel vm10, $0xFF800000, v2;
	v8 =	vsel vm11, $0xFF800000, v3  }
0x182: {  	v11 =	vmax.f32 v49, v50;
	[tilespmem:$0x1F420] =	vst v2;
	v3 =	vmax.f32 v55, v2;
	v2 =	vmax.f32 v8, v9  }
0x183: {  	v11 =	vmax.f32 v10, v11;
	vm12 =	veq.f32 v15, v0;
	v10 =	vmax.f32 v3, v2;
	v2 =	vld [tilespmem:$0x1F300]  }
0x184: {  	v7 =	vmax.f32 v61, v62;
	[tilespmem:$0x1F410] =	vst v6;
	v12 =	vmax.f32 v53, v54;
	v15 =	vsel vm12, $0xFF800000, v15;
	v3 =	vld [tilespmem:$0x1F310]  }
0x185: {  	[tilespmem:$0x1F400] =	vst v5;
	v5 =	vmax.f32 v51, v52;
	v6 =	vmax.f32 v56, v57;
	vm10 =	veq.f32 v13, v0  }
0x186: {  	v12 =	vmax.f32 v5, v12;
	vm11 =	veq.f32 v14, v0;
	v13 =	vsel vm10, $0xFF800000, v13  }
0x187: {  	[tilespmem:$0x1F440] =	vst v9;
	v14 =	vsel vm11, $0xFF800000, v14;
	v9 =	vmax.f32 v58, v59;
	vm10 =	veq.f32 v26, v0  }
0x188: {  	vm11 =	veq.f32 v27, v0;
	v9 =	vmax.f32 v6, v9;
	v26 =	vsel vm10, $0xFF800000, v26  }
0x189: {  	v27 =	vsel vm11, $0xFF800000, v27;
	vm8 =	veq.f32 v2, v0;
	vm9 =	veq.f32 v3, v0  }
0x18a: {  	[tilespmem:$0x1F380] =	vst v1;
	v6 =	vmax.f32 v20, v21;
	v1 =	vsel vm8, $0xFF800000, v2;
	v3 =	vsel vm9, $0xFF800000, v3  }
0x18b: {  	[tilespmem:$0x1F3E0] =	vst v4;
	v2 =	vmax.f32 v14, v15;
	vm8 =	veq.f32 v24, v0;
	vm9 =	veq.f32 v25, v0  }
0x18c: {  	v0 =	vmax.f32 v26, v27;
	[tilespmem:$0x1F460] =	vst v3;
	v4 =	vmax.f32 v63, v1;
	v3 =	vmax.f32 v3, v13  }
0x18d: {  	[tilespmem:$0x1F430] =	vst v8;
	v24 =	vsel vm8, $0xFF800000, v24;
	v25 =	vsel vm9, $0xFF800000, v25;
	v8 =	vmax.f32 v7, v4  }
0x18e: {  	v5 =	vmax.f32 v3, v2;
	v4 =	vmax.f32 v16, v17;
	v2 =	vmax.f32 v24, v25  }
0x18f: {  	v3 =	vmax.f32 v18, v19;
	v7 =	vmax.f32 v22, v23;
	v0 =	vmax.f32 v2, v0;
	v2 =	vld [tilespmem:$0x1F320]  }
0x190: {  	v3 =	vmax.f32 v4, v3;
	v4 =	vmax.f32 v6, v7;
	v6 =	vld [tilespmem:$0x1F330];
	_ =	sdelay $0x3  }
0x191: {  	v7 =	vld [tilespmem:$0x1F350]  }
0x192: {  	v2 =	vmax.f32 v2, v6;
	v6 =	vld [tilespmem:$0x1F340];
	_ =	sdelay $0x3  }
0x193: {  	[tilespmem:$0x1F450] =	vst v1;
	v1 =	vld [tilespmem:$0x1F370]  }
0x194: {  	v6 =	vmax.f32 v6, v7;
	v7 =	vld [tilespmem:$0x1F360];
	_ =	sdelay $0x4  }
0x195: {  	v7 =	vmax.f32 v7, v1;
	v1 =	vld [tilespmem:$0x1F380];
	_ =	sdelay $0x2  }
0x196: {  	v3 =	vmax.f32 v5, v3;
	v0 =	vmax.f32 v4, v0  }
0x197: {  	v10 =	vmax.f32 v12, v10;
	v8 =	vmax.f32 v9, v8;
	v0 =	vmax.f32 v3, v0;
	v3 =	vld [tilespmem:$0x1F3A0]  }
0x198: {  	v12 =	vmax.f32 v10, v8;
	v8 =	vld [tilespmem:$0x1F3B0];
	v11 =	vmax.f32 v1, v11  }
0x199: {  	v2 =	vmax.f32 v2, v6;
	v11 =	vmax.f32 v7, v11  }
0x19a: {  	v0 =	vmax.f32 v12, v0;
	v2 =	vmax.f32 v2, v11  }
0x19b: {  	v0 =	vmax.f32 v2, v0  }
0x19c: {  	vm9 =	veq.f32 v28, v0;
	vm11 =	veq.f32 v3, v0  }
0x19d: {  	vm12 =	veq.f32 v8, v0;
	vm13 =	veq.f32 v29, v0;
	vm14 =	veq.f32 v30, v0  }
0x19e: {  	vm15 =	veq.f32 v31, v0;
	vm4 =	veq.f32 v32, v0;
	vm5 =	veq.f32 v33, v0  }
0x19f: {  	vm6 =	veq.f32 v34, v0;
	vm7 =	veq.f32 v35, v0;
	vm8 =	veq.f32 v36, v0  }
0x1a0: {  	vm3 =	veq.f32 v19, v0;
	v28 =	vsel vm9, $0xFF800000, v28;
	v3 =	vsel vm11, $0xFF800000, v3  }
0x1a1: {  	v29 =	vsel vm13, $0xFF800000, v29;
	v5 =	vsel vm14, $0xFF800000, v30;
	v6 =	vsel vm15, $0xFF800000, v31  }
0x1a2: {  	v30 =	vsel vm4, $0xFF800000, v32;
	v7 =	vsel vm5, $0xFF800000, v33;
	v33 =	vsel vm6, $0xFF800000, v34  }
0x1a3: {  	v2 =	vld [tilespmem:$0x1F390];
	vm9 =	veq.f32 v37, v0;
	v31 =	vsel vm8, $0xFF800000, v36;
	vm13 =	veq.f32 v38, v0  }
0x1a4: {  	vm14 =	veq.f32 v39, v0;
	vm15 =	veq.f32 v40, v0;
	vm4 =	veq.f32 v41, v0  }
0x1a5: {  	vm5 =	veq.f32 v42, v0;
	vm6 =	veq.f32 v43, v0;
	vm8 =	veq.f32 v45, v0  }
0x1a6: {  	v19 =	vsel vm3, $0xFF800000, v19;
	v32 =	vsel vm9, $0xFF800000, v37;
	v34 =	vmax.f32 v29, v5  }
0x1a7: {  	[tilespmem:$0x1F4E0] =	vst v7;
	v37 =	vmovc v5;
	v7 =	vmax.f32 v7, v33;
	v38 =	vsel vm13, $0xFF800000, v38;
	v5 =	vsel vm14, $0xFF800000, v39  }
0x1a8: {  	v41 =	vsel vm4, $0xFF800000, v41;
	v42 =	vsel vm5, $0xFF800000, v42;
	vm10 =	veq.f32 v2, v0  }
0x1a9: {  	v43 =	vsel vm6, $0xFF800000, v43;
	v9 =	vsel vm10, $0xFF800000, v2;
	v2 =	vsel vm12, $0xFF800000, v8  }
0x1aa: {  	v12 =	vld [tilespmem:$0x1F3E0];
	[tilespmem:$0x1F4B0] =	vst v3;
	vm9 =	veq.f32 v46, v0;
	v10 =	vmax.f32 v28, v9;
	v11 =	vmax.f32 v3, v2  }
0x1ab: {  	vm13 =	veq.f32 v47, v0;
	vm14 =	veq.f32 v48, v0;
	[tilespmem:$0x1F4C0] =	vst v2;
	v3 =	vld [tilespmem:$0x1F3D0];
	v2 =	vmax.f32 v10, v11  }
0x1ac: {  	vm4 =	veq.f32 v50, v0;
	vm5 =	veq.f32 v51, v0;
	vm6 =	veq.f32 v52, v0;
	[tilespmem:$0x1F470] =	vst v2;
	v2 =	vld [tilespmem:$0x1F3C0]  }
0x1ad: {  	v46 =	vsel vm9, $0xFF800000, v46;
	v47 =	vsel vm13, $0xFF800000, v47;
	v48 =	vsel vm14, $0xFF800000, v48  }
0x1ae: {  	v50 =	vsel vm4, $0xFF800000, v50;
	v51 =	vsel vm5, $0xFF800000, v51;
	v52 =	vsel vm6, $0xFF800000, v52  }
0x1af: {  	vm9 =	veq.f32 v55, v0;
	vm13 =	veq.f32 v56, v0;
	vm14 =	veq.f32 v57, v0  }
0x1b0: {  	vm4 =	veq.f32 v59, v0;
	vm5 =	veq.f32 v61, v0;
	vm12 =	veq.f32 v12, v0  }
0x1b1: {  	[tilespmem:$0x1F4A0] =	vst v9;
	v9 =	vsel vm7, $0xFF800000, v35;
	vm11 =	veq.f32 v3, v0;
	vm10 =	veq.f32 v2, v0  }
0x1b2: {  	[tilespmem:$0x1F4D0] =	vst v6;
	v35 =	vmax.f32 v6, v30;
	v36 =	vsel vm10, $0xFF800000, v2;
	v2 =	vsel vm11, $0xFF800000, v3  }
0x1b3: {  	v8 =	vmax.f32 v9, v31;
	v35 =	vmax.f32 v34, v35;
	v34 =	vld [tilespmem:$0x1F410];
	v3 =	vsel vm12, $0xFF800000, v12;
	[tilespmem:$0x1F500] =	vst v2  }
0x1b4: {  	[tilespmem:$0x1F510] =	vst v3;
	v6 =	vmax.f32 v32, v36;
	v12 =	vmax.f32 v2, v3;
	v2 =	vmax.f32 v7, v8;
	v3 =	vld [tilespmem:$0x1F400]  }
0x1b5: {  	vm6 =	veq.f32 v62, v0;
	v55 =	vsel vm9, $0xFF800000, v55;
	[tilespmem:$0x1F480] =	vst v2;
	v2 =	vmax.f32 v6, v12  }
0x1b6: {  	v56 =	vsel vm13, $0xFF800000, v56;
	v57 =	vsel vm14, $0xFF800000, v57;
	v59 =	vsel vm4, $0xFF800000, v59;
	[tilespmem:$0x1F490] =	vst v2;
	v2 =	vld [tilespmem:$0x1F3F0]  }
0x1b7: {  	v61 =	vsel vm5, $0xFF800000, v61;
	v62 =	vsel vm6, $0xFF800000, v62;
	vm13 =	veq.f32 v16, v0  }
0x1b8: {  	vm14 =	veq.f32 v17, v0;
	vm4 =	veq.f32 v20, v0;
	vm12 =	veq.f32 v34, v0  }
0x1b9: {  	v8 =	vsel vm8, $0xFF800000, v45;
	v39 =	vsel vm12, $0xFF800000, v34;
	vm11 =	veq.f32 v3, v0  }
0x1ba: {  	v6 =	vsel vm15, $0xFF800000, v40;
	v40 =	vmax.f32 v38, v5;
	v3 =	vsel vm11, $0xFF800000, v3  }
0x1bb: {  	v45 =	vmax.f32 v6, v41;
	vm10 =	veq.f32 v2, v0;
	[tilespmem:$0x1F560] =	vst v3;
	v12 =	vmax.f32 v3, v39;
	v3 =	vld [tilespmem:$0x1F430]  }
0x1bc: {  	vm5 =	veq.f32 v21, v0;
	[tilespmem:$0x1F570] =	vst v39;
	v39 =	vmax.f32 v40, v45;
	v40 =	vld [tilespmem:$0x1F440];
	v2 =	vsel vm10, $0xFF800000, v2  }
0x1bd: {  	vm6 =	veq.f32 v22, v0;
	v4 =	vmax.f32 v56, v57;
	[tilespmem:$0x1F550] =	vst v2;
	v34 =	vmax.f32 v46, v2;
	v2 =	vld [tilespmem:$0x1F420]  }
0x1be: {  	v16 =	vsel vm13, $0xFF800000, v16;
	v17 =	vsel vm14, $0xFF800000, v17;
	vm7 =	veq.f32 v44, v0  }
0x1bf: {  	v20 =	vsel vm4, $0xFF800000, v20;
	v44 =	vsel vm7, $0xFF800000, v44;
	vm7 =	veq.f32 v53, v0  }
0x1c0: {  	v22 =	vsel vm6, $0xFF800000, v22;
	v53 =	vsel vm7, $0xFF800000, v53;
	vm7 =	veq.f32 v63, v0  }
0x1c1: {  	[tilespmem:$0x1F520] =	vst v5;
	v63 =	vsel vm7, $0xFF800000, v63;
	vm8 =	veq.f32 v54, v0;
	v5 =	vmax.f32 v42, v43  }
0x1c2: {  	vm11 =	veq.f32 v3, v0;
	vm12 =	veq.f32 v40, v0;
	vm10 =	veq.f32 v2, v0  }
0x1c3: {  	[tilespmem:$0x1F530] =	vst v6;
	v7 =	vsel vm11, $0xFF800000, v3;
	v10 =	vsel vm10, $0xFF800000, v2;
	v2 =	vsel vm12, $0xFF800000, v40  }
0x1c4: {  	v6 =	vmax.f32 v44, v8;
	[tilespmem:$0x1F590] =	vst v2;
	v3 =	vmax.f32 v55, v10;
	v2 =	vmax.f32 v7, v2  }
0x1c5: {  	[tilespmem:$0x1F4F0] =	vst v9;
	vm15 =	veq.f32 v49, v0;
	v9 =	vmax.f32 v5, v6;
	v6 =	vmax.f32 v3, v2;
	v2 =	vld [tilespmem:$0x1F450]  }
0x1c6: {  	v11 =	vsel vm8, $0xFF800000, v54;
	v49 =	vsel vm15, $0xFF800000, v49;
	vm15 =	veq.f32 v58, v0;
	v3 =	vld [tilespmem:$0x1F460]  }
0x1c7: {  	v54 =	vmax.f32 v51, v52;
	v58 =	vsel vm15, $0xFF800000, v58;
	v45 =	vmax.f32 v49, v50  }
0x1c8: {  	v34 =	vmax.f32 v34, v12;
	v12 =	vmax.f32 v47, v48;
	vm11 =	veq.f32 v14, v0  }
0x1c9: {  	v14 =	vsel vm11, $0xFF800000, v14;
	vm11 =	veq.f32 v27, v0;
	v40 =	vmax.f32 v53, v11  }
0x1ca: {  	[tilespmem:$0x1F580] =	vst v7;
	vm10 =	veq.f32 v13, v0;
	vm12 =	veq.f32 v15, v0;
	vm8 =	veq.f32 v2, v0  }
0x1cb: {  	[tilespmem:$0x1F5D0] =	vst v14;
	v7 =	vmax.f32 v54, v40;
	vm9 =	veq.f32 v3, v0;
	v1 =	vsel vm8, $0xFF800000, v2  }
0x1cc: {  	v15 =	vsel vm12, $0xFF800000, v15;
	v54 =	vmax.f32 v61, v62;
	v2 =	vsel vm9, $0xFF800000, v3;
	[tilespmem:$0x1F5A0] =	vst v1  }
0x1cd: {  	v3 =	vsel vm10, $0xFF800000, v13;
	vm10 =	veq.f32 v26, v0;
	[tilespmem:$0x1F5B0] =	vst v2;
	v40 =	vmax.f32 v63, v1  }
0x1ce: {  	[tilespmem:$0x1F5C0] =	vst v3;
	v1 =	vsel vm11, $0xFF800000, v27;
	v5 =	vmax.f32 v54, v40;
	v40 =	vsel vm10, $0xFF800000, v26  }
0x1cf: {  	v3 =	vmax.f32 v2, v3;
	v2 =	vmax.f32 v14, v15;
	[tilespmem:$0x1F630] =	vst v1;
	v14 =	vmax.f32 v40, v1;
	v1 =	vld [tilespmem:$0x1F470]  }
0x1d0: {  	vm7 =	veq.f32 v23, v0;
	[tilespmem:$0x1F540] =	vst v8;
	v8 =	vmax.f32 v12, v45;
	v45 =	vmax.f32 v58, v59  }
0x1d1: {  	vm15 =	veq.f32 v18, v0;
	v4 =	vmax.f32 v4, v45;
	v45 =	vsel vm5, $0xFF800000, v21  }
0x1d2: {  	v9 =	vmax.f32 v39, v9;
	v8 =	vmax.f32 v34, v8;
	[tilespmem:$0x1F5F0] =	vst v45;
	v45 =	vmax.f32 v20, v45  }
0x1d3: {  	v39 =	vmax.f32 v9, v8;
	v6 =	vmax.f32 v7, v6;
	vm8 =	veq.f32 v24, v0;
	v27 =	vld [tilespmem:$0x1F490]  }
0x1d4: {  	v2 =	vmax.f32 v3, v2;
	v3 =	vsel vm15, $0xFF800000, v18;
	v26 =	vmax.f32 v1, v35;
	v1 =	vld [tilespmem:$0x1F480]  }
0x1d5: {  	vm9 =	veq.f32 v25, v0;
	v0 =	vmax.f32 v16, v17;
	v54 =	vsel vm7, $0xFF800000, v23;
	[tilespmem:$0x1F5E0] =	vst v3  }
0x1d6: {  	v25 =	vsel vm9, $0xFF800000, v25;
	v18 =	vsel vm8, $0xFF800000, v24;
	[tilespmem:$0x1F600] =	vst v54;
	v3 =	vmax.f32 v3, v19  }
0x1d7: {  	[tilespmem:$0x1F610] =	vst v18;
	v54 =	vmax.f32 v22, v54;
	v18 =	vmax.f32 v18, v25;
	v4 =	vmax.f32 v4, v5  }
0x1d8: {  	v0 =	vmax.f32 v0, v3;
	v3 =	vmax.f32 v45, v54;
	v24 =	vmax.f32 v18, v14  }
0x1d9: {  	v0 =	vmax.f32 v2, v0;
	v2 =	vmax.f32 v3, v24;
	v35 =	vmax.f32 v1, v27  }
0x1da: {  	[tilespmem:$0x1F620] =	vst v40;
	v40 =	vld [tilespmem:$0x1F4B0];
	v4 =	vmax.f32 v6, v4;
	v0 =	vmax.f32 v0, v2;
	v3 =	vmax.f32 v26, v35  }
0x1db: {  	v45 =	vld [tilespmem:$0x1F4C0];
	v0 =	vmax.f32 v4, v0;
	v2 =	vmax.f32 v3, v39  }
0x1dc: {  	v0 =	vmax.f32 v2, v0;
	v2 =	vld [tilespmem:$0x1F4A0];
	_ =	sdelay $0x3  }
0x1dd: {  	vm8 =	veq.f32 v28, v0;
	vm10 =	veq.f32 v40, v0  }
0x1de: {  	vm11 =	veq.f32 v45, v0;
	v3 =	vsel vm8, $0xFF800000, v28;
	vm9 =	veq.f32 v2, v0  }
0x1df: {  	v4 =	vsel vm10, $0xFF800000, v40;
	v5 =	vsel vm11, $0xFF800000, v45;
	v35 =	vsel vm9, $0xFF800000, v2  }
0x1e0: {  	[tilespmem:$0x1F6B0] =	vst v3;
	v2 =	vmax.f32 v3, v35;
	v3 =	vmax.f32 v4, v5  }
0x1e1: {  	v1 =	vmax.f32 v2, v3;
	v2 =	vld [tilespmem:$0x1F4E0];
	_ =	sdelay $0x4  }
0x1e2: {  	v3 =	vld [tilespmem:$0x1F4D0];
	vm4 =	veq.f32 v2, v0  }
0x1e3: {  	[tilespmem:$0x1F640] =	vst v1;
	v1 =	vsel vm4, $0xFF800000, v2;
	v2 =	vld [tilespmem:$0x1F4F0];
	_ =	sdelay $0x3  }
0x1e4: {  	vm14 =	veq.f32 v3, v0  }
0x1e5: {  	v54 =	vsel vm14, $0xFF800000, v3;
	v3 =	vld [tilespmem:$0x1F510];
	vm6 =	veq.f32 v2, v0  }
0x1e6: {  	vm12 =	veq.f32 v29, v0;
	vm13 =	veq.f32 v37, v0;
	v12 =	vsel vm6, $0xFF800000, v2;
	v2 =	vld [tilespmem:$0x1F500]  }
0x1e7: {  	vm15 =	veq.f32 v30, v0;
	vm5 =	veq.f32 v33, v0;
	vm7 =	veq.f32 v31, v0  }
0x1e8: {  	v39 =	vsel vm12, $0xFF800000, v29;
	v29 =	vsel vm13, $0xFF800000, v37;
	v34 =	vsel vm15, $0xFF800000, v30  }
0x1e9: {  	v40 =	vsel vm5, $0xFF800000, v33;
	vm8 =	veq.f32 v32, v0;
	v37 =	vsel vm7, $0xFF800000, v31  }
0x1ea: {  	v13 =	vsel vm8, $0xFF800000, v32;
	vm9 =	veq.f32 v36, v0;
	vm11 =	veq.f32 v3, v0  }
0x1eb: {  	v45 =	vsel vm9, $0xFF800000, v36;
	v18 =	vsel vm11, $0xFF800000, v3;
	vm10 =	veq.f32 v2, v0  }
0x1ec: {  	v3 =	vmax.f32 v54, v34;
	v14 =	vsel vm10, $0xFF800000, v2;
	v2 =	vmax.f32 v39, v29  }
0x1ed: {  	[tilespmem:$0x1F6C0] =	vst v5;
	v21 =	vmax.f32 v1, v40;
	v5 =	vmax.f32 v12, v37;
	v2 =	vmax.f32 v2, v3  }
0x1ee: {  	v23 =	vmax.f32 v13, v45;
	v24 =	vmax.f32 v14, v18;
	[tilespmem:$0x1F650] =	vst v2;
	v2 =	vmax.f32 v21, v5  }
0x1ef: {  	[tilespmem:$0x1F660] =	vst v2;
	v2 =	vmax.f32 v23, v24  }
0x1f0: {  	[tilespmem:$0x1F670] =	vst v2;
	v2 =	vld [tilespmem:$0x1F520];
	_ =	sdelay $0x4  }
0x1f1: {  	v3 =	vld [tilespmem:$0x1F530];
	vm13 =	veq.f32 v2, v0  }
0x1f2: {  	v24 =	vsel vm13, $0xFF800000, v2;
	v2 =	vld [tilespmem:$0x1F540];
	_ =	sdelay $0x3  }
0x1f3: {  	vm0 =	veq.f32 v16, v0;
	vm1 =	veq.f32 v17, v0;
	vm14 =	veq.f32 v3, v0  }
0x1f4: {  	vm12 =	veq.f32 v38, v0;
	[tilespmem:$0x1F6E0] =	vst v54;
	v54 =	vsel vm14, $0xFF800000, v3;
	v3 =	vld [tilespmem:$0x1F560];
	vm7 =	veq.f32 v2, v0  }
0x1f5: {  	vm15 =	veq.f32 v41, v0;
	vm5 =	veq.f32 v43, v0;
	v28 =	vsel vm7, $0xFF800000, v2;
	v2 =	vld [tilespmem:$0x1F550]  }
0x1f6: {  	v33 =	vsel vm12, $0xFF800000, v38;
	v32 =	vsel vm15, $0xFF800000, v41;
	v41 =	vsel vm5, $0xFF800000, v43  }
0x1f7: {  	vm8 =	veq.f32 v46, v0;
	vm12 =	veq.f32 v47, v0;
	vm15 =	veq.f32 v50, v0  }
0x1f8: {  	vm5 =	veq.f32 v52, v0;
	v46 =	vsel vm8, $0xFF800000, v46;
	vm4 =	veq.f32 v42, v0  }
0x1f9: {  	v9 =	vld [tilespmem:$0x1F570];
	v26 =	vsel vm4, $0xFF800000, v42;
	vm6 =	veq.f32 v44, v0;
	vm10 =	veq.f32 v3, v0  }
0x1fa: {  	[tilespmem:$0x1F700] =	vst v12;
	v38 =	vsel vm6, $0xFF800000, v44;
	v12 =	vsel vm10, $0xFF800000, v3;
	vm9 =	veq.f32 v2, v0  }
0x1fb: {  	[tilespmem:$0x1F720] =	vst v18;
	v3 =	vmax.f32 v54, v32;
	v42 =	vsel vm9, $0xFF800000, v2;
	v2 =	vmax.f32 v33, v24  }
0x1fc: {  	[tilespmem:$0x1F730] =	vst v14;
	v14 =	vmax.f32 v26, v41;
	v18 =	vmax.f32 v38, v28;
	v2 =	vmax.f32 v2, v3  }
0x1fd: {  	v27 =	vsel vm12, $0xFF800000, v47;
	vm8 =	veq.f32 v55, v0;
	v3 =	vld [tilespmem:$0x1F590];
	[tilespmem:$0x1F680] =	vst v2;
	v2 =	vmax.f32 v14, v18  }
0x1fe: {  	vm12 =	veq.f32 v56, v0;
	vm4 =	veq.f32 v51, v0;
	vm11 =	veq.f32 v9, v0;
	[tilespmem:$0x1F690] =	vst v2;
	v2 =	vld [tilespmem:$0x1F580]  }
0x1ff: {  	[tilespmem:$0x1F710] =	vst v13;
	v13 =	vsel vm11, $0xFF800000, v9;
	v44 =	vsel vm15, $0xFF800000, v50;
	vm15 =	veq.f32 v59, v0  }
0x200: {  	vm6 =	veq.f32 v53, v0;
	v59 =	vsel vm15, $0xFF800000, v59;
	vm14 =	veq.f32 v49, v0  }
0x201: {  	v43 =	vsel vm14, $0xFF800000, v49;
	v23 =	vmax.f32 v12, v13;
	v21 =	vmax.f32 v46, v42  }
0x202: {  	[tilespmem:$0x1F6F0] =	vst v1;
	vm13 =	veq.f32 v48, v0;
	v1 =	vmax.f32 v21, v23;
	vm11 =	veq.f32 v3, v0  }
0x203: {  	v21 =	vsel vm13, $0xFF800000, v48;
	v36 =	vsel vm11, $0xFF800000, v3;
	vm10 =	veq.f32 v2, v0  }
0x204: {  	v3 =	vmax.f32 v43, v44;
	v30 =	vsel vm10, $0xFF800000, v2;
	v2 =	vmax.f32 v27, v21  }
0x205: {  	[tilespmem:$0x1F760] =	vst v13;
	v49 =	vsel vm5, $0xFF800000, v52;
	v52 =	vsel vm8, $0xFF800000, v55;
	v13 =	vmax.f32 v2, v3;
	v2 =	vld [tilespmem:$0x1F5A0]  }
0x206: {  	vm14 =	veq.f32 v58, v0;
	vm5 =	veq.f32 v62, v0;
	vm7 =	veq.f32 v11, v0;
	v3 =	vld [tilespmem:$0x1F5B0]  }
0x207: {  	[tilespmem:$0x1F750] =	vst v46;
	v47 =	vsel vm7, $0xFF800000, v11;
	vm9 =	veq.f32 v10, v0;
	v46 =	vsel vm6, $0xFF800000, v53  }
0x208: {  	v50 =	vsel vm9, $0xFF800000, v10;
	vm6 =	veq.f32 v63, v0;
	v48 =	vsel vm4, $0xFF800000, v51  }
0x209: {  	v7 =	vmax.f32 v46, v47;
	v8 =	vmax.f32 v52, v50;
	vm13 =	veq.f32 v57, v0  }
0x20a: {  	v23 =	vsel vm12, $0xFF800000, v56;
	v18 =	vsel vm13, $0xFF800000, v57;
	vm7 =	veq.f32 v2, v0  }
0x20b: {  	v57 =	vsel vm5, $0xFF800000, v62;
	vm8 =	veq.f32 v3, v0;
	v62 =	vsel vm7, $0xFF800000, v2;
	v2 =	vld [tilespmem:$0x1F5C0]  }
0x20c: {  	v51 =	vsel vm14, $0xFF800000, v58;
	vm4 =	veq.f32 v61, v0;
	v55 =	vsel vm8, $0xFF800000, v3;
	v3 =	vld [tilespmem:$0x1F5D0]  }
0x20d: {  	v53 =	vsel vm6, $0xFF800000, v63;
	v31 =	vmax.f32 v48, v49;
	v56 =	vsel vm4, $0xFF800000, v61  }
0x20e: {  	[tilespmem:$0x1F740] =	vst v26;
	v26 =	vmax.f32 v51, v59;
	v14 =	vmax.f32 v31, v7;
	vm11 =	veq.f32 v15, v0  }
0x20f: {  	v6 =	vld [tilespmem:$0x1F5F0];
	v10 =	vmax.f32 v23, v18;
	v31 =	vsel vm11, $0xFF800000, v15;
	v9 =	vmax.f32 v30, v36  }
0x210: {  	[tilespmem:$0x1F780] =	vst v30;
	v30 =	vmax.f32 v56, v57;
	v11 =	vmax.f32 v8, v9;
	v9 =	vmax.f32 v10, v26  }
0x211: {  	v26 =	vld [tilespmem:$0x1F600];
	v63 =	vmax.f32 v53, v62;
	vm9 =	veq.f32 v2, v0;
	vm10 =	veq.f32 v3, v0  }
0x212: {  	v8 =	vmax.f32 v30, v63;
	v63 =	vld [tilespmem:$0x1F5E0];
	v58 =	vsel vm9, $0xFF800000, v2;
	v61 =	vsel vm10, $0xFF800000, v3  }
0x213: {  	vm3 =	veq.f32 v19, v0;
	v30 =	vld [tilespmem:$0x1F610];
	v3 =	vmax.f32 v55, v58;
	v2 =	vmax.f32 v61, v31  }
0x214: {  	[tilespmem:$0x1F770] =	vst v12;
	v12 =	vsel vm0, $0xFF800000, v16;
	vm5 =	veq.f32 v6, v0;
	v7 =	vmax.f32 v3, v2;
	v3 =	vld [tilespmem:$0x1F620]  }
0x215: {  	vm6 =	veq.f32 v22, v0;
	vm4 =	veq.f32 v20, v0;
	v16 =	vsel vm5, $0xFF800000, v6;
	v2 =	vld [tilespmem:$0x1F630]  }
0x216: {  	v10 =	vsel vm1, $0xFF800000, v17;
	v17 =	vsel vm3, $0xFF800000, v19;
	vm12 =	veq.f32 v26, v0  }
0x217: {  	v19 =	vsel vm6, $0xFF800000, v22;
	v22 =	vsel vm12, $0xFF800000, v26;
	vm9 =	veq.f32 v25, v0  }
0x218: {  	vm2 =	veq.f32 v63, v0;
	vm13 =	veq.f32 v30, v0;
	v25 =	vsel vm9, $0xFF800000, v25  }
0x219: {  	v15 =	vsel vm2, $0xFF800000, v63;
	v63 =	vsel vm4, $0xFF800000, v20;
	v30 =	vsel vm13, $0xFF800000, v30  }
0x21a: {  	[tilespmem:$0x1F6D0] =	vst v4;
	v4 =	vmax.f32 v63, v16;
	vm14 =	veq.f32 v3, v0;
	vm15 =	veq.f32 v2, v0  }
0x21b: {  	v26 =	vsel vm14, $0xFF800000, v3;
	v20 =	vsel vm15, $0xFF800000, v2;
	v3 =	vmax.f32 v19, v22  }
0x21c: {  	v2 =	vmax.f32 v30, v25;
	v0 =	vmax.f32 v26, v20;
	v3 =	vmax.f32 v4, v3;
	v4 =	vld [tilespmem:$0x1F650]  }
0x21d: {  	v0 =	vmax.f32 v2, v0;
	v2 =	vld [tilespmem:$0x1F640];
	_ =	sdelay $0x2  }
0x21e: {  	v6 =	vmax.f32 v12, v10;
	v5 =	vmax.f32 v15, v17  }
0x21f: {  	v5 =	vmax.f32 v6, v5;
	v6 =	vld [tilespmem:$0x1F670]  }
0x220: {  	v2 =	vmax.f32 v2, v4;
	v4 =	vld [tilespmem:$0x1F660];
	_ =	sdelay $0x3  }
0x221: {  	[tilespmem:$0x1F6A0] =	vst v1;
	v1 =	vld [tilespmem:$0x1F690]  }
0x222: {  	v4 =	vmax.f32 v4, v6;
	v6 =	vld [tilespmem:$0x1F680];
	_ =	sdelay $0x4  }
0x223: {  	v6 =	vmax.f32 v6, v1;
	v1 =	vld [tilespmem:$0x1F6A0];
	_ =	sdelay $0x2  }
0x224: {  	v11 =	vmax.f32 v14, v11;
	v8 =	vmax.f32 v9, v8  }
0x225: {  	v9 =	vld [tilespmem:$0x1F6D0];
	v14 =	vmax.f32 v11, v8  }
0x226: {  	v8 =	vld [tilespmem:$0x1F6C0];
	v5 =	vmax.f32 v7, v5;
	v0 =	vmax.f32 v3, v0;
	v13 =	vmax.f32 v1, v13  }
0x227: {  	v0 =	vmax.f32 v5, v0;
	v2 =	vmax.f32 v2, v4;
	v3 =	vmax.f32 v6, v13  }
0x228: {  	v0 =	vmax.f32 v14, v0;
	v14 =	vld [tilespmem:$0x1F6F0];
	v2 =	vmax.f32 v2, v3  }
0x229: {  	v3 =	vld [tilespmem:$0x1F6B0];
	v0 =	vmax.f32 v2, v0  }
0x22a: {  	vm8 =	veq.f32 v35, v0  }
0x22b: {  	vm10 =	veq.f32 v8, v0;
	vm11 =	veq.f32 v29, v0;
	vm12 =	veq.f32 v9, v0  }
0x22c: {  	vm13 =	veq.f32 v39, v0;
	vm14 =	veq.f32 v34, v0;
	vm4 =	veq.f32 v40, v0  }
0x22d: {  	vm5 =	veq.f32 v37, v0;
	vm6 =	veq.f32 v14, v0;
	v2 =	vsel vm8, $0xFF800000, v35;
	v35 =	vld [tilespmem:$0x1F710]  }
0x22e: {  	v13 =	vsel vm5, $0xFF800000, v37;
	v37 =	vld [tilespmem:$0x1F720];
	vm9 =	veq.f32 v3, v0;
	v3 =	vmax.f32 v3, v2  }
0x22f: {  	vm8 =	veq.f32 v45, v0;
	v4 =	vsel vm9, v2, v3;
	v2 =	vsel vm10, $0xFF800000, v8  }
0x230: {  	vm5 =	veq.f32 v28, v0;
	v3 =	vsel vm11, $0xFF800000, v29;
	v29 =	vld [tilespmem:$0x1F700];
	v5 =	vmax.f32 v9, v2  }
0x231: {  	vm11 =	veq.f32 v24, v0;
	v11 =	vmax.f32 v39, v3;
	v5 =	vsel vm12, v2, v5  }
0x232: {  	v6 =	vsel vm13, v3, v11;
	v2 =	vsel vm14, $0xFF800000, v34;
	v34 =	vsel vm8, $0xFF800000, v45  }
0x233: {  	v3 =	vld [tilespmem:$0x1F6E0];
	vm9 =	veq.f32 v35, v0;
	vm10 =	veq.f32 v37, v0;
	vm13 =	veq.f32 v33, v0  }
0x234: {  	v45 =	vld [tilespmem:$0x1F730];
	vm14 =	veq.f32 v32, v0;
	vm8 =	veq.f32 v42, v0;
	v39 =	vsel vm10, $0xFF800000, v37  }
0x235: {  	v4 =	vmax.f32 v4, v5;
	vm7 =	veq.f32 v29, v0;
	v9 =	vmax.f32 v29, v13  }
0x236: {  	v29 =	vsel vm14, $0xFF800000, v32;
	vm14 =	veq.f32 v44, v0;
	v7 =	vsel vm7, v13, v9  }
0x237: {  	v9 =	vmax.f32 v35, v34;
	v32 =	vmax.f32 v54, v29;
	vm7 =	veq.f32 v38, v0  }
0x238: {  	v44 =	vsel vm14, $0xFF800000, v44;
	vm14 =	veq.f32 v59, v0;
	vm15 =	veq.f32 v3, v0  }
0x239: {  	v3 =	vmax.f32 v3, v2;
	vm12 =	veq.f32 v45, v0;
	v13 =	vmax.f32 v45, v39  }
0x23a: {  	v45 =	vmax.f32 v43, v44;
	v2 =	vsel vm15, v2, v3;
	v3 =	vsel vm4, $0xFF800000, v40  }
0x23b: {  	v40 =	vsel vm11, $0xFF800000, v24;
	vm15 =	veq.f32 v54, v0;
	vm4 =	veq.f32 v41, v0  }
0x23c: {  	vm11 =	veq.f32 v21, v0;
	v8 =	vmax.f32 v14, v3;
	v24 =	vmax.f32 v33, v40  }
0x23d: {  	v33 =	vsel vm4, $0xFF800000, v41;
	v21 =	vsel vm11, $0xFF800000, v21;
	vm4 =	veq.f32 v49, v0  }
0x23e: {  	vm11 =	veq.f32 v18, v0;
	v2 =	vmax.f32 v6, v2;
	v3 =	vsel vm6, v3, v8  }
0x23f: {  	v35 =	vld [tilespmem:$0x1F740];
	v8 =	vsel vm9, v34, v9;
	v9 =	vsel vm12, v39, v13;
	v11 =	vsel vm13, v40, v24  }
0x240: {  	v13 =	vsel vm15, v29, v32;
	v34 =	vsel vm5, $0xFF800000, v28;
	vm13 =	veq.f32 v27, v0  }
0x241: {  	v27 =	vmax.f32 v27, v21;
	vm15 =	veq.f32 v43, v0;
	v49 =	vsel vm4, $0xFF800000, v49  }
0x242: {  	vm5 =	veq.f32 v47, v0;
	v18 =	vsel vm11, $0xFF800000, v18;
	v43 =	vsel vm14, $0xFF800000, v59  }
0x243: {  	vm4 =	veq.f32 v57, v0;
	vm11 =	veq.f32 v10, v0;
	vm14 =	veq.f32 v17, v0  }
0x244: {  	v2 =	vmax.f32 v4, v2;
	vm6 =	veq.f32 v35, v0;
	v28 =	vmax.f32 v35, v33  }
0x245: {  	v37 =	vmax.f32 v38, v34;
	v38 =	vsel vm8, $0xFF800000, v42;
	v21 =	vsel vm13, v21, v27  }
0x246: {  	v27 =	vsel vm15, v44, v45;
	v54 =	vsel vm5, $0xFF800000, v47;
	vm8 =	veq.f32 v50, v0  }
0x247: {  	vm13 =	veq.f32 v23, v0;
	v23 =	vmax.f32 v23, v18;
	vm15 =	veq.f32 v51, v0  }
0x248: {  	v44 =	vmax.f32 v51, v43;
	v45 =	vsel vm4, $0xFF800000, v57;
	vm5 =	veq.f32 v62, v0  }
0x249: {  	v39 =	vld [tilespmem:$0x1F750];
	v10 =	vsel vm11, $0xFF800000, v10;
	vm4 =	veq.f32 v16, v0;
	vm11 =	veq.f32 v26, v0  }
0x24a: {  	v40 =	vld [tilespmem:$0x1F760];
	v3 =	vmax.f32 v3, v7;
	v14 =	vsel vm6, v33, v28;
	v24 =	vsel vm7, v34, v37  }
0x24b: {  	v42 =	vld [tilespmem:$0x1F770];
	vm6 =	veq.f32 v48, v0;
	v37 =	vmax.f32 v48, v49;
	vm7 =	veq.f32 v46, v0  }
0x24c: {  	v18 =	vsel vm13, v18, v23;
	v23 =	vsel vm15, v43, v44;
	v47 =	vmax.f32 v56, v45  }
0x24d: {  	vm13 =	veq.f32 v12, v0;
	v12 =	vmax.f32 v12, v10;
	vm15 =	veq.f32 v15, v0  }
0x24e: {  	v10 =	vsel vm13, v10, v12;
	vm9 =	veq.f32 v39, v0;
	v29 =	vmax.f32 v39, v38  }
0x24f: {  	vm10 =	veq.f32 v40, v0;
	v39 =	vsel vm8, $0xFF800000, v50;
	vm8 =	veq.f32 v58, v0  }
0x250: {  	v28 =	vsel vm9, v38, v29;
	v41 =	vsel vm10, $0xFF800000, v40;
	vm12 =	veq.f32 v42, v0  }
0x251: {  	v43 =	vld [tilespmem:$0x1F7C0];
	v38 =	vmax.f32 v46, v54;
	vm9 =	veq.f32 v52, v0;
	v40 =	vmax.f32 v52, v39  }
0x252: {  	vm10 =	veq.f32 v36, v0;
	v46 =	vsel vm5, $0xFF800000, v62;
	v52 =	vsel vm14, $0xFF800000, v17  }
0x253: {  	vm5 =	veq.f32 v22, v0;
	v62 =	vmax.f32 v11, v13;
	v32 =	vmax.f32 v42, v41  }
0x254: {  	v33 =	vsel vm7, v54, v38;
	v34 =	vsel vm9, v39, v40;
	vm7 =	veq.f32 v53, v0  }
0x255: {  	v48 =	vmax.f32 v53, v46;
	vm9 =	veq.f32 v55, v0;
	v15 =	vmax.f32 v15, v52  }
0x256: {  	v53 =	vsel vm4, $0xFF800000, v16;
	v54 =	vsel vm5, $0xFF800000, v22;
	v44 =	vsub.f32 v43, v60  }
0x257: {  	v42 =	vld [tilespmem:$0x1F780];
	v29 =	vsel vm12, v41, v32;
	v32 =	vsel vm6, v49, v37;
	v41 =	vsel vm10, $0xFF800000, v36  }
0x258: {  	vm6 =	veq.f32 v56, v0;
	v37 =	vsel vm7, v46, v48;
	v49 =	vsel vm8, $0xFF800000, v58  }
0x259: {  	vm10 =	veq.f32 v31, v0;
	v12 =	vsel vm15, v52, v15;
	vm7 =	veq.f32 v19, v0  }
0x25a: {  	v56 =	vmax.f32 v19, v54;
	vm8 =	veq.f32 v25, v0;
	v50 =	vmax.f32 v55, v49  }
0x25b: {  	v31 =	vsel vm10, $0xFF800000, v31;
	v55 =	vmax.f32 v63, v53;
	v16 =	vsel vm7, v54, v56  }
0x25c: {  	v57 =	vsel vm8, $0xFF800000, v25;
	vm12 =	veq.f32 v42, v0;
	v36 =	vmax.f32 v42, v41  }
0x25d: {  	v46 =	vld [tilespmem:$0x1F7D0];
	v51 =	vmax.f32 v61, v31;
	v35 =	vsel vm12, v41, v36;
	vm12 =	veq.f32 v61, v0  }
0x25e: {  	v48 =	vld [tilespmem:$0x1F7E0];
	v38 =	vsel vm9, v49, v50;
	vm9 =	veq.f32 v20, v0;
	v31 =	vsel vm12, v31, v51  }
0x25f: {  	v22 =	vmax.f32 v28, v29;
	v58 =	vsel vm9, $0xFF800000, v20;
	v29 =	vmax.f32 v38, v31;
	v31 =	vld [tilespmem:$0x1F790]  }
0x260: {  	vm10 =	veq.f32 v30, v0;
	v20 =	vmax.f32 v26, v58;
	v26 =	vmax.f32 v34, v35;
	v35 =	vld [tilespmem:$0x1F7A0]  }
0x261: {  	v25 =	vmax.f32 v32, v33;
	v10 =	vmax.f32 v10, v12;
	v36 =	vsel vm6, v45, v47;
	v41 =	vld [tilespmem:$0x1F7B0]  }
0x262: {  	vm6 =	veq.f32 v63, v0;
	v0 =	vmax.f32 v30, v57;
	v59 =	vsel vm11, v58, v20  }
0x263: {  	v61 =	vmax.f32 v8, v9;
	v63 =	vmax.f32 v14, v24;
	v24 =	vmax.f32 v21, v27  }
0x264: {  	v27 =	vmax.f32 v18, v23;
	v47 =	vsub.f32 v46, v60;
	v32 =	vsub.f32 v31, v60  }
0x265: {  	v49 =	vsub.f32 v48, v60;
	v28 =	vmax.f32 v36, v37;
	v36 =	vsub.f32 v35, v60  }
0x266: {  	v15 =	vsel vm6, v53, v55;
	v42 =	vsub.f32 v41, v60;
	v34 =	vmul.f32 $1.442695020e+00, v32  }
0x267: {  	v0 =	vsel vm10, v57, v0;
	v3 =	vmax.f32 v3, v61;
	v40 =	vmul.f32 $1.442695020e+00, v36  }
0x268: {  	v2 =	vmax.f32 v2, v3;
	v3 =	vmul.f32 $1.442695020e+00, v42;
	(erf) = vpow2.f32 v34  }
0x269: {  	v50 =	vld [tilespmem:$0x1F7F0];
	v33 =	vmax.f32 v62, v63;
	v37 =	vmax.f32 v22, v24;
	(erf) = vpow2.f32 v40  }
0x26a: {  	v30 =	vmax.f32 v15, v16;
	(erf) = vpow2.f32 v3;
	v3 =	vmul.f32 $1.442695020e+00, v44  }
0x26b: {  	v0 =	vmax.f32 v0, v59;
	v38 =	vmax.f32 v25, v26;
	v39 =	vmax.f32 v27, v28  }
0x26c: {  	v4 =	vmax.f32 v33, v37;
	(erf) = vpow2.f32 v3;
	v3 =	vmul.f32 $1.442695020e+00, v47  }
0x26d: {  	v10 =	vmax.f32 v29, v10;
	v0 =	vmax.f32 v30, v0;
	v45 =	vmax.f32 v38, v39  }
0x26e: {  	v0 =	vmax.f32 v10, v0;
	(erf) = vpow2.f32 v3;
	v3 =	vsub.f32 v50, v60  }
0x26f: {  	v2 =	vmax.f32 v2, v4;
	v0 =	vmax.f32 v45, v0  }
0x270: {  	v52 =	vld [tilespmem:$0x1F800];
	v0 =	vmax.f32 v2, v0;
	v2 =	vmul.f32 $1.442695020e+00, v49  }
0x271: {  	v51 =	vpop (erf)  }
0x272: {  	v20 =	vld [tilespmem:$0x1F830];
	vm13 =	vge.f32 v35, v0;
	(erf) = vpow2.f32 v2;
	v2 =	vmul.f32 $1.442695020e+00, v3;
	v3 =	vpop (erf)  }
0x273: {  	v57 =	vnsel vm13, $0x0, v3;
	v3 =	vld [tilespmem:$0x1F810]  }
0x274: {  	v59 =	vld [tilespmem:$0x1F820]  }
0x275: {  	v53 =	vsub.f32 v52, v60;
	vm12 =	vge.f32 v31, v0  }
0x276: {  	v54 =	vnsel vm12, $0x0, v51  }
0x277: {  	v55 =	vmul.f32 $1.442695020e+00, v53;
	v56 =	vadd.f32 $0.0e+00, v54  }
0x278: {  	v21 =	vsub.f32 v20, v60;
	(erf) = vpow2.f32 v2;
	v2 =	vsub.f32 v3, v60  }
0x279: {  	v25 =	vld [tilespmem:$0x1F840];
	vm14 =	vge.f32 v41, v0;
	v61 =	vsub.f32 v59, v60;
	v58 =	vpop (erf);
	v5 =	vadd.f32 v56, v57  }
0x27a: {  	v29 =	vld [tilespmem:$0x1F850];
	(erf) = vpow2.f32 v55;
	v4 =	vnsel vm14, $0x0, v58;
	v2 =	vmul.f32 $1.442695020e+00, v2  }
0x27b: {  	vm15 =	vge.f32 v43, v0;
	vm4 =	vge.f32 v46, v0;
	v63 =	vpop (erf);
	v62 =	vadd.f32 v5, v4  }
0x27c: {  	v33 =	vld [tilespmem:$0x1F860];
	v22 =	vnsel vm15, $0x0, v63;
	(erf) = vpow2.f32 v2;
	v2 =	vmul.f32 $1.442695020e+00, v61  }
0x27d: {  	v8 =	vmul.f32 $1.442695020e+00, v21;
	vm5 =	vge.f32 v48, v0;
	v23 =	vpop (erf);
	v7 =	vadd.f32 v62, v22  }
0x27e: {  	v24 =	vnsel vm4, $0x0, v23;
	(erf) = vpow2.f32 v2;
	v2 =	vsub.f32 v25, v60  }
0x27f: {  	v30 =	vsub.f32 v29, v60;
	v36 =	vld [tilespmem:$0x1F870];
	vm8 =	vge.f32 v3, v0;
	v27 =	vpop (erf);
	v26 =	vadd.f32 v7, v24  }
0x280: {  	v3 =	vld [tilespmem:$0x1F880];
	v28 =	vnsel vm5, $0x0, v27;
	(erf) = vpow2.f32 v8;
	v2 =	vmul.f32 $1.442695020e+00, v2  }
0x281: {  	vm6 =	vge.f32 v50, v0;
	v34 =	vsub.f32 v33, v60;
	v32 =	vpop (erf);
	v31 =	vadd.f32 v26, v28  }
0x282: {  	v42 =	vld [tilespmem:$0x1F890];
	v8 =	vnsel vm6, $0x0, v32;
	(erf) = vpow2.f32 v2;
	v2 =	vmul.f32 $1.442695020e+00, v30  }
0x283: {  	vm7 =	vge.f32 v52, v0;
	v11 =	vmul.f32 $1.442695020e+00, v34;
	v35 =	vpop (erf);
	v10 =	vadd.f32 v31, v8  }
0x284: {  	v48 =	vld [tilespmem:$0x1F8B0];
	v9 =	vnsel vm7, $0x0, v35;
	(erf) = vpow2.f32 v2;
	v2 =	vsub.f32 v36, v60  }
0x285: {  	v45 =	vld [tilespmem:$0x1F8A0];
	vm9 =	vge.f32 v59, v0;
	v39 =	vsub.f32 v3, v60;
	v37 =	vadd.f32 v10, v9;
	v38 =	vpop (erf)  }
0x286: {  	v52 =	vld [tilespmem:$0x1F8C0];
	(erf) = vpow2.f32 v11;
	v10 =	vnsel vm8, $0x0, v38;
	v2 =	vmul.f32 $1.442695020e+00, v2  }
0x287: {  	vm10 =	vge.f32 v20, v0;
	v43 =	vsub.f32 v42, v60;
	v40 =	vadd.f32 v37, v10;
	v41 =	vpop (erf)  }
0x288: {  	(erf) = vpow2.f32 v2;
	v11 =	vnsel vm9, $0x0, v41;
	v2 =	vmul.f32 $1.442695020e+00, v39  }
0x289: {  	v49 =	vsub.f32 v48, v60;
	v14 =	vmul.f32 $1.442695020e+00, v43;
	v44 =	vpop (erf);
	v13 =	vadd.f32 v40, v11  }
0x28a: {  	v12 =	vnsel vm10, $0x0, v44;
	(erf) = vpow2.f32 v2;
	v2 =	vsub.f32 v45, v60  }
0x28b: {  	vm11 =	vge.f32 v25, v0;
	v53 =	vsub.f32 v52, v60;
	v55 =	vld [tilespmem:$0x1F8D0];
	v46 =	vadd.f32 v13, v12;
	v47 =	vpop (erf)  }
0x28c: {  	v58 =	vld [tilespmem:$0x1F8E0];
	(erf) = vpow2.f32 v14;
	v13 =	vnsel vm11, $0x0, v47;
	v2 =	vmul.f32 $1.442695020e+00, v2  }
0x28d: {  	v17 =	vmul.f32 $1.442695020e+00, v53;
	vm12 =	vge.f32 v29, v0;
	v50 =	vadd.f32 v46, v13;
	v51 =	vpop (erf)  }
0x28e: {  	v63 =	vld [tilespmem:$0x1F8F0];
	(erf) = vpow2.f32 v2;
	v14 =	vnsel vm12, $0x0, v51;
	v2 =	vmul.f32 $1.442695020e+00, v49  }
0x28f: {  	[tilespmem:$0x1FB90] =	vst v54;
	vm13 =	vge.f32 v33, v0;
	vm14 =	vge.f32 v36, v0;
	v54 =	vpop (erf);
	v16 =	vadd.f32 v50, v14  }
0x290: {  	[tilespmem:$0x1FBA0] =	vst v57;
	v15 =	vnsel vm13, $0x0, v54;
	(erf) = vpow2.f32 v2;
	v2 =	vsub.f32 v55, v60  }
0x291: {  	vm4 =	vge.f32 v42, v0;
	v59 =	vsub.f32 v58, v60;
	[tilespmem:$0x1FC20] =	vst v28;
	v28 =	vld [tilespmem:$0x1F900];
	v56 =	vadd.f32 v16, v15;
	v57 =	vpop (erf)  }
0x292: {  	v31 =	vld [tilespmem:$0x1F910];
	(erf) = vpow2.f32 v17;
	v16 =	vnsel vm14, $0x0, v57;
	v2 =	vmul.f32 $1.442695020e+00, v2  }
0x293: {  	[tilespmem:$0x1FC00] =	vst v24;
	v24 =	vsub.f32 v63, v60;
	vm15 =	vge.f32 v3, v0;
	v61 =	vadd.f32 v56, v16;
	v62 =	vpop (erf)  }
0x294: {  	v3 =	vld [tilespmem:$0x1F920];
	(erf) = vpow2.f32 v2;
	v17 =	vnsel vm15, $0x0, v62;
	v2 =	vmul.f32 $1.442695020e+00, v59  }
0x295: {  	vm5 =	vge.f32 v45, v0;
	v20 =	vmul.f32 $1.442695020e+00, v24;
	v26 =	vpop (erf);
	v19 =	vadd.f32 v61, v17  }
0x296: {  	v18 =	vnsel vm4, $0x0, v26;
	(erf) = vpow2.f32 v2;
	v2 =	vsub.f32 v28, v60  }
0x297: {  	vm7 =	vge.f32 v52, v0;
	v36 =	vsub.f32 v31, v60;
	v41 =	vld [tilespmem:$0x1F930];
	v29 =	vadd.f32 v19, v18;
	v30 =	vpop (erf)  }
0x298: {  	v44 =	vld [tilespmem:$0x1F940];
	(erf) = vpow2.f32 v20;
	v19 =	vnsel vm5, $0x0, v30;
	v2 =	vmul.f32 $1.442695020e+00, v2  }
0x299: {  	vm6 =	vge.f32 v48, v0;
	v39 =	vsub.f32 v3, v60;
	v37 =	vadd.f32 v29, v19;
	v38 =	vpop (erf)  }
0x29a: {  	v52 =	vld [tilespmem:$0x1F950];
	(erf) = vpow2.f32 v2;
	v20 =	vnsel vm6, $0x0, v38;
	v2 =	vmul.f32 $1.442695020e+00, v36  }
0x29b: {  	[tilespmem:$0x1FBE0] =	vst v22;
	vm8 =	vge.f32 v55, v0;
	v23 =	vmul.f32 $1.442695020e+00, v39;
	v40 =	vpop (erf);
	v22 =	vadd.f32 v37, v20  }
0x29c: {  	v21 =	vnsel vm7, $0x0, v40;
	(erf) = vpow2.f32 v2;
	v2 =	vsub.f32 v41, v60  }
0x29d: {  	vm9 =	vge.f32 v58, v0;
	v49 =	vsub.f32 v44, v60;
	v55 =	vld [tilespmem:$0x1F960];
	v42 =	vadd.f32 v22, v21;
	v43 =	vpop (erf)  }
0x29e: {  	v58 =	vld [tilespmem:$0x1F970];
	(erf) = vpow2.f32 v23;
	v22 =	vnsel vm8, $0x0, v43;
	v2 =	vmul.f32 $1.442695020e+00, v2  }
0x29f: {  	v53 =	vsub.f32 v52, v60;
	vm10 =	vge.f32 v63, v0;
	v50 =	vadd.f32 v42, v22;
	v51 =	vpop (erf)  }
0x2a0: {  	v63 =	vld [tilespmem:$0x1F980];
	(erf) = vpow2.f32 v2;
	v23 =	vnsel vm9, $0x0, v51;
	v2 =	vmul.f32 $1.442695020e+00, v49  }
0x2a1: {  	vm11 =	vge.f32 v28, v0;
	v26 =	vmul.f32 $1.442695020e+00, v53;
	v54 =	vpop (erf);
	v25 =	vadd.f32 v50, v23  }
0x2a2: {  	v24 =	vnsel vm10, $0x0, v54;
	(erf) = vpow2.f32 v2;
	v2 =	vsub.f32 v55, v60  }
0x2a3: {  	vm13 =	vge.f32 v3, v0;
	v3 =	vld [tilespmem:$0x1F990];
	v59 =	vsub.f32 v58, v60;
	v56 =	vadd.f32 v25, v24;
	v57 =	vpop (erf)  }
0x2a4: {  	(erf) = vpow2.f32 v26;
	v25 =	vnsel vm11, $0x0, v57;
	v2 =	vmul.f32 $1.442695020e+00, v2  }
0x2a5: {  	vm12 =	vge.f32 v31, v0;
	v45 =	vsub.f32 v63, v60;
	v61 =	vadd.f32 v56, v25;
	v62 =	vpop (erf)  }
0x2a6: {  	(erf) = vpow2.f32 v2;
	v26 =	vnsel vm12, $0x0, v62;
	v2 =	vmul.f32 $1.442695020e+00, v59  }
0x2a7: {  	vm15 =	vge.f32 v44, v0;
	v29 =	vmul.f32 $1.442695020e+00, v45;
	v49 =	vld [tilespmem:$0x1F9A0];
	v46 =	vpop (erf);
	v28 =	vadd.f32 v61, v26  }
0x2a8: {  	v44 =	vld [tilespmem:$0x1F9B0];
	v27 =	vnsel vm13, $0x0, v46;
	(erf) = vpow2.f32 v2;
	v2 =	vsub.f32 v3, v60  }
0x2a9: {  	vm14 =	vge.f32 v41, v0;
	v47 =	vadd.f32 v28, v27;
	v48 =	vpop (erf)  }
0x2aa: {  	(erf) = vpow2.f32 v29;
	v28 =	vnsel vm14, $0x0, v48;
	v2 =	vmul.f32 $1.442695020e+00, v2  }
0x2ab: {  	vm4 =	vge.f32 v52, v0;
	v52 =	vld [tilespmem:$0x1F9C0];
	vm5 =	vge.f32 v55, v0;
	v37 =	vadd.f32 v47, v28;
	v38 =	vpop (erf)  }
0x2ac: {  	v55 =	vld [tilespmem:$0x1F9D0];
	v36 =	vsub.f32 v49, v60;
	(erf) = vpow2.f32 v2;
	v29 =	vnsel vm15, $0x0, v38  }
0x2ad: {  	v50 =	vsub.f32 v44, v60;
	v51 =	vpop (erf);
	v31 =	vadd.f32 v37, v29  }
0x2ae: {  	v59 =	vld [tilespmem:$0x1F9E0];
	v2 =	vmul.f32 $1.442695020e+00, v36;
	v30 =	vnsel vm4, $0x0, v51  }
0x2af: {  	vm6 =	vge.f32 v58, v0;
	v32 =	vmul.f32 $1.442695020e+00, v50;
	v53 =	vadd.f32 v31, v30;
	v54 =	vpop (erf)  }
0x2b0: {  	(erf) = vpow2.f32 v2;
	v2 =	vsub.f32 v52, v60;
	v31 =	vnsel vm5, $0x0, v54  }
0x2b1: {  	vm7 =	vge.f32 v63, v0;
	v63 =	vld [tilespmem:$0x1F9F0];
	v56 =	vsub.f32 v55, v60;
	v57 =	vadd.f32 v53, v31;
	v58 =	vpop (erf)  }
0x2b2: {  	(erf) = vpow2.f32 v32;
	v2 =	vmul.f32 $1.442695020e+00, v2;
	v32 =	vnsel vm6, $0x0, v58  }
0x2b3: {  	vm8 =	vge.f32 v3, v0;
	v3 =	vld [tilespmem:$0x1FA00];
	v61 =	vsub.f32 v59, v60;
	v62 =	vpop (erf);
	v34 =	vadd.f32 v57, v32  }
0x2b4: {  	v7 =	vld [tilespmem:$0x1FA10];
	(erf) = vpow2.f32 v2;
	v2 =	vmul.f32 $1.442695020e+00, v56;
	v33 =	vnsel vm7, $0x0, v62  }
0x2b5: {  	v35 =	vmul.f32 $1.442695020e+00, v61;
	v45 =	vadd.f32 v34, v33;
	v46 =	vpop (erf)  }
0x2b6: {  	(erf) = vpow2.f32 v2;
	v2 =	vsub.f32 v63, v60;
	v34 =	vnsel vm8, $0x0, v46  }
0x2b7: {  	v48 =	vadd.f32 v45, v34;
	v45 =	vld [tilespmem:$0x1FA20]  }
0x2b8: {  	v47 =	vsub.f32 v3, v60;
	(erf) = vpow2.f32 v35;
	v2 =	vmul.f32 $1.442695020e+00, v2  }
0x2b9: {  	v50 =	vsub.f32 v7, v60;
	vm9 =	vge.f32 v49, v0;
	v46 =	vld [tilespmem:$0x1FA30];
	v49 =	vpop (erf)  }
0x2ba: {  	v6 =	vld [tilespmem:$0x1FA40];
	(erf) = vpow2.f32 v2;
	v35 =	vnsel vm9, $0x0, v49;
	v2 =	vmul.f32 $1.442695020e+00, v47  }
0x2bb: {  	vm10 =	vge.f32 v44, v0;
	v38 =	vmul.f32 $1.442695020e+00, v50;
	v51 =	vpop (erf);
	v37 =	vadd.f32 v48, v35  }
0x2bc: {  	v36 =	vnsel vm10, $0x0, v51;
	(erf) = vpow2.f32 v2;
	v2 =	vsub.f32 v45, v60  }
0x2bd: {  	v5 =	vld [tilespmem:$0x1FA50];
	vm11 =	vge.f32 v52, v0;
	(erf) = vpow2.f32 v38;
	v52 =	vadd.f32 v37, v36;
	v53 =	vpop (erf)  }
0x2be: {  	v54 =	vsub.f32 v46, v60;
	v37 =	vnsel vm11, $0x0, v53;
	v2 =	vmul.f32 $1.442695020e+00, v2  }
0x2bf: {  	vm12 =	vge.f32 v55, v0;
	v57 =	vsub.f32 v6, v60;
	v55 =	vadd.f32 v52, v37;
	v56 =	vpop (erf)  }
0x2c0: {  	v38 =	vnsel vm12, $0x0, v56;
	(erf) = vpow2.f32 v2;
	v2 =	vmul.f32 $1.442695020e+00, v54  }
0x2c1: {  	vm13 =	vge.f32 v59, v0;
	v41 =	vmul.f32 $1.442695020e+00, v57;
	v58 =	vpop (erf);
	v40 =	vadd.f32 v55, v38  }
0x2c2: {  	v49 =	vld [tilespmem:$0x1FA60];
	v39 =	vnsel vm13, $0x0, v58;
	(erf) = vpow2.f32 v2;
	v2 =	vsub.f32 v5, v60  }
0x2c3: {  	vm14 =	vge.f32 v63, v0;
	v51 =	vld [tilespmem:$0x1FA70];
	v59 =	vadd.f32 v40, v39;
	v61 =	vpop (erf)  }
0x2c4: {  	v40 =	vnsel vm14, $0x0, v61;
	(erf) = vpow2.f32 v41;
	v2 =	vmul.f32 $1.442695020e+00, v2  }
0x2c5: {  	[tilespmem:$0x1FBC0] =	vst v4;
	vm15 =	vge.f32 v3, v0;
	v63 =	vadd.f32 v59, v40;
	v4 =	vpop (erf)  }
0x2c6: {  	v41 =	vnsel vm15, $0x0, v4;
	(erf) = vpow2.f32 v2  }
0x2c7: {  	vm4 =	vge.f32 v7, v0;
	v62 =	vsub.f32 v49, v60;
	v50 =	vpop (erf);
	v43 =	vadd.f32 v63, v41  }
0x2c8: {  	v7 =	vld [tilespmem:$0x1FA80];
	v48 =	vsub.f32 v51, v60;
	v42 =	vnsel vm4, $0x0, v50  }
0x2c9: {  	vm5 =	vge.f32 v45, v0;
	v2 =	vmul.f32 $1.442695020e+00, v62;
	v52 =	vadd.f32 v43, v42;
	v53 =	vpop (erf)  }
0x2ca: {  	v44 =	vmul.f32 $1.442695020e+00, v48;
	v4 =	vld [tilespmem:$0x1FA90];
	v43 =	vnsel vm5, $0x0, v53  }
0x2cb: {  	vm6 =	vge.f32 v46, v0;
	(erf) = vpow2.f32 v2;
	v55 =	vadd.f32 v52, v43;
	v56 =	vpop (erf)  }
0x2cc: {  	(erf) = vpow2.f32 v44;
	v44 =	vnsel vm6, $0x0, v56  }
0x2cd: {  	v3 =	vld [tilespmem:$0x1FAA0];
	vm7 =	vge.f32 v6, v0;
	v2 =	vsub.f32 v7, v60;
	v58 =	vpop (erf);
	v46 =	vadd.f32 v55, v44  }
0x2ce: {  	v6 =	vld [tilespmem:$0x1FAB0];
	vm8 =	vge.f32 v5, v0;
	v45 =	vnsel vm7, $0x0, v58  }
0x2cf: {  	v54 =	vsub.f32 v4, v60;
	v2 =	vmul.f32 $1.442695020e+00, v2;
	v59 =	vadd.f32 v46, v45;
	v61 =	vpop (erf)  }
0x2d0: {  	v5 =	vld [tilespmem:$0x1FAC0];
	v46 =	vnsel vm8, $0x0, v61  }
0x2d1: {  	(erf) = vpow2.f32 v2;
	v2 =	vmul.f32 $1.442695020e+00, v54;
	v63 =	vadd.f32 v59, v46;
	v59 =	vld [tilespmem:$0x1FAD0]  }
0x2d2: {  	v57 =	vsub.f32 v3, v60  }
0x2d3: {  	(erf) = vpow2.f32 v2;
	v2 =	vsub.f32 v6, v60  }
0x2d4: {  	v47 =	vmul.f32 $1.442695020e+00, v57  }
0x2d5: {  	v57 =	vld [tilespmem:$0x1FAE0];
	v62 =	vsub.f32 v5, v60;
	v2 =	vmul.f32 $1.442695020e+00, v2  }
0x2d6: {  	vm11 =	vge.f32 v7, v0;
	v58 =	vld [tilespmem:$0x1FAF0];
	(erf) = vpow2.f32 v47;
	v53 =	vsub.f32 v59, v60  }
0x2d7: {  	vm9 =	vge.f32 v49, v0;
	v52 =	vpop (erf);
	(erf) = vpow2.f32 v2;
	v2 =	vmul.f32 $1.442695020e+00, v62  }
0x2d8: {  	vm12 =	vge.f32 v4, v0;
	v4 =	vld [tilespmem:$0x1FB00];
	v47 =	vnsel vm9, $0x0, v52;
	v50 =	vmul.f32 $1.442695020e+00, v53  }
0x2d9: {  	vm10 =	vge.f32 v51, v0;
	v54 =	vpop (erf);
	v49 =	vadd.f32 v63, v47;
	(erf) = vpow2.f32 v2  }
0x2da: {  	v48 =	vnsel vm10, $0x0, v54;
	v2 =	vsub.f32 v57, v60;
	(erf) = vpow2.f32 v50  }
0x2db: {  	vm13 =	vge.f32 v3, v0;
	v3 =	vld [tilespmem:$0x1FB10];
	v62 =	vsub.f32 v58, v60;
	v55 =	vadd.f32 v49, v48;
	v61 =	vpop (erf)  }
0x2dc: {  	v7 =	vld [tilespmem:$0x1FB20];
	v49 =	vnsel vm11, $0x0, v61;
	v2 =	vmul.f32 $1.442695020e+00, v2  }
0x2dd: {  	vm14 =	vge.f32 v6, v0;
	v61 =	vsub.f32 v4, v60;
	v63 =	vadd.f32 v55, v49;
	v56 =	vpop (erf)  }
0x2de: {  	v6 =	vld [tilespmem:$0x1FB30];
	v50 =	vnsel vm12, $0x0, v56;
	(erf) = vpow2.f32 v2;
	v2 =	vmul.f32 $1.442695020e+00, v62  }
0x2df: {  	vm15 =	vge.f32 v5, v0;
	v53 =	vmul.f32 $1.442695020e+00, v61;
	v52 =	vadd.f32 v63, v50;
	v62 =	vpop (erf)  }
0x2e0: {  	v51 =	vnsel vm13, $0x0, v62;
	(erf) = vpow2.f32 v2;
	v2 =	vsub.f32 v3, v60  }
0x2e1: {  	v54 =	vsub.f32 v7, v60;
	vm4 =	vge.f32 v59, v0;
	v56 =	vpop (erf);
	v63 =	vadd.f32 v52, v51  }
0x2e2: {  	v52 =	vnsel vm14, $0x0, v56;
	v62 =	vpop (erf);
	(erf) = vpow2.f32 v53;
	v2 =	vmul.f32 $1.442695020e+00, v2  }
0x2e3: {  	v53 =	vnsel vm15, $0x0, v62;
	v61 =	vadd.f32 v63, v52;
	v63 =	vsub.f32 v6, v60;
	v5 =	vpop (erf)  }
0x2e4: {  	(erf) = vpow2.f32 v2;
	v2 =	vmul.f32 $1.442695020e+00, v54;
	v54 =	vnsel vm4, $0x0, v5;
	v5 =	vld [tilespmem:$0x1FB40]  }
0x2e5: {  	v55 =	vadd.f32 v61, v53;
	v56 =	vmul.f32 $1.442695020e+00, v63  }
0x2e6: {  	v62 =	vld [tilespmem:$0x1FB50];
	(erf) = vpow2.f32 v2  }
0x2e7: {  	(erf) = vpow2.f32 v56;
	v56 =	vadd.f32 v55, v54;
	_ =	sdelay $0x1  }
0x2e8: {  	vm5 =	vge.f32 v57, v0;
	v59 =	vpop (erf);
	v2 =	vsub.f32 v5, v60  }
0x2e9: {  	vm6 =	vge.f32 v58, v0;
	v63 =	vld [tilespmem:$0x1FB60];
	v55 =	vnsel vm5, $0x0, v59  }
0x2ea: {  	v57 =	vsub.f32 v62, v60;
	v58 =	vadd.f32 v56, v55;
	v56 =	vpop (erf);
	v2 =	vmul.f32 $1.442695020e+00, v2  }
0x2eb: {  	vm7 =	vge.f32 v4, v0;
	v4 =	vpop (erf)  }
0x2ec: {  	(erf) = vpow2.f32 v2;
	v2 =	vmul.f32 $1.442695020e+00, v57;
	v57 =	vnsel vm7, $0x0, v4;
	v4 =	vld [tilespmem:$0x1FB70];
	_ =	sdelay $0x1  }
0x2ed: {  	vm8 =	vge.f32 v3, v0;
	v3 =	vld [tilespmem:$0x1FB80];
	v61 =	vsub.f32 v63, v60  }
0x2ee: {  	v56 =	vnsel vm6, $0x0, v56  }
0x2ef: {  	v59 =	vmul.f32 $1.442695020e+00, v61;
	v58 =	vadd.f32 v58, v56  }
0x2f0: {  	(erf) = vpow2.f32 v2;
	v2 =	vsub.f32 v4, v60  }
0x2f1: {  	v61 =	vpop (erf);
	(erf) = vpow2.f32 v59;
	v59 =	vadd.f32 v58, v57  }
0x2f2: {  	v1 =	vsub.f32 v3, v60;
	v58 =	vnsel vm8, $0x0, v61;
	v2 =	vmul.f32 $1.442695020e+00, v2  }
0x2f3: {  	vm9 =	vge.f32 v7, v0;
	v7 =	vpop (erf);
	v59 =	vadd.f32 v59, v58  }
0x2f4: {  	v1 =	vmul.f32 $1.442695020e+00, v1;
	v7 =	vnsel vm9, $0x0, v7;
	(erf) = vpow2.f32 v2  }
0x2f5: {  	vm10 =	vge.f32 v6, v0;
	v60 =	vpop (erf);
	v61 =	vadd.f32 v59, v7  }
0x2f6: {  	v59 =	vnsel vm10, $0x0, v60;
	(erf) = vpow2.f32 v1  }
0x2f7: {  	vm11 =	vge.f32 v5, v0;
	v6 =	vpop (erf);
	v1 =	vadd.f32 v61, v59  }
0x2f8: {  	v61 =	vnsel vm11, $0x0, v6  }
0x2f9: {  	vm12 =	vge.f32 v62, v0;
	v5 =	vpop (erf);
	v1 =	vadd.f32 v1, v61  }
0x2fa: {  	v62 =	vnsel vm12, $0x0, v5  }
0x2fb: {  	vm13 =	vge.f32 v63, v0;
	v6 =	vpop (erf);
	v1 =	vadd.f32 v1, v62  }
0x2fc: {  	v63 =	vnsel vm13, $0x0, v6  }
0x2fd: {  	vm14 =	vge.f32 v4, v0;
	v1 =	vadd.f32 v1, v63;
	v2 =	vpop (erf)  }
0x2fe: {  	v4 =	vnsel vm14, $0x0, v2  }
0x2ff: {  	vm15 =	vge.f32 v3, v0;
	v0 =	vpop (erf);
	v1 =	vadd.f32 v1, v4  }
0x300: {  	v3 =	vnsel vm15, $0x0, v0  }
0x301: {  	v1 =	vadd.f32 v1, v3;
	_ =	sdelay $0x1  }
0x302: {  	(erf) = vrcp.f32 v1;
	_ =	sdelay $0x3  }
0x303: {  	v60 =	vld [tilespmem:$0x1FBB0]  }
0x304: {  	v0 =	vld [tilespmem:$0x1FB90]  }
0x305: {  	v5 =	vld [tilespmem:$0x1FBD0]  }
0x306: {  	v2 =	vld [tilespmem:$0x1FBA0];
	_ =	sdelay $0x1  }
0x307: {  	v1 =	vpop (erf)  }
0x308: {  	v0 =	vmul.f32 v1, v0  }
0x309: {  	v6 =	vld [tilespmem:$0x1FBF0]  }
0x30a: {  	v2 =	vmul.f32 v1, v2;
	[tilespmem:v60+s7+$0x0] =	vst.idx.msk $0xffff, v0;
	v0 =	vld [tilespmem:$0x1FBC0]  }
0x30b: {  	v60 =	vld [tilespmem:$0x1FC10]  }
0x30c: {  	[tilespmem:v5+s7+$0x0] =	vst.idx.msk $0xffff, v2;
	v2 =	vld [tilespmem:$0x1FBE0];
	_ =	sdelay $0x3  }
0x30d: {  	v0 =	vmul.f32 v1, v0  }
0x30e: {  	v2 =	vmul.f32 v1, v2  }
0x30f: {  	[tilespmem:v6+s7+$0x0] =	vst.idx.msk $0xffff, v0  }
0x310: {  	[tilespmem:v60+s7+$0x0] =	vst.idx.msk $0xffff, v2;
	v60 =	vld [tilespmem:$0x1FC30]  }
0x311: {  	v0 =	vld [tilespmem:$0x1FC00];
	_ =	sdelay $0x4  }
0x312: {  	v0 =	vmul.f32 v1, v0;
	_ =	sdelay $0x1  }
0x313: {  	[tilespmem:v60+s7+$0x0] =	vst.idx.msk $0xffff, v0;
	v60 =	vld [tilespmem:$0x1FC40]  }
0x314: {  	v2 =	vld [tilespmem:$0x1FC20];
	_ =	sdelay $0x4  }
0x315: {  	v2 =	vmul.f32 v1, v2;
	_ =	sdelay $0x1  }
0x316: {  	[tilespmem:v60+s7+$0x0] =	vst.idx.msk $0xffff, v2;
	v60 =	vld [tilespmem:$0x1FC50];
	_ =	sdelay $0x5  }
0x317: {  	v0 =	vmul.f32 v1, v8  }
0x318: {  	v2 =	vmul.f32 v1, v9;
	v9 =	vld [tilespmem:$0x1FC60]  }
0x319: {  	[tilespmem:v60+s7+$0x0] =	vst.idx.msk $0xffff, v0;
	v0 =	vmul.f32 v1, v10;
	v10 =	vld [tilespmem:$0x1FC70];
	_ =	sdelay $0x6  }
0x31a: {  	[tilespmem:v9+s7+$0x0] =	vst.idx.msk $0xffff, v2;
	v2 =	vmul.f32 v1, v11;
	v11 =	vld [tilespmem:$0x1FC80]  }
0x31b: {  	[tilespmem:v10+s7+$0x0] =	vst.idx.msk $0xffff, v0;
	v0 =	vmul.f32 v1, v12;
	v12 =	vld [tilespmem:$0x1FC90];
	_ =	sdelay $0x6  }
0x31c: {  	[tilespmem:v11+s7+$0x0] =	vst.idx.msk $0xffff, v2;
	v2 =	vmul.f32 v1, v13;
	v13 =	vld [tilespmem:$0x1FCA0]  }
0x31d: {  	[tilespmem:v12+s7+$0x0] =	vst.idx.msk $0xffff, v0;
	v0 =	vmul.f32 v1, v14;
	v14 =	vld [tilespmem:$0x1FCB0];
	_ =	sdelay $0x6  }
0x31e: {  	[tilespmem:v13+s7+$0x0] =	vst.idx.msk $0xffff, v2;
	v2 =	vmul.f32 v1, v15;
	v15 =	vld [tilespmem:$0x1FCC0]  }
0x31f: {  	[tilespmem:v14+s7+$0x0] =	vst.idx.msk $0xffff, v0;
	v0 =	vmul.f32 v1, v16;
	v16 =	vld [tilespmem:$0x1FCD0];
	_ =	sdelay $0x6  }
0x320: {  	[tilespmem:v15+s7+$0x0] =	vst.idx.msk $0xffff, v2;
	v2 =	vmul.f32 v1, v17;
	v17 =	vld [tilespmem:$0x1FCE0]  }
0x321: {  	[tilespmem:v16+s7+$0x0] =	vst.idx.msk $0xffff, v0;
	v0 =	vmul.f32 v1, v18;
	v18 =	vld [tilespmem:$0x1FCF0];
	_ =	sdelay $0x6  }
0x322: {  	[tilespmem:v17+s7+$0x0] =	vst.idx.msk $0xffff, v2;
	v2 =	vmul.f32 v1, v19;
	v19 =	vld [tilespmem:$0x1FD00]  }
0x323: {  	[tilespmem:v18+s7+$0x0] =	vst.idx.msk $0xffff, v0;
	v0 =	vmul.f32 v1, v20;
	v20 =	vld [tilespmem:$0x1FD10];
	_ =	sdelay $0x6  }
0x324: {  	[tilespmem:v19+s7+$0x0] =	vst.idx.msk $0xffff, v2;
	v2 =	vmul.f32 v1, v21;
	v21 =	vld [tilespmem:$0x1FD20]  }
0x325: {  	[tilespmem:v20+s7+$0x0] =	vst.idx.msk $0xffff, v0;
	v0 =	vmul.f32 v1, v22;
	v22 =	vld [tilespmem:$0x1FD30];
	_ =	sdelay $0x6  }
0x326: {  	[tilespmem:v21+s7+$0x0] =	vst.idx.msk $0xffff, v2;
	v2 =	vmul.f32 v1, v23;
	v23 =	vld [tilespmem:$0x1FD40]  }
0x327: {  	[tilespmem:v22+s7+$0x0] =	vst.idx.msk $0xffff, v0;
	v0 =	vmul.f32 v1, v24;
	v24 =	vld [tilespmem:$0x1FD50];
	_ =	sdelay $0x6  }
0x328: {  	[tilespmem:v23+s7+$0x0] =	vst.idx.msk $0xffff, v2;
	v2 =	vmul.f32 v1, v25;
	v25 =	vld [tilespmem:$0x1FD60]  }
0x329: {  	[tilespmem:v24+s7+$0x0] =	vst.idx.msk $0xffff, v0;
	v0 =	vmul.f32 v1, v26;
	v26 =	vld [tilespmem:$0x1FD70];
	_ =	sdelay $0x6  }
0x32a: {  	[tilespmem:v25+s7+$0x0] =	vst.idx.msk $0xffff, v2;
	v2 =	vmul.f32 v1, v27;
	v27 =	vld [tilespmem:$0x1FD80]  }
0x32b: {  	[tilespmem:v26+s7+$0x0] =	vst.idx.msk $0xffff, v0;
	v0 =	vmul.f32 v1, v28;
	v28 =	vld [tilespmem:$0x1FD90];
	_ =	sdelay $0x6  }
0x32c: {  	[tilespmem:v27+s7+$0x0] =	vst.idx.msk $0xffff, v2;
	v2 =	vmul.f32 v1, v29;
	v29 =	vld [tilespmem:$0x1FDA0]  }
0x32d: {  	[tilespmem:v28+s7+$0x0] =	vst.idx.msk $0xffff, v0;
	v0 =	vmul.f32 v1, v30;
	v30 =	vld [tilespmem:$0x1FDB0];
	_ =	sdelay $0x6  }
0x32e: {  	[tilespmem:v29+s7+$0x0] =	vst.idx.msk $0xffff, v2;
	v2 =	vmul.f32 v1, v31;
	v31 =	vld [tilespmem:$0x1FDC0]  }
0x32f: {  	[tilespmem:v30+s7+$0x0] =	vst.idx.msk $0xffff, v0;
	v0 =	vmul.f32 v1, v32;
	v32 =	vld [tilespmem:$0x1FDD0];
	_ =	sdelay $0x6  }
0x330: {  	[tilespmem:v31+s7+$0x0] =	vst.idx.msk $0xffff, v2;
	v2 =	vmul.f32 v1, v33;
	v33 =	vld [tilespmem:$0x1FDE0]  }
0x331: {  	[tilespmem:v32+s7+$0x0] =	vst.idx.msk $0xffff, v0;
	v0 =	vmul.f32 v1, v34;
	v34 =	vld [tilespmem:$0x1FDF0];
	_ =	sdelay $0x6  }
0x332: {  	[tilespmem:v33+s7+$0x0] =	vst.idx.msk $0xffff, v2;
	v2 =	vmul.f32 v1, v35;
	v35 =	vld [tilespmem:$0x1FE00]  }
0x333: {  	[tilespmem:v34+s7+$0x0] =	vst.idx.msk $0xffff, v0;
	v0 =	vmul.f32 v1, v36;
	v36 =	vld [tilespmem:$0x1FE10];
	_ =	sdelay $0x6  }
0x334: {  	[tilespmem:v35+s7+$0x0] =	vst.idx.msk $0xffff, v2;
	v2 =	vmul.f32 v1, v37;
	v37 =	vld [tilespmem:$0x1FE20]  }
0x335: {  	[tilespmem:v36+s7+$0x0] =	vst.idx.msk $0xffff, v0;
	v0 =	vmul.f32 v1, v38;
	v38 =	vld [tilespmem:$0x1FE30];
	_ =	sdelay $0x6  }
0x336: {  	[tilespmem:v37+s7+$0x0] =	vst.idx.msk $0xffff, v2;
	v2 =	vmul.f32 v1, v39;
	v39 =	vld [tilespmem:$0x1FE40]  }
0x337: {  	[tilespmem:v38+s7+$0x0] =	vst.idx.msk $0xffff, v0;
	v0 =	vmul.f32 v1, v40;
	v40 =	vld [tilespmem:$0x1FE50];
	_ =	sdelay $0x6  }
0x338: {  	[tilespmem:v39+s7+$0x0] =	vst.idx.msk $0xffff, v2;
	v2 =	vmul.f32 v1, v41;
	v41 =	vld [tilespmem:$0x1FE60]  }
0x339: {  	[tilespmem:v40+s7+$0x0] =	vst.idx.msk $0xffff, v0;
	v0 =	vmul.f32 v1, v42;
	v42 =	vld [tilespmem:$0x1FE70];
	_ =	sdelay $0x6  }
0x33a: {  	[tilespmem:v41+s7+$0x0] =	vst.idx.msk $0xffff, v2;
	v2 =	vmul.f32 v1, v43;
	v43 =	vld [tilespmem:$0x1FE80]  }
0x33b: {  	[tilespmem:v42+s7+$0x0] =	vst.idx.msk $0xffff, v0;
	v0 =	vmul.f32 v1, v44;
	v44 =	vld [tilespmem:$0x1FE90];
	_ =	sdelay $0x6  }
0x33c: {  	[tilespmem:v43+s7+$0x0] =	vst.idx.msk $0xffff, v2;
	v2 =	vmul.f32 v1, v45;
	v45 =	vld [tilespmem:$0x1FEA0]  }
0x33d: {  	[tilespmem:v44+s7+$0x0] =	vst.idx.msk $0xffff, v0;
	v0 =	vmul.f32 v1, v46;
	v46 =	vld [tilespmem:$0x1FEB0];
	_ =	sdelay $0x6  }
0x33e: {  	[tilespmem:v45+s7+$0x0] =	vst.idx.msk $0xffff, v2;
	v2 =	vmul.f32 v1, v47;
	v47 =	vld [tilespmem:$0x1FEC0]  }
0x33f: {  	[tilespmem:v46+s7+$0x0] =	vst.idx.msk $0xffff, v0;
	v0 =	vmul.f32 v1, v48;
	v48 =	vld [tilespmem:$0x1FED0];
	_ =	sdelay $0x6  }
0x340: {  	[tilespmem:v47+s7+$0x0] =	vst.idx.msk $0xffff, v2;
	v2 =	vmul.f32 v1, v49;
	v49 =	vld [tilespmem:$0x1FEE0]  }
0x341: {  	[tilespmem:v48+s7+$0x0] =	vst.idx.msk $0xffff, v0;
	v0 =	vmul.f32 v1, v50;
	v50 =	vld [tilespmem:$0x1FEF0];
	_ =	sdelay $0x6  }
0x342: {  	[tilespmem:v49+s7+$0x0] =	vst.idx.msk $0xffff, v2;
	v2 =	vmul.f32 v1, v51;
	v51 =	vld [tilespmem:$0x1FF00]  }
0x343: {  	[tilespmem:v50+s7+$0x0] =	vst.idx.msk $0xffff, v0;
	v0 =	vmul.f32 v1, v52;
	v52 =	vld [tilespmem:$0x1FF10];
	_ =	sdelay $0x6  }
0x344: {  	[tilespmem:v51+s7+$0x0] =	vst.idx.msk $0xffff, v2;
	v2 =	vmul.f32 v1, v53;
	v53 =	vld [tilespmem:$0x1FF20]  }
0x345: {  	[tilespmem:v52+s7+$0x0] =	vst.idx.msk $0xffff, v0;
	v0 =	vmul.f32 v1, v54;
	v54 =	vld [tilespmem:$0x1FF30];
	_ =	sdelay $0x6  }
0x346: {  	[tilespmem:v53+s7+$0x0] =	vst.idx.msk $0xffff, v2;
	v2 =	vmul.f32 v1, v55;
	v55 =	vld [tilespmem:$0x1FF40]  }
0x347: {  	[tilespmem:v54+s7+$0x0] =	vst.idx.msk $0xffff, v0;
	v0 =	vmul.f32 v1, v56;
	v56 =	vld [tilespmem:$0x1FF50];
	_ =	sdelay $0x6  }
0x348: {  	[tilespmem:v55+s7+$0x0] =	vst.idx.msk $0xffff, v2;
	v2 =	vmul.f32 v1, v57;
	v57 =	vld [tilespmem:$0x1FF60]  }
0x349: {  	[tilespmem:v56+s7+$0x0] =	vst.idx.msk $0xffff, v0;
	v0 =	vmul.f32 v1, v58;
	v58 =	vld [tilespmem:$0x1FF70];
	_ =	sdelay $0x6  }
0x34a: {  	[tilespmem:v57+s7+$0x0] =	vst.idx.msk $0xffff, v2  }
0x34b: {  	[tilespmem:v58+s7+$0x0] =	vst.idx.msk $0xffff, v0;
	v0 =	vmul.f32 v1, v59;
	v59 =	vld [tilespmem:$0x1FF80];
	_ =	sdelay $0x5  }
0x34c: {  	v2 =	vmul.f32 v1, v7  }
0x34d: {  	v60 =	vld [tilespmem:$0x1FF90]  }
0x34e: {  	[tilespmem:v59+s7+$0x0] =	vst.idx.msk $0xffff, v2;
	v2 =	vmul.f32 v1, v61;
	v61 =	vld [tilespmem:$0x1FFA0];
	_ =	sdelay $0x6  }
0x34f: {  	[tilespmem:v60+s7+$0x0] =	vst.idx.msk $0xffff, v0;
	v0 =	vmul.f32 v1, v62;
	v62 =	vld [tilespmem:$0x1FFB0]  }
0x350: {  	[tilespmem:v61+s7+$0x0] =	vst.idx.msk $0xffff, v2;
	v2 =	vmul.f32 v1, v63;
	v63 =	vld [tilespmem:$0x1FFC0];
	_ =	sdelay $0x6  }
0x351: {  	[tilespmem:v62+s7+$0x0] =	vst.idx.msk $0xffff, v0  }
0x352: {  	[tilespmem:v63+s7+$0x0] =	vst.idx.msk $0xffff, v2;
	v2 =	vld [tilespmem:$0x1FFD0];
	_ =	sdelay $0x5  }
0x353: {  	v0 =	vmul.f32 v1, v4;
	_ =	sdelay $0x1  }
0x354: {  	[tilespmem:v2+s7+$0x0] =	vst.idx.msk $0xffff, v0;
	v0 =	vld [tilespmem:$0x1FFE0];
	_ =	sdelay $0x2  }
0x355: {  	p0 =	sne.s32 s9, $0x1F0  }
.Ltmp0:
0x356: {  	_ = 	snop;
	(pc) =	sbr.rel @p0 .LBB2_2-.Ltmp0, $3  }
0x357: {  	_ = 	snop  }
0x358: {  	v1 =	vmul.f32 v1, v3;
	_ =	sdelay $0x1  }
0x359: {  	s9 =	sadd.s32 $0x10, s9;
	[tilespmem:v0+s7+$0x0] =	vst.idx.msk $0xffff, v1;
	v1 =	vld [tilespmem:$0x1FFF0]  }
0x35a: {  	s8 =	sadd.s32 $0x1, s8  }
0x35b: {  	p0 =	sne.s32 s8, s5  }
.Ltmp1:
0x35c: {  	_ = 	snop;
	(pc) =	sbr.rel @p0 .LBB2_1-.Ltmp1, $4  }
0x35d: {  	[hbm4b:s4+s2] =	stream.linear.scatter [tilespmem:s7], [sflag:$0x1], $0x8000, $0x38;
	[tilespmem:$0x10000] =	vst v63  }
0x35e: {  	_ =	swait.ge [sflag:s6], $0x8000  }
0x35f: {  	[sflag:s6] =	ssyncset.done $0x0  }
0x360: {  	[sflag:s6] =	ssyncadd.s32 $0xFFFF8000  }
0x361: {  	_ =	sfence.sel $0x180000  }
0x362: {  	[bflag:$0x0] =	sbarrier.arrive $0xFFFF  }
0x363: {  	p0 =	sne.s32 s1, $0x0;
	_ =	strace $0x90000047  }
0x364: {  	s0 =	sadd.s32 @!p0 $0x100000, s0;
	[bflag:$0x2] =	sbarrier.arrive $0xFFFF  }
0x365: {  	[sflag:s0] =	ssyncadd.tile.s32 @!p0 $0x1;
	_ =	shalt  }
.Lfunc_end2:
_tile_overlayer_lowered:
.L_overlay_start_2:
0x366: {  	(tag) =	ssettag $0x2  }
0x367: {  	s0 =	rddreg [dreg:$0x0];
	s2 =	stileid.u32  }
0x368: {  	s1 =	rddreg [dreg:$0x1];
	p0 =	sne.s32 s2, $0x0  }
0x369: {  	s3 =	rddreg [dreg:$0x2];
	[bflag:$0x3] =	sbarrier.arrive $0xFFFF;
	s2 =	simm.s32 @!p0 $0x1C01  }
0x36a: {  	[timem:s3], [sflag:s2] =	dma.local @!p0 [hbm:s0], s1  }
0x36b: {  	s0 =	simm.s32 @!p0 $0x1  }
0x36c: {  	_ =	swait.ge @!p0 [sflag:s0], s1  }
0x36d: {  	s1 =	ssub.s32 @!p0 $0x0, s1;
	[sflag:s0] =	ssyncset.done @!p0 $0x0  }
0x36e: {  	[sflag:s0] =	ssyncadd.s32 @!p0 s1  }
0x36f: {  	[bflag:$0x3] =	sbarrier.arrive $0xFFFF  }
0x370: {  	_ =	shalt  }

</sc_bundles>
